<compile_context>
chip_gen: v7x
topology: tpu7x:2x2x1
jax: 0.10.2.dev20260603
libtpu: 0.0.44.dev20260713+nightly
codegen_flags: <defaults>
</compile_context>

<pallas_src>
import functools

import jax
import jax.numpy as jnp
from jax import lax
from jax.experimental import pallas as pl
from jax.experimental.pallas import tpu as pltpu
from jax.experimental.pallas import tpu_sc as plsc

B_, S_, D_IN, D_OUT, E_, K_ = 2, 2048, 1024, 1024, 8, 2
T_ = B_ * S_
A_ = T_ * K_
M_ = 256
NPAD = A_ + E_ * M_
NBLK = NPAD // M_

NC, NS, L = 2, 16, 16
APC = A_ // NS
SPW = NPAD // (NC * NS)
GCH = 40
TPW = T_ // (NC * NS)


def _gating_body(x_ref, gw_ref, gb_ref, s_ref, i_ref):
  x = x_ref[...]
  gw = gw_ref[...]
  logits = lax.dot_general(x, gw, (((1,), (1,)), ((), ())),
                           preferred_element_type=jnp.float32)
  logits = logits + gb_ref[...]
  m = jnp.max(logits, axis=1, keepdims=True)
  p = jnp.exp(logits - m)
  denom = jnp.sum(p, axis=1)
  iota = lax.broadcasted_iota(jnp.int32, p.shape, 1)
  v0 = jnp.max(p, axis=1)
  i0 = jnp.min(jnp.where(p == v0[:, None], iota, E_), axis=1)
  pm = jnp.where(iota == i0[:, None], -1.0, p)
  v1 = jnp.max(pm, axis=1)
  i1 = jnp.min(jnp.where(pm == v1[:, None], iota, E_), axis=1)
  s_ref[0, :] = v0 / denom
  s_ref[1, :] = v1 / denom
  i_ref[0, :] = i0
  i_ref[1, :] = i1


def _gating(x2d, gate_W, gate_b2d):
  tb = 512
  grid = (T_ // tb,)
  return pl.pallas_call(
      _gating_body,
      grid=grid,
      in_specs=[
          pl.BlockSpec((tb, D_IN), lambda i: (i, 0)),
          pl.BlockSpec((E_, D_IN), lambda i: (0, 0)),
          pl.BlockSpec((1, E_), lambda i: (0, 0)),
      ],
      out_specs=[
          pl.BlockSpec((K_, tb), lambda i: (0, i)),
          pl.BlockSpec((K_, tb), lambda i: (0, i)),
      ],
      out_shape=[
          jax.ShapeDtypeStruct((K_, T_), jnp.float32),
          jax.ShapeDtypeStruct((K_, T_), jnp.int32),
      ],
  )(x2d, gate_W, gate_b2d)


def _vfull(val, dtype=jnp.int32):
  return jnp.full((L,), val, dtype)


def _route_body(keys_hbm, scores_hbm, x_hbm,
                xs_hbm, ss_hbm, pos_hbm, blk_hbm, vld_hbm,
                keys_v, scores_v, pos2_v, tok2_v, sc2_v,
                h_v, hist_l, z_v,
                tokloc_v, rowsa_v, rowsb_v, blk_v, vld_v,
                hist_sh, tok_sh, s_sh, sem, semb, semsa, semsb):
  cid = lax.axis_index("c")
  sid = lax.axis_index("s")
  lanes = lax.iota(jnp.int32, L)

  pltpu.sync_copy(keys_hbm.at[pl.ds(sid * APC, APC)], keys_v)
  for j in range(APC // 128):
    pltpu.sync_copy(scores_hbm.at[pl.ds(sid * APC + j * 128, 128)],
                    sc2_v.at[j])

  def hist_step(r, h):
    kv = keys_v[pl.ds(r * L, L)]
    for e in range(E_):
      cnt = jnp.sum(jnp.where(kv == e, 1, 0))
      h = h + jnp.where(lanes == e, cnt, 0)
    return h
  h = lax.fori_loop(0, APC // L, hist_step, jnp.zeros((L,), jnp.int32))
  h_v[...] = h
  pltpu.sync_copy(h_v, hist_sh.at[pl.ds(sid * L, L)])

  def z_step(r, _):
    z_v[pl.ds(r * L, L)] = jnp.zeros((L,), jnp.int32)
    return 0
  lax.fori_loop(0, (NPAD // NS) // L, z_step, 0)
  pltpu.sync_copy(z_v, tok_sh.at[pl.ds(sid * (NPAD // NS), NPAD // NS)])

  plsc.subcore_barrier()

  pltpu.sync_copy(hist_sh, hist_l)
  total = jnp.zeros((L,), jnp.int32)
  prior = jnp.zeros((L,), jnp.int32)
  sid_v = jnp.full((L,), sid, jnp.int32)
  for w in range(NS):
    v = hist_l[pl.ds(w * L, L)]
    total = total + v
    prior = prior + jnp.where(_vfull(w) < sid_v, v, 0)
  padded = jnp.bitwise_and(total + (M_ - 1), -M_)
  cs = plsc.cumsum(padded)
  base = cs - padded
  start = base + prior

  start_s = [jnp.sum(jnp.where(lanes == e, start, 0)) for e in range(E_)]
  base_s = [jnp.sum(jnp.where(lanes == e, base, 0)) for e in range(E_)]
  padded_s = [jnp.sum(jnp.where(lanes == e, padded, 0)) for e in range(E_)]

  def place_step(r, running):
    kv = keys_v[pl.ds(r * L, L)]
    jv = sid * APC + r * L + lanes
    posv = jnp.zeros((L,), jnp.int32)
    new_running = []
    for e in range(E_):
      mask = kv == e
      mi = jnp.where(mask, 1, 0)
      pre = plsc.cumsum(mi) - mi
      slot = start_s[e] + running[e] + pre
      posv = jnp.where(mask, slot, posv)
      new_running.append(running[e] + jnp.sum(mi))
    row = r // 8
    col = (r % 8) * L
    tok2_v[row, pl.ds(col, L)] = jnp.bitwise_and(jv, T_ - 1)
    pos2_v[row, pl.ds(col, L)] = posv
    return tuple(new_running)
  lax.fori_loop(0, APC // L, place_step,
                tuple(jnp.zeros((), jnp.int32) for _ in range(E_)))

  for j in range(APC // 128):
    pltpu.sync_copy(tok2_v.at[j], tok_sh.at[pos2_v.at[j]])
    pltpu.sync_copy(sc2_v.at[j], s_sh.at[pos2_v.at[j]])

  @pl.when(cid == 0)
  def _():
    for j in range(APC // 128):
      pltpu.sync_copy(pos2_v.at[j], pos_hbm.at[pl.ds(sid * APC + j * 128, 128)])

  @pl.when((cid + sid) == 0)
  def _():
    padend = jnp.sum(jnp.where(lanes == E_ - 1, cs, 0))
    for g in range(NBLK // L + 1):
      blkstart = (g * L + lanes) * M_
      acc = jnp.zeros((L,), jnp.int32)
      for e in range(E_):
        ge = jnp.where(blkstart >= base_s[e], 1, 0)
        lt = jnp.where(blkstart < base_s[e] + padded_s[e], 1, 0)
        acc = acc + e * ge * lt
      blk_v[pl.ds(g * L, L)] = acc
      vld_v[pl.ds(g * L, L)] = jnp.where(blkstart < padend, 1, 0)
    pltpu.sync_copy(blk_v, blk_hbm)
    pltpu.sync_copy(vld_v, vld_hbm)

  plsc.subcore_barrier()

  off = (cid * NS + sid) * SPW
  pltpu.sync_copy(s_sh.at[pl.ds(off, SPW)], scores_v.at[pl.ds(0, SPW)])
  pltpu.sync_copy(scores_v.at[pl.ds(0, SPW)], ss_hbm.at[pl.ds(off, SPW)])

  padend = jnp.sum(jnp.where(lanes == E_ - 1, cs, 0))
  wid = cid * NS + sid

  def gather_step(j, _):
    sl = (wid + NC * NS * j) * GCH

    @pl.when(sl < padend)
    def _():
      pltpu.sync_copy(tok_sh.at[pl.ds(sl, GCH)], tokloc_v)
      pltpu.async_copy(x_hbm.at[tokloc_v], rowsa_v, sem).wait()
      pltpu.sync_copy(rowsa_v, xs_hbm.at[pl.ds(sl, GCH)])
    return 0
  lax.fori_loop(0, SPW // GCH, gather_step, 0)


def _route_gather(keys, scores, x2d):
  mesh = plsc.VectorSubcoreMesh(core_axis_name="c", subcore_axis_name="s",
                                num_cores=NC, num_subcores=NS)
  f = pl.kernel(
      _route_body,
      out_type=[
          jax.ShapeDtypeStruct((NPAD, D_IN), jnp.float32),
          jax.ShapeDtypeStruct((NPAD,), jnp.float32),
          jax.ShapeDtypeStruct((A_,), jnp.int32),
          jax.ShapeDtypeStruct((NBLK + L,), jnp.int32),
          jax.ShapeDtypeStruct((NBLK + L,), jnp.int32),
      ],
      mesh=mesh,
      scratch_types=[
          pltpu.VMEM((APC,), jnp.int32),
          pltpu.VMEM((APC,), jnp.float32),
          pltpu.VMEM((APC // 128, 128), jnp.int32),
          pltpu.VMEM((APC // 128, 128), jnp.int32),
          pltpu.VMEM((APC // 128, 128), jnp.float32),
          pltpu.VMEM((L,), jnp.int32),
          pltpu.VMEM((NS * L,), jnp.int32),
          pltpu.VMEM((NPAD // NS,), jnp.int32),
          pltpu.VMEM((GCH,), jnp.int32),
          pltpu.VMEM((GCH, D_IN), jnp.float32),
          pltpu.VMEM((GCH, D_IN), jnp.float32),
          pltpu.VMEM((NBLK + L,), jnp.int32),
          pltpu.VMEM((NBLK + L,), jnp.int32),
          pltpu.VMEM_SHARED((NS * L,), jnp.int32),
          pltpu.VMEM_SHARED((NPAD,), jnp.int32),
          pltpu.VMEM_SHARED((NPAD,), jnp.float32),
          pltpu.SemaphoreType.DMA,
          pltpu.SemaphoreType.DMA,
          pltpu.SemaphoreType.DMA,
          pltpu.SemaphoreType.DMA,
      ],
      compiler_params=pltpu.CompilerParams(needs_layout_passes=False),
  )
  return f(keys, scores, x2d)


def _gmm_body(be_ref, vl_ref, x_ref, w_ref, b_ref, s_ref, o_ref):
  @pl.when(vl_ref[pl.program_id(0)] == 1)
  def _():
    xb = x_ref[...]
    wb = w_ref[...][0]
    acc = lax.dot_general(xb, wb, (((1,), (1,)), ((), ())),
                          preferred_element_type=jnp.float32)
    o_ref[...] = (acc + b_ref[...][0]) * s_ref[...][0, 0][:, None]


def _gmm(blk_e, vld, xs, expert_W, expert_b, ss):
  grid_spec = pltpu.PrefetchScalarGridSpec(
      num_scalar_prefetch=2,
      grid=(NBLK,),
      in_specs=[
          pl.BlockSpec((M_, D_IN), lambda i, be, vl: (i, 0)),
          pl.BlockSpec((1, D_OUT, D_IN), lambda i, be, vl: (be[i], 0, 0)),
          pl.BlockSpec((1, 1, D_OUT), lambda i, be, vl: (be[i], 0, 0)),
          pl.BlockSpec((1, 1, M_), lambda i, be, vl: (i, 0, 0)),
      ],
      out_specs=pl.BlockSpec((M_, D_OUT), lambda i, be, vl: (i, 0)),
  )
  return pl.pallas_call(
      _gmm_body,
      grid_spec=grid_spec,
      out_shape=jax.ShapeDtypeStruct((NPAD, D_OUT), jnp.float32),
  )(blk_e, vld, xs, expert_W, expert_b.reshape(E_, 1, D_OUT),
    ss.reshape(NBLK, 1, M_))


def _combine_body(y_hbm, pos_hbm, out_hbm,
                  i0_v, i1_v, r0_v, r1_v, ob_v, sem0, sem1):
  cid = lax.axis_index("c")
  sid = lax.axis_index("s")
  tb = (cid * NS + sid) * TPW

  def step(c, _):
    t0 = tb + c * L
    pltpu.sync_copy(pos_hbm.at[pl.ds(t0, L)], i0_v)
    pltpu.sync_copy(pos_hbm.at[pl.ds(T_ + t0, L)], i1_v)
    cp0 = pltpu.async_copy(y_hbm.at[i0_v], r0_v, sem0)
    cp1 = pltpu.async_copy(y_hbm.at[i1_v], r1_v, sem1)
    cp0.wait()
    cp1.wait()

    def add_col(cc, _):
      for rr in range(L):
        ob_v[rr, pl.ds(cc * L, L)] = (r0_v[rr, pl.ds(cc * L, L)] +
                                      r1_v[rr, pl.ds(cc * L, L)])
      return 0
    lax.fori_loop(0, D_OUT // L, add_col, 0)
    pltpu.sync_copy(ob_v, out_hbm.at[pl.ds(t0, L)])
    return 0
  lax.fori_loop(0, TPW // L, step, 0)


def _combine(y, pos):
  mesh = plsc.VectorSubcoreMesh(core_axis_name="c", subcore_axis_name="s",
                                num_cores=NC, num_subcores=NS)
  f = pl.kernel(
      _combine_body,
      out_type=jax.ShapeDtypeStruct((T_, D_OUT), jnp.float32),
      mesh=mesh,
      scratch_types=[
          pltpu.VMEM((L,), jnp.int32),
          pltpu.VMEM((L,), jnp.int32),
          pltpu.VMEM((L, D_OUT), jnp.float32),
          pltpu.VMEM((L, D_OUT), jnp.float32),
          pltpu.VMEM((L, D_OUT), jnp.float32),
          pltpu.SemaphoreType.DMA,
          pltpu.SemaphoreType.DMA,
      ],
      compiler_params=pltpu.CompilerParams(needs_layout_passes=False),
  )
  return f(y, pos)


@jax.jit
def kernel(x, expert_W, expert_b, gate_W, gate_b):
  x2d = x.reshape(T_, D_IN)
  scores, idx = _gating(x2d, gate_W, gate_b.reshape(1, E_))
  keys = idx.reshape(A_)
  scores_flat = scores.reshape(A_)
  xs, ss, pos, blk, vld = _route_gather(keys, scores_flat, x2d)
  y = _gmm(blk[:NBLK], vld[:NBLK], xs, expert_W, expert_b, ss)
  out = _combine(y, pos)
  return out.reshape(B_, S_, D_OUT)

# --- scband reference (transcript-rebuilt; emitter-appended) ---
"""Pipeline reference for scband-mo-eattention-projection-15204184227977 (READ-ONLY COPY).

The authoritative reference and input builder live on the scoring server;
editing this copy changes nothing except your own understanding.
"""

import jax, jax.numpy as jnp
import numpy as np

B, S, D_IN, D_OUT, E, K = 2, 2048, 1024, 1024, 8, 2
TEMP = 1.0

def setup_inputs(seed: int = 0) -> dict:
    key = jax.random.key(seed)
    k1, k2, k3, k4, k5 = jax.random.split(key, 5)
    x = jax.random.normal(k1, (B, S, D_IN), dtype=jnp.float32)
    # expert linear params: weight [E, out, in], bias [E, out]
    expert_W = jax.random.normal(k2, (E, D_OUT, D_IN), dtype=jnp.float32) * (1.0 / np.sqrt(D_IN))
    expert_b = jax.random.normal(k3, (E, D_OUT), dtype=jnp.float32) * 0.02
    # gate linear: weight [E, in], bias zeros
    gate_W = jax.random.normal(k4, (E, D_IN), dtype=jnp.float32) * (1.0 / np.sqrt(D_IN))
    gate_b = jnp.zeros((E,), dtype=jnp.float32)
    return {"x": x, "expert_W": expert_W, "expert_b": expert_b, "gate_W": gate_W, "gate_b": gate_b}

def reference(x, expert_W, expert_b, gate_W, gate_b):
    # gating (segment_expert_trigger=False): per-token gate
    gate_logits = (jnp.einsum('bsd,ed->bse', x, gate_W) + gate_b) / TEMP
    gate_scores = jax.nn.softmax(gate_logits, axis=-1)
    topk_scores, topk_idx = jax.lax.top_k(gate_scores, K)  # [B,S,K]
    # dense computation of all experts, stacked on dim -2: [B,S,E,out]
    expert_outputs = jnp.einsum('bsd,eod->bseo', x, expert_W) + expert_b
    # gather selected experts: [B,S,K,out]
    selected = jnp.take_along_axis(expert_outputs, topk_idx[..., None], axis=2)
    output = jnp.sum(selected * topk_scores[..., None], axis=2)  # [B,S,out]
    return output

if __name__ == "__main__":
    import jax
    _d = setup_inputs()
    print(jax.jit(kernel)(*tuple(_d.values())))

</pallas_src>

<mosaic_0001>
#map = affine_map<(d0, d1) -> (0)>
#map1 = affine_map<(d0, d1) -> (0, 0)>
module attributes {stable_mosaic.version = 14 : i64} {
  func.func @_route_body(%arg0: i32, %arg1: i32, %arg2: memref<8192xi32, #tpu.memory_space<hbm>>, %arg3: memref<8192xf32, #tpu.memory_space<hbm>>, %arg4: memref<4096x1024xf32, #tpu.memory_space<hbm>>, %arg5: memref<10240x1024xf32, #tpu.memory_space<hbm>>, %arg6: memref<10240xf32, #tpu.memory_space<hbm>>, %arg7: memref<8192xi32, #tpu.memory_space<hbm>>, %arg8: memref<56xi32, #tpu.memory_space<hbm>>, %arg9: memref<56xi32, #tpu.memory_space<hbm>>, %arg10: memref<512xi32, #tpu.memory_space<vmem>>, %arg11: memref<512xf32, #tpu.memory_space<vmem>>, %arg12: memref<4x128xi32, #tpu.memory_space<vmem>>, %arg13: memref<4x128xi32, #tpu.memory_space<vmem>>, %arg14: memref<4x128xf32, #tpu.memory_space<vmem>>, %arg15: memref<16xi32, #tpu.memory_space<vmem>>, %arg16: memref<256xi32, #tpu.memory_space<vmem>>, %arg17: memref<640xi32, #tpu.memory_space<vmem>>, %arg18: memref<40xi32, #tpu.memory_space<vmem>>, %arg19: memref<40x1024xf32, #tpu.memory_space<vmem>>, %arg20: memref<40x1024xf32, #tpu.memory_space<vmem>>, %arg21: memref<56xi32, #tpu.memory_space<vmem>>, %arg22: memref<56xi32, #tpu.memory_space<vmem>>, %arg23: memref<256xi32, #tpu.memory_space<vmem_shared>>, %arg24: memref<10240xi32, #tpu.memory_space<vmem_shared>>, %arg25: memref<10240xf32, #tpu.memory_space<vmem_shared>>, %arg26: memref<!tpu.dma_semaphore, #tpu.memory_space<semaphore_mem>>, %arg27: memref<!tpu.dma_semaphore, #tpu.memory_space<semaphore_mem>>, %arg28: memref<!tpu.dma_semaphore, #tpu.memory_space<semaphore_mem>>, %arg29: memref<!tpu.dma_semaphore, #tpu.memory_space<semaphore_mem>>) attributes {dimension_semantics = [#tpu.dimension_semantics<core_parallel>, #tpu.dimension_semantics<subcore_parallel>], iteration_bounds = array<i64: 2, 16>, scalar_prefetch = 0 : i64, scratch_operands = 20 : i64, tpu.core_type = #tpu.core_type<sc_vector_subcore>, window_params = [{transform_indices = #map}, {transform_indices = #map}, {transform_indices = #map1}, {transform_indices = #map1}, {transform_indices = #map}, {transform_indices = #map}, {transform_indices = #map}, {transform_indices = #map}]} {
    %iota3A = tpu.iota {dimensions = array<i32: 0>} : vector<16xi32>
    %mul3A = arith.constant 512 : i32
    %mul3A_0 = arith.muli %arg1, %mul3A : i32
    "tpu.region"() ({
      %run_scoped3A_509 = tpu.sem_alloc : memref<!tpu.dma_semaphore, #tpu.memory_space<semaphore_mem>>
      %dma_start3A = tpu.memref_slice %arg2[%mul3A_0] : memref<8192xi32, #tpu.memory_space<hbm>> -> memref<512xi32, #tpu.memory_space<hbm>>
      %dma_start3A_510 = tpu.memref_slice %arg2[%mul3A_0] : memref<8192xi32, #tpu.memory_space<hbm>> -> memref<512xi32, #tpu.memory_space<hbm>>
      tpu.enqueue_dma source(%dma_start3A_510 : memref<512xi32, #tpu.memory_space<hbm>>) target(%arg10 : memref<512xi32, #tpu.memory_space<vmem>>) target_semaphore(%run_scoped3A_509 : memref<!tpu.dma_semaphore, #tpu.memory_space<semaphore_mem>>)
      %dma_wait3A = tpu.memref_slice %arg2[%mul3A_0] : memref<8192xi32, #tpu.memory_space<hbm>> -> memref<512xi32, #tpu.memory_space<hbm>>
      %dma_wait3A_511 = tpu.memref_slice %arg2[%mul3A_0] : memref<8192xi32, #tpu.memory_space<hbm>> -> memref<512xi32, #tpu.memory_space<hbm>>
      tpu.wait_dma2 semaphore(%run_scoped3A_509 : memref<!tpu.dma_semaphore, #tpu.memory_space<semaphore_mem>>) src(%dma_wait3A_511 : memref<512xi32, #tpu.memory_space<hbm>>) dst(%arg10 : memref<512xi32, #tpu.memory_space<vmem>>)
      tpu.yield
    }) : () -> ()
    %mul3A_1 = arith.constant 512 : i32
    %mul3A_2 = arith.muli %arg1, %mul3A_1 : i32
    %add3A = arith.constant 0 : i32
    %add3A_3 = arith.addi %mul3A_2, %add3A : i32
    %run_scoped3A = arith.constant 0 : i32
    "tpu.region"() ({
      %run_scoped3A_509 = tpu.sem_alloc : memref<!tpu.dma_semaphore, #tpu.memory_space<semaphore_mem>>
      %dma_start3A = arith.constant 0 : i32
      %dma_start3A_510 = tpu.memref_slice %arg14[%run_scoped3A, %dma_start3A] : memref<4x128xf32, #tpu.memory_space<vmem>> -> memref<1x128xf32, #tpu.memory_space<vmem>>
      %dma_start3A_511 = tpu.memref_squeeze %dma_start3A_510 : memref<1x128xf32, #tpu.memory_space<vmem>> -> memref<128xf32, #tpu.memory_space<vmem>>
      %dma_start3A_512 = tpu.memref_slice %arg3[%add3A_3] : memref<8192xf32, #tpu.memory_space<hbm>> -> memref<128xf32, #tpu.memory_space<hbm>>
      %dma_start3A_513 = arith.constant 0 : i32
      %dma_start3A_514 = tpu.memref_slice %arg14[%run_scoped3A, %dma_start3A_513] : memref<4x128xf32, #tpu.memory_space<vmem>> -> memref<1x128xf32, #tpu.memory_space<vmem>>
      %dma_start3A_515 = tpu.memref_squeeze %dma_start3A_514 : memref<1x128xf32, #tpu.memory_space<vmem>> -> memref<128xf32, #tpu.memory_space<vmem>>
      %dma_start3A_516 = tpu.memref_slice %arg3[%add3A_3] : memref<8192xf32, #tpu.memory_space<hbm>> -> memref<128xf32, #tpu.memory_space<hbm>>
      tpu.enqueue_dma source(%dma_start3A_516 : memref<128xf32, #tpu.memory_space<hbm>>) target(%dma_start3A_515 : memref<128xf32, #tpu.memory_space<vmem>>) target_semaphore(%run_scoped3A_509 : memref<!tpu.dma_semaphore, #tpu.memory_space<semaphore_mem>>)
      %dma_wait3A = arith.constant 0 : i32
      %dma_wait3A_517 = tpu.memref_slice %arg14[%run_scoped3A, %dma_wait3A] : memref<4x128xf32, #tpu.memory_space<vmem>> -> memref<1x128xf32, #tpu.memory_space<vmem>>
      %dma_wait3A_518 = tpu.memref_squeeze %dma_wait3A_517 : memref<1x128xf32, #tpu.memory_space<vmem>> -> memref<128xf32, #tpu.memory_space<vmem>>
      %dma_wait3A_519 = tpu.memref_slice %arg3[%add3A_3] : memref<8192xf32, #tpu.memory_space<hbm>> -> memref<128xf32, #tpu.memory_space<hbm>>
      %dma_wait3A_520 = arith.constant 0 : i32
      %dma_wait3A_521 = tpu.memref_slice %arg14[%run_scoped3A, %dma_wait3A_520] : memref<4x128xf32, #tpu.memory_space<vmem>> -> memref<1x128xf32, #tpu.memory_space<vmem>>
      %dma_wait3A_522 = tpu.memref_squeeze %dma_wait3A_521 : memref<1x128xf32, #tpu.memory_space<vmem>> -> memref<128xf32, #tpu.memory_space<vmem>>
      %dma_wait3A_523 = tpu.memref_slice %arg3[%add3A_3] : memref<8192xf32, #tpu.memory_space<hbm>> -> memref<128xf32, #tpu.memory_space<hbm>>
      tpu.wait_dma2 semaphore(%run_scoped3A_509 : memref<!tpu.dma_semaphore, #tpu.memory_space<semaphore_mem>>) src(%dma_wait3A_523 : memref<128xf32, #tpu.memory_space<hbm>>) dst(%dma_wait3A_522 : memref<128xf32, #tpu.memory_space<vmem>>)
      tpu.yield
    }) : () -> ()
    %mul3A_4 = arith.constant 512 : i32
    %mul3A_5 = arith.muli %arg1, %mul3A_4 : i32
    %add3A_6 = arith.constant 128 : i32
    %add3A_7 = arith.addi %mul3A_5, %add3A_6 : i32
    %run_scoped3A_8 = arith.constant 1 : i32
    "tpu.region"() ({
      %run_scoped3A_509 = tpu.sem_alloc : memref<!tpu.dma_semaphore, #tpu.memory_space<semaphore_mem>>
      %dma_start3A = arith.constant 0 : i32
      %dma_start3A_510 = tpu.memref_slice %arg14[%run_scoped3A_8, %dma_start3A] : memref<4x128xf32, #tpu.memory_space<vmem>> -> memref<1x128xf32, #tpu.memory_space<vmem>>
      %dma_start3A_511 = tpu.memref_squeeze %dma_start3A_510 : memref<1x128xf32, #tpu.memory_space<vmem>> -> memref<128xf32, #tpu.memory_space<vmem>>
      %dma_start3A_512 = tpu.memref_slice %arg3[%add3A_7] : memref<8192xf32, #tpu.memory_space<hbm>> -> memref<128xf32, #tpu.memory_space<hbm>>
      %dma_start3A_513 = arith.constant 0 : i32
      %dma_start3A_514 = tpu.memref_slice %arg14[%run_scoped3A_8, %dma_start3A_513] : memref<4x128xf32, #tpu.memory_space<vmem>> -> memref<1x128xf32, #tpu.memory_space<vmem>>
      %dma_start3A_515 = tpu.memref_squeeze %dma_start3A_514 : memref<1x128xf32, #tpu.memory_space<vmem>> -> memref<128xf32, #tpu.memory_space<vmem>>
      %dma_start3A_516 = tpu.memref_slice %arg3[%add3A_7] : memref<8192xf32, #tpu.memory_space<hbm>> -> memref<128xf32, #tpu.memory_space<hbm>>
      tpu.enqueue_dma source(%dma_start3A_516 : memref<128xf32, #tpu.memory_space<hbm>>) target(%dma_start3A_515 : memref<128xf32, #tpu.memory_space<vmem>>) target_semaphore(%run_scoped3A_509 : memref<!tpu.dma_semaphore, #tpu.memory_space<semaphore_mem>>)
      %dma_wait3A = arith.constant 0 : i32
      %dma_wait3A_517 = tpu.memref_slice %arg14[%run_scoped3A_8, %dma_wait3A] : memref<4x128xf32, #tpu.memory_space<vmem>> -> memref<1x128xf32, #tpu.memory_space<vmem>>
      %dma_wait3A_518 = tpu.memref_squeeze %dma_wait3A_517 : memref<1x128xf32, #tpu.memory_space<vmem>> -> memref<128xf32, #tpu.memory_space<vmem>>
      %dma_wait3A_519 = tpu.memref_slice %arg3[%add3A_7] : memref<8192xf32, #tpu.memory_space<hbm>> -> memref<128xf32, #tpu.memory_space<hbm>>
      %dma_wait3A_520 = arith.constant 0 : i32
      %dma_wait3A_521 = tpu.memref_slice %arg14[%run_scoped3A_8, %dma_wait3A_520] : memref<4x128xf32, #tpu.memory_space<vmem>> -> memref<1x128xf32, #tpu.memory_space<vmem>>
      %dma_wait3A_522 = tpu.memref_squeeze %dma_wait3A_521 : memref<1x128xf32, #tpu.memory_space<vmem>> -> memref<128xf32, #tpu.memory_space<vmem>>
      %dma_wait3A_523 = tpu.memref_slice %arg3[%add3A_7] : memref<8192xf32, #tpu.memory_space<hbm>> -> memref<128xf32, #tpu.memory_space<hbm>>
      tpu.wait_dma2 semaphore(%run_scoped3A_509 : memref<!tpu.dma_semaphore, #tpu.memory_space<semaphore_mem>>) src(%dma_wait3A_523 : memref<128xf32, #tpu.memory_space<hbm>>) dst(%dma_wait3A_522 : memref<128xf32, #tpu.memory_space<vmem>>)
      tpu.yield
    }) : () -> ()
    %mul3A_9 = arith.constant 512 : i32
    %mul3A_10 = arith.muli %arg1, %mul3A_9 : i32
    %add3A_11 = arith.constant 256 : i32
    %add3A_12 = arith.addi %mul3A_10, %add3A_11 : i32
    %run_scoped3A_13 = arith.constant 2 : i32
    "tpu.region"() ({
      %run_scoped3A_509 = tpu.sem_alloc : memref<!tpu.dma_semaphore, #tpu.memory_space<semaphore_mem>>
      %dma_start3A = arith.constant 0 : i32
      %dma_start3A_510 = tpu.memref_slice %arg14[%run_scoped3A_13, %dma_start3A] : memref<4x128xf32, #tpu.memory_space<vmem>> -> memref<1x128xf32, #tpu.memory_space<vmem>>
      %dma_start3A_511 = tpu.memref_squeeze %dma_start3A_510 : memref<1x128xf32, #tpu.memory_space<vmem>> -> memref<128xf32, #tpu.memory_space<vmem>>
      %dma_start3A_512 = tpu.memref_slice %arg3[%add3A_12] : memref<8192xf32, #tpu.memory_space<hbm>> -> memref<128xf32, #tpu.memory_space<hbm>>
      %dma_start3A_513 = arith.constant 0 : i32
      %dma_start3A_514 = tpu.memref_slice %arg14[%run_scoped3A_13, %dma_start3A_513] : memref<4x128xf32, #tpu.memory_space<vmem>> -> memref<1x128xf32, #tpu.memory_space<vmem>>
      %dma_start3A_515 = tpu.memref_squeeze %dma_start3A_514 : memref<1x128xf32, #tpu.memory_space<vmem>> -> memref<128xf32, #tpu.memory_space<vmem>>
      %dma_start3A_516 = tpu.memref_slice %arg3[%add3A_12] : memref<8192xf32, #tpu.memory_space<hbm>> -> memref<128xf32, #tpu.memory_space<hbm>>
      tpu.enqueue_dma source(%dma_start3A_516 : memref<128xf32, #tpu.memory_space<hbm>>) target(%dma_start3A_515 : memref<128xf32, #tpu.memory_space<vmem>>) target_semaphore(%run_scoped3A_509 : memref<!tpu.dma_semaphore, #tpu.memory_space<semaphore_mem>>)
      %dma_wait3A = arith.constant 0 : i32
      %dma_wait3A_517 = tpu.memref_slice %arg14[%run_scoped3A_13, %dma_wait3A] : memref<4x128xf32, #tpu.memory_space<vmem>> -> memref<1x128xf32, #tpu.memory_space<vmem>>
      %dma_wait3A_518 = tpu.memref_squeeze %dma_wait3A_517 : memref<1x128xf32, #tpu.memory_space<vmem>> -> memref<128xf32, #tpu.memory_space<vmem>>
      %dma_wait3A_519 = tpu.memref_slice %arg3[%add3A_12] : memref<8192xf32, #tpu.memory_space<hbm>> -> memref<128xf32, #tpu.memory_space<hbm>>
      %dma_wait3A_520 = arith.constant 0 : i32
      %dma_wait3A_521 = tpu.memref_slice %arg14[%run_scoped3A_13, %dma_wait3A_520] : memref<4x128xf32, #tpu.memory_space<vmem>> -> memref<1x128xf32, #tpu.memory_space<vmem>>
      %dma_wait3A_522 = tpu.memref_squeeze %dma_wait3A_521 : memref<1x128xf32, #tpu.memory_space<vmem>> -> memref<128xf32, #tpu.memory_space<vmem>>
      %dma_wait3A_523 = tpu.memref_slice %arg3[%add3A_12] : memref<8192xf32, #tpu.memory_space<hbm>> -> memref<128xf32, #tpu.memory_space<hbm>>
      tpu.wait_dma2 semaphore(%run_scoped3A_509 : memref<!tpu.dma_semaphore, #tpu.memory_space<semaphore_mem>>) src(%dma_wait3A_523 : memref<128xf32, #tpu.memory_space<hbm>>) dst(%dma_wait3A_522 : memref<128xf32, #tpu.memory_space<vmem>>)
      tpu.yield
    }) : () -> ()
    %mul3A_14 = arith.constant 512 : i32
    %mul3A_15 = arith.muli %arg1, %mul3A_14 : i32
    %add3A_16 = arith.constant 384 : i32
    %add3A_17 = arith.addi %mul3A_15, %add3A_16 : i32
    %run_scoped3A_18 = arith.constant 3 : i32
    "tpu.region"() ({
      %run_scoped3A_509 = tpu.sem_alloc : memref<!tpu.dma_semaphore, #tpu.memory_space<semaphore_mem>>
      %dma_start3A = arith.constant 0 : i32
      %dma_start3A_510 = tpu.memref_slice %arg14[%run_scoped3A_18, %dma_start3A] : memref<4x128xf32, #tpu.memory_space<vmem>> -> memref<1x128xf32, #tpu.memory_space<vmem>>
      %dma_start3A_511 = tpu.memref_squeeze %dma_start3A_510 : memref<1x128xf32, #tpu.memory_space<vmem>> -> memref<128xf32, #tpu.memory_space<vmem>>
      %dma_start3A_512 = tpu.memref_slice %arg3[%add3A_17] : memref<8192xf32, #tpu.memory_space<hbm>> -> memref<128xf32, #tpu.memory_space<hbm>>
      %dma_start3A_513 = arith.constant 0 : i32
      %dma_start3A_514 = tpu.memref_slice %arg14[%run_scoped3A_18, %dma_start3A_513] : memref<4x128xf32, #tpu.memory_space<vmem>> -> memref<1x128xf32, #tpu.memory_space<vmem>>
      %dma_start3A_515 = tpu.memref_squeeze %dma_start3A_514 : memref<1x128xf32, #tpu.memory_space<vmem>> -> memref<128xf32, #tpu.memory_space<vmem>>
      %dma_start3A_516 = tpu.memref_slice %arg3[%add3A_17] : memref<8192xf32, #tpu.memory_space<hbm>> -> memref<128xf32, #tpu.memory_space<hbm>>
      tpu.enqueue_dma source(%dma_start3A_516 : memref<128xf32, #tpu.memory_space<hbm>>) target(%dma_start3A_515 : memref<128xf32, #tpu.memory_space<vmem>>) target_semaphore(%run_scoped3A_509 : memref<!tpu.dma_semaphore, #tpu.memory_space<semaphore_mem>>)
      %dma_wait3A = arith.constant 0 : i32
      %dma_wait3A_517 = tpu.memref_slice %arg14[%run_scoped3A_18, %dma_wait3A] : memref<4x128xf32, #tpu.memory_space<vmem>> -> memref<1x128xf32, #tpu.memory_space<vmem>>
      %dma_wait3A_518 = tpu.memref_squeeze %dma_wait3A_517 : memref<1x128xf32, #tpu.memory_space<vmem>> -> memref<128xf32, #tpu.memory_space<vmem>>
      %dma_wait3A_519 = tpu.memref_slice %arg3[%add3A_17] : memref<8192xf32, #tpu.memory_space<hbm>> -> memref<128xf32, #tpu.memory_space<hbm>>
      %dma_wait3A_520 = arith.constant 0 : i32
      %dma_wait3A_521 = tpu.memref_slice %arg14[%run_scoped3A_18, %dma_wait3A_520] : memref<4x128xf32, #tpu.memory_space<vmem>> -> memref<1x128xf32, #tpu.memory_space<vmem>>
      %dma_wait3A_522 = tpu.memref_squeeze %dma_wait3A_521 : memref<1x128xf32, #tpu.memory_space<vmem>> -> memref<128xf32, #tpu.memory_space<vmem>>
      %dma_wait3A_523 = tpu.memref_slice %arg3[%add3A_17] : memref<8192xf32, #tpu.memory_space<hbm>> -> memref<128xf32, #tpu.memory_space<hbm>>
      tpu.wait_dma2 semaphore(%run_scoped3A_509 : memref<!tpu.dma_semaphore, #tpu.memory_space<semaphore_mem>>) src(%dma_wait3A_523 : memref<128xf32, #tpu.memory_space<hbm>>) dst(%dma_wait3A_522 : memref<128xf32, #tpu.memory_space<vmem>>)
      tpu.yield
    }) : () -> ()
    %broadcast_in_dim3A = arith.constant 0 : i32
    %broadcast_in_dim3A_19 = vector.broadcast %broadcast_in_dim3A : i32 to vector<16xi32>
    %scan3A = arith.constant 0 : i32
    %scan3A_20 = arith.constant 32 : i32
    %scan3A_21 = arith.addi %scan3A, %scan3A_20 : i32
    %scan3A_22 = arith.constant 1 : i32
    %scan3A_23 = scf.for %scan3A_509 = %scan3A to %scan3A_21 step %scan3A_22 iter_args(%scan3A_510 = %broadcast_in_dim3A_19) -> (vector<16xi32>)  : i32 {
      %mul3A_511 = arith.constant 16 : i32
      %mul3A_512 = arith.muli %scan3A_509, %mul3A_511 : i32
      %get3A_513 = arith.index_cast %mul3A_512 : i32 to index
      %get3A_514 = tpu.vector_load %arg10[%get3A_513] {strides = array<i32>} : memref<512xi32, #tpu.memory_space<vmem>>, vector<16xi32>,
      %eq3A_515 = arith.constant 0 : i32
      %eq3A_516 = vector.broadcast %eq3A_515 : i32 to vector<16xi32>
      %eq3A_517 = arith.cmpi eq, %get3A_514, %eq3A_516 : vector<16xi32>
      %jit3A_518 = arith.constant 1 : i32
      %jit3A_519 = arith.constant 0 : i32
      %broadcast_in_dim3A_520 = vector.broadcast %jit3A_518 : i32 to vector<16xi32>
      %broadcast_in_dim3A_521 = vector.broadcast %jit3A_519 : i32 to vector<16xi32>
      %select_n3A_522 = arith.select %eq3A_517, %broadcast_in_dim3A_520, %broadcast_in_dim3A_521 : vector<16xi1>, vector<16xi32>
      %reduce_sum3A_523 = arith.constant true
      %reduce_sum3A_524 = vector.broadcast %reduce_sum3A_523 : i1 to vector<16xi1>
      %reduce_sum3A_525 = tpu.scan <sum>, %select_n3A_522 masked %reduce_sum3A_524 : vector<16xi32>, vector<16xi1> -> vector<16xi32>
      %reduce_sum3A_526 = vector.extract %reduce_sum3A_525[15] : i32 from vector<16xi32>
      %eq3A_527 = arith.constant 0 : i32
      %eq3A_528 = vector.broadcast %eq3A_527 : i32 to vector<16xi32>
      %eq3A_529 = arith.cmpi eq, %iota3A, %eq3A_528 : vector<16xi32>
      %jit3A_530 = arith.constant 0 : i32
      %broadcast_in_dim3A_531 = vector.broadcast %reduce_sum3A_526 : i32 to vector<16xi32>
      %broadcast_in_dim3A_532 = vector.broadcast %jit3A_530 : i32 to vector<16xi32>
      %select_n3A_533 = arith.select %eq3A_529, %broadcast_in_dim3A_531, %broadcast_in_dim3A_532 : vector<16xi1>, vector<16xi32>
      %add3A_534 = arith.addi %scan3A_510, %select_n3A_533 : vector<16xi32>
      %eq3A_535 = arith.constant 1 : i32
      %eq3A_536 = vector.broadcast %eq3A_535 : i32 to vector<16xi32>
      %eq3A_537 = arith.cmpi eq, %get3A_514, %eq3A_536 : vector<16xi32>
      %jit3A_538 = arith.constant 1 : i32
      %jit3A_539 = arith.constant 0 : i32
      %broadcast_in_dim3A_540 = vector.broadcast %jit3A_538 : i32 to vector<16xi32>
      %broadcast_in_dim3A_541 = vector.broadcast %jit3A_539 : i32 to vector<16xi32>
      %select_n3A_542 = arith.select %eq3A_537, %broadcast_in_dim3A_540, %broadcast_in_dim3A_541 : vector<16xi1>, vector<16xi32>
      %reduce_sum3A_543 = arith.constant true
      %reduce_sum3A_544 = vector.broadcast %reduce_sum3A_543 : i1 to vector<16xi1>
      %reduce_sum3A_545 = tpu.scan <sum>, %select_n3A_542 masked %reduce_sum3A_544 : vector<16xi32>, vector<16xi1> -> vector<16xi32>
      %reduce_sum3A_546 = vector.extract %reduce_sum3A_545[15] : i32 from vector<16xi32>
      %eq3A_547 = arith.constant 1 : i32
      %eq3A_548 = vector.broadcast %eq3A_547 : i32 to vector<16xi32>
      %eq3A_549 = arith.cmpi eq, %iota3A, %eq3A_548 : vector<16xi32>
      %jit3A_550 = arith.constant 0 : i32
      %broadcast_in_dim3A_551 = vector.broadcast %reduce_sum3A_546 : i32 to vector<16xi32>
      %broadcast_in_dim3A_552 = vector.broadcast %jit3A_550 : i32 to vector<16xi32>
      %select_n3A_553 = arith.select %eq3A_549, %broadcast_in_dim3A_551, %broadcast_in_dim3A_552 : vector<16xi1>, vector<16xi32>
      %add3A_554 = arith.addi %add3A_534, %select_n3A_553 : vector<16xi32>
      %eq3A_555 = arith.constant 2 : i32
      %eq3A_556 = vector.broadcast %eq3A_555 : i32 to vector<16xi32>
      %eq3A_557 = arith.cmpi eq, %get3A_514, %eq3A_556 : vector<16xi32>
      %jit3A_558 = arith.constant 1 : i32
      %jit3A_559 = arith.constant 0 : i32
      %broadcast_in_dim3A_560 = vector.broadcast %jit3A_558 : i32 to vector<16xi32>
      %broadcast_in_dim3A_561 = vector.broadcast %jit3A_559 : i32 to vector<16xi32>
      %select_n3A_562 = arith.select %eq3A_557, %broadcast_in_dim3A_560, %broadcast_in_dim3A_561 : vector<16xi1>, vector<16xi32>
      %reduce_sum3A_563 = arith.constant true
      %reduce_sum3A_564 = vector.broadcast %reduce_sum3A_563 : i1 to vector<16xi1>
      %reduce_sum3A_565 = tpu.scan <sum>, %select_n3A_562 masked %reduce_sum3A_564 : vector<16xi32>, vector<16xi1> -> vector<16xi32>
      %reduce_sum3A_566 = vector.extract %reduce_sum3A_565[15] : i32 from vector<16xi32>
      %eq3A_567 = arith.constant 2 : i32
      %eq3A_568 = vector.broadcast %eq3A_567 : i32 to vector<16xi32>
      %eq3A_569 = arith.cmpi eq, %iota3A, %eq3A_568 : vector<16xi32>
      %jit3A_570 = arith.constant 0 : i32
      %broadcast_in_dim3A_571 = vector.broadcast %reduce_sum3A_566 : i32 to vector<16xi32>
      %broadcast_in_dim3A_572 = vector.broadcast %jit3A_570 : i32 to vector<16xi32>
      %select_n3A_573 = arith.select %eq3A_569, %broadcast_in_dim3A_571, %broadcast_in_dim3A_572 : vector<16xi1>, vector<16xi32>
      %add3A_574 = arith.addi %add3A_554, %select_n3A_573 : vector<16xi32>
      %eq3A_575 = arith.constant 3 : i32
      %eq3A_576 = vector.broadcast %eq3A_575 : i32 to vector<16xi32>
      %eq3A_577 = arith.cmpi eq, %get3A_514, %eq3A_576 : vector<16xi32>
      %jit3A_578 = arith.constant 1 : i32
      %jit3A_579 = arith.constant 0 : i32
      %broadcast_in_dim3A_580 = vector.broadcast %jit3A_578 : i32 to vector<16xi32>
      %broadcast_in_dim3A_581 = vector.broadcast %jit3A_579 : i32 to vector<16xi32>
      %select_n3A_582 = arith.select %eq3A_577, %broadcast_in_dim3A_580, %broadcast_in_dim3A_581 : vector<16xi1>, vector<16xi32>
      %reduce_sum3A_583 = arith.constant true
      %reduce_sum3A_584 = vector.broadcast %reduce_sum3A_583 : i1 to vector<16xi1>
      %reduce_sum3A_585 = tpu.scan <sum>, %select_n3A_582 masked %reduce_sum3A_584 : vector<16xi32>, vector<16xi1> -> vector<16xi32>
      %reduce_sum3A_586 = vector.extract %reduce_sum3A_585[15] : i32 from vector<16xi32>
      %eq3A_587 = arith.constant 3 : i32
      %eq3A_588 = vector.broadcast %eq3A_587 : i32 to vector<16xi32>
      %eq3A_589 = arith.cmpi eq, %iota3A, %eq3A_588 : vector<16xi32>
      %jit3A_590 = arith.constant 0 : i32
      %broadcast_in_dim3A_591 = vector.broadcast %reduce_sum3A_586 : i32 to vector<16xi32>
      %broadcast_in_dim3A_592 = vector.broadcast %jit3A_590 : i32 to vector<16xi32>
      %select_n3A_593 = arith.select %eq3A_589, %broadcast_in_dim3A_591, %broadcast_in_dim3A_592 : vector<16xi1>, vector<16xi32>
      %add3A_594 = arith.addi %add3A_574, %select_n3A_593 : vector<16xi32>
      %eq3A_595 = arith.constant 4 : i32
      %eq3A_596 = vector.broadcast %eq3A_595 : i32 to vector<16xi32>
      %eq3A_597 = arith.cmpi eq, %get3A_514, %eq3A_596 : vector<16xi32>
      %jit3A_598 = arith.constant 1 : i32
      %jit3A_599 = arith.constant 0 : i32
      %broadcast_in_dim3A_600 = vector.broadcast %jit3A_598 : i32 to vector<16xi32>
      %broadcast_in_dim3A_601 = vector.broadcast %jit3A_599 : i32 to vector<16xi32>
      %select_n3A_602 = arith.select %eq3A_597, %broadcast_in_dim3A_600, %broadcast_in_dim3A_601 : vector<16xi1>, vector<16xi32>
      %reduce_sum3A_603 = arith.constant true
      %reduce_sum3A_604 = vector.broadcast %reduce_sum3A_603 : i1 to vector<16xi1>
      %reduce_sum3A_605 = tpu.scan <sum>, %select_n3A_602 masked %reduce_sum3A_604 : vector<16xi32>, vector<16xi1> -> vector<16xi32>
      %reduce_sum3A_606 = vector.extract %reduce_sum3A_605[15] : i32 from vector<16xi32>
      %eq3A_607 = arith.constant 4 : i32
      %eq3A_608 = vector.broadcast %eq3A_607 : i32 to vector<16xi32>
      %eq3A_609 = arith.cmpi eq, %iota3A, %eq3A_608 : vector<16xi32>
      %jit3A_610 = arith.constant 0 : i32
      %broadcast_in_dim3A_611 = vector.broadcast %reduce_sum3A_606 : i32 to vector<16xi32>
      %broadcast_in_dim3A_612 = vector.broadcast %jit3A_610 : i32 to vector<16xi32>
      %select_n3A_613 = arith.select %eq3A_609, %broadcast_in_dim3A_611, %broadcast_in_dim3A_612 : vector<16xi1>, vector<16xi32>
      %add3A_614 = arith.addi %add3A_594, %select_n3A_613 : vector<16xi32>
      %eq3A_615 = arith.constant 5 : i32
      %eq3A_616 = vector.broadcast %eq3A_615 : i32 to vector<16xi32>
      %eq3A_617 = arith.cmpi eq, %get3A_514, %eq3A_616 : vector<16xi32>
      %jit3A_618 = arith.constant 1 : i32
      %jit3A_619 = arith.constant 0 : i32
      %broadcast_in_dim3A_620 = vector.broadcast %jit3A_618 : i32 to vector<16xi32>
      %broadcast_in_dim3A_621 = vector.broadcast %jit3A_619 : i32 to vector<16xi32>
      %select_n3A_622 = arith.select %eq3A_617, %broadcast_in_dim3A_620, %broadcast_in_dim3A_621 : vector<16xi1>, vector<16xi32>
      %reduce_sum3A_623 = arith.constant true
      %reduce_sum3A_624 = vector.broadcast %reduce_sum3A_623 : i1 to vector<16xi1>
      %reduce_sum3A_625 = tpu.scan <sum>, %select_n3A_622 masked %reduce_sum3A_624 : vector<16xi32>, vector<16xi1> -> vector<16xi32>
      %reduce_sum3A_626 = vector.extract %reduce_sum3A_625[15] : i32 from vector<16xi32>
      %eq3A_627 = arith.constant 5 : i32
      %eq3A_628 = vector.broadcast %eq3A_627 : i32 to vector<16xi32>
      %eq3A_629 = arith.cmpi eq, %iota3A, %eq3A_628 : vector<16xi32>
      %jit3A_630 = arith.constant 0 : i32
      %broadcast_in_dim3A_631 = vector.broadcast %reduce_sum3A_626 : i32 to vector<16xi32>
      %broadcast_in_dim3A_632 = vector.broadcast %jit3A_630 : i32 to vector<16xi32>
      %select_n3A_633 = arith.select %eq3A_629, %broadcast_in_dim3A_631, %broadcast_in_dim3A_632 : vector<16xi1>, vector<16xi32>
      %add3A_634 = arith.addi %add3A_614, %select_n3A_633 : vector<16xi32>
      %eq3A_635 = arith.constant 6 : i32
      %eq3A_636 = vector.broadcast %eq3A_635 : i32 to vector<16xi32>
      %eq3A_637 = arith.cmpi eq, %get3A_514, %eq3A_636 : vector<16xi32>
      %jit3A_638 = arith.constant 1 : i32
      %jit3A_639 = arith.constant 0 : i32
      %broadcast_in_dim3A_640 = vector.broadcast %jit3A_638 : i32 to vector<16xi32>
      %broadcast_in_dim3A_641 = vector.broadcast %jit3A_639 : i32 to vector<16xi32>
      %select_n3A_642 = arith.select %eq3A_637, %broadcast_in_dim3A_640, %broadcast_in_dim3A_641 : vector<16xi1>, vector<16xi32>
      %reduce_sum3A_643 = arith.constant true
      %reduce_sum3A_644 = vector.broadcast %reduce_sum3A_643 : i1 to vector<16xi1>
      %reduce_sum3A_645 = tpu.scan <sum>, %select_n3A_642 masked %reduce_sum3A_644 : vector<16xi32>, vector<16xi1> -> vector<16xi32>
      %reduce_sum3A_646 = vector.extract %reduce_sum3A_645[15] : i32 from vector<16xi32>
      %eq3A_647 = arith.constant 6 : i32
      %eq3A_648 = vector.broadcast %eq3A_647 : i32 to vector<16xi32>
      %eq3A_649 = arith.cmpi eq, %iota3A, %eq3A_648 : vector<16xi32>
      %jit3A_650 = arith.constant 0 : i32
      %broadcast_in_dim3A_651 = vector.broadcast %reduce_sum3A_646 : i32 to vector<16xi32>
      %broadcast_in_dim3A_652 = vector.broadcast %jit3A_650 : i32 to vector<16xi32>
      %select_n3A_653 = arith.select %eq3A_649, %broadcast_in_dim3A_651, %broadcast_in_dim3A_652 : vector<16xi1>, vector<16xi32>
      %add3A_654 = arith.addi %add3A_634, %select_n3A_653 : vector<16xi32>
      %eq3A_655 = arith.constant 7 : i32
      %eq3A_656 = vector.broadcast %eq3A_655 : i32 to vector<16xi32>
      %eq3A_657 = arith.cmpi eq, %get3A_514, %eq3A_656 : vector<16xi32>
      %jit3A_658 = arith.constant 1 : i32
      %jit3A_659 = arith.constant 0 : i32
      %broadcast_in_dim3A_660 = vector.broadcast %jit3A_658 : i32 to vector<16xi32>
      %broadcast_in_dim3A_661 = vector.broadcast %jit3A_659 : i32 to vector<16xi32>
      %select_n3A_662 = arith.select %eq3A_657, %broadcast_in_dim3A_660, %broadcast_in_dim3A_661 : vector<16xi1>, vector<16xi32>
      %reduce_sum3A_663 = arith.constant true
      %reduce_sum3A_664 = vector.broadcast %reduce_sum3A_663 : i1 to vector<16xi1>
      %reduce_sum3A_665 = tpu.scan <sum>, %select_n3A_662 masked %reduce_sum3A_664 : vector<16xi32>, vector<16xi1> -> vector<16xi32>
      %reduce_sum3A_666 = vector.extract %reduce_sum3A_665[15] : i32 from vector<16xi32>
      %eq3A_667 = arith.constant 7 : i32
      %eq3A_668 = vector.broadcast %eq3A_667 : i32 to vector<16xi32>
      %eq3A_669 = arith.cmpi eq, %iota3A, %eq3A_668 : vector<16xi32>
      %jit3A_670 = arith.constant 0 : i32
      %broadcast_in_dim3A_671 = vector.broadcast %reduce_sum3A_666 : i32 to vector<16xi32>
      %broadcast_in_dim3A_672 = vector.broadcast %jit3A_670 : i32 to vector<16xi32>
      %select_n3A_673 = arith.select %eq3A_669, %broadcast_in_dim3A_671, %broadcast_in_dim3A_672 : vector<16xi1>, vector<16xi32>
      %add3A_674 = arith.addi %add3A_654, %select_n3A_673 : vector<16xi32>
      scf.yield %add3A_674 : vector<16xi32>
    }
    %scan3A_24 = arith.constant 32 : i32
    %swap3A = arith.constant 0 : index
    %swap3A_25 = tpu.vector_load %arg15[%swap3A] {strides = array<i32>} : memref<16xi32, #tpu.memory_space<vmem>>, vector<16xi32>,
    tpu.vector_store %arg15[%swap3A], %scan3A_23 {strides = array<i32>} : memref<16xi32, #tpu.memory_space<vmem>>, vector<16xi32>,
    %mul3A_26 = arith.constant 16 : i32
    %mul3A_27 = arith.muli %arg1, %mul3A_26 : i32
    "tpu.region"() ({
      %run_scoped3A_509 = tpu.sem_alloc : memref<!tpu.dma_semaphore, #tpu.memory_space<semaphore_mem>>
      %dma_start3A = tpu.memref_slice %arg23[%mul3A_27] : memref<256xi32, #tpu.memory_space<vmem_shared>> -> memref<16xi32, #tpu.memory_space<vmem_shared>>
      %dma_start3A_510 = tpu.memref_slice %arg23[%mul3A_27] : memref<256xi32, #tpu.memory_space<vmem_shared>> -> memref<16xi32, #tpu.memory_space<vmem_shared>>
      tpu.enqueue_dma source(%arg15 : memref<16xi32, #tpu.memory_space<vmem>>) target(%dma_start3A_510 : memref<16xi32, #tpu.memory_space<vmem_shared>>) target_semaphore(%run_scoped3A_509 : memref<!tpu.dma_semaphore, #tpu.memory_space<semaphore_mem>>)
      %dma_wait3A = tpu.memref_slice %arg23[%mul3A_27] : memref<256xi32, #tpu.memory_space<vmem_shared>> -> memref<16xi32, #tpu.memory_space<vmem_shared>>
      %dma_wait3A_511 = tpu.memref_slice %arg23[%mul3A_27] : memref<256xi32, #tpu.memory_space<vmem_shared>> -> memref<16xi32, #tpu.memory_space<vmem_shared>>
      tpu.wait_dma2 semaphore(%run_scoped3A_509 : memref<!tpu.dma_semaphore, #tpu.memory_space<semaphore_mem>>) src(%arg15 : memref<16xi32, #tpu.memory_space<vmem>>) dst(%dma_wait3A_511 : memref<16xi32, #tpu.memory_space<vmem_shared>>)
      tpu.yield
    }) : () -> ()
    %scan3A_28 = arith.constant 0 : i32
    %scan3A_29 = arith.constant 0 : i32
    %scan3A_30 = arith.constant 40 : i32
    %scan3A_31 = arith.addi %scan3A_29, %scan3A_30 : i32
    %scan3A_32 = arith.constant 1 : i32
    %scan3A_33 = scf.for %scan3A_509 = %scan3A_29 to %scan3A_31 step %scan3A_32 iter_args(%scan3A_510 = %scan3A_28) -> (i32)  : i32 {
      %broadcast_in_dim3A_511 = arith.constant 0 : i32
      %broadcast_in_dim3A_512 = vector.broadcast %broadcast_in_dim3A_511 : i32 to vector<16xi32>
      %mul3A_513 = arith.constant 16 : i32
      %mul3A_514 = arith.muli %scan3A_509, %mul3A_513 : i32
      %swap3A_515 = arith.index_cast %mul3A_514 : i32 to index
      %swap3A_516 = tpu.vector_load %arg17[%swap3A_515] {strides = array<i32>} : memref<640xi32, #tpu.memory_space<vmem>>, vector<16xi32>,
      tpu.vector_store %arg17[%swap3A_515], %broadcast_in_dim3A_512 {strides = array<i32>} : memref<640xi32, #tpu.memory_space<vmem>>, vector<16xi32>,
      %scan3A_517 = arith.constant 0 : i32
      scf.yield %scan3A_517 : i32
    }
    %scan3A_34 = arith.constant 40 : i32
    %mul3A_35 = arith.constant 640 : i32
    %mul3A_36 = arith.muli %arg1, %mul3A_35 : i32
    "tpu.region"() ({
      %run_scoped3A_509 = tpu.sem_alloc : memref<!tpu.dma_semaphore, #tpu.memory_space<semaphore_mem>>
      %dma_start3A = tpu.memref_slice %arg24[%mul3A_36] : memref<10240xi32, #tpu.memory_space<vmem_shared>> -> memref<640xi32, #tpu.memory_space<vmem_shared>>
      %dma_start3A_510 = tpu.memref_slice %arg24[%mul3A_36] : memref<10240xi32, #tpu.memory_space<vmem_shared>> -> memref<640xi32, #tpu.memory_space<vmem_shared>>
      tpu.enqueue_dma source(%arg17 : memref<640xi32, #tpu.memory_space<vmem>>) target(%dma_start3A_510 : memref<640xi32, #tpu.memory_space<vmem_shared>>) target_semaphore(%run_scoped3A_509 : memref<!tpu.dma_semaphore, #tpu.memory_space<semaphore_mem>>)
      %dma_wait3A = tpu.memref_slice %arg24[%mul3A_36] : memref<10240xi32, #tpu.memory_space<vmem_shared>> -> memref<640xi32, #tpu.memory_space<vmem_shared>>
      %dma_wait3A_511 = tpu.memref_slice %arg24[%mul3A_36] : memref<10240xi32, #tpu.memory_space<vmem_shared>> -> memref<640xi32, #tpu.memory_space<vmem_shared>>
      tpu.wait_dma2 semaphore(%run_scoped3A_509 : memref<!tpu.dma_semaphore, #tpu.memory_space<semaphore_mem>>) src(%arg17 : memref<640xi32, #tpu.memory_space<vmem>>) dst(%dma_wait3A_511 : memref<640xi32, #tpu.memory_space<vmem_shared>>)
      tpu.yield
    }) : () -> ()
    %barrier3A = arith.constant 0 : index
    tpu.barrier barrier_id(%barrier3A)
    "tpu.region"() ({
      %run_scoped3A_509 = tpu.sem_alloc : memref<!tpu.dma_semaphore, #tpu.memory_space<semaphore_mem>>
      tpu.enqueue_dma source(%arg23 : memref<256xi32, #tpu.memory_space<vmem_shared>>) target(%arg16 : memref<256xi32, #tpu.memory_space<vmem>>) target_semaphore(%run_scoped3A_509 : memref<!tpu.dma_semaphore, #tpu.memory_space<semaphore_mem>>)
      tpu.wait_dma2 semaphore(%run_scoped3A_509 : memref<!tpu.dma_semaphore, #tpu.memory_space<semaphore_mem>>) src(%arg23 : memref<256xi32, #tpu.memory_space<vmem_shared>>) dst(%arg16 : memref<256xi32, #tpu.memory_space<vmem>>)
      tpu.yield
    }) : () -> ()
    %broadcast_in_dim3A_37 = arith.constant 0 : i32
    %broadcast_in_dim3A_38 = vector.broadcast %broadcast_in_dim3A_37 : i32 to vector<16xi32>
    %broadcast_in_dim3A_39 = arith.constant 0 : i32
    %broadcast_in_dim3A_40 = vector.broadcast %broadcast_in_dim3A_39 : i32 to vector<16xi32>
    %broadcast_in_dim3A_41 = vector.broadcast %arg1 : i32 to vector<16xi32>
    %get3A = arith.constant 0 : index
    %get3A_42 = tpu.vector_load %arg16[%get3A] {strides = array<i32>} : memref<256xi32, #tpu.memory_space<vmem>>, vector<16xi32>,
    %add3A_43 = arith.addi %broadcast_in_dim3A_38, %get3A_42 : vector<16xi32>
    %broadcast_in_dim3A_44 = arith.constant 0 : i32
    %broadcast_in_dim3A_45 = vector.broadcast %broadcast_in_dim3A_44 : i32 to vector<16xi32>
    %lt3A = arith.cmpi slt, %broadcast_in_dim3A_45, %broadcast_in_dim3A_41 : vector<16xi32>
    %jit3A = arith.constant 0 : i32
    %broadcast_in_dim3A_46 = vector.broadcast %jit3A : i32 to vector<16xi32>
    %select_n3A = arith.select %lt3A, %get3A_42, %broadcast_in_dim3A_46 : vector<16xi1>, vector<16xi32>
    %add3A_47 = arith.addi %broadcast_in_dim3A_40, %select_n3A : vector<16xi32>
    %get3A_48 = arith.constant 16 : index
    %get3A_49 = tpu.vector_load %arg16[%get3A_48] {strides = array<i32>} : memref<256xi32, #tpu.memory_space<vmem>>, vector<16xi32>,
    %add3A_50 = arith.addi %add3A_43, %get3A_49 : vector<16xi32>
    %broadcast_in_dim3A_51 = arith.constant 1 : i32
    %broadcast_in_dim3A_52 = vector.broadcast %broadcast_in_dim3A_51 : i32 to vector<16xi32>
    %lt3A_53 = arith.cmpi slt, %broadcast_in_dim3A_52, %broadcast_in_dim3A_41 : vector<16xi32>
    %jit3A_54 = arith.constant 0 : i32
    %broadcast_in_dim3A_55 = vector.broadcast %jit3A_54 : i32 to vector<16xi32>
    %select_n3A_56 = arith.select %lt3A_53, %get3A_49, %broadcast_in_dim3A_55 : vector<16xi1>, vector<16xi32>
    %add3A_57 = arith.addi %add3A_47, %select_n3A_56 : vector<16xi32>
    %get3A_58 = arith.constant 32 : index
    %get3A_59 = tpu.vector_load %arg16[%get3A_58] {strides = array<i32>} : memref<256xi32, #tpu.memory_space<vmem>>, vector<16xi32>,
    %add3A_60 = arith.addi %add3A_50, %get3A_59 : vector<16xi32>
    %broadcast_in_dim3A_61 = arith.constant 2 : i32
    %broadcast_in_dim3A_62 = vector.broadcast %broadcast_in_dim3A_61 : i32 to vector<16xi32>
    %lt3A_63 = arith.cmpi slt, %broadcast_in_dim3A_62, %broadcast_in_dim3A_41 : vector<16xi32>
    %jit3A_64 = arith.constant 0 : i32
    %broadcast_in_dim3A_65 = vector.broadcast %jit3A_64 : i32 to vector<16xi32>
    %select_n3A_66 = arith.select %lt3A_63, %get3A_59, %broadcast_in_dim3A_65 : vector<16xi1>, vector<16xi32>
    %add3A_67 = arith.addi %add3A_57, %select_n3A_66 : vector<16xi32>
    %get3A_68 = arith.constant 48 : index
    %get3A_69 = tpu.vector_load %arg16[%get3A_68] {strides = array<i32>} : memref<256xi32, #tpu.memory_space<vmem>>, vector<16xi32>,
    %add3A_70 = arith.addi %add3A_60, %get3A_69 : vector<16xi32>
    %broadcast_in_dim3A_71 = arith.constant 3 : i32
    %broadcast_in_dim3A_72 = vector.broadcast %broadcast_in_dim3A_71 : i32 to vector<16xi32>
    %lt3A_73 = arith.cmpi slt, %broadcast_in_dim3A_72, %broadcast_in_dim3A_41 : vector<16xi32>
    %jit3A_74 = arith.constant 0 : i32
    %broadcast_in_dim3A_75 = vector.broadcast %jit3A_74 : i32 to vector<16xi32>
    %select_n3A_76 = arith.select %lt3A_73, %get3A_69, %broadcast_in_dim3A_75 : vector<16xi1>, vector<16xi32>
    %add3A_77 = arith.addi %add3A_67, %select_n3A_76 : vector<16xi32>
    %get3A_78 = arith.constant 64 : index
    %get3A_79 = tpu.vector_load %arg16[%get3A_78] {strides = array<i32>} : memref<256xi32, #tpu.memory_space<vmem>>, vector<16xi32>,
    %add3A_80 = arith.addi %add3A_70, %get3A_79 : vector<16xi32>
    %broadcast_in_dim3A_81 = arith.constant 4 : i32
    %broadcast_in_dim3A_82 = vector.broadcast %broadcast_in_dim3A_81 : i32 to vector<16xi32>
    %lt3A_83 = arith.cmpi slt, %broadcast_in_dim3A_82, %broadcast_in_dim3A_41 : vector<16xi32>
    %jit3A_84 = arith.constant 0 : i32
    %broadcast_in_dim3A_85 = vector.broadcast %jit3A_84 : i32 to vector<16xi32>
    %select_n3A_86 = arith.select %lt3A_83, %get3A_79, %broadcast_in_dim3A_85 : vector<16xi1>, vector<16xi32>
    %add3A_87 = arith.addi %add3A_77, %select_n3A_86 : vector<16xi32>
    %get3A_88 = arith.constant 80 : index
    %get3A_89 = tpu.vector_load %arg16[%get3A_88] {strides = array<i32>} : memref<256xi32, #tpu.memory_space<vmem>>, vector<16xi32>,
    %add3A_90 = arith.addi %add3A_80, %get3A_89 : vector<16xi32>
    %broadcast_in_dim3A_91 = arith.constant 5 : i32
    %broadcast_in_dim3A_92 = vector.broadcast %broadcast_in_dim3A_91 : i32 to vector<16xi32>
    %lt3A_93 = arith.cmpi slt, %broadcast_in_dim3A_92, %broadcast_in_dim3A_41 : vector<16xi32>
    %jit3A_94 = arith.constant 0 : i32
    %broadcast_in_dim3A_95 = vector.broadcast %jit3A_94 : i32 to vector<16xi32>
    %select_n3A_96 = arith.select %lt3A_93, %get3A_89, %broadcast_in_dim3A_95 : vector<16xi1>, vector<16xi32>
    %add3A_97 = arith.addi %add3A_87, %select_n3A_96 : vector<16xi32>
    %get3A_98 = arith.constant 96 : index
    %get3A_99 = tpu.vector_load %arg16[%get3A_98] {strides = array<i32>} : memref<256xi32, #tpu.memory_space<vmem>>, vector<16xi32>,
    %add3A_100 = arith.addi %add3A_90, %get3A_99 : vector<16xi32>
    %broadcast_in_dim3A_101 = arith.constant 6 : i32
    %broadcast_in_dim3A_102 = vector.broadcast %broadcast_in_dim3A_101 : i32 to vector<16xi32>
    %lt3A_103 = arith.cmpi slt, %broadcast_in_dim3A_102, %broadcast_in_dim3A_41 : vector<16xi32>
    %jit3A_104 = arith.constant 0 : i32
    %broadcast_in_dim3A_105 = vector.broadcast %jit3A_104 : i32 to vector<16xi32>
    %select_n3A_106 = arith.select %lt3A_103, %get3A_99, %broadcast_in_dim3A_105 : vector<16xi1>, vector<16xi32>
    %add3A_107 = arith.addi %add3A_97, %select_n3A_106 : vector<16xi32>
    %get3A_108 = arith.constant 112 : index
    %get3A_109 = tpu.vector_load %arg16[%get3A_108] {strides = array<i32>} : memref<256xi32, #tpu.memory_space<vmem>>, vector<16xi32>,
    %add3A_110 = arith.addi %add3A_100, %get3A_109 : vector<16xi32>
    %broadcast_in_dim3A_111 = arith.constant 7 : i32
    %broadcast_in_dim3A_112 = vector.broadcast %broadcast_in_dim3A_111 : i32 to vector<16xi32>
    %lt3A_113 = arith.cmpi slt, %broadcast_in_dim3A_112, %broadcast_in_dim3A_41 : vector<16xi32>
    %jit3A_114 = arith.constant 0 : i32
    %broadcast_in_dim3A_115 = vector.broadcast %jit3A_114 : i32 to vector<16xi32>
    %select_n3A_116 = arith.select %lt3A_113, %get3A_109, %broadcast_in_dim3A_115 : vector<16xi1>, vector<16xi32>
    %add3A_117 = arith.addi %add3A_107, %select_n3A_116 : vector<16xi32>
    %get3A_118 = arith.constant 128 : index
    %get3A_119 = tpu.vector_load %arg16[%get3A_118] {strides = array<i32>} : memref<256xi32, #tpu.memory_space<vmem>>, vector<16xi32>,
    %add3A_120 = arith.addi %add3A_110, %get3A_119 : vector<16xi32>
    %broadcast_in_dim3A_121 = arith.constant 8 : i32
    %broadcast_in_dim3A_122 = vector.broadcast %broadcast_in_dim3A_121 : i32 to vector<16xi32>
    %lt3A_123 = arith.cmpi slt, %broadcast_in_dim3A_122, %broadcast_in_dim3A_41 : vector<16xi32>
    %jit3A_124 = arith.constant 0 : i32
    %broadcast_in_dim3A_125 = vector.broadcast %jit3A_124 : i32 to vector<16xi32>
    %select_n3A_126 = arith.select %lt3A_123, %get3A_119, %broadcast_in_dim3A_125 : vector<16xi1>, vector<16xi32>
    %add3A_127 = arith.addi %add3A_117, %select_n3A_126 : vector<16xi32>
    %get3A_128 = arith.constant 144 : index
    %get3A_129 = tpu.vector_load %arg16[%get3A_128] {strides = array<i32>} : memref<256xi32, #tpu.memory_space<vmem>>, vector<16xi32>,
    %add3A_130 = arith.addi %add3A_120, %get3A_129 : vector<16xi32>
    %broadcast_in_dim3A_131 = arith.constant 9 : i32
    %broadcast_in_dim3A_132 = vector.broadcast %broadcast_in_dim3A_131 : i32 to vector<16xi32>
    %lt3A_133 = arith.cmpi slt, %broadcast_in_dim3A_132, %broadcast_in_dim3A_41 : vector<16xi32>
    %jit3A_134 = arith.constant 0 : i32
    %broadcast_in_dim3A_135 = vector.broadcast %jit3A_134 : i32 to vector<16xi32>
    %select_n3A_136 = arith.select %lt3A_133, %get3A_129, %broadcast_in_dim3A_135 : vector<16xi1>, vector<16xi32>
    %add3A_137 = arith.addi %add3A_127, %select_n3A_136 : vector<16xi32>
    %get3A_138 = arith.constant 160 : index
    %get3A_139 = tpu.vector_load %arg16[%get3A_138] {strides = array<i32>} : memref<256xi32, #tpu.memory_space<vmem>>, vector<16xi32>,
    %add3A_140 = arith.addi %add3A_130, %get3A_139 : vector<16xi32>
    %broadcast_in_dim3A_141 = arith.constant 10 : i32
    %broadcast_in_dim3A_142 = vector.broadcast %broadcast_in_dim3A_141 : i32 to vector<16xi32>
    %lt3A_143 = arith.cmpi slt, %broadcast_in_dim3A_142, %broadcast_in_dim3A_41 : vector<16xi32>
    %jit3A_144 = arith.constant 0 : i32
    %broadcast_in_dim3A_145 = vector.broadcast %jit3A_144 : i32 to vector<16xi32>
    %select_n3A_146 = arith.select %lt3A_143, %get3A_139, %broadcast_in_dim3A_145 : vector<16xi1>, vector<16xi32>
    %add3A_147 = arith.addi %add3A_137, %select_n3A_146 : vector<16xi32>
    %get3A_148 = arith.constant 176 : index
    %get3A_149 = tpu.vector_load %arg16[%get3A_148] {strides = array<i32>} : memref<256xi32, #tpu.memory_space<vmem>>, vector<16xi32>,
    %add3A_150 = arith.addi %add3A_140, %get3A_149 : vector<16xi32>
    %broadcast_in_dim3A_151 = arith.constant 11 : i32
    %broadcast_in_dim3A_152 = vector.broadcast %broadcast_in_dim3A_151 : i32 to vector<16xi32>
    %lt3A_153 = arith.cmpi slt, %broadcast_in_dim3A_152, %broadcast_in_dim3A_41 : vector<16xi32>
    %jit3A_154 = arith.constant 0 : i32
    %broadcast_in_dim3A_155 = vector.broadcast %jit3A_154 : i32 to vector<16xi32>
    %select_n3A_156 = arith.select %lt3A_153, %get3A_149, %broadcast_in_dim3A_155 : vector<16xi1>, vector<16xi32>
    %add3A_157 = arith.addi %add3A_147, %select_n3A_156 : vector<16xi32>
    %get3A_158 = arith.constant 192 : index
    %get3A_159 = tpu.vector_load %arg16[%get3A_158] {strides = array<i32>} : memref<256xi32, #tpu.memory_space<vmem>>, vector<16xi32>,
    %add3A_160 = arith.addi %add3A_150, %get3A_159 : vector<16xi32>
    %broadcast_in_dim3A_161 = arith.constant 12 : i32
    %broadcast_in_dim3A_162 = vector.broadcast %broadcast_in_dim3A_161 : i32 to vector<16xi32>
    %lt3A_163 = arith.cmpi slt, %broadcast_in_dim3A_162, %broadcast_in_dim3A_41 : vector<16xi32>
    %jit3A_164 = arith.constant 0 : i32
    %broadcast_in_dim3A_165 = vector.broadcast %jit3A_164 : i32 to vector<16xi32>
    %select_n3A_166 = arith.select %lt3A_163, %get3A_159, %broadcast_in_dim3A_165 : vector<16xi1>, vector<16xi32>
    %add3A_167 = arith.addi %add3A_157, %select_n3A_166 : vector<16xi32>
    %get3A_168 = arith.constant 208 : index
    %get3A_169 = tpu.vector_load %arg16[%get3A_168] {strides = array<i32>} : memref<256xi32, #tpu.memory_space<vmem>>, vector<16xi32>,
    %add3A_170 = arith.addi %add3A_160, %get3A_169 : vector<16xi32>
    %broadcast_in_dim3A_171 = arith.constant 13 : i32
    %broadcast_in_dim3A_172 = vector.broadcast %broadcast_in_dim3A_171 : i32 to vector<16xi32>
    %lt3A_173 = arith.cmpi slt, %broadcast_in_dim3A_172, %broadcast_in_dim3A_41 : vector<16xi32>
    %jit3A_174 = arith.constant 0 : i32
    %broadcast_in_dim3A_175 = vector.broadcast %jit3A_174 : i32 to vector<16xi32>
    %select_n3A_176 = arith.select %lt3A_173, %get3A_169, %broadcast_in_dim3A_175 : vector<16xi1>, vector<16xi32>
    %add3A_177 = arith.addi %add3A_167, %select_n3A_176 : vector<16xi32>
    %get3A_178 = arith.constant 224 : index
    %get3A_179 = tpu.vector_load %arg16[%get3A_178] {strides = array<i32>} : memref<256xi32, #tpu.memory_space<vmem>>, vector<16xi32>,
    %add3A_180 = arith.addi %add3A_170, %get3A_179 : vector<16xi32>
    %broadcast_in_dim3A_181 = arith.constant 14 : i32
    %broadcast_in_dim3A_182 = vector.broadcast %broadcast_in_dim3A_181 : i32 to vector<16xi32>
    %lt3A_183 = arith.cmpi slt, %broadcast_in_dim3A_182, %broadcast_in_dim3A_41 : vector<16xi32>
    %jit3A_184 = arith.constant 0 : i32
    %broadcast_in_dim3A_185 = vector.broadcast %jit3A_184 : i32 to vector<16xi32>
    %select_n3A_186 = arith.select %lt3A_183, %get3A_179, %broadcast_in_dim3A_185 : vector<16xi1>, vector<16xi32>
    %add3A_187 = arith.addi %add3A_177, %select_n3A_186 : vector<16xi32>
    %get3A_188 = arith.constant 240 : index
    %get3A_189 = tpu.vector_load %arg16[%get3A_188] {strides = array<i32>} : memref<256xi32, #tpu.memory_space<vmem>>, vector<16xi32>,
    %add3A_190 = arith.addi %add3A_180, %get3A_189 : vector<16xi32>
    %broadcast_in_dim3A_191 = arith.constant 15 : i32
    %broadcast_in_dim3A_192 = vector.broadcast %broadcast_in_dim3A_191 : i32 to vector<16xi32>
    %lt3A_193 = arith.cmpi slt, %broadcast_in_dim3A_192, %broadcast_in_dim3A_41 : vector<16xi32>
    %jit3A_194 = arith.constant 0 : i32
    %broadcast_in_dim3A_195 = vector.broadcast %jit3A_194 : i32 to vector<16xi32>
    %select_n3A_196 = arith.select %lt3A_193, %get3A_189, %broadcast_in_dim3A_195 : vector<16xi1>, vector<16xi32>
    %add3A_197 = arith.addi %add3A_187, %select_n3A_196 : vector<16xi32>
    %add3A_198 = arith.constant 255 : i32
    %add3A_199 = vector.broadcast %add3A_198 : i32 to vector<16xi32>
    %add3A_200 = arith.addi %add3A_190, %add3A_199 : vector<16xi32>
    %and3A = arith.constant -256 : i32
    %and3A_201 = vector.broadcast %and3A : i32 to vector<16xi32>
    %and3A_202 = arith.andi %add3A_200, %and3A_201 : vector<16xi32>
    %broadcast_in_dim3A_203 = arith.constant true
    %broadcast_in_dim3A_204 = vector.broadcast %broadcast_in_dim3A_203 : i1 to vector<16xi1>
    %masked_cumsum3A = tpu.scan <sum>, %and3A_202 masked %broadcast_in_dim3A_204 : vector<16xi32>, vector<16xi1> -> vector<16xi32>
    %sub3A = arith.subi %masked_cumsum3A, %and3A_202 : vector<16xi32>
    %add3A_205 = arith.addi %sub3A, %add3A_197 : vector<16xi32>
    %eq3A = arith.constant 0 : i32
    %eq3A_206 = vector.broadcast %eq3A : i32 to vector<16xi32>
    %eq3A_207 = arith.cmpi eq, %iota3A, %eq3A_206 : vector<16xi32>
    %jit3A_208 = arith.constant 0 : i32
    %broadcast_in_dim3A_209 = vector.broadcast %jit3A_208 : i32 to vector<16xi32>
    %select_n3A_210 = arith.select %eq3A_207, %add3A_205, %broadcast_in_dim3A_209 : vector<16xi1>, vector<16xi32>
    %reduce_sum3A = arith.constant true
    %reduce_sum3A_211 = vector.broadcast %reduce_sum3A : i1 to vector<16xi1>
    %reduce_sum3A_212 = tpu.scan <sum>, %select_n3A_210 masked %reduce_sum3A_211 : vector<16xi32>, vector<16xi1> -> vector<16xi32>
    %reduce_sum3A_213 = vector.extract %reduce_sum3A_212[15] : i32 from vector<16xi32>
    %eq3A_214 = arith.constant 1 : i32
    %eq3A_215 = vector.broadcast %eq3A_214 : i32 to vector<16xi32>
    %eq3A_216 = arith.cmpi eq, %iota3A, %eq3A_215 : vector<16xi32>
    %jit3A_217 = arith.constant 0 : i32
    %broadcast_in_dim3A_218 = vector.broadcast %jit3A_217 : i32 to vector<16xi32>
    %select_n3A_219 = arith.select %eq3A_216, %add3A_205, %broadcast_in_dim3A_218 : vector<16xi1>, vector<16xi32>
    %reduce_sum3A_220 = arith.constant true
    %reduce_sum3A_221 = vector.broadcast %reduce_sum3A_220 : i1 to vector<16xi1>
    %reduce_sum3A_222 = tpu.scan <sum>, %select_n3A_219 masked %reduce_sum3A_221 : vector<16xi32>, vector<16xi1> -> vector<16xi32>
    %reduce_sum3A_223 = vector.extract %reduce_sum3A_222[15] : i32 from vector<16xi32>
    %eq3A_224 = arith.constant 2 : i32
    %eq3A_225 = vector.broadcast %eq3A_224 : i32 to vector<16xi32>
    %eq3A_226 = arith.cmpi eq, %iota3A, %eq3A_225 : vector<16xi32>
    %jit3A_227 = arith.constant 0 : i32
    %broadcast_in_dim3A_228 = vector.broadcast %jit3A_227 : i32 to vector<16xi32>
    %select_n3A_229 = arith.select %eq3A_226, %add3A_205, %broadcast_in_dim3A_228 : vector<16xi1>, vector<16xi32>
    %reduce_sum3A_230 = arith.constant true
    %reduce_sum3A_231 = vector.broadcast %reduce_sum3A_230 : i1 to vector<16xi1>
    %reduce_sum3A_232 = tpu.scan <sum>, %select_n3A_229 masked %reduce_sum3A_231 : vector<16xi32>, vector<16xi1> -> vector<16xi32>
    %reduce_sum3A_233 = vector.extract %reduce_sum3A_232[15] : i32 from vector<16xi32>
    %eq3A_234 = arith.constant 3 : i32
    %eq3A_235 = vector.broadcast %eq3A_234 : i32 to vector<16xi32>
    %eq3A_236 = arith.cmpi eq, %iota3A, %eq3A_235 : vector<16xi32>
    %jit3A_237 = arith.constant 0 : i32
    %broadcast_in_dim3A_238 = vector.broadcast %jit3A_237 : i32 to vector<16xi32>
    %select_n3A_239 = arith.select %eq3A_236, %add3A_205, %broadcast_in_dim3A_238 : vector<16xi1>, vector<16xi32>
    %reduce_sum3A_240 = arith.constant true
    %reduce_sum3A_241 = vector.broadcast %reduce_sum3A_240 : i1 to vector<16xi1>
    %reduce_sum3A_242 = tpu.scan <sum>, %select_n3A_239 masked %reduce_sum3A_241 : vector<16xi32>, vector<16xi1> -> vector<16xi32>
    %reduce_sum3A_243 = vector.extract %reduce_sum3A_242[15] : i32 from vector<16xi32>
    %eq3A_244 = arith.constant 4 : i32
    %eq3A_245 = vector.broadcast %eq3A_244 : i32 to vector<16xi32>
    %eq3A_246 = arith.cmpi eq, %iota3A, %eq3A_245 : vector<16xi32>
    %jit3A_247 = arith.constant 0 : i32
    %broadcast_in_dim3A_248 = vector.broadcast %jit3A_247 : i32 to vector<16xi32>
    %select_n3A_249 = arith.select %eq3A_246, %add3A_205, %broadcast_in_dim3A_248 : vector<16xi1>, vector<16xi32>
    %reduce_sum3A_250 = arith.constant true
    %reduce_sum3A_251 = vector.broadcast %reduce_sum3A_250 : i1 to vector<16xi1>
    %reduce_sum3A_252 = tpu.scan <sum>, %select_n3A_249 masked %reduce_sum3A_251 : vector<16xi32>, vector<16xi1> -> vector<16xi32>
    %reduce_sum3A_253 = vector.extract %reduce_sum3A_252[15] : i32 from vector<16xi32>
    %eq3A_254 = arith.constant 5 : i32
    %eq3A_255 = vector.broadcast %eq3A_254 : i32 to vector<16xi32>
    %eq3A_256 = arith.cmpi eq, %iota3A, %eq3A_255 : vector<16xi32>
    %jit3A_257 = arith.constant 0 : i32
    %broadcast_in_dim3A_258 = vector.broadcast %jit3A_257 : i32 to vector<16xi32>
    %select_n3A_259 = arith.select %eq3A_256, %add3A_205, %broadcast_in_dim3A_258 : vector<16xi1>, vector<16xi32>
    %reduce_sum3A_260 = arith.constant true
    %reduce_sum3A_261 = vector.broadcast %reduce_sum3A_260 : i1 to vector<16xi1>
    %reduce_sum3A_262 = tpu.scan <sum>, %select_n3A_259 masked %reduce_sum3A_261 : vector<16xi32>, vector<16xi1> -> vector<16xi32>
    %reduce_sum3A_263 = vector.extract %reduce_sum3A_262[15] : i32 from vector<16xi32>
    %eq3A_264 = arith.constant 6 : i32
    %eq3A_265 = vector.broadcast %eq3A_264 : i32 to vector<16xi32>
    %eq3A_266 = arith.cmpi eq, %iota3A, %eq3A_265 : vector<16xi32>
    %jit3A_267 = arith.constant 0 : i32
    %broadcast_in_dim3A_268 = vector.broadcast %jit3A_267 : i32 to vector<16xi32>
    %select_n3A_269 = arith.select %eq3A_266, %add3A_205, %broadcast_in_dim3A_268 : vector<16xi1>, vector<16xi32>
    %reduce_sum3A_270 = arith.constant true
    %reduce_sum3A_271 = vector.broadcast %reduce_sum3A_270 : i1 to vector<16xi1>
    %reduce_sum3A_272 = tpu.scan <sum>, %select_n3A_269 masked %reduce_sum3A_271 : vector<16xi32>, vector<16xi1> -> vector<16xi32>
    %reduce_sum3A_273 = vector.extract %reduce_sum3A_272[15] : i32 from vector<16xi32>
    %eq3A_274 = arith.constant 7 : i32
    %eq3A_275 = vector.broadcast %eq3A_274 : i32 to vector<16xi32>
    %eq3A_276 = arith.cmpi eq, %iota3A, %eq3A_275 : vector<16xi32>
    %jit3A_277 = arith.constant 0 : i32
    %broadcast_in_dim3A_278 = vector.broadcast %jit3A_277 : i32 to vector<16xi32>
    %select_n3A_279 = arith.select %eq3A_276, %add3A_205, %broadcast_in_dim3A_278 : vector<16xi1>, vector<16xi32>
    %reduce_sum3A_280 = arith.constant true
    %reduce_sum3A_281 = vector.broadcast %reduce_sum3A_280 : i1 to vector<16xi1>
    %reduce_sum3A_282 = tpu.scan <sum>, %select_n3A_279 masked %reduce_sum3A_281 : vector<16xi32>, vector<16xi1> -> vector<16xi32>
    %reduce_sum3A_283 = vector.extract %reduce_sum3A_282[15] : i32 from vector<16xi32>
    %eq3A_284 = arith.constant 0 : i32
    %eq3A_285 = vector.broadcast %eq3A_284 : i32 to vector<16xi32>
    %eq3A_286 = arith.cmpi eq, %iota3A, %eq3A_285 : vector<16xi32>
    %jit3A_287 = arith.constant 0 : i32
    %broadcast_in_dim3A_288 = vector.broadcast %jit3A_287 : i32 to vector<16xi32>
    %select_n3A_289 = arith.select %eq3A_286, %sub3A, %broadcast_in_dim3A_288 : vector<16xi1>, vector<16xi32>
    %reduce_sum3A_290 = arith.constant true
    %reduce_sum3A_291 = vector.broadcast %reduce_sum3A_290 : i1 to vector<16xi1>
    %reduce_sum3A_292 = tpu.scan <sum>, %select_n3A_289 masked %reduce_sum3A_291 : vector<16xi32>, vector<16xi1> -> vector<16xi32>
    %reduce_sum3A_293 = vector.extract %reduce_sum3A_292[15] : i32 from vector<16xi32>
    %eq3A_294 = arith.constant 1 : i32
    %eq3A_295 = vector.broadcast %eq3A_294 : i32 to vector<16xi32>
    %eq3A_296 = arith.cmpi eq, %iota3A, %eq3A_295 : vector<16xi32>
    %jit3A_297 = arith.constant 0 : i32
    %broadcast_in_dim3A_298 = vector.broadcast %jit3A_297 : i32 to vector<16xi32>
    %select_n3A_299 = arith.select %eq3A_296, %sub3A, %broadcast_in_dim3A_298 : vector<16xi1>, vector<16xi32>
    %reduce_sum3A_300 = arith.constant true
    %reduce_sum3A_301 = vector.broadcast %reduce_sum3A_300 : i1 to vector<16xi1>
    %reduce_sum3A_302 = tpu.scan <sum>, %select_n3A_299 masked %reduce_sum3A_301 : vector<16xi32>, vector<16xi1> -> vector<16xi32>
    %reduce_sum3A_303 = vector.extract %reduce_sum3A_302[15] : i32 from vector<16xi32>
    %eq3A_304 = arith.constant 2 : i32
    %eq3A_305 = vector.broadcast %eq3A_304 : i32 to vector<16xi32>
    %eq3A_306 = arith.cmpi eq, %iota3A, %eq3A_305 : vector<16xi32>
    %jit3A_307 = arith.constant 0 : i32
    %broadcast_in_dim3A_308 = vector.broadcast %jit3A_307 : i32 to vector<16xi32>
    %select_n3A_309 = arith.select %eq3A_306, %sub3A, %broadcast_in_dim3A_308 : vector<16xi1>, vector<16xi32>
    %reduce_sum3A_310 = arith.constant true
    %reduce_sum3A_311 = vector.broadcast %reduce_sum3A_310 : i1 to vector<16xi1>
    %reduce_sum3A_312 = tpu.scan <sum>, %select_n3A_309 masked %reduce_sum3A_311 : vector<16xi32>, vector<16xi1> -> vector<16xi32>
    %reduce_sum3A_313 = vector.extract %reduce_sum3A_312[15] : i32 from vector<16xi32>
    %eq3A_314 = arith.constant 3 : i32
    %eq3A_315 = vector.broadcast %eq3A_314 : i32 to vector<16xi32>
    %eq3A_316 = arith.cmpi eq, %iota3A, %eq3A_315 : vector<16xi32>
    %jit3A_317 = arith.constant 0 : i32
    %broadcast_in_dim3A_318 = vector.broadcast %jit3A_317 : i32 to vector<16xi32>
    %select_n3A_319 = arith.select %eq3A_316, %sub3A, %broadcast_in_dim3A_318 : vector<16xi1>, vector<16xi32>
    %reduce_sum3A_320 = arith.constant true
    %reduce_sum3A_321 = vector.broadcast %reduce_sum3A_320 : i1 to vector<16xi1>
    %reduce_sum3A_322 = tpu.scan <sum>, %select_n3A_319 masked %reduce_sum3A_321 : vector<16xi32>, vector<16xi1> -> vector<16xi32>
    %reduce_sum3A_323 = vector.extract %reduce_sum3A_322[15] : i32 from vector<16xi32>
    %eq3A_324 = arith.constant 4 : i32
    %eq3A_325 = vector.broadcast %eq3A_324 : i32 to vector<16xi32>
    %eq3A_326 = arith.cmpi eq, %iota3A, %eq3A_325 : vector<16xi32>
    %jit3A_327 = arith.constant 0 : i32
    %broadcast_in_dim3A_328 = vector.broadcast %jit3A_327 : i32 to vector<16xi32>
    %select_n3A_329 = arith.select %eq3A_326, %sub3A, %broadcast_in_dim3A_328 : vector<16xi1>, vector<16xi32>
    %reduce_sum3A_330 = arith.constant true
    %reduce_sum3A_331 = vector.broadcast %reduce_sum3A_330 : i1 to vector<16xi1>
    %reduce_sum3A_332 = tpu.scan <sum>, %select_n3A_329 masked %reduce_sum3A_331 : vector<16xi32>, vector<16xi1> -> vector<16xi32>
    %reduce_sum3A_333 = vector.extract %reduce_sum3A_332[15] : i32 from vector<16xi32>
    %eq3A_334 = arith.constant 5 : i32
    %eq3A_335 = vector.broadcast %eq3A_334 : i32 to vector<16xi32>
    %eq3A_336 = arith.cmpi eq, %iota3A, %eq3A_335 : vector<16xi32>
    %jit3A_337 = arith.constant 0 : i32
    %broadcast_in_dim3A_338 = vector.broadcast %jit3A_337 : i32 to vector<16xi32>
    %select_n3A_339 = arith.select %eq3A_336, %sub3A, %broadcast_in_dim3A_338 : vector<16xi1>, vector<16xi32>
    %reduce_sum3A_340 = arith.constant true
    %reduce_sum3A_341 = vector.broadcast %reduce_sum3A_340 : i1 to vector<16xi1>
    %reduce_sum3A_342 = tpu.scan <sum>, %select_n3A_339 masked %reduce_sum3A_341 : vector<16xi32>, vector<16xi1> -> vector<16xi32>
    %reduce_sum3A_343 = vector.extract %reduce_sum3A_342[15] : i32 from vector<16xi32>
    %eq3A_344 = arith.constant 6 : i32
    %eq3A_345 = vector.broadcast %eq3A_344 : i32 to vector<16xi32>
    %eq3A_346 = arith.cmpi eq, %iota3A, %eq3A_345 : vector<16xi32>
    %jit3A_347 = arith.constant 0 : i32
    %broadcast_in_dim3A_348 = vector.broadcast %jit3A_347 : i32 to vector<16xi32>
    %select_n3A_349 = arith.select %eq3A_346, %sub3A, %broadcast_in_dim3A_348 : vector<16xi1>, vector<16xi32>
    %reduce_sum3A_350 = arith.constant true
    %reduce_sum3A_351 = vector.broadcast %reduce_sum3A_350 : i1 to vector<16xi1>
    %reduce_sum3A_352 = tpu.scan <sum>, %select_n3A_349 masked %reduce_sum3A_351 : vector<16xi32>, vector<16xi1> -> vector<16xi32>
    %reduce_sum3A_353 = vector.extract %reduce_sum3A_352[15] : i32 from vector<16xi32>
    %eq3A_354 = arith.constant 7 : i32
    %eq3A_355 = vector.broadcast %eq3A_354 : i32 to vector<16xi32>
    %eq3A_356 = arith.cmpi eq, %iota3A, %eq3A_355 : vector<16xi32>
    %jit3A_357 = arith.constant 0 : i32
    %broadcast_in_dim3A_358 = vector.broadcast %jit3A_357 : i32 to vector<16xi32>
    %select_n3A_359 = arith.select %eq3A_356, %sub3A, %broadcast_in_dim3A_358 : vector<16xi1>, vector<16xi32>
    %reduce_sum3A_360 = arith.constant true
    %reduce_sum3A_361 = vector.broadcast %reduce_sum3A_360 : i1 to vector<16xi1>
    %reduce_sum3A_362 = tpu.scan <sum>, %select_n3A_359 masked %reduce_sum3A_361 : vector<16xi32>, vector<16xi1> -> vector<16xi32>
    %reduce_sum3A_363 = vector.extract %reduce_sum3A_362[15] : i32 from vector<16xi32>
    %eq3A_364 = arith.constant 0 : i32
    %eq3A_365 = vector.broadcast %eq3A_364 : i32 to vector<16xi32>
    %eq3A_366 = arith.cmpi eq, %iota3A, %eq3A_365 : vector<16xi32>
    %jit3A_367 = arith.constant 0 : i32
    %broadcast_in_dim3A_368 = vector.broadcast %jit3A_367 : i32 to vector<16xi32>
    %select_n3A_369 = arith.select %eq3A_366, %and3A_202, %broadcast_in_dim3A_368 : vector<16xi1>, vector<16xi32>
    %reduce_sum3A_370 = arith.constant true
    %reduce_sum3A_371 = vector.broadcast %reduce_sum3A_370 : i1 to vector<16xi1>
    %reduce_sum3A_372 = tpu.scan <sum>, %select_n3A_369 masked %reduce_sum3A_371 : vector<16xi32>, vector<16xi1> -> vector<16xi32>
    %reduce_sum3A_373 = vector.extract %reduce_sum3A_372[15] : i32 from vector<16xi32>
    %eq3A_374 = arith.constant 1 : i32
    %eq3A_375 = vector.broadcast %eq3A_374 : i32 to vector<16xi32>
    %eq3A_376 = arith.cmpi eq, %iota3A, %eq3A_375 : vector<16xi32>
    %jit3A_377 = arith.constant 0 : i32
    %broadcast_in_dim3A_378 = vector.broadcast %jit3A_377 : i32 to vector<16xi32>
    %select_n3A_379 = arith.select %eq3A_376, %and3A_202, %broadcast_in_dim3A_378 : vector<16xi1>, vector<16xi32>
    %reduce_sum3A_380 = arith.constant true
    %reduce_sum3A_381 = vector.broadcast %reduce_sum3A_380 : i1 to vector<16xi1>
    %reduce_sum3A_382 = tpu.scan <sum>, %select_n3A_379 masked %reduce_sum3A_381 : vector<16xi32>, vector<16xi1> -> vector<16xi32>
    %reduce_sum3A_383 = vector.extract %reduce_sum3A_382[15] : i32 from vector<16xi32>
    %eq3A_384 = arith.constant 2 : i32
    %eq3A_385 = vector.broadcast %eq3A_384 : i32 to vector<16xi32>
    %eq3A_386 = arith.cmpi eq, %iota3A, %eq3A_385 : vector<16xi32>
    %jit3A_387 = arith.constant 0 : i32
    %broadcast_in_dim3A_388 = vector.broadcast %jit3A_387 : i32 to vector<16xi32>
    %select_n3A_389 = arith.select %eq3A_386, %and3A_202, %broadcast_in_dim3A_388 : vector<16xi1>, vector<16xi32>
    %reduce_sum3A_390 = arith.constant true
    %reduce_sum3A_391 = vector.broadcast %reduce_sum3A_390 : i1 to vector<16xi1>
    %reduce_sum3A_392 = tpu.scan <sum>, %select_n3A_389 masked %reduce_sum3A_391 : vector<16xi32>, vector<16xi1> -> vector<16xi32>
    %reduce_sum3A_393 = vector.extract %reduce_sum3A_392[15] : i32 from vector<16xi32>
    %eq3A_394 = arith.constant 3 : i32
    %eq3A_395 = vector.broadcast %eq3A_394 : i32 to vector<16xi32>
    %eq3A_396 = arith.cmpi eq, %iota3A, %eq3A_395 : vector<16xi32>
    %jit3A_397 = arith.constant 0 : i32
    %broadcast_in_dim3A_398 = vector.broadcast %jit3A_397 : i32 to vector<16xi32>
    %select_n3A_399 = arith.select %eq3A_396, %and3A_202, %broadcast_in_dim3A_398 : vector<16xi1>, vector<16xi32>
    %reduce_sum3A_400 = arith.constant true
    %reduce_sum3A_401 = vector.broadcast %reduce_sum3A_400 : i1 to vector<16xi1>
    %reduce_sum3A_402 = tpu.scan <sum>, %select_n3A_399 masked %reduce_sum3A_401 : vector<16xi32>, vector<16xi1> -> vector<16xi32>
    %reduce_sum3A_403 = vector.extract %reduce_sum3A_402[15] : i32 from vector<16xi32>
    %eq3A_404 = arith.constant 4 : i32
    %eq3A_405 = vector.broadcast %eq3A_404 : i32 to vector<16xi32>
    %eq3A_406 = arith.cmpi eq, %iota3A, %eq3A_405 : vector<16xi32>
    %jit3A_407 = arith.constant 0 : i32
    %broadcast_in_dim3A_408 = vector.broadcast %jit3A_407 : i32 to vector<16xi32>
    %select_n3A_409 = arith.select %eq3A_406, %and3A_202, %broadcast_in_dim3A_408 : vector<16xi1>, vector<16xi32>
    %reduce_sum3A_410 = arith.constant true
    %reduce_sum3A_411 = vector.broadcast %reduce_sum3A_410 : i1 to vector<16xi1>
    %reduce_sum3A_412 = tpu.scan <sum>, %select_n3A_409 masked %reduce_sum3A_411 : vector<16xi32>, vector<16xi1> -> vector<16xi32>
    %reduce_sum3A_413 = vector.extract %reduce_sum3A_412[15] : i32 from vector<16xi32>
    %eq3A_414 = arith.constant 5 : i32
    %eq3A_415 = vector.broadcast %eq3A_414 : i32 to vector<16xi32>
    %eq3A_416 = arith.cmpi eq, %iota3A, %eq3A_415 : vector<16xi32>
    %jit3A_417 = arith.constant 0 : i32
    %broadcast_in_dim3A_418 = vector.broadcast %jit3A_417 : i32 to vector<16xi32>
    %select_n3A_419 = arith.select %eq3A_416, %and3A_202, %broadcast_in_dim3A_418 : vector<16xi1>, vector<16xi32>
    %reduce_sum3A_420 = arith.constant true
    %reduce_sum3A_421 = vector.broadcast %reduce_sum3A_420 : i1 to vector<16xi1>
    %reduce_sum3A_422 = tpu.scan <sum>, %select_n3A_419 masked %reduce_sum3A_421 : vector<16xi32>, vector<16xi1> -> vector<16xi32>
    %reduce_sum3A_423 = vector.extract %reduce_sum3A_422[15] : i32 from vector<16xi32>
    %eq3A_424 = arith.constant 6 : i32
    %eq3A_425 = vector.broadcast %eq3A_424 : i32 to vector<16xi32>
    %eq3A_426 = arith.cmpi eq, %iota3A, %eq3A_425 : vector<16xi32>
    %jit3A_427 = arith.constant 0 : i32
    %broadcast_in_dim3A_428 = vector.broadcast %jit3A_427 : i32 to vector<16xi32>
    %select_n3A_429 = arith.select %eq3A_426, %and3A_202, %broadcast_in_dim3A_428 : vector<16xi1>, vector<16xi32>
    %reduce_sum3A_430 = arith.constant true
    %reduce_sum3A_431 = vector.broadcast %reduce_sum3A_430 : i1 to vector<16xi1>
    %reduce_sum3A_432 = tpu.scan <sum>, %select_n3A_429 masked %reduce_sum3A_431 : vector<16xi32>, vector<16xi1> -> vector<16xi32>
    %reduce_sum3A_433 = vector.extract %reduce_sum3A_432[15] : i32 from vector<16xi32>
    %eq3A_434 = arith.constant 7 : i32
    %eq3A_435 = vector.broadcast %eq3A_434 : i32 to vector<16xi32>
    %eq3A_436 = arith.cmpi eq, %iota3A, %eq3A_435 : vector<16xi32>
    %jit3A_437 = arith.constant 0 : i32
    %broadcast_in_dim3A_438 = vector.broadcast %jit3A_437 : i32 to vector<16xi32>
    %select_n3A_439 = arith.select %eq3A_436, %and3A_202, %broadcast_in_dim3A_438 : vector<16xi1>, vector<16xi32>
    %reduce_sum3A_440 = arith.constant true
    %reduce_sum3A_441 = vector.broadcast %reduce_sum3A_440 : i1 to vector<16xi1>
    %reduce_sum3A_442 = tpu.scan <sum>, %select_n3A_439 masked %reduce_sum3A_441 : vector<16xi32>, vector<16xi1> -> vector<16xi32>
    %reduce_sum3A_443 = vector.extract %reduce_sum3A_442[15] : i32 from vector<16xi32>
    %scan3A_444 = arith.constant 0 : i32
    %scan3A_445 = arith.constant 0 : i32
    %scan3A_446 = arith.constant 0 : i32
    %scan3A_447 = arith.constant 0 : i32
    %scan3A_448 = arith.constant 0 : i32
    %scan3A_449 = arith.constant 0 : i32
    %scan3A_450 = arith.constant 0 : i32
    %scan3A_451 = arith.constant 0 : i32
    %scan3A_452 = arith.constant 0 : i32
    %scan3A_453 = arith.constant 32 : i32
    %scan3A_454 = arith.addi %scan3A_452, %scan3A_453 : i32
    %scan3A_455 = arith.constant 1 : i32
    %scan3A_456:8 = scf.for %scan3A_509 = %scan3A_452 to %scan3A_454 step %scan3A_455 iter_args(%scan3A_510 = %scan3A_444, %scan3A_511 = %scan3A_445, %scan3A_512 = %scan3A_446, %scan3A_513 = %scan3A_447, %scan3A_514 = %scan3A_448, %scan3A_515 = %scan3A_449, %scan3A_516 = %scan3A_450, %scan3A_517 = %scan3A_451) -> (i32, i32, i32, i32, i32, i32, i32, i32)  : i32 {
      %mul3A_518 = arith.constant 16 : i32
      %mul3A_519 = arith.muli %scan3A_509, %mul3A_518 : i32
      %get3A_520 = arith.index_cast %mul3A_519 : i32 to index
      %get3A_521 = tpu.vector_load %arg10[%get3A_520] {strides = array<i32>} : memref<512xi32, #tpu.memory_space<vmem>>, vector<16xi32>,
      %mul3A_522 = arith.constant 512 : i32
      %mul3A_523 = arith.muli %arg1, %mul3A_522 : i32
      %mul3A_524 = arith.constant 16 : i32
      %mul3A_525 = arith.muli %scan3A_509, %mul3A_524 : i32
      %add3A_526 = arith.addi %mul3A_523, %mul3A_525 : i32
      %add3A_527 = vector.broadcast %add3A_526 : i32 to vector<16xi32>
      %add3A_528 = arith.addi %add3A_527, %iota3A : vector<16xi32>
      %broadcast_in_dim3A_529 = arith.constant 0 : i32
      %broadcast_in_dim3A_530 = vector.broadcast %broadcast_in_dim3A_529 : i32 to vector<16xi32>
      %eq3A_531 = arith.constant 0 : i32
      %eq3A_532 = vector.broadcast %eq3A_531 : i32 to vector<16xi32>
      %eq3A_533 = arith.cmpi eq, %get3A_521, %eq3A_532 : vector<16xi32>
      %jit3A_534 = arith.constant 1 : i32
      %jit3A_535 = arith.constant 0 : i32
      %broadcast_in_dim3A_536 = vector.broadcast %jit3A_534 : i32 to vector<16xi32>
      %broadcast_in_dim3A_537 = vector.broadcast %jit3A_535 : i32 to vector<16xi32>
      %select_n3A_538 = arith.select %eq3A_533, %broadcast_in_dim3A_536, %broadcast_in_dim3A_537 : vector<16xi1>, vector<16xi32>
      %broadcast_in_dim3A_539 = arith.constant true
      %broadcast_in_dim3A_540 = vector.broadcast %broadcast_in_dim3A_539 : i1 to vector<16xi1>
      %masked_cumsum3A_541 = tpu.scan <sum>, %select_n3A_538 masked %broadcast_in_dim3A_540 : vector<16xi32>, vector<16xi1> -> vector<16xi32>
      %sub3A_542 = arith.subi %masked_cumsum3A_541, %select_n3A_538 : vector<16xi32>
      %add3A_543 = arith.addi %reduce_sum3A_213, %scan3A_510 : i32
      %add3A_544 = vector.broadcast %add3A_543 : i32 to vector<16xi32>
      %add3A_545 = arith.addi %add3A_544, %sub3A_542 : vector<16xi32>
      %select_n3A_546 = arith.select %eq3A_533, %add3A_545, %broadcast_in_dim3A_530 : vector<16xi1>, vector<16xi32>
      %reduce_sum3A_547 = arith.constant true
      %reduce_sum3A_548 = vector.broadcast %reduce_sum3A_547 : i1 to vector<16xi1>
      %reduce_sum3A_549 = tpu.scan <sum>, %select_n3A_538 masked %reduce_sum3A_548 : vector<16xi32>, vector<16xi1> -> vector<16xi32>
      %reduce_sum3A_550 = vector.extract %reduce_sum3A_549[15] : i32 from vector<16xi32>
      %add3A_551 = arith.addi %scan3A_510, %reduce_sum3A_550 : i32
      %eq3A_552 = arith.constant 1 : i32
      %eq3A_553 = vector.broadcast %eq3A_552 : i32 to vector<16xi32>
      %eq3A_554 = arith.cmpi eq, %get3A_521, %eq3A_553 : vector<16xi32>
      %jit3A_555 = arith.constant 1 : i32
      %jit3A_556 = arith.constant 0 : i32
      %broadcast_in_dim3A_557 = vector.broadcast %jit3A_555 : i32 to vector<16xi32>
      %broadcast_in_dim3A_558 = vector.broadcast %jit3A_556 : i32 to vector<16xi32>
      %select_n3A_559 = arith.select %eq3A_554, %broadcast_in_dim3A_557, %broadcast_in_dim3A_558 : vector<16xi1>, vector<16xi32>
      %broadcast_in_dim3A_560 = arith.constant true
      %broadcast_in_dim3A_561 = vector.broadcast %broadcast_in_dim3A_560 : i1 to vector<16xi1>
      %masked_cumsum3A_562 = tpu.scan <sum>, %select_n3A_559 masked %broadcast_in_dim3A_561 : vector<16xi32>, vector<16xi1> -> vector<16xi32>
      %sub3A_563 = arith.subi %masked_cumsum3A_562, %select_n3A_559 : vector<16xi32>
      %add3A_564 = arith.addi %reduce_sum3A_223, %scan3A_511 : i32
      %add3A_565 = vector.broadcast %add3A_564 : i32 to vector<16xi32>
      %add3A_566 = arith.addi %add3A_565, %sub3A_563 : vector<16xi32>
      %select_n3A_567 = arith.select %eq3A_554, %add3A_566, %select_n3A_546 : vector<16xi1>, vector<16xi32>
      %reduce_sum3A_568 = arith.constant true
      %reduce_sum3A_569 = vector.broadcast %reduce_sum3A_568 : i1 to vector<16xi1>
      %reduce_sum3A_570 = tpu.scan <sum>, %select_n3A_559 masked %reduce_sum3A_569 : vector<16xi32>, vector<16xi1> -> vector<16xi32>
      %reduce_sum3A_571 = vector.extract %reduce_sum3A_570[15] : i32 from vector<16xi32>
      %add3A_572 = arith.addi %scan3A_511, %reduce_sum3A_571 : i32
      %eq3A_573 = arith.constant 2 : i32
      %eq3A_574 = vector.broadcast %eq3A_573 : i32 to vector<16xi32>
      %eq3A_575 = arith.cmpi eq, %get3A_521, %eq3A_574 : vector<16xi32>
      %jit3A_576 = arith.constant 1 : i32
      %jit3A_577 = arith.constant 0 : i32
      %broadcast_in_dim3A_578 = vector.broadcast %jit3A_576 : i32 to vector<16xi32>
      %broadcast_in_dim3A_579 = vector.broadcast %jit3A_577 : i32 to vector<16xi32>
      %select_n3A_580 = arith.select %eq3A_575, %broadcast_in_dim3A_578, %broadcast_in_dim3A_579 : vector<16xi1>, vector<16xi32>
      %broadcast_in_dim3A_581 = arith.constant true
      %broadcast_in_dim3A_582 = vector.broadcast %broadcast_in_dim3A_581 : i1 to vector<16xi1>
      %masked_cumsum3A_583 = tpu.scan <sum>, %select_n3A_580 masked %broadcast_in_dim3A_582 : vector<16xi32>, vector<16xi1> -> vector<16xi32>
      %sub3A_584 = arith.subi %masked_cumsum3A_583, %select_n3A_580 : vector<16xi32>
      %add3A_585 = arith.addi %reduce_sum3A_233, %scan3A_512 : i32
      %add3A_586 = vector.broadcast %add3A_585 : i32 to vector<16xi32>
      %add3A_587 = arith.addi %add3A_586, %sub3A_584 : vector<16xi32>
      %select_n3A_588 = arith.select %eq3A_575, %add3A_587, %select_n3A_567 : vector<16xi1>, vector<16xi32>
      %reduce_sum3A_589 = arith.constant true
      %reduce_sum3A_590 = vector.broadcast %reduce_sum3A_589 : i1 to vector<16xi1>
      %reduce_sum3A_591 = tpu.scan <sum>, %select_n3A_580 masked %reduce_sum3A_590 : vector<16xi32>, vector<16xi1> -> vector<16xi32>
      %reduce_sum3A_592 = vector.extract %reduce_sum3A_591[15] : i32 from vector<16xi32>
      %add3A_593 = arith.addi %scan3A_512, %reduce_sum3A_592 : i32
      %eq3A_594 = arith.constant 3 : i32
      %eq3A_595 = vector.broadcast %eq3A_594 : i32 to vector<16xi32>
      %eq3A_596 = arith.cmpi eq, %get3A_521, %eq3A_595 : vector<16xi32>
      %jit3A_597 = arith.constant 1 : i32
      %jit3A_598 = arith.constant 0 : i32
      %broadcast_in_dim3A_599 = vector.broadcast %jit3A_597 : i32 to vector<16xi32>
      %broadcast_in_dim3A_600 = vector.broadcast %jit3A_598 : i32 to vector<16xi32>
      %select_n3A_601 = arith.select %eq3A_596, %broadcast_in_dim3A_599, %broadcast_in_dim3A_600 : vector<16xi1>, vector<16xi32>
      %broadcast_in_dim3A_602 = arith.constant true
      %broadcast_in_dim3A_603 = vector.broadcast %broadcast_in_dim3A_602 : i1 to vector<16xi1>
      %masked_cumsum3A_604 = tpu.scan <sum>, %select_n3A_601 masked %broadcast_in_dim3A_603 : vector<16xi32>, vector<16xi1> -> vector<16xi32>
      %sub3A_605 = arith.subi %masked_cumsum3A_604, %select_n3A_601 : vector<16xi32>
      %add3A_606 = arith.addi %reduce_sum3A_243, %scan3A_513 : i32
      %add3A_607 = vector.broadcast %add3A_606 : i32 to vector<16xi32>
      %add3A_608 = arith.addi %add3A_607, %sub3A_605 : vector<16xi32>
      %select_n3A_609 = arith.select %eq3A_596, %add3A_608, %select_n3A_588 : vector<16xi1>, vector<16xi32>
      %reduce_sum3A_610 = arith.constant true
      %reduce_sum3A_611 = vector.broadcast %reduce_sum3A_610 : i1 to vector<16xi1>
      %reduce_sum3A_612 = tpu.scan <sum>, %select_n3A_601 masked %reduce_sum3A_611 : vector<16xi32>, vector<16xi1> -> vector<16xi32>
      %reduce_sum3A_613 = vector.extract %reduce_sum3A_612[15] : i32 from vector<16xi32>
      %add3A_614 = arith.addi %scan3A_513, %reduce_sum3A_613 : i32
      %eq3A_615 = arith.constant 4 : i32
      %eq3A_616 = vector.broadcast %eq3A_615 : i32 to vector<16xi32>
      %eq3A_617 = arith.cmpi eq, %get3A_521, %eq3A_616 : vector<16xi32>
      %jit3A_618 = arith.constant 1 : i32
      %jit3A_619 = arith.constant 0 : i32
      %broadcast_in_dim3A_620 = vector.broadcast %jit3A_618 : i32 to vector<16xi32>
      %broadcast_in_dim3A_621 = vector.broadcast %jit3A_619 : i32 to vector<16xi32>
      %select_n3A_622 = arith.select %eq3A_617, %broadcast_in_dim3A_620, %broadcast_in_dim3A_621 : vector<16xi1>, vector<16xi32>
      %broadcast_in_dim3A_623 = arith.constant true
      %broadcast_in_dim3A_624 = vector.broadcast %broadcast_in_dim3A_623 : i1 to vector<16xi1>
      %masked_cumsum3A_625 = tpu.scan <sum>, %select_n3A_622 masked %broadcast_in_dim3A_624 : vector<16xi32>, vector<16xi1> -> vector<16xi32>
      %sub3A_626 = arith.subi %masked_cumsum3A_625, %select_n3A_622 : vector<16xi32>
      %add3A_627 = arith.addi %reduce_sum3A_253, %scan3A_514 : i32
      %add3A_628 = vector.broadcast %add3A_627 : i32 to vector<16xi32>
      %add3A_629 = arith.addi %add3A_628, %sub3A_626 : vector<16xi32>
      %select_n3A_630 = arith.select %eq3A_617, %add3A_629, %select_n3A_609 : vector<16xi1>, vector<16xi32>
      %reduce_sum3A_631 = arith.constant true
      %reduce_sum3A_632 = vector.broadcast %reduce_sum3A_631 : i1 to vector<16xi1>
      %reduce_sum3A_633 = tpu.scan <sum>, %select_n3A_622 masked %reduce_sum3A_632 : vector<16xi32>, vector<16xi1> -> vector<16xi32>
      %reduce_sum3A_634 = vector.extract %reduce_sum3A_633[15] : i32 from vector<16xi32>
      %add3A_635 = arith.addi %scan3A_514, %reduce_sum3A_634 : i32
      %eq3A_636 = arith.constant 5 : i32
      %eq3A_637 = vector.broadcast %eq3A_636 : i32 to vector<16xi32>
      %eq3A_638 = arith.cmpi eq, %get3A_521, %eq3A_637 : vector<16xi32>
      %jit3A_639 = arith.constant 1 : i32
      %jit3A_640 = arith.constant 0 : i32
      %broadcast_in_dim3A_641 = vector.broadcast %jit3A_639 : i32 to vector<16xi32>
      %broadcast_in_dim3A_642 = vector.broadcast %jit3A_640 : i32 to vector<16xi32>
      %select_n3A_643 = arith.select %eq3A_638, %broadcast_in_dim3A_641, %broadcast_in_dim3A_642 : vector<16xi1>, vector<16xi32>
      %broadcast_in_dim3A_644 = arith.constant true
      %broadcast_in_dim3A_645 = vector.broadcast %broadcast_in_dim3A_644 : i1 to vector<16xi1>
      %masked_cumsum3A_646 = tpu.scan <sum>, %select_n3A_643 masked %broadcast_in_dim3A_645 : vector<16xi32>, vector<16xi1> -> vector<16xi32>
      %sub3A_647 = arith.subi %masked_cumsum3A_646, %select_n3A_643 : vector<16xi32>
      %add3A_648 = arith.addi %reduce_sum3A_263, %scan3A_515 : i32
      %add3A_649 = vector.broadcast %add3A_648 : i32 to vector<16xi32>
      %add3A_650 = arith.addi %add3A_649, %sub3A_647 : vector<16xi32>
      %select_n3A_651 = arith.select %eq3A_638, %add3A_650, %select_n3A_630 : vector<16xi1>, vector<16xi32>
      %reduce_sum3A_652 = arith.constant true
      %reduce_sum3A_653 = vector.broadcast %reduce_sum3A_652 : i1 to vector<16xi1>
      %reduce_sum3A_654 = tpu.scan <sum>, %select_n3A_643 masked %reduce_sum3A_653 : vector<16xi32>, vector<16xi1> -> vector<16xi32>
      %reduce_sum3A_655 = vector.extract %reduce_sum3A_654[15] : i32 from vector<16xi32>
      %add3A_656 = arith.addi %scan3A_515, %reduce_sum3A_655 : i32
      %eq3A_657 = arith.constant 6 : i32
      %eq3A_658 = vector.broadcast %eq3A_657 : i32 to vector<16xi32>
      %eq3A_659 = arith.cmpi eq, %get3A_521, %eq3A_658 : vector<16xi32>
      %jit3A_660 = arith.constant 1 : i32
      %jit3A_661 = arith.constant 0 : i32
      %broadcast_in_dim3A_662 = vector.broadcast %jit3A_660 : i32 to vector<16xi32>
      %broadcast_in_dim3A_663 = vector.broadcast %jit3A_661 : i32 to vector<16xi32>
      %select_n3A_664 = arith.select %eq3A_659, %broadcast_in_dim3A_662, %broadcast_in_dim3A_663 : vector<16xi1>, vector<16xi32>
      %broadcast_in_dim3A_665 = arith.constant true
      %broadcast_in_dim3A_666 = vector.broadcast %broadcast_in_dim3A_665 : i1 to vector<16xi1>
      %masked_cumsum3A_667 = tpu.scan <sum>, %select_n3A_664 masked %broadcast_in_dim3A_666 : vector<16xi32>, vector<16xi1> -> vector<16xi32>
      %sub3A_668 = arith.subi %masked_cumsum3A_667, %select_n3A_664 : vector<16xi32>
      %add3A_669 = arith.addi %reduce_sum3A_273, %scan3A_516 : i32
      %add3A_670 = vector.broadcast %add3A_669 : i32 to vector<16xi32>
      %add3A_671 = arith.addi %add3A_670, %sub3A_668 : vector<16xi32>
      %select_n3A_672 = arith.select %eq3A_659, %add3A_671, %select_n3A_651 : vector<16xi1>, vector<16xi32>
      %reduce_sum3A_673 = arith.constant true
      %reduce_sum3A_674 = vector.broadcast %reduce_sum3A_673 : i1 to vector<16xi1>
      %reduce_sum3A_675 = tpu.scan <sum>, %select_n3A_664 masked %reduce_sum3A_674 : vector<16xi32>, vector<16xi1> -> vector<16xi32>
      %reduce_sum3A_676 = vector.extract %reduce_sum3A_675[15] : i32 from vector<16xi32>
      %add3A_677 = arith.addi %scan3A_516, %reduce_sum3A_676 : i32
      %eq3A_678 = arith.constant 7 : i32
      %eq3A_679 = vector.broadcast %eq3A_678 : i32 to vector<16xi32>
      %eq3A_680 = arith.cmpi eq, %get3A_521, %eq3A_679 : vector<16xi32>
      %jit3A_681 = arith.constant 1 : i32
      %jit3A_682 = arith.constant 0 : i32
      %broadcast_in_dim3A_683 = vector.broadcast %jit3A_681 : i32 to vector<16xi32>
      %broadcast_in_dim3A_684 = vector.broadcast %jit3A_682 : i32 to vector<16xi32>
      %select_n3A_685 = arith.select %eq3A_680, %broadcast_in_dim3A_683, %broadcast_in_dim3A_684 : vector<16xi1>, vector<16xi32>
      %broadcast_in_dim3A_686 = arith.constant true
      %broadcast_in_dim3A_687 = vector.broadcast %broadcast_in_dim3A_686 : i1 to vector<16xi1>
      %masked_cumsum3A_688 = tpu.scan <sum>, %select_n3A_685 masked %broadcast_in_dim3A_687 : vector<16xi32>, vector<16xi1> -> vector<16xi32>
      %sub3A_689 = arith.subi %masked_cumsum3A_688, %select_n3A_685 : vector<16xi32>
      %add3A_690 = arith.addi %reduce_sum3A_283, %scan3A_517 : i32
      %add3A_691 = vector.broadcast %add3A_690 : i32 to vector<16xi32>
      %add3A_692 = arith.addi %add3A_691, %sub3A_689 : vector<16xi32>
      %select_n3A_693 = arith.select %eq3A_680, %add3A_692, %select_n3A_672 : vector<16xi1>, vector<16xi32>
      %reduce_sum3A_694 = arith.constant true
      %reduce_sum3A_695 = vector.broadcast %reduce_sum3A_694 : i1 to vector<16xi1>
      %reduce_sum3A_696 = tpu.scan <sum>, %select_n3A_685 masked %reduce_sum3A_695 : vector<16xi32>, vector<16xi1> -> vector<16xi32>
      %reduce_sum3A_697 = vector.extract %reduce_sum3A_696[15] : i32 from vector<16xi32>
      %add3A_698 = arith.addi %scan3A_517, %reduce_sum3A_697 : i32
      %jit3A_699 = arith.constant 8 : i32
      %div3A = arith.divsi %scan3A_509, %jit3A_699 : i32
      %sign3A = arith.constant 0 : i32
      %sign3A_700 = arith.cmpi sgt, %scan3A_509, %sign3A : i32
      %sign3A_701 = arith.extui %sign3A_700 : i1 to i32
      %sign3A_702 = arith.constant 0 : i32
      %sign3A_703 = arith.cmpi slt, %scan3A_509, %sign3A_702 : i32
      %sign3A_704 = arith.extui %sign3A_703 : i1 to i32
      %sign3A_705 = arith.subi %sign3A_701, %sign3A_704 : i32
      %sign3A_706 = arith.constant 0 : i32
      %sign3A_707 = arith.cmpi sgt, %jit3A_699, %sign3A_706 : i32
      %sign3A_708 = arith.extui %sign3A_707 : i1 to i32
      %sign3A_709 = arith.constant 0 : i32
      %sign3A_710 = arith.cmpi slt, %jit3A_699, %sign3A_709 : i32
      %sign3A_711 = arith.extui %sign3A_710 : i1 to i32
      %sign3A_712 = arith.subi %sign3A_708, %sign3A_711 : i32
      %ne3A = arith.cmpi ne, %sign3A_705, %sign3A_712 : i32
      %rem3A = arith.remsi %scan3A_509, %jit3A_699 : i32
      %ne3A_713 = arith.constant 0 : i32
      %ne3A_714 = arith.cmpi ne, %rem3A, %ne3A_713 : i32
      %and3A_715 = arith.andi %ne3A, %ne3A_714 : i1
      %sub3A_716 = arith.constant 1 : i32
      %sub3A_717 = arith.subi %div3A, %sub3A_716 : i32
      %select_n3A_718 = arith.select %and3A_715, %sub3A_717, %div3A : i32
      %jit3A_719 = arith.constant 8 : i32
      %eq3A_720 = arith.constant 0 : i32
      %eq3A_721 = arith.cmpi eq, %jit3A_719, %eq3A_720 : i32
      %jit3A_722 = arith.constant 1 : i32
      %select_n3A_723 = arith.select %eq3A_721, %jit3A_722, %jit3A_719 : i32
      %rem3A_724 = arith.remsi %scan3A_509, %select_n3A_723 : i32
      %ne3A_725 = arith.constant 0 : i32
      %ne3A_726 = arith.cmpi ne, %rem3A_724, %ne3A_725 : i32
      %lt3A_727 = arith.constant 0 : i32
      %lt3A_728 = arith.cmpi slt, %rem3A_724, %lt3A_727 : i32
      %lt3A_729 = arith.constant 0 : i32
      %lt3A_730 = arith.cmpi slt, %select_n3A_723, %lt3A_729 : i32
      %ne3A_731 = arith.xori %lt3A_728, %lt3A_730 : i1
      %and3A_732 = arith.andi %ne3A_731, %ne3A_726 : i1
      %add3A_733 = arith.addi %rem3A_724, %select_n3A_723 : i32
      %select_n3A_734 = arith.select %and3A_732, %add3A_733, %rem3A_724 : i32
      %mul3A_735 = arith.constant 16 : i32
      %mul3A_736 = arith.muli %select_n3A_734, %mul3A_735 : i32
      %and3A_737 = arith.constant 4095 : i32
      %and3A_738 = vector.broadcast %and3A_737 : i32 to vector<16xi32>
      %and3A_739 = arith.andi %add3A_528, %and3A_738 : vector<16xi32>
      %swap3A_740 = arith.index_cast %select_n3A_718 : i32 to index
      %swap3A_741 = arith.index_cast %mul3A_736 : i32 to index
      %swap3A_742 = tpu.vector_load %arg13[%swap3A_740, %swap3A_741] {strides = array<i32>} : memref<4x128xi32, #tpu.memory_space<vmem>>, vector<16xi32>,
      tpu.vector_store %arg13[%swap3A_740, %swap3A_741], %and3A_739 {strides = array<i32>} : memref<4x128xi32, #tpu.memory_space<vmem>>, vector<16xi32>,
      %swap3A_743 = arith.index_cast %select_n3A_718 : i32 to index
      %swap3A_744 = arith.index_cast %mul3A_736 : i32 to index
      %swap3A_745 = tpu.vector_load %arg12[%swap3A_743, %swap3A_744] {strides = array<i32>} : memref<4x128xi32, #tpu.memory_space<vmem>>, vector<16xi32>,
      tpu.vector_store %arg12[%swap3A_743, %swap3A_744], %select_n3A_693 {strides = array<i32>} : memref<4x128xi32, #tpu.memory_space<vmem>>, vector<16xi32>,
      scf.yield %add3A_551, %add3A_572, %add3A_593, %add3A_614, %add3A_635, %add3A_656, %add3A_677, %add3A_698 : i32, i32, i32, i32, i32, i32, i32, i32
    }
    %scan3A_457 = arith.constant 32 : i32
    %run_scoped3A_458 = arith.constant 0 : i32
    %run_scoped3A_459 = arith.constant 0 : i32
    "tpu.region"() ({
      %run_scoped3A_509 = tpu.sem_alloc : memref<!tpu.dma_semaphore, #tpu.memory_space<semaphore_mem>>
      %dma_start3A = arith.constant 0 : i32
      %dma_start3A_510 = tpu.memref_slice %arg13[%run_scoped3A_458, %dma_start3A] : memref<4x128xi32, #tpu.memory_space<vmem>> -> memref<1x128xi32, #tpu.memory_space<vmem>>
      %dma_start3A_511 = tpu.memref_squeeze %dma_start3A_510 : memref<1x128xi32, #tpu.memory_space<vmem>> -> memref<128xi32, #tpu.memory_space<vmem>>
      %dma_start3A_512 = arith.constant 0 : i32
      %dma_start3A_513 = tpu.memref_slice %arg12[%run_scoped3A_459, %dma_start3A_512] : memref<4x128xi32, #tpu.memory_space<vmem>> -> memref<1x128xi32, #tpu.memory_space<vmem>>
      %dma_start3A_514 = tpu.memref_squeeze %dma_start3A_513 : memref<1x128xi32, #tpu.memory_space<vmem>> -> memref<128xi32, #tpu.memory_space<vmem>>
      %dma_start3A_515 = arith.constant 0 : i32
      %dma_start3A_516 = tpu.memref_slice %arg24[%dma_start3A_515] : memref<10240xi32, #tpu.memory_space<vmem_shared>> -> memref<10240xi32, #tpu.memory_space<vmem_shared>>
      tpu.enqueue_indirect_dma source(%dma_start3A_511 : memref<128xi32, #tpu.memory_space<vmem>>) target(%dma_start3A_516 : memref<10240xi32, #tpu.memory_space<vmem_shared>>) offsets(%dma_start3A_514 : memref<128xi32, #tpu.memory_space<vmem>>) semaphore(%run_scoped3A_509 : memref<!tpu.dma_semaphore, #tpu.memory_space<semaphore_mem>>)
      %dma_wait3A = arith.constant 0 : i32
      %dma_wait3A_517 = tpu.memref_slice %arg13[%run_scoped3A_458, %dma_wait3A] : memref<4x128xi32, #tpu.memory_space<vmem>> -> memref<1x128xi32, #tpu.memory_space<vmem>>
      %dma_wait3A_518 = tpu.memref_squeeze %dma_wait3A_517 : memref<1x128xi32, #tpu.memory_space<vmem>> -> memref<128xi32, #tpu.memory_space<vmem>>
      %dma_wait3A_519 = arith.constant 0 : i32
      %dma_wait3A_520 = tpu.memref_slice %arg12[%run_scoped3A_459, %dma_wait3A_519] : memref<4x128xi32, #tpu.memory_space<vmem>> -> memref<1x128xi32, #tpu.memory_space<vmem>>
      %dma_wait3A_521 = tpu.memref_squeeze %dma_wait3A_520 : memref<1x128xi32, #tpu.memory_space<vmem>> -> memref<128xi32, #tpu.memory_space<vmem>>
      %dma_wait3A_522 = arith.constant 0 : i32
      %dma_wait3A_523 = tpu.memref_slice %arg24[%dma_wait3A_522] : memref<10240xi32, #tpu.memory_space<vmem_shared>> -> memref<10240xi32, #tpu.memory_space<vmem_shared>>
      tpu.wait_indirect_dma semaphore(%run_scoped3A_509 : memref<!tpu.dma_semaphore, #tpu.memory_space<semaphore_mem>>) src(%dma_wait3A_518 : memref<128xi32, #tpu.memory_space<vmem>>) dst(%dma_wait3A_523 : memref<10240xi32, #tpu.memory_space<vmem_shared>>)
      tpu.yield
    }) : () -> ()
    %run_scoped3A_460 = arith.constant 0 : i32
    %run_scoped3A_461 = arith.constant 0 : i32
    "tpu.region"() ({
      %run_scoped3A_509 = tpu.sem_alloc : memref<!tpu.dma_semaphore, #tpu.memory_space<semaphore_mem>>
      %dma_start3A = arith.constant 0 : i32
      %dma_start3A_510 = tpu.memref_slice %arg14[%run_scoped3A_460, %dma_start3A] : memref<4x128xf32, #tpu.memory_space<vmem>> -> memref<1x128xf32, #tpu.memory_space<vmem>>
      %dma_start3A_511 = tpu.memref_squeeze %dma_start3A_510 : memref<1x128xf32, #tpu.memory_space<vmem>> -> memref<128xf32, #tpu.memory_space<vmem>>
      %dma_start3A_512 = arith.constant 0 : i32
      %dma_start3A_513 = tpu.memref_slice %arg12[%run_scoped3A_461, %dma_start3A_512] : memref<4x128xi32, #tpu.memory_space<vmem>> -> memref<1x128xi32, #tpu.memory_space<vmem>>
      %dma_start3A_514 = tpu.memref_squeeze %dma_start3A_513 : memref<1x128xi32, #tpu.memory_space<vmem>> -> memref<128xi32, #tpu.memory_space<vmem>>
      %dma_start3A_515 = arith.constant 0 : i32
      %dma_start3A_516 = tpu.memref_slice %arg25[%dma_start3A_515] : memref<10240xf32, #tpu.memory_space<vmem_shared>> -> memref<10240xf32, #tpu.memory_space<vmem_shared>>
      tpu.enqueue_indirect_dma source(%dma_start3A_511 : memref<128xf32, #tpu.memory_space<vmem>>) target(%dma_start3A_516 : memref<10240xf32, #tpu.memory_space<vmem_shared>>) offsets(%dma_start3A_514 : memref<128xi32, #tpu.memory_space<vmem>>) semaphore(%run_scoped3A_509 : memref<!tpu.dma_semaphore, #tpu.memory_space<semaphore_mem>>)
      %dma_wait3A = arith.constant 0 : i32
      %dma_wait3A_517 = tpu.memref_slice %arg14[%run_scoped3A_460, %dma_wait3A] : memref<4x128xf32, #tpu.memory_space<vmem>> -> memref<1x128xf32, #tpu.memory_space<vmem>>
      %dma_wait3A_518 = tpu.memref_squeeze %dma_wait3A_517 : memref<1x128xf32, #tpu.memory_space<vmem>> -> memref<128xf32, #tpu.memory_space<vmem>>
      %dma_wait3A_519 = arith.constant 0 : i32
      %dma_wait3A_520 = tpu.memref_slice %arg12[%run_scoped3A_461, %dma_wait3A_519] : memref<4x128xi32, #tpu.memory_space<vmem>> -> memref<1x128xi32, #tpu.memory_space<vmem>>
      %dma_wait3A_521 = tpu.memref_squeeze %dma_wait3A_520 : memref<1x128xi32, #tpu.memory_space<vmem>> -> memref<128xi32, #tpu.memory_space<vmem>>
      %dma_wait3A_522 = arith.constant 0 : i32
      %dma_wait3A_523 = tpu.memref_slice %arg25[%dma_wait3A_522] : memref<10240xf32, #tpu.memory_space<vmem_shared>> -> memref<10240xf32, #tpu.memory_space<vmem_shared>>
      tpu.wait_indirect_dma semaphore(%run_scoped3A_509 : memref<!tpu.dma_semaphore, #tpu.memory_space<semaphore_mem>>) src(%dma_wait3A_518 : memref<128xf32, #tpu.memory_space<vmem>>) dst(%dma_wait3A_523 : memref<10240xf32, #tpu.memory_space<vmem_shared>>)
      tpu.yield
    }) : () -> ()
    %run_scoped3A_462 = arith.constant 1 : i32
    %run_scoped3A_463 = arith.constant 1 : i32
    "tpu.region"() ({
      %run_scoped3A_509 = tpu.sem_alloc : memref<!tpu.dma_semaphore, #tpu.memory_space<semaphore_mem>>
      %dma_start3A = arith.constant 0 : i32
      %dma_start3A_510 = tpu.memref_slice %arg13[%run_scoped3A_462, %dma_start3A] : memref<4x128xi32, #tpu.memory_space<vmem>> -> memref<1x128xi32, #tpu.memory_space<vmem>>
      %dma_start3A_511 = tpu.memref_squeeze %dma_start3A_510 : memref<1x128xi32, #tpu.memory_space<vmem>> -> memref<128xi32, #tpu.memory_space<vmem>>
      %dma_start3A_512 = arith.constant 0 : i32
      %dma_start3A_513 = tpu.memref_slice %arg12[%run_scoped3A_463, %dma_start3A_512] : memref<4x128xi32, #tpu.memory_space<vmem>> -> memref<1x128xi32, #tpu.memory_space<vmem>>
      %dma_start3A_514 = tpu.memref_squeeze %dma_start3A_513 : memref<1x128xi32, #tpu.memory_space<vmem>> -> memref<128xi32, #tpu.memory_space<vmem>>
      %dma_start3A_515 = arith.constant 0 : i32
      %dma_start3A_516 = tpu.memref_slice %arg24[%dma_start3A_515] : memref<10240xi32, #tpu.memory_space<vmem_shared>> -> memref<10240xi32, #tpu.memory_space<vmem_shared>>
      tpu.enqueue_indirect_dma source(%dma_start3A_511 : memref<128xi32, #tpu.memory_space<vmem>>) target(%dma_start3A_516 : memref<10240xi32, #tpu.memory_space<vmem_shared>>) offsets(%dma_start3A_514 : memref<128xi32, #tpu.memory_space<vmem>>) semaphore(%run_scoped3A_509 : memref<!tpu.dma_semaphore, #tpu.memory_space<semaphore_mem>>)
      %dma_wait3A = arith.constant 0 : i32
      %dma_wait3A_517 = tpu.memref_slice %arg13[%run_scoped3A_462, %dma_wait3A] : memref<4x128xi32, #tpu.memory_space<vmem>> -> memref<1x128xi32, #tpu.memory_space<vmem>>
      %dma_wait3A_518 = tpu.memref_squeeze %dma_wait3A_517 : memref<1x128xi32, #tpu.memory_space<vmem>> -> memref<128xi32, #tpu.memory_space<vmem>>
      %dma_wait3A_519 = arith.constant 0 : i32
      %dma_wait3A_520 = tpu.memref_slice %arg12[%run_scoped3A_463, %dma_wait3A_519] : memref<4x128xi32, #tpu.memory_space<vmem>> -> memref<1x128xi32, #tpu.memory_space<vmem>>
      %dma_wait3A_521 = tpu.memref_squeeze %dma_wait3A_520 : memref<1x128xi32, #tpu.memory_space<vmem>> -> memref<128xi32, #tpu.memory_space<vmem>>
      %dma_wait3A_522 = arith.constant 0 : i32
      %dma_wait3A_523 = tpu.memref_slice %arg24[%dma_wait3A_522] : memref<10240xi32, #tpu.memory_space<vmem_shared>> -> memref<10240xi32, #tpu.memory_space<vmem_shared>>
      tpu.wait_indirect_dma semaphore(%run_scoped3A_509 : memref<!tpu.dma_semaphore, #tpu.memory_space<semaphore_mem>>) src(%dma_wait3A_518 : memref<128xi32, #tpu.memory_space<vmem>>) dst(%dma_wait3A_523 : memref<10240xi32, #tpu.memory_space<vmem_shared>>)
      tpu.yield
    }) : () -> ()
    %run_scoped3A_464 = arith.constant 1 : i32
    %run_scoped3A_465 = arith.constant 1 : i32
    "tpu.region"() ({
      %run_scoped3A_509 = tpu.sem_alloc : memref<!tpu.dma_semaphore, #tpu.memory_space<semaphore_mem>>
      %dma_start3A = arith.constant 0 : i32
      %dma_start3A_510 = tpu.memref_slice %arg14[%run_scoped3A_464, %dma_start3A] : memref<4x128xf32, #tpu.memory_space<vmem>> -> memref<1x128xf32, #tpu.memory_space<vmem>>
      %dma_start3A_511 = tpu.memref_squeeze %dma_start3A_510 : memref<1x128xf32, #tpu.memory_space<vmem>> -> memref<128xf32, #tpu.memory_space<vmem>>
      %dma_start3A_512 = arith.constant 0 : i32
      %dma_start3A_513 = tpu.memref_slice %arg12[%run_scoped3A_465, %dma_start3A_512] : memref<4x128xi32, #tpu.memory_space<vmem>> -> memref<1x128xi32, #tpu.memory_space<vmem>>
      %dma_start3A_514 = tpu.memref_squeeze %dma_start3A_513 : memref<1x128xi32, #tpu.memory_space<vmem>> -> memref<128xi32, #tpu.memory_space<vmem>>
      %dma_start3A_515 = arith.constant 0 : i32
      %dma_start3A_516 = tpu.memref_slice %arg25[%dma_start3A_515] : memref<10240xf32, #tpu.memory_space<vmem_shared>> -> memref<10240xf32, #tpu.memory_space<vmem_shared>>
      tpu.enqueue_indirect_dma source(%dma_start3A_511 : memref<128xf32, #tpu.memory_space<vmem>>) target(%dma_start3A_516 : memref<10240xf32, #tpu.memory_space<vmem_shared>>) offsets(%dma_start3A_514 : memref<128xi32, #tpu.memory_space<vmem>>) semaphore(%run_scoped3A_509 : memref<!tpu.dma_semaphore, #tpu.memory_space<semaphore_mem>>)
      %dma_wait3A = arith.constant 0 : i32
      %dma_wait3A_517 = tpu.memref_slice %arg14[%run_scoped3A_464, %dma_wait3A] : memref<4x128xf32, #tpu.memory_space<vmem>> -> memref<1x128xf32, #tpu.memory_space<vmem>>
      %dma_wait3A_518 = tpu.memref_squeeze %dma_wait3A_517 : memref<1x128xf32, #tpu.memory_space<vmem>> -> memref<128xf32, #tpu.memory_space<vmem>>
      %dma_wait3A_519 = arith.constant 0 : i32
      %dma_wait3A_520 = tpu.memref_slice %arg12[%run_scoped3A_465, %dma_wait3A_519] : memref<4x128xi32, #tpu.memory_space<vmem>> -> memref<1x128xi32, #tpu.memory_space<vmem>>
      %dma_wait3A_521 = tpu.memref_squeeze %dma_wait3A_520 : memref<1x128xi32, #tpu.memory_space<vmem>> -> memref<128xi32, #tpu.memory_space<vmem>>
      %dma_wait3A_522 = arith.constant 0 : i32
      %dma_wait3A_523 = tpu.memref_slice %arg25[%dma_wait3A_522] : memref<10240xf32, #tpu.memory_space<vmem_shared>> -> memref<10240xf32, #tpu.memory_space<vmem_shared>>
      tpu.wait_indirect_dma semaphore(%run_scoped3A_509 : memref<!tpu.dma_semaphore, #tpu.memory_space<semaphore_mem>>) src(%dma_wait3A_518 : memref<128xf32, #tpu.memory_space<vmem>>) dst(%dma_wait3A_523 : memref<10240xf32, #tpu.memory_space<vmem_shared>>)
      tpu.yield
    }) : () -> ()
    %run_scoped3A_466 = arith.constant 2 : i32
    %run_scoped3A_467 = arith.constant 2 : i32
    "tpu.region"() ({
      %run_scoped3A_509 = tpu.sem_alloc : memref<!tpu.dma_semaphore, #tpu.memory_space<semaphore_mem>>
      %dma_start3A = arith.constant 0 : i32
      %dma_start3A_510 = tpu.memref_slice %arg13[%run_scoped3A_466, %dma_start3A] : memref<4x128xi32, #tpu.memory_space<vmem>> -> memref<1x128xi32, #tpu.memory_space<vmem>>
      %dma_start3A_511 = tpu.memref_squeeze %dma_start3A_510 : memref<1x128xi32, #tpu.memory_space<vmem>> -> memref<128xi32, #tpu.memory_space<vmem>>
      %dma_start3A_512 = arith.constant 0 : i32
      %dma_start3A_513 = tpu.memref_slice %arg12[%run_scoped3A_467, %dma_start3A_512] : memref<4x128xi32, #tpu.memory_space<vmem>> -> memref<1x128xi32, #tpu.memory_space<vmem>>
      %dma_start3A_514 = tpu.memref_squeeze %dma_start3A_513 : memref<1x128xi32, #tpu.memory_space<vmem>> -> memref<128xi32, #tpu.memory_space<vmem>>
      %dma_start3A_515 = arith.constant 0 : i32
      %dma_start3A_516 = tpu.memref_slice %arg24[%dma_start3A_515] : memref<10240xi32, #tpu.memory_space<vmem_shared>> -> memref<10240xi32, #tpu.memory_space<vmem_shared>>
      tpu.enqueue_indirect_dma source(%dma_start3A_511 : memref<128xi32, #tpu.memory_space<vmem>>) target(%dma_start3A_516 : memref<10240xi32, #tpu.memory_space<vmem_shared>>) offsets(%dma_start3A_514 : memref<128xi32, #tpu.memory_space<vmem>>) semaphore(%run_scoped3A_509 : memref<!tpu.dma_semaphore, #tpu.memory_space<semaphore_mem>>)
      %dma_wait3A = arith.constant 0 : i32
      %dma_wait3A_517 = tpu.memref_slice %arg13[%run_scoped3A_466, %dma_wait3A] : memref<4x128xi32, #tpu.memory_space<vmem>> -> memref<1x128xi32, #tpu.memory_space<vmem>>
      %dma_wait3A_518 = tpu.memref_squeeze %dma_wait3A_517 : memref<1x128xi32, #tpu.memory_space<vmem>> -> memref<128xi32, #tpu.memory_space<vmem>>
      %dma_wait3A_519 = arith.constant 0 : i32
      %dma_wait3A_520 = tpu.memref_slice %arg12[%run_scoped3A_467, %dma_wait3A_519] : memref<4x128xi32, #tpu.memory_space<vmem>> -> memref<1x128xi32, #tpu.memory_space<vmem>>
      %dma_wait3A_521 = tpu.memref_squeeze %dma_wait3A_520 : memref<1x128xi32, #tpu.memory_space<vmem>> -> memref<128xi32, #tpu.memory_space<vmem>>
      %dma_wait3A_522 = arith.constant 0 : i32
      %dma_wait3A_523 = tpu.memref_slice %arg24[%dma_wait3A_522] : memref<10240xi32, #tpu.memory_space<vmem_shared>> -> memref<10240xi32, #tpu.memory_space<vmem_shared>>
      tpu.wait_indirect_dma semaphore(%run_scoped3A_509 : memref<!tpu.dma_semaphore, #tpu.memory_space<semaphore_mem>>) src(%dma_wait3A_518 : memref<128xi32, #tpu.memory_space<vmem>>) dst(%dma_wait3A_523 : memref<10240xi32, #tpu.memory_space<vmem_shared>>)
      tpu.yield
    }) : () -> ()
    %run_scoped3A_468 = arith.constant 2 : i32
    %run_scoped3A_469 = arith.constant 2 : i32
    "tpu.region"() ({
      %run_scoped3A_509 = tpu.sem_alloc : memref<!tpu.dma_semaphore, #tpu.memory_space<semaphore_mem>>
      %dma_start3A = arith.constant 0 : i32
      %dma_start3A_510 = tpu.memref_slice %arg14[%run_scoped3A_468, %dma_start3A] : memref<4x128xf32, #tpu.memory_space<vmem>> -> memref<1x128xf32, #tpu.memory_space<vmem>>
      %dma_start3A_511 = tpu.memref_squeeze %dma_start3A_510 : memref<1x128xf32, #tpu.memory_space<vmem>> -> memref<128xf32, #tpu.memory_space<vmem>>
      %dma_start3A_512 = arith.constant 0 : i32
      %dma_start3A_513 = tpu.memref_slice %arg12[%run_scoped3A_469, %dma_start3A_512] : memref<4x128xi32, #tpu.memory_space<vmem>> -> memref<1x128xi32, #tpu.memory_space<vmem>>
      %dma_start3A_514 = tpu.memref_squeeze %dma_start3A_513 : memref<1x128xi32, #tpu.memory_space<vmem>> -> memref<128xi32, #tpu.memory_space<vmem>>
      %dma_start3A_515 = arith.constant 0 : i32
      %dma_start3A_516 = tpu.memref_slice %arg25[%dma_start3A_515] : memref<10240xf32, #tpu.memory_space<vmem_shared>> -> memref<10240xf32, #tpu.memory_space<vmem_shared>>
      tpu.enqueue_indirect_dma source(%dma_start3A_511 : memref<128xf32, #tpu.memory_space<vmem>>) target(%dma_start3A_516 : memref<10240xf32, #tpu.memory_space<vmem_shared>>) offsets(%dma_start3A_514 : memref<128xi32, #tpu.memory_space<vmem>>) semaphore(%run_scoped3A_509 : memref<!tpu.dma_semaphore, #tpu.memory_space<semaphore_mem>>)
      %dma_wait3A = arith.constant 0 : i32
      %dma_wait3A_517 = tpu.memref_slice %arg14[%run_scoped3A_468, %dma_wait3A] : memref<4x128xf32, #tpu.memory_space<vmem>> -> memref<1x128xf32, #tpu.memory_space<vmem>>
      %dma_wait3A_518 = tpu.memref_squeeze %dma_wait3A_517 : memref<1x128xf32, #tpu.memory_space<vmem>> -> memref<128xf32, #tpu.memory_space<vmem>>
      %dma_wait3A_519 = arith.constant 0 : i32
      %dma_wait3A_520 = tpu.memref_slice %arg12[%run_scoped3A_469, %dma_wait3A_519] : memref<4x128xi32, #tpu.memory_space<vmem>> -> memref<1x128xi32, #tpu.memory_space<vmem>>
      %dma_wait3A_521 = tpu.memref_squeeze %dma_wait3A_520 : memref<1x128xi32, #tpu.memory_space<vmem>> -> memref<128xi32, #tpu.memory_space<vmem>>
      %dma_wait3A_522 = arith.constant 0 : i32
      %dma_wait3A_523 = tpu.memref_slice %arg25[%dma_wait3A_522] : memref<10240xf32, #tpu.memory_space<vmem_shared>> -> memref<10240xf32, #tpu.memory_space<vmem_shared>>
      tpu.wait_indirect_dma semaphore(%run_scoped3A_509 : memref<!tpu.dma_semaphore, #tpu.memory_space<semaphore_mem>>) src(%dma_wait3A_518 : memref<128xf32, #tpu.memory_space<vmem>>) dst(%dma_wait3A_523 : memref<10240xf32, #tpu.memory_space<vmem_shared>>)
      tpu.yield
    }) : () -> ()
    %run_scoped3A_470 = arith.constant 3 : i32
    %run_scoped3A_471 = arith.constant 3 : i32
    "tpu.region"() ({
      %run_scoped3A_509 = tpu.sem_alloc : memref<!tpu.dma_semaphore, #tpu.memory_space<semaphore_mem>>
      %dma_start3A = arith.constant 0 : i32
      %dma_start3A_510 = tpu.memref_slice %arg13[%run_scoped3A_470, %dma_start3A] : memref<4x128xi32, #tpu.memory_space<vmem>> -> memref<1x128xi32, #tpu.memory_space<vmem>>
      %dma_start3A_511 = tpu.memref_squeeze %dma_start3A_510 : memref<1x128xi32, #tpu.memory_space<vmem>> -> memref<128xi32, #tpu.memory_space<vmem>>
      %dma_start3A_512 = arith.constant 0 : i32
      %dma_start3A_513 = tpu.memref_slice %arg12[%run_scoped3A_471, %dma_start3A_512] : memref<4x128xi32, #tpu.memory_space<vmem>> -> memref<1x128xi32, #tpu.memory_space<vmem>>
      %dma_start3A_514 = tpu.memref_squeeze %dma_start3A_513 : memref<1x128xi32, #tpu.memory_space<vmem>> -> memref<128xi32, #tpu.memory_space<vmem>>
      %dma_start3A_515 = arith.constant 0 : i32
      %dma_start3A_516 = tpu.memref_slice %arg24[%dma_start3A_515] : memref<10240xi32, #tpu.memory_space<vmem_shared>> -> memref<10240xi32, #tpu.memory_space<vmem_shared>>
      tpu.enqueue_indirect_dma source(%dma_start3A_511 : memref<128xi32, #tpu.memory_space<vmem>>) target(%dma_start3A_516 : memref<10240xi32, #tpu.memory_space<vmem_shared>>) offsets(%dma_start3A_514 : memref<128xi32, #tpu.memory_space<vmem>>) semaphore(%run_scoped3A_509 : memref<!tpu.dma_semaphore, #tpu.memory_space<semaphore_mem>>)
      %dma_wait3A = arith.constant 0 : i32
      %dma_wait3A_517 = tpu.memref_slice %arg13[%run_scoped3A_470, %dma_wait3A] : memref<4x128xi32, #tpu.memory_space<vmem>> -> memref<1x128xi32, #tpu.memory_space<vmem>>
      %dma_wait3A_518 = tpu.memref_squeeze %dma_wait3A_517 : memref<1x128xi32, #tpu.memory_space<vmem>> -> memref<128xi32, #tpu.memory_space<vmem>>
      %dma_wait3A_519 = arith.constant 0 : i32
      %dma_wait3A_520 = tpu.memref_slice %arg12[%run_scoped3A_471, %dma_wait3A_519] : memref<4x128xi32, #tpu.memory_space<vmem>> -> memref<1x128xi32, #tpu.memory_space<vmem>>
      %dma_wait3A_521 = tpu.memref_squeeze %dma_wait3A_520 : memref<1x128xi32, #tpu.memory_space<vmem>> -> memref<128xi32, #tpu.memory_space<vmem>>
      %dma_wait3A_522 = arith.constant 0 : i32
      %dma_wait3A_523 = tpu.memref_slice %arg24[%dma_wait3A_522] : memref<10240xi32, #tpu.memory_space<vmem_shared>> -> memref<10240xi32, #tpu.memory_space<vmem_shared>>
      tpu.wait_indirect_dma semaphore(%run_scoped3A_509 : memref<!tpu.dma_semaphore, #tpu.memory_space<semaphore_mem>>) src(%dma_wait3A_518 : memref<128xi32, #tpu.memory_space<vmem>>) dst(%dma_wait3A_523 : memref<10240xi32, #tpu.memory_space<vmem_shared>>)
      tpu.yield
    }) : () -> ()
    %run_scoped3A_472 = arith.constant 3 : i32
    %run_scoped3A_473 = arith.constant 3 : i32
    "tpu.region"() ({
      %run_scoped3A_509 = tpu.sem_alloc : memref<!tpu.dma_semaphore, #tpu.memory_space<semaphore_mem>>
      %dma_start3A = arith.constant 0 : i32
      %dma_start3A_510 = tpu.memref_slice %arg14[%run_scoped3A_472, %dma_start3A] : memref<4x128xf32, #tpu.memory_space<vmem>> -> memref<1x128xf32, #tpu.memory_space<vmem>>
      %dma_start3A_511 = tpu.memref_squeeze %dma_start3A_510 : memref<1x128xf32, #tpu.memory_space<vmem>> -> memref<128xf32, #tpu.memory_space<vmem>>
      %dma_start3A_512 = arith.constant 0 : i32
      %dma_start3A_513 = tpu.memref_slice %arg12[%run_scoped3A_473, %dma_start3A_512] : memref<4x128xi32, #tpu.memory_space<vmem>> -> memref<1x128xi32, #tpu.memory_space<vmem>>
      %dma_start3A_514 = tpu.memref_squeeze %dma_start3A_513 : memref<1x128xi32, #tpu.memory_space<vmem>> -> memref<128xi32, #tpu.memory_space<vmem>>
      %dma_start3A_515 = arith.constant 0 : i32
      %dma_start3A_516 = tpu.memref_slice %arg25[%dma_start3A_515] : memref<10240xf32, #tpu.memory_space<vmem_shared>> -> memref<10240xf32, #tpu.memory_space<vmem_shared>>
      tpu.enqueue_indirect_dma source(%dma_start3A_511 : memref<128xf32, #tpu.memory_space<vmem>>) target(%dma_start3A_516 : memref<10240xf32, #tpu.memory_space<vmem_shared>>) offsets(%dma_start3A_514 : memref<128xi32, #tpu.memory_space<vmem>>) semaphore(%run_scoped3A_509 : memref<!tpu.dma_semaphore, #tpu.memory_space<semaphore_mem>>)
      %dma_wait3A = arith.constant 0 : i32
      %dma_wait3A_517 = tpu.memref_slice %arg14[%run_scoped3A_472, %dma_wait3A] : memref<4x128xf32, #tpu.memory_space<vmem>> -> memref<1x128xf32, #tpu.memory_space<vmem>>
      %dma_wait3A_518 = tpu.memref_squeeze %dma_wait3A_517 : memref<1x128xf32, #tpu.memory_space<vmem>> -> memref<128xf32, #tpu.memory_space<vmem>>
      %dma_wait3A_519 = arith.constant 0 : i32
      %dma_wait3A_520 = tpu.memref_slice %arg12[%run_scoped3A_473, %dma_wait3A_519] : memref<4x128xi32, #tpu.memory_space<vmem>> -> memref<1x128xi32, #tpu.memory_space<vmem>>
      %dma_wait3A_521 = tpu.memref_squeeze %dma_wait3A_520 : memref<1x128xi32, #tpu.memory_space<vmem>> -> memref<128xi32, #tpu.memory_space<vmem>>
      %dma_wait3A_522 = arith.constant 0 : i32
      %dma_wait3A_523 = tpu.memref_slice %arg25[%dma_wait3A_522] : memref<10240xf32, #tpu.memory_space<vmem_shared>> -> memref<10240xf32, #tpu.memory_space<vmem_shared>>
      tpu.wait_indirect_dma semaphore(%run_scoped3A_509 : memref<!tpu.dma_semaphore, #tpu.memory_space<semaphore_mem>>) src(%dma_wait3A_518 : memref<128xf32, #tpu.memory_space<vmem>>) dst(%dma_wait3A_523 : memref<10240xf32, #tpu.memory_space<vmem_shared>>)
      tpu.yield
    }) : () -> ()
    %eq3A_474 = arith.constant 0 : i32
    %eq3A_475 = arith.cmpi eq, %arg0, %eq3A_474 : i32
    %convert_element_type3A = arith.extui %eq3A_475 : i1 to i32
    %cond3A = arith.constant 0 : i32
    %cond3A_476 = arith.cmpi ne, %convert_element_type3A, %cond3A : i32
    scf.if %cond3A_476 {
      %mul3A_509 = arith.constant 512 : i32
      %mul3A_510 = arith.muli %arg1, %mul3A_509 : i32
      %add3A_511 = arith.constant 0 : i32
      %add3A_512 = arith.addi %mul3A_510, %add3A_511 : i32
      %run_scoped3A_513 = arith.constant 0 : i32
      "tpu.region"() ({
        %run_scoped3A_529 = tpu.sem_alloc : memref<!tpu.dma_semaphore, #tpu.memory_space<semaphore_mem>>
        %dma_start3A = arith.constant 0 : i32
        %dma_start3A_530 = tpu.memref_slice %arg12[%run_scoped3A_513, %dma_start3A] : memref<4x128xi32, #tpu.memory_space<vmem>> -> memref<1x128xi32, #tpu.memory_space<vmem>>
        %dma_start3A_531 = tpu.memref_squeeze %dma_start3A_530 : memref<1x128xi32, #tpu.memory_space<vmem>> -> memref<128xi32, #tpu.memory_space<vmem>>
        %dma_start3A_532 = tpu.memref_slice %arg7[%add3A_512] : memref<8192xi32, #tpu.memory_space<hbm>> -> memref<128xi32, #tpu.memory_space<hbm>>
        %dma_start3A_533 = tpu.memref_slice %arg7[%add3A_512] : memref<8192xi32, #tpu.memory_space<hbm>> -> memref<128xi32, #tpu.memory_space<hbm>>
        %dma_start3A_534 = arith.constant 0 : i32
        %dma_start3A_535 = tpu.memref_slice %arg12[%run_scoped3A_513, %dma_start3A_534] : memref<4x128xi32, #tpu.memory_space<vmem>> -> memref<1x128xi32, #tpu.memory_space<vmem>>
        %dma_start3A_536 = tpu.memref_squeeze %dma_start3A_535 : memref<1x128xi32, #tpu.memory_space<vmem>> -> memref<128xi32, #tpu.memory_space<vmem>>
        tpu.enqueue_dma source(%dma_start3A_536 : memref<128xi32, #tpu.memory_space<vmem>>) target(%dma_start3A_533 : memref<128xi32, #tpu.memory_space<hbm>>) target_semaphore(%run_scoped3A_529 : memref<!tpu.dma_semaphore, #tpu.memory_space<semaphore_mem>>)
        %dma_wait3A = arith.constant 0 : i32
        %dma_wait3A_537 = tpu.memref_slice %arg12[%run_scoped3A_513, %dma_wait3A] : memref<4x128xi32, #tpu.memory_space<vmem>> -> memref<1x128xi32, #tpu.memory_space<vmem>>
        %dma_wait3A_538 = tpu.memref_squeeze %dma_wait3A_537 : memref<1x128xi32, #tpu.memory_space<vmem>> -> memref<128xi32, #tpu.memory_space<vmem>>
        %dma_wait3A_539 = tpu.memref_slice %arg7[%add3A_512] : memref<8192xi32, #tpu.memory_space<hbm>> -> memref<128xi32, #tpu.memory_space<hbm>>
        %dma_wait3A_540 = tpu.memref_slice %arg7[%add3A_512] : memref<8192xi32, #tpu.memory_space<hbm>> -> memref<128xi32, #tpu.memory_space<hbm>>
        %dma_wait3A_541 = arith.constant 0 : i32
        %dma_wait3A_542 = tpu.memref_slice %arg12[%run_scoped3A_513, %dma_wait3A_541] : memref<4x128xi32, #tpu.memory_space<vmem>> -> memref<1x128xi32, #tpu.memory_space<vmem>>
        %dma_wait3A_543 = tpu.memref_squeeze %dma_wait3A_542 : memref<1x128xi32, #tpu.memory_space<vmem>> -> memref<128xi32, #tpu.memory_space<vmem>>
        tpu.wait_dma2 semaphore(%run_scoped3A_529 : memref<!tpu.dma_semaphore, #tpu.memory_space<semaphore_mem>>) src(%dma_wait3A_543 : memref<128xi32, #tpu.memory_space<vmem>>) dst(%dma_wait3A_540 : memref<128xi32, #tpu.memory_space<hbm>>)
        tpu.yield
      }) : () -> ()
      %mul3A_514 = arith.constant 512 : i32
      %mul3A_515 = arith.muli %arg1, %mul3A_514 : i32
      %add3A_516 = arith.constant 128 : i32
      %add3A_517 = arith.addi %mul3A_515, %add3A_516 : i32
      %run_scoped3A_518 = arith.constant 1 : i32
      "tpu.region"() ({
        %run_scoped3A_529 = tpu.sem_alloc : memref<!tpu.dma_semaphore, #tpu.memory_space<semaphore_mem>>
        %dma_start3A = arith.constant 0 : i32
        %dma_start3A_530 = tpu.memref_slice %arg12[%run_scoped3A_518, %dma_start3A] : memref<4x128xi32, #tpu.memory_space<vmem>> -> memref<1x128xi32, #tpu.memory_space<vmem>>
        %dma_start3A_531 = tpu.memref_squeeze %dma_start3A_530 : memref<1x128xi32, #tpu.memory_space<vmem>> -> memref<128xi32, #tpu.memory_space<vmem>>
        %dma_start3A_532 = tpu.memref_slice %arg7[%add3A_517] : memref<8192xi32, #tpu.memory_space<hbm>> -> memref<128xi32, #tpu.memory_space<hbm>>
        %dma_start3A_533 = tpu.memref_slice %arg7[%add3A_517] : memref<8192xi32, #tpu.memory_space<hbm>> -> memref<128xi32, #tpu.memory_space<hbm>>
        %dma_start3A_534 = arith.constant 0 : i32
        %dma_start3A_535 = tpu.memref_slice %arg12[%run_scoped3A_518, %dma_start3A_534] : memref<4x128xi32, #tpu.memory_space<vmem>> -> memref<1x128xi32, #tpu.memory_space<vmem>>
        %dma_start3A_536 = tpu.memref_squeeze %dma_start3A_535 : memref<1x128xi32, #tpu.memory_space<vmem>> -> memref<128xi32, #tpu.memory_space<vmem>>
        tpu.enqueue_dma source(%dma_start3A_536 : memref<128xi32, #tpu.memory_space<vmem>>) target(%dma_start3A_533 : memref<128xi32, #tpu.memory_space<hbm>>) target_semaphore(%run_scoped3A_529 : memref<!tpu.dma_semaphore, #tpu.memory_space<semaphore_mem>>)
        %dma_wait3A = arith.constant 0 : i32
        %dma_wait3A_537 = tpu.memref_slice %arg12[%run_scoped3A_518, %dma_wait3A] : memref<4x128xi32, #tpu.memory_space<vmem>> -> memref<1x128xi32, #tpu.memory_space<vmem>>
        %dma_wait3A_538 = tpu.memref_squeeze %dma_wait3A_537 : memref<1x128xi32, #tpu.memory_space<vmem>> -> memref<128xi32, #tpu.memory_space<vmem>>
        %dma_wait3A_539 = tpu.memref_slice %arg7[%add3A_517] : memref<8192xi32, #tpu.memory_space<hbm>> -> memref<128xi32, #tpu.memory_space<hbm>>
        %dma_wait3A_540 = tpu.memref_slice %arg7[%add3A_517] : memref<8192xi32, #tpu.memory_space<hbm>> -> memref<128xi32, #tpu.memory_space<hbm>>
        %dma_wait3A_541 = arith.constant 0 : i32
        %dma_wait3A_542 = tpu.memref_slice %arg12[%run_scoped3A_518, %dma_wait3A_541] : memref<4x128xi32, #tpu.memory_space<vmem>> -> memref<1x128xi32, #tpu.memory_space<vmem>>
        %dma_wait3A_543 = tpu.memref_squeeze %dma_wait3A_542 : memref<1x128xi32, #tpu.memory_space<vmem>> -> memref<128xi32, #tpu.memory_space<vmem>>
        tpu.wait_dma2 semaphore(%run_scoped3A_529 : memref<!tpu.dma_semaphore, #tpu.memory_space<semaphore_mem>>) src(%dma_wait3A_543 : memref<128xi32, #tpu.memory_space<vmem>>) dst(%dma_wait3A_540 : memref<128xi32, #tpu.memory_space<hbm>>)
        tpu.yield
      }) : () -> ()
      %mul3A_519 = arith.constant 512 : i32
      %mul3A_520 = arith.muli %arg1, %mul3A_519 : i32
      %add3A_521 = arith.constant 256 : i32
      %add3A_522 = arith.addi %mul3A_520, %add3A_521 : i32
      %run_scoped3A_523 = arith.constant 2 : i32
      "tpu.region"() ({
        %run_scoped3A_529 = tpu.sem_alloc : memref<!tpu.dma_semaphore, #tpu.memory_space<semaphore_mem>>
        %dma_start3A = arith.constant 0 : i32
        %dma_start3A_530 = tpu.memref_slice %arg12[%run_scoped3A_523, %dma_start3A] : memref<4x128xi32, #tpu.memory_space<vmem>> -> memref<1x128xi32, #tpu.memory_space<vmem>>
        %dma_start3A_531 = tpu.memref_squeeze %dma_start3A_530 : memref<1x128xi32, #tpu.memory_space<vmem>> -> memref<128xi32, #tpu.memory_space<vmem>>
        %dma_start3A_532 = tpu.memref_slice %arg7[%add3A_522] : memref<8192xi32, #tpu.memory_space<hbm>> -> memref<128xi32, #tpu.memory_space<hbm>>
        %dma_start3A_533 = tpu.memref_slice %arg7[%add3A_522] : memref<8192xi32, #tpu.memory_space<hbm>> -> memref<128xi32, #tpu.memory_space<hbm>>
        %dma_start3A_534 = arith.constant 0 : i32
        %dma_start3A_535 = tpu.memref_slice %arg12[%run_scoped3A_523, %dma_start3A_534] : memref<4x128xi32, #tpu.memory_space<vmem>> -> memref<1x128xi32, #tpu.memory_space<vmem>>
        %dma_start3A_536 = tpu.memref_squeeze %dma_start3A_535 : memref<1x128xi32, #tpu.memory_space<vmem>> -> memref<128xi32, #tpu.memory_space<vmem>>
        tpu.enqueue_dma source(%dma_start3A_536 : memref<128xi32, #tpu.memory_space<vmem>>) target(%dma_start3A_533 : memref<128xi32, #tpu.memory_space<hbm>>) target_semaphore(%run_scoped3A_529 : memref<!tpu.dma_semaphore, #tpu.memory_space<semaphore_mem>>)
        %dma_wait3A = arith.constant 0 : i32
        %dma_wait3A_537 = tpu.memref_slice %arg12[%run_scoped3A_523, %dma_wait3A] : memref<4x128xi32, #tpu.memory_space<vmem>> -> memref<1x128xi32, #tpu.memory_space<vmem>>
        %dma_wait3A_538 = tpu.memref_squeeze %dma_wait3A_537 : memref<1x128xi32, #tpu.memory_space<vmem>> -> memref<128xi32, #tpu.memory_space<vmem>>
        %dma_wait3A_539 = tpu.memref_slice %arg7[%add3A_522] : memref<8192xi32, #tpu.memory_space<hbm>> -> memref<128xi32, #tpu.memory_space<hbm>>
        %dma_wait3A_540 = tpu.memref_slice %arg7[%add3A_522] : memref<8192xi32, #tpu.memory_space<hbm>> -> memref<128xi32, #tpu.memory_space<hbm>>
        %dma_wait3A_541 = arith.constant 0 : i32
        %dma_wait3A_542 = tpu.memref_slice %arg12[%run_scoped3A_523, %dma_wait3A_541] : memref<4x128xi32, #tpu.memory_space<vmem>> -> memref<1x128xi32, #tpu.memory_space<vmem>>
        %dma_wait3A_543 = tpu.memref_squeeze %dma_wait3A_542 : memref<1x128xi32, #tpu.memory_space<vmem>> -> memref<128xi32, #tpu.memory_space<vmem>>
        tpu.wait_dma2 semaphore(%run_scoped3A_529 : memref<!tpu.dma_semaphore, #tpu.memory_space<semaphore_mem>>) src(%dma_wait3A_543 : memref<128xi32, #tpu.memory_space<vmem>>) dst(%dma_wait3A_540 : memref<128xi32, #tpu.memory_space<hbm>>)
        tpu.yield
      }) : () -> ()
      %mul3A_524 = arith.constant 512 : i32
      %mul3A_525 = arith.muli %arg1, %mul3A_524 : i32
      %add3A_526 = arith.constant 384 : i32
      %add3A_527 = arith.addi %mul3A_525, %add3A_526 : i32
      %run_scoped3A_528 = arith.constant 3 : i32
      "tpu.region"() ({
        %run_scoped3A_529 = tpu.sem_alloc : memref<!tpu.dma_semaphore, #tpu.memory_space<semaphore_mem>>
        %dma_start3A = arith.constant 0 : i32
        %dma_start3A_530 = tpu.memref_slice %arg12[%run_scoped3A_528, %dma_start3A] : memref<4x128xi32, #tpu.memory_space<vmem>> -> memref<1x128xi32, #tpu.memory_space<vmem>>
        %dma_start3A_531 = tpu.memref_squeeze %dma_start3A_530 : memref<1x128xi32, #tpu.memory_space<vmem>> -> memref<128xi32, #tpu.memory_space<vmem>>
        %dma_start3A_532 = tpu.memref_slice %arg7[%add3A_527] : memref<8192xi32, #tpu.memory_space<hbm>> -> memref<128xi32, #tpu.memory_space<hbm>>
        %dma_start3A_533 = tpu.memref_slice %arg7[%add3A_527] : memref<8192xi32, #tpu.memory_space<hbm>> -> memref<128xi32, #tpu.memory_space<hbm>>
        %dma_start3A_534 = arith.constant 0 : i32
        %dma_start3A_535 = tpu.memref_slice %arg12[%run_scoped3A_528, %dma_start3A_534] : memref<4x128xi32, #tpu.memory_space<vmem>> -> memref<1x128xi32, #tpu.memory_space<vmem>>
        %dma_start3A_536 = tpu.memref_squeeze %dma_start3A_535 : memref<1x128xi32, #tpu.memory_space<vmem>> -> memref<128xi32, #tpu.memory_space<vmem>>
        tpu.enqueue_dma source(%dma_start3A_536 : memref<128xi32, #tpu.memory_space<vmem>>) target(%dma_start3A_533 : memref<128xi32, #tpu.memory_space<hbm>>) target_semaphore(%run_scoped3A_529 : memref<!tpu.dma_semaphore, #tpu.memory_space<semaphore_mem>>)
        %dma_wait3A = arith.constant 0 : i32
        %dma_wait3A_537 = tpu.memref_slice %arg12[%run_scoped3A_528, %dma_wait3A] : memref<4x128xi32, #tpu.memory_space<vmem>> -> memref<1x128xi32, #tpu.memory_space<vmem>>
        %dma_wait3A_538 = tpu.memref_squeeze %dma_wait3A_537 : memref<1x128xi32, #tpu.memory_space<vmem>> -> memref<128xi32, #tpu.memory_space<vmem>>
        %dma_wait3A_539 = tpu.memref_slice %arg7[%add3A_527] : memref<8192xi32, #tpu.memory_space<hbm>> -> memref<128xi32, #tpu.memory_space<hbm>>
        %dma_wait3A_540 = tpu.memref_slice %arg7[%add3A_527] : memref<8192xi32, #tpu.memory_space<hbm>> -> memref<128xi32, #tpu.memory_space<hbm>>
        %dma_wait3A_541 = arith.constant 0 : i32
        %dma_wait3A_542 = tpu.memref_slice %arg12[%run_scoped3A_528, %dma_wait3A_541] : memref<4x128xi32, #tpu.memory_space<vmem>> -> memref<1x128xi32, #tpu.memory_space<vmem>>
        %dma_wait3A_543 = tpu.memref_squeeze %dma_wait3A_542 : memref<1x128xi32, #tpu.memory_space<vmem>> -> memref<128xi32, #tpu.memory_space<vmem>>
        tpu.wait_dma2 semaphore(%run_scoped3A_529 : memref<!tpu.dma_semaphore, #tpu.memory_space<semaphore_mem>>) src(%dma_wait3A_543 : memref<128xi32, #tpu.memory_space<vmem>>) dst(%dma_wait3A_540 : memref<128xi32, #tpu.memory_space<hbm>>)
        tpu.yield
      }) : () -> ()
    } else {
    }
    %add3A_477 = arith.addi %arg0, %arg1 : i32
    %eq3A_478 = arith.constant 0 : i32
    %eq3A_479 = arith.cmpi eq, %add3A_477, %eq3A_478 : i32
    %convert_element_type3A_480 = arith.extui %eq3A_479 : i1 to i32
    %cond3A_481 = arith.constant 0 : i32
    %cond3A_482 = arith.cmpi ne, %convert_element_type3A_480, %cond3A_481 : i32
    scf.if %cond3A_482 {
      %eq3A_509 = arith.constant 7 : i32
      %eq3A_510 = vector.broadcast %eq3A_509 : i32 to vector<16xi32>
      %eq3A_511 = arith.cmpi eq, %iota3A, %eq3A_510 : vector<16xi32>
      %jit3A_512 = arith.constant 0 : i32
      %broadcast_in_dim3A_513 = vector.broadcast %jit3A_512 : i32 to vector<16xi32>
      %select_n3A_514 = arith.select %eq3A_511, %masked_cumsum3A, %broadcast_in_dim3A_513 : vector<16xi1>, vector<16xi32>
      %reduce_sum3A_515 = arith.constant true
      %reduce_sum3A_516 = vector.broadcast %reduce_sum3A_515 : i1 to vector<16xi1>
      %reduce_sum3A_517 = tpu.scan <sum>, %select_n3A_514 masked %reduce_sum3A_516 : vector<16xi32>, vector<16xi1> -> vector<16xi32>
      %reduce_sum3A_518 = vector.extract %reduce_sum3A_517[15] : i32 from vector<16xi32>
      %add3A_519 = arith.constant 0 : i32
      %add3A_520 = vector.broadcast %add3A_519 : i32 to vector<16xi32>
      %add3A_521 = arith.addi %add3A_520, %iota3A : vector<16xi32>
      %mul3A_522 = arith.constant 256 : i32
      %mul3A_523 = vector.broadcast %mul3A_522 : i32 to vector<16xi32>
      %mul3A_524 = arith.muli %add3A_521, %mul3A_523 : vector<16xi32>
      %broadcast_in_dim3A_525 = arith.constant 0 : i32
      %broadcast_in_dim3A_526 = vector.broadcast %broadcast_in_dim3A_525 : i32 to vector<16xi32>
      %ge3A = vector.broadcast %reduce_sum3A_293 : i32 to vector<16xi32>
      %ge3A_527 = arith.cmpi sge, %mul3A_524, %ge3A : vector<16xi32>
      %jit3A_528 = arith.constant 1 : i32
      %jit3A_529 = arith.constant 0 : i32
      %broadcast_in_dim3A_530 = vector.broadcast %jit3A_528 : i32 to vector<16xi32>
      %broadcast_in_dim3A_531 = vector.broadcast %jit3A_529 : i32 to vector<16xi32>
      %select_n3A_532 = arith.select %ge3A_527, %broadcast_in_dim3A_530, %broadcast_in_dim3A_531 : vector<16xi1>, vector<16xi32>
      %add3A_533 = arith.addi %reduce_sum3A_293, %reduce_sum3A_373 : i32
      %lt3A_534 = vector.broadcast %add3A_533 : i32 to vector<16xi32>
      %lt3A_535 = arith.cmpi slt, %mul3A_524, %lt3A_534 : vector<16xi32>
      %jit3A_536 = arith.constant 1 : i32
      %jit3A_537 = arith.constant 0 : i32
      %broadcast_in_dim3A_538 = vector.broadcast %jit3A_536 : i32 to vector<16xi32>
      %broadcast_in_dim3A_539 = vector.broadcast %jit3A_537 : i32 to vector<16xi32>
      %select_n3A_540 = arith.select %lt3A_535, %broadcast_in_dim3A_538, %broadcast_in_dim3A_539 : vector<16xi1>, vector<16xi32>
      %mul3A_541 = arith.constant 0 : i32
      %mul3A_542 = vector.broadcast %mul3A_541 : i32 to vector<16xi32>
      %mul3A_543 = arith.muli %mul3A_542, %select_n3A_532 : vector<16xi32>
      %mul3A_544 = arith.muli %mul3A_543, %select_n3A_540 : vector<16xi32>
      %add3A_545 = arith.addi %broadcast_in_dim3A_526, %mul3A_544 : vector<16xi32>
      %ge3A_546 = vector.broadcast %reduce_sum3A_303 : i32 to vector<16xi32>
      %ge3A_547 = arith.cmpi sge, %mul3A_524, %ge3A_546 : vector<16xi32>
      %jit3A_548 = arith.constant 1 : i32
      %jit3A_549 = arith.constant 0 : i32
      %broadcast_in_dim3A_550 = vector.broadcast %jit3A_548 : i32 to vector<16xi32>
      %broadcast_in_dim3A_551 = vector.broadcast %jit3A_549 : i32 to vector<16xi32>
      %select_n3A_552 = arith.select %ge3A_547, %broadcast_in_dim3A_550, %broadcast_in_dim3A_551 : vector<16xi1>, vector<16xi32>
      %add3A_553 = arith.addi %reduce_sum3A_303, %reduce_sum3A_383 : i32
      %lt3A_554 = vector.broadcast %add3A_553 : i32 to vector<16xi32>
      %lt3A_555 = arith.cmpi slt, %mul3A_524, %lt3A_554 : vector<16xi32>
      %jit3A_556 = arith.constant 1 : i32
      %jit3A_557 = arith.constant 0 : i32
      %broadcast_in_dim3A_558 = vector.broadcast %jit3A_556 : i32 to vector<16xi32>
      %broadcast_in_dim3A_559 = vector.broadcast %jit3A_557 : i32 to vector<16xi32>
      %select_n3A_560 = arith.select %lt3A_555, %broadcast_in_dim3A_558, %broadcast_in_dim3A_559 : vector<16xi1>, vector<16xi32>
      %mul3A_561 = arith.constant 1 : i32
      %mul3A_562 = vector.broadcast %mul3A_561 : i32 to vector<16xi32>
      %mul3A_563 = arith.muli %mul3A_562, %select_n3A_552 : vector<16xi32>
      %mul3A_564 = arith.muli %mul3A_563, %select_n3A_560 : vector<16xi32>
      %add3A_565 = arith.addi %add3A_545, %mul3A_564 : vector<16xi32>
      %ge3A_566 = vector.broadcast %reduce_sum3A_313 : i32 to vector<16xi32>
      %ge3A_567 = arith.cmpi sge, %mul3A_524, %ge3A_566 : vector<16xi32>
      %jit3A_568 = arith.constant 1 : i32
      %jit3A_569 = arith.constant 0 : i32
      %broadcast_in_dim3A_570 = vector.broadcast %jit3A_568 : i32 to vector<16xi32>
      %broadcast_in_dim3A_571 = vector.broadcast %jit3A_569 : i32 to vector<16xi32>
      %select_n3A_572 = arith.select %ge3A_567, %broadcast_in_dim3A_570, %broadcast_in_dim3A_571 : vector<16xi1>, vector<16xi32>
      %add3A_573 = arith.addi %reduce_sum3A_313, %reduce_sum3A_393 : i32
      %lt3A_574 = vector.broadcast %add3A_573 : i32 to vector<16xi32>
      %lt3A_575 = arith.cmpi slt, %mul3A_524, %lt3A_574 : vector<16xi32>
      %jit3A_576 = arith.constant 1 : i32
      %jit3A_577 = arith.constant 0 : i32
      %broadcast_in_dim3A_578 = vector.broadcast %jit3A_576 : i32 to vector<16xi32>
      %broadcast_in_dim3A_579 = vector.broadcast %jit3A_577 : i32 to vector<16xi32>
      %select_n3A_580 = arith.select %lt3A_575, %broadcast_in_dim3A_578, %broadcast_in_dim3A_579 : vector<16xi1>, vector<16xi32>
      %mul3A_581 = arith.constant 2 : i32
      %mul3A_582 = vector.broadcast %mul3A_581 : i32 to vector<16xi32>
      %mul3A_583 = arith.muli %mul3A_582, %select_n3A_572 : vector<16xi32>
      %mul3A_584 = arith.muli %mul3A_583, %select_n3A_580 : vector<16xi32>
      %add3A_585 = arith.addi %add3A_565, %mul3A_584 : vector<16xi32>
      %ge3A_586 = vector.broadcast %reduce_sum3A_323 : i32 to vector<16xi32>
      %ge3A_587 = arith.cmpi sge, %mul3A_524, %ge3A_586 : vector<16xi32>
      %jit3A_588 = arith.constant 1 : i32
      %jit3A_589 = arith.constant 0 : i32
      %broadcast_in_dim3A_590 = vector.broadcast %jit3A_588 : i32 to vector<16xi32>
      %broadcast_in_dim3A_591 = vector.broadcast %jit3A_589 : i32 to vector<16xi32>
      %select_n3A_592 = arith.select %ge3A_587, %broadcast_in_dim3A_590, %broadcast_in_dim3A_591 : vector<16xi1>, vector<16xi32>
      %add3A_593 = arith.addi %reduce_sum3A_323, %reduce_sum3A_403 : i32
      %lt3A_594 = vector.broadcast %add3A_593 : i32 to vector<16xi32>
      %lt3A_595 = arith.cmpi slt, %mul3A_524, %lt3A_594 : vector<16xi32>
      %jit3A_596 = arith.constant 1 : i32
      %jit3A_597 = arith.constant 0 : i32
      %broadcast_in_dim3A_598 = vector.broadcast %jit3A_596 : i32 to vector<16xi32>
      %broadcast_in_dim3A_599 = vector.broadcast %jit3A_597 : i32 to vector<16xi32>
      %select_n3A_600 = arith.select %lt3A_595, %broadcast_in_dim3A_598, %broadcast_in_dim3A_599 : vector<16xi1>, vector<16xi32>
      %mul3A_601 = arith.constant 3 : i32
      %mul3A_602 = vector.broadcast %mul3A_601 : i32 to vector<16xi32>
      %mul3A_603 = arith.muli %mul3A_602, %select_n3A_592 : vector<16xi32>
      %mul3A_604 = arith.muli %mul3A_603, %select_n3A_600 : vector<16xi32>
      %add3A_605 = arith.addi %add3A_585, %mul3A_604 : vector<16xi32>
      %ge3A_606 = vector.broadcast %reduce_sum3A_333 : i32 to vector<16xi32>
      %ge3A_607 = arith.cmpi sge, %mul3A_524, %ge3A_606 : vector<16xi32>
      %jit3A_608 = arith.constant 1 : i32
      %jit3A_609 = arith.constant 0 : i32
      %broadcast_in_dim3A_610 = vector.broadcast %jit3A_608 : i32 to vector<16xi32>
      %broadcast_in_dim3A_611 = vector.broadcast %jit3A_609 : i32 to vector<16xi32>
      %select_n3A_612 = arith.select %ge3A_607, %broadcast_in_dim3A_610, %broadcast_in_dim3A_611 : vector<16xi1>, vector<16xi32>
      %add3A_613 = arith.addi %reduce_sum3A_333, %reduce_sum3A_413 : i32
      %lt3A_614 = vector.broadcast %add3A_613 : i32 to vector<16xi32>
      %lt3A_615 = arith.cmpi slt, %mul3A_524, %lt3A_614 : vector<16xi32>
      %jit3A_616 = arith.constant 1 : i32
      %jit3A_617 = arith.constant 0 : i32
      %broadcast_in_dim3A_618 = vector.broadcast %jit3A_616 : i32 to vector<16xi32>
      %broadcast_in_dim3A_619 = vector.broadcast %jit3A_617 : i32 to vector<16xi32>
      %select_n3A_620 = arith.select %lt3A_615, %broadcast_in_dim3A_618, %broadcast_in_dim3A_619 : vector<16xi1>, vector<16xi32>
      %mul3A_621 = arith.constant 4 : i32
      %mul3A_622 = vector.broadcast %mul3A_621 : i32 to vector<16xi32>
      %mul3A_623 = arith.muli %mul3A_622, %select_n3A_612 : vector<16xi32>
      %mul3A_624 = arith.muli %mul3A_623, %select_n3A_620 : vector<16xi32>
      %add3A_625 = arith.addi %add3A_605, %mul3A_624 : vector<16xi32>
      %ge3A_626 = vector.broadcast %reduce_sum3A_343 : i32 to vector<16xi32>
      %ge3A_627 = arith.cmpi sge, %mul3A_524, %ge3A_626 : vector<16xi32>
      %jit3A_628 = arith.constant 1 : i32
      %jit3A_629 = arith.constant 0 : i32
      %broadcast_in_dim3A_630 = vector.broadcast %jit3A_628 : i32 to vector<16xi32>
      %broadcast_in_dim3A_631 = vector.broadcast %jit3A_629 : i32 to vector<16xi32>
      %select_n3A_632 = arith.select %ge3A_627, %broadcast_in_dim3A_630, %broadcast_in_dim3A_631 : vector<16xi1>, vector<16xi32>
      %add3A_633 = arith.addi %reduce_sum3A_343, %reduce_sum3A_423 : i32
      %lt3A_634 = vector.broadcast %add3A_633 : i32 to vector<16xi32>
      %lt3A_635 = arith.cmpi slt, %mul3A_524, %lt3A_634 : vector<16xi32>
      %jit3A_636 = arith.constant 1 : i32
      %jit3A_637 = arith.constant 0 : i32
      %broadcast_in_dim3A_638 = vector.broadcast %jit3A_636 : i32 to vector<16xi32>
      %broadcast_in_dim3A_639 = vector.broadcast %jit3A_637 : i32 to vector<16xi32>
      %select_n3A_640 = arith.select %lt3A_635, %broadcast_in_dim3A_638, %broadcast_in_dim3A_639 : vector<16xi1>, vector<16xi32>
      %mul3A_641 = arith.constant 5 : i32
      %mul3A_642 = vector.broadcast %mul3A_641 : i32 to vector<16xi32>
      %mul3A_643 = arith.muli %mul3A_642, %select_n3A_632 : vector<16xi32>
      %mul3A_644 = arith.muli %mul3A_643, %select_n3A_640 : vector<16xi32>
      %add3A_645 = arith.addi %add3A_625, %mul3A_644 : vector<16xi32>
      %ge3A_646 = vector.broadcast %reduce_sum3A_353 : i32 to vector<16xi32>
      %ge3A_647 = arith.cmpi sge, %mul3A_524, %ge3A_646 : vector<16xi32>
      %jit3A_648 = arith.constant 1 : i32
      %jit3A_649 = arith.constant 0 : i32
      %broadcast_in_dim3A_650 = vector.broadcast %jit3A_648 : i32 to vector<16xi32>
      %broadcast_in_dim3A_651 = vector.broadcast %jit3A_649 : i32 to vector<16xi32>
      %select_n3A_652 = arith.select %ge3A_647, %broadcast_in_dim3A_650, %broadcast_in_dim3A_651 : vector<16xi1>, vector<16xi32>
      %add3A_653 = arith.addi %reduce_sum3A_353, %reduce_sum3A_433 : i32
      %lt3A_654 = vector.broadcast %add3A_653 : i32 to vector<16xi32>
      %lt3A_655 = arith.cmpi slt, %mul3A_524, %lt3A_654 : vector<16xi32>
      %jit3A_656 = arith.constant 1 : i32
      %jit3A_657 = arith.constant 0 : i32
      %broadcast_in_dim3A_658 = vector.broadcast %jit3A_656 : i32 to vector<16xi32>
      %broadcast_in_dim3A_659 = vector.broadcast %jit3A_657 : i32 to vector<16xi32>
      %select_n3A_660 = arith.select %lt3A_655, %broadcast_in_dim3A_658, %broadcast_in_dim3A_659 : vector<16xi1>, vector<16xi32>
      %mul3A_661 = arith.constant 6 : i32
      %mul3A_662 = vector.broadcast %mul3A_661 : i32 to vector<16xi32>
      %mul3A_663 = arith.muli %mul3A_662, %select_n3A_652 : vector<16xi32>
      %mul3A_664 = arith.muli %mul3A_663, %select_n3A_660 : vector<16xi32>
      %add3A_665 = arith.addi %add3A_645, %mul3A_664 : vector<16xi32>
      %ge3A_666 = vector.broadcast %reduce_sum3A_363 : i32 to vector<16xi32>
      %ge3A_667 = arith.cmpi sge, %mul3A_524, %ge3A_666 : vector<16xi32>
      %jit3A_668 = arith.constant 1 : i32
      %jit3A_669 = arith.constant 0 : i32
      %broadcast_in_dim3A_670 = vector.broadcast %jit3A_668 : i32 to vector<16xi32>
      %broadcast_in_dim3A_671 = vector.broadcast %jit3A_669 : i32 to vector<16xi32>
      %select_n3A_672 = arith.select %ge3A_667, %broadcast_in_dim3A_670, %broadcast_in_dim3A_671 : vector<16xi1>, vector<16xi32>
      %add3A_673 = arith.addi %reduce_sum3A_363, %reduce_sum3A_443 : i32
      %lt3A_674 = vector.broadcast %add3A_673 : i32 to vector<16xi32>
      %lt3A_675 = arith.cmpi slt, %mul3A_524, %lt3A_674 : vector<16xi32>
      %jit3A_676 = arith.constant 1 : i32
      %jit3A_677 = arith.constant 0 : i32
      %broadcast_in_dim3A_678 = vector.broadcast %jit3A_676 : i32 to vector<16xi32>
      %broadcast_in_dim3A_679 = vector.broadcast %jit3A_677 : i32 to vector<16xi32>
      %select_n3A_680 = arith.select %lt3A_675, %broadcast_in_dim3A_678, %broadcast_in_dim3A_679 : vector<16xi1>, vector<16xi32>
      %mul3A_681 = arith.constant 7 : i32
      %mul3A_682 = vector.broadcast %mul3A_681 : i32 to vector<16xi32>
      %mul3A_683 = arith.muli %mul3A_682, %select_n3A_672 : vector<16xi32>
      %mul3A_684 = arith.muli %mul3A_683, %select_n3A_680 : vector<16xi32>
      %add3A_685 = arith.addi %add3A_665, %mul3A_684 : vector<16xi32>
      %swap3A_686 = arith.constant 0 : index
      %swap3A_687 = tpu.vector_load %arg21[%swap3A_686] {strides = array<i32>} : memref<56xi32, #tpu.memory_space<vmem>>, vector<16xi32>,
      tpu.vector_store %arg21[%swap3A_686], %add3A_685 {strides = array<i32>} : memref<56xi32, #tpu.memory_space<vmem>>, vector<16xi32>,
      %lt3A_688 = vector.broadcast %reduce_sum3A_518 : i32 to vector<16xi32>
      %lt3A_689 = arith.cmpi slt, %mul3A_524, %lt3A_688 : vector<16xi32>
      %jit3A_690 = arith.constant 1 : i32
      %jit3A_691 = arith.constant 0 : i32
      %broadcast_in_dim3A_692 = vector.broadcast %jit3A_690 : i32 to vector<16xi32>
      %broadcast_in_dim3A_693 = vector.broadcast %jit3A_691 : i32 to vector<16xi32>
      %select_n3A_694 = arith.select %lt3A_689, %broadcast_in_dim3A_692, %broadcast_in_dim3A_693 : vector<16xi1>, vector<16xi32>
      %swap3A_695 = arith.constant 0 : index
      %swap3A_696 = tpu.vector_load %arg22[%swap3A_695] {strides = array<i32>} : memref<56xi32, #tpu.memory_space<vmem>>, vector<16xi32>,
      tpu.vector_store %arg22[%swap3A_695], %select_n3A_694 {strides = array<i32>} : memref<56xi32, #tpu.memory_space<vmem>>, vector<16xi32>,
      %add3A_697 = arith.constant 16 : i32
      %add3A_698 = vector.broadcast %add3A_697 : i32 to vector<16xi32>
      %add3A_699 = arith.addi %add3A_698, %iota3A : vector<16xi32>
      %mul3A_700 = arith.constant 256 : i32
      %mul3A_701 = vector.broadcast %mul3A_700 : i32 to vector<16xi32>
      %mul3A_702 = arith.muli %add3A_699, %mul3A_701 : vector<16xi32>
      %broadcast_in_dim3A_703 = arith.constant 0 : i32
      %broadcast_in_dim3A_704 = vector.broadcast %broadcast_in_dim3A_703 : i32 to vector<16xi32>
      %ge3A_705 = vector.broadcast %reduce_sum3A_293 : i32 to vector<16xi32>
      %ge3A_706 = arith.cmpi sge, %mul3A_702, %ge3A_705 : vector<16xi32>
      %jit3A_707 = arith.constant 1 : i32
      %jit3A_708 = arith.constant 0 : i32
      %broadcast_in_dim3A_709 = vector.broadcast %jit3A_707 : i32 to vector<16xi32>
      %broadcast_in_dim3A_710 = vector.broadcast %jit3A_708 : i32 to vector<16xi32>
      %select_n3A_711 = arith.select %ge3A_706, %broadcast_in_dim3A_709, %broadcast_in_dim3A_710 : vector<16xi1>, vector<16xi32>
      %add3A_712 = arith.addi %reduce_sum3A_293, %reduce_sum3A_373 : i32
      %lt3A_713 = vector.broadcast %add3A_712 : i32 to vector<16xi32>
      %lt3A_714 = arith.cmpi slt, %mul3A_702, %lt3A_713 : vector<16xi32>
      %jit3A_715 = arith.constant 1 : i32
      %jit3A_716 = arith.constant 0 : i32
      %broadcast_in_dim3A_717 = vector.broadcast %jit3A_715 : i32 to vector<16xi32>
      %broadcast_in_dim3A_718 = vector.broadcast %jit3A_716 : i32 to vector<16xi32>
      %select_n3A_719 = arith.select %lt3A_714, %broadcast_in_dim3A_717, %broadcast_in_dim3A_718 : vector<16xi1>, vector<16xi32>
      %mul3A_720 = arith.constant 0 : i32
      %mul3A_721 = vector.broadcast %mul3A_720 : i32 to vector<16xi32>
      %mul3A_722 = arith.muli %mul3A_721, %select_n3A_711 : vector<16xi32>
      %mul3A_723 = arith.muli %mul3A_722, %select_n3A_719 : vector<16xi32>
      %add3A_724 = arith.addi %broadcast_in_dim3A_704, %mul3A_723 : vector<16xi32>
      %ge3A_725 = vector.broadcast %reduce_sum3A_303 : i32 to vector<16xi32>
      %ge3A_726 = arith.cmpi sge, %mul3A_702, %ge3A_725 : vector<16xi32>
      %jit3A_727 = arith.constant 1 : i32
      %jit3A_728 = arith.constant 0 : i32
      %broadcast_in_dim3A_729 = vector.broadcast %jit3A_727 : i32 to vector<16xi32>
      %broadcast_in_dim3A_730 = vector.broadcast %jit3A_728 : i32 to vector<16xi32>
      %select_n3A_731 = arith.select %ge3A_726, %broadcast_in_dim3A_729, %broadcast_in_dim3A_730 : vector<16xi1>, vector<16xi32>
      %add3A_732 = arith.addi %reduce_sum3A_303, %reduce_sum3A_383 : i32
      %lt3A_733 = vector.broadcast %add3A_732 : i32 to vector<16xi32>
      %lt3A_734 = arith.cmpi slt, %mul3A_702, %lt3A_733 : vector<16xi32>
      %jit3A_735 = arith.constant 1 : i32
      %jit3A_736 = arith.constant 0 : i32
      %broadcast_in_dim3A_737 = vector.broadcast %jit3A_735 : i32 to vector<16xi32>
      %broadcast_in_dim3A_738 = vector.broadcast %jit3A_736 : i32 to vector<16xi32>
      %select_n3A_739 = arith.select %lt3A_734, %broadcast_in_dim3A_737, %broadcast_in_dim3A_738 : vector<16xi1>, vector<16xi32>
      %mul3A_740 = arith.constant 1 : i32
      %mul3A_741 = vector.broadcast %mul3A_740 : i32 to vector<16xi32>
      %mul3A_742 = arith.muli %mul3A_741, %select_n3A_731 : vector<16xi32>
      %mul3A_743 = arith.muli %mul3A_742, %select_n3A_739 : vector<16xi32>
      %add3A_744 = arith.addi %add3A_724, %mul3A_743 : vector<16xi32>
      %ge3A_745 = vector.broadcast %reduce_sum3A_313 : i32 to vector<16xi32>
      %ge3A_746 = arith.cmpi sge, %mul3A_702, %ge3A_745 : vector<16xi32>
      %jit3A_747 = arith.constant 1 : i32
      %jit3A_748 = arith.constant 0 : i32
      %broadcast_in_dim3A_749 = vector.broadcast %jit3A_747 : i32 to vector<16xi32>
      %broadcast_in_dim3A_750 = vector.broadcast %jit3A_748 : i32 to vector<16xi32>
      %select_n3A_751 = arith.select %ge3A_746, %broadcast_in_dim3A_749, %broadcast_in_dim3A_750 : vector<16xi1>, vector<16xi32>
      %add3A_752 = arith.addi %reduce_sum3A_313, %reduce_sum3A_393 : i32
      %lt3A_753 = vector.broadcast %add3A_752 : i32 to vector<16xi32>
      %lt3A_754 = arith.cmpi slt, %mul3A_702, %lt3A_753 : vector<16xi32>
      %jit3A_755 = arith.constant 1 : i32
      %jit3A_756 = arith.constant 0 : i32
      %broadcast_in_dim3A_757 = vector.broadcast %jit3A_755 : i32 to vector<16xi32>
      %broadcast_in_dim3A_758 = vector.broadcast %jit3A_756 : i32 to vector<16xi32>
      %select_n3A_759 = arith.select %lt3A_754, %broadcast_in_dim3A_757, %broadcast_in_dim3A_758 : vector<16xi1>, vector<16xi32>
      %mul3A_760 = arith.constant 2 : i32
      %mul3A_761 = vector.broadcast %mul3A_760 : i32 to vector<16xi32>
      %mul3A_762 = arith.muli %mul3A_761, %select_n3A_751 : vector<16xi32>
      %mul3A_763 = arith.muli %mul3A_762, %select_n3A_759 : vector<16xi32>
      %add3A_764 = arith.addi %add3A_744, %mul3A_763 : vector<16xi32>
      %ge3A_765 = vector.broadcast %reduce_sum3A_323 : i32 to vector<16xi32>
      %ge3A_766 = arith.cmpi sge, %mul3A_702, %ge3A_765 : vector<16xi32>
      %jit3A_767 = arith.constant 1 : i32
      %jit3A_768 = arith.constant 0 : i32
      %broadcast_in_dim3A_769 = vector.broadcast %jit3A_767 : i32 to vector<16xi32>
      %broadcast_in_dim3A_770 = vector.broadcast %jit3A_768 : i32 to vector<16xi32>
      %select_n3A_771 = arith.select %ge3A_766, %broadcast_in_dim3A_769, %broadcast_in_dim3A_770 : vector<16xi1>, vector<16xi32>
      %add3A_772 = arith.addi %reduce_sum3A_323, %reduce_sum3A_403 : i32
      %lt3A_773 = vector.broadcast %add3A_772 : i32 to vector<16xi32>
      %lt3A_774 = arith.cmpi slt, %mul3A_702, %lt3A_773 : vector<16xi32>
      %jit3A_775 = arith.constant 1 : i32
      %jit3A_776 = arith.constant 0 : i32
      %broadcast_in_dim3A_777 = vector.broadcast %jit3A_775 : i32 to vector<16xi32>
      %broadcast_in_dim3A_778 = vector.broadcast %jit3A_776 : i32 to vector<16xi32>
      %select_n3A_779 = arith.select %lt3A_774, %broadcast_in_dim3A_777, %broadcast_in_dim3A_778 : vector<16xi1>, vector<16xi32>
      %mul3A_780 = arith.constant 3 : i32
      %mul3A_781 = vector.broadcast %mul3A_780 : i32 to vector<16xi32>
      %mul3A_782 = arith.muli %mul3A_781, %select_n3A_771 : vector<16xi32>
      %mul3A_783 = arith.muli %mul3A_782, %select_n3A_779 : vector<16xi32>
      %add3A_784 = arith.addi %add3A_764, %mul3A_783 : vector<16xi32>
      %ge3A_785 = vector.broadcast %reduce_sum3A_333 : i32 to vector<16xi32>
      %ge3A_786 = arith.cmpi sge, %mul3A_702, %ge3A_785 : vector<16xi32>
      %jit3A_787 = arith.constant 1 : i32
      %jit3A_788 = arith.constant 0 : i32
      %broadcast_in_dim3A_789 = vector.broadcast %jit3A_787 : i32 to vector<16xi32>
      %broadcast_in_dim3A_790 = vector.broadcast %jit3A_788 : i32 to vector<16xi32>
      %select_n3A_791 = arith.select %ge3A_786, %broadcast_in_dim3A_789, %broadcast_in_dim3A_790 : vector<16xi1>, vector<16xi32>
      %add3A_792 = arith.addi %reduce_sum3A_333, %reduce_sum3A_413 : i32
      %lt3A_793 = vector.broadcast %add3A_792 : i32 to vector<16xi32>
      %lt3A_794 = arith.cmpi slt, %mul3A_702, %lt3A_793 : vector<16xi32>
      %jit3A_795 = arith.constant 1 : i32
      %jit3A_796 = arith.constant 0 : i32
      %broadcast_in_dim3A_797 = vector.broadcast %jit3A_795 : i32 to vector<16xi32>
      %broadcast_in_dim3A_798 = vector.broadcast %jit3A_796 : i32 to vector<16xi32>
      %select_n3A_799 = arith.select %lt3A_794, %broadcast_in_dim3A_797, %broadcast_in_dim3A_798 : vector<16xi1>, vector<16xi32>
      %mul3A_800 = arith.constant 4 : i32
      %mul3A_801 = vector.broadcast %mul3A_800 : i32 to vector<16xi32>
      %mul3A_802 = arith.muli %mul3A_801, %select_n3A_791 : vector<16xi32>
      %mul3A_803 = arith.muli %mul3A_802, %select_n3A_799 : vector<16xi32>
      %add3A_804 = arith.addi %add3A_784, %mul3A_803 : vector<16xi32>
      %ge3A_805 = vector.broadcast %reduce_sum3A_343 : i32 to vector<16xi32>
      %ge3A_806 = arith.cmpi sge, %mul3A_702, %ge3A_805 : vector<16xi32>
      %jit3A_807 = arith.constant 1 : i32
      %jit3A_808 = arith.constant 0 : i32
      %broadcast_in_dim3A_809 = vector.broadcast %jit3A_807 : i32 to vector<16xi32>
      %broadcast_in_dim3A_810 = vector.broadcast %jit3A_808 : i32 to vector<16xi32>
      %select_n3A_811 = arith.select %ge3A_806, %broadcast_in_dim3A_809, %broadcast_in_dim3A_810 : vector<16xi1>, vector<16xi32>
      %add3A_812 = arith.addi %reduce_sum3A_343, %reduce_sum3A_423 : i32
      %lt3A_813 = vector.broadcast %add3A_812 : i32 to vector<16xi32>
      %lt3A_814 = arith.cmpi slt, %mul3A_702, %lt3A_813 : vector<16xi32>
      %jit3A_815 = arith.constant 1 : i32
      %jit3A_816 = arith.constant 0 : i32
      %broadcast_in_dim3A_817 = vector.broadcast %jit3A_815 : i32 to vector<16xi32>
      %broadcast_in_dim3A_818 = vector.broadcast %jit3A_816 : i32 to vector<16xi32>
      %select_n3A_819 = arith.select %lt3A_814, %broadcast_in_dim3A_817, %broadcast_in_dim3A_818 : vector<16xi1>, vector<16xi32>
      %mul3A_820 = arith.constant 5 : i32
      %mul3A_821 = vector.broadcast %mul3A_820 : i32 to vector<16xi32>
      %mul3A_822 = arith.muli %mul3A_821, %select_n3A_811 : vector<16xi32>
      %mul3A_823 = arith.muli %mul3A_822, %select_n3A_819 : vector<16xi32>
      %add3A_824 = arith.addi %add3A_804, %mul3A_823 : vector<16xi32>
      %ge3A_825 = vector.broadcast %reduce_sum3A_353 : i32 to vector<16xi32>
      %ge3A_826 = arith.cmpi sge, %mul3A_702, %ge3A_825 : vector<16xi32>
      %jit3A_827 = arith.constant 1 : i32
      %jit3A_828 = arith.constant 0 : i32
      %broadcast_in_dim3A_829 = vector.broadcast %jit3A_827 : i32 to vector<16xi32>
      %broadcast_in_dim3A_830 = vector.broadcast %jit3A_828 : i32 to vector<16xi32>
      %select_n3A_831 = arith.select %ge3A_826, %broadcast_in_dim3A_829, %broadcast_in_dim3A_830 : vector<16xi1>, vector<16xi32>
      %add3A_832 = arith.addi %reduce_sum3A_353, %reduce_sum3A_433 : i32
      %lt3A_833 = vector.broadcast %add3A_832 : i32 to vector<16xi32>
      %lt3A_834 = arith.cmpi slt, %mul3A_702, %lt3A_833 : vector<16xi32>
      %jit3A_835 = arith.constant 1 : i32
      %jit3A_836 = arith.constant 0 : i32
      %broadcast_in_dim3A_837 = vector.broadcast %jit3A_835 : i32 to vector<16xi32>
      %broadcast_in_dim3A_838 = vector.broadcast %jit3A_836 : i32 to vector<16xi32>
      %select_n3A_839 = arith.select %lt3A_834, %broadcast_in_dim3A_837, %broadcast_in_dim3A_838 : vector<16xi1>, vector<16xi32>
      %mul3A_840 = arith.constant 6 : i32
      %mul3A_841 = vector.broadcast %mul3A_840 : i32 to vector<16xi32>
      %mul3A_842 = arith.muli %mul3A_841, %select_n3A_831 : vector<16xi32>
      %mul3A_843 = arith.muli %mul3A_842, %select_n3A_839 : vector<16xi32>
      %add3A_844 = arith.addi %add3A_824, %mul3A_843 : vector<16xi32>
      %ge3A_845 = vector.broadcast %reduce_sum3A_363 : i32 to vector<16xi32>
      %ge3A_846 = arith.cmpi sge, %mul3A_702, %ge3A_845 : vector<16xi32>
      %jit3A_847 = arith.constant 1 : i32
      %jit3A_848 = arith.constant 0 : i32
      %broadcast_in_dim3A_849 = vector.broadcast %jit3A_847 : i32 to vector<16xi32>
      %broadcast_in_dim3A_850 = vector.broadcast %jit3A_848 : i32 to vector<16xi32>
      %select_n3A_851 = arith.select %ge3A_846, %broadcast_in_dim3A_849, %broadcast_in_dim3A_850 : vector<16xi1>, vector<16xi32>
      %add3A_852 = arith.addi %reduce_sum3A_363, %reduce_sum3A_443 : i32
      %lt3A_853 = vector.broadcast %add3A_852 : i32 to vector<16xi32>
      %lt3A_854 = arith.cmpi slt, %mul3A_702, %lt3A_853 : vector<16xi32>
      %jit3A_855 = arith.constant 1 : i32
      %jit3A_856 = arith.constant 0 : i32
      %broadcast_in_dim3A_857 = vector.broadcast %jit3A_855 : i32 to vector<16xi32>
      %broadcast_in_dim3A_858 = vector.broadcast %jit3A_856 : i32 to vector<16xi32>
      %select_n3A_859 = arith.select %lt3A_854, %broadcast_in_dim3A_857, %broadcast_in_dim3A_858 : vector<16xi1>, vector<16xi32>
      %mul3A_860 = arith.constant 7 : i32
      %mul3A_861 = vector.broadcast %mul3A_860 : i32 to vector<16xi32>
      %mul3A_862 = arith.muli %mul3A_861, %select_n3A_851 : vector<16xi32>
      %mul3A_863 = arith.muli %mul3A_862, %select_n3A_859 : vector<16xi32>
      %add3A_864 = arith.addi %add3A_844, %mul3A_863 : vector<16xi32>
      %swap3A_865 = arith.constant 16 : index
      %swap3A_866 = tpu.vector_load %arg21[%swap3A_865] {strides = array<i32>} : memref<56xi32, #tpu.memory_space<vmem>>, vector<16xi32>,
      tpu.vector_store %arg21[%swap3A_865], %add3A_864 {strides = array<i32>} : memref<56xi32, #tpu.memory_space<vmem>>, vector<16xi32>,
      %lt3A_867 = vector.broadcast %reduce_sum3A_518 : i32 to vector<16xi32>
      %lt3A_868 = arith.cmpi slt, %mul3A_702, %lt3A_867 : vector<16xi32>
      %jit3A_869 = arith.constant 1 : i32
      %jit3A_870 = arith.constant 0 : i32
      %broadcast_in_dim3A_871 = vector.broadcast %jit3A_869 : i32 to vector<16xi32>
      %broadcast_in_dim3A_872 = vector.broadcast %jit3A_870 : i32 to vector<16xi32>
      %select_n3A_873 = arith.select %lt3A_868, %broadcast_in_dim3A_871, %broadcast_in_dim3A_872 : vector<16xi1>, vector<16xi32>
      %swap3A_874 = arith.constant 16 : index
      %swap3A_875 = tpu.vector_load %arg22[%swap3A_874] {strides = array<i32>} : memref<56xi32, #tpu.memory_space<vmem>>, vector<16xi32>,
      tpu.vector_store %arg22[%swap3A_874], %select_n3A_873 {strides = array<i32>} : memref<56xi32, #tpu.memory_space<vmem>>, vector<16xi32>,
      %add3A_876 = arith.constant 32 : i32
      %add3A_877 = vector.broadcast %add3A_876 : i32 to vector<16xi32>
      %add3A_878 = arith.addi %add3A_877, %iota3A : vector<16xi32>
      %mul3A_879 = arith.constant 256 : i32
      %mul3A_880 = vector.broadcast %mul3A_879 : i32 to vector<16xi32>
      %mul3A_881 = arith.muli %add3A_878, %mul3A_880 : vector<16xi32>
      %broadcast_in_dim3A_882 = arith.constant 0 : i32
      %broadcast_in_dim3A_883 = vector.broadcast %broadcast_in_dim3A_882 : i32 to vector<16xi32>
      %ge3A_884 = vector.broadcast %reduce_sum3A_293 : i32 to vector<16xi32>
      %ge3A_885 = arith.cmpi sge, %mul3A_881, %ge3A_884 : vector<16xi32>
      %jit3A_886 = arith.constant 1 : i32
      %jit3A_887 = arith.constant 0 : i32
      %broadcast_in_dim3A_888 = vector.broadcast %jit3A_886 : i32 to vector<16xi32>
      %broadcast_in_dim3A_889 = vector.broadcast %jit3A_887 : i32 to vector<16xi32>
      %select_n3A_890 = arith.select %ge3A_885, %broadcast_in_dim3A_888, %broadcast_in_dim3A_889 : vector<16xi1>, vector<16xi32>
      %add3A_891 = arith.addi %reduce_sum3A_293, %reduce_sum3A_373 : i32
      %lt3A_892 = vector.broadcast %add3A_891 : i32 to vector<16xi32>
      %lt3A_893 = arith.cmpi slt, %mul3A_881, %lt3A_892 : vector<16xi32>
      %jit3A_894 = arith.constant 1 : i32
      %jit3A_895 = arith.constant 0 : i32
      %broadcast_in_dim3A_896 = vector.broadcast %jit3A_894 : i32 to vector<16xi32>
      %broadcast_in_dim3A_897 = vector.broadcast %jit3A_895 : i32 to vector<16xi32>
      %select_n3A_898 = arith.select %lt3A_893, %broadcast_in_dim3A_896, %broadcast_in_dim3A_897 : vector<16xi1>, vector<16xi32>
      %mul3A_899 = arith.constant 0 : i32
      %mul3A_900 = vector.broadcast %mul3A_899 : i32 to vector<16xi32>
      %mul3A_901 = arith.muli %mul3A_900, %select_n3A_890 : vector<16xi32>
      %mul3A_902 = arith.muli %mul3A_901, %select_n3A_898 : vector<16xi32>
      %add3A_903 = arith.addi %broadcast_in_dim3A_883, %mul3A_902 : vector<16xi32>
      %ge3A_904 = vector.broadcast %reduce_sum3A_303 : i32 to vector<16xi32>
      %ge3A_905 = arith.cmpi sge, %mul3A_881, %ge3A_904 : vector<16xi32>
      %jit3A_906 = arith.constant 1 : i32
      %jit3A_907 = arith.constant 0 : i32
      %broadcast_in_dim3A_908 = vector.broadcast %jit3A_906 : i32 to vector<16xi32>
      %broadcast_in_dim3A_909 = vector.broadcast %jit3A_907 : i32 to vector<16xi32>
      %select_n3A_910 = arith.select %ge3A_905, %broadcast_in_dim3A_908, %broadcast_in_dim3A_909 : vector<16xi1>, vector<16xi32>
      %add3A_911 = arith.addi %reduce_sum3A_303, %reduce_sum3A_383 : i32
      %lt3A_912 = vector.broadcast %add3A_911 : i32 to vector<16xi32>
      %lt3A_913 = arith.cmpi slt, %mul3A_881, %lt3A_912 : vector<16xi32>
      %jit3A_914 = arith.constant 1 : i32
      %jit3A_915 = arith.constant 0 : i32
      %broadcast_in_dim3A_916 = vector.broadcast %jit3A_914 : i32 to vector<16xi32>
      %broadcast_in_dim3A_917 = vector.broadcast %jit3A_915 : i32 to vector<16xi32>
      %select_n3A_918 = arith.select %lt3A_913, %broadcast_in_dim3A_916, %broadcast_in_dim3A_917 : vector<16xi1>, vector<16xi32>
      %mul3A_919 = arith.constant 1 : i32
      %mul3A_920 = vector.broadcast %mul3A_919 : i32 to vector<16xi32>
      %mul3A_921 = arith.muli %mul3A_920, %select_n3A_910 : vector<16xi32>
      %mul3A_922 = arith.muli %mul3A_921, %select_n3A_918 : vector<16xi32>
      %add3A_923 = arith.addi %add3A_903, %mul3A_922 : vector<16xi32>
      %ge3A_924 = vector.broadcast %reduce_sum3A_313 : i32 to vector<16xi32>
      %ge3A_925 = arith.cmpi sge, %mul3A_881, %ge3A_924 : vector<16xi32>
      %jit3A_926 = arith.constant 1 : i32
      %jit3A_927 = arith.constant 0 : i32
      %broadcast_in_dim3A_928 = vector.broadcast %jit3A_926 : i32 to vector<16xi32>
      %broadcast_in_dim3A_929 = vector.broadcast %jit3A_927 : i32 to vector<16xi32>
      %select_n3A_930 = arith.select %ge3A_925, %broadcast_in_dim3A_928, %broadcast_in_dim3A_929 : vector<16xi1>, vector<16xi32>
      %add3A_931 = arith.addi %reduce_sum3A_313, %reduce_sum3A_393 : i32
      %lt3A_932 = vector.broadcast %add3A_931 : i32 to vector<16xi32>
      %lt3A_933 = arith.cmpi slt, %mul3A_881, %lt3A_932 : vector<16xi32>
      %jit3A_934 = arith.constant 1 : i32
      %jit3A_935 = arith.constant 0 : i32
      %broadcast_in_dim3A_936 = vector.broadcast %jit3A_934 : i32 to vector<16xi32>
      %broadcast_in_dim3A_937 = vector.broadcast %jit3A_935 : i32 to vector<16xi32>
      %select_n3A_938 = arith.select %lt3A_933, %broadcast_in_dim3A_936, %broadcast_in_dim3A_937 : vector<16xi1>, vector<16xi32>
      %mul3A_939 = arith.constant 2 : i32
      %mul3A_940 = vector.broadcast %mul3A_939 : i32 to vector<16xi32>
      %mul3A_941 = arith.muli %mul3A_940, %select_n3A_930 : vector<16xi32>
      %mul3A_942 = arith.muli %mul3A_941, %select_n3A_938 : vector<16xi32>
      %add3A_943 = arith.addi %add3A_923, %mul3A_942 : vector<16xi32>
      %ge3A_944 = vector.broadcast %reduce_sum3A_323 : i32 to vector<16xi32>
      %ge3A_945 = arith.cmpi sge, %mul3A_881, %ge3A_944 : vector<16xi32>
      %jit3A_946 = arith.constant 1 : i32
      %jit3A_947 = arith.constant 0 : i32
      %broadcast_in_dim3A_948 = vector.broadcast %jit3A_946 : i32 to vector<16xi32>
      %broadcast_in_dim3A_949 = vector.broadcast %jit3A_947 : i32 to vector<16xi32>
      %select_n3A_950 = arith.select %ge3A_945, %broadcast_in_dim3A_948, %broadcast_in_dim3A_949 : vector<16xi1>, vector<16xi32>
      %add3A_951 = arith.addi %reduce_sum3A_323, %reduce_sum3A_403 : i32
      %lt3A_952 = vector.broadcast %add3A_951 : i32 to vector<16xi32>
      %lt3A_953 = arith.cmpi slt, %mul3A_881, %lt3A_952 : vector<16xi32>
      %jit3A_954 = arith.constant 1 : i32
      %jit3A_955 = arith.constant 0 : i32
      %broadcast_in_dim3A_956 = vector.broadcast %jit3A_954 : i32 to vector<16xi32>
      %broadcast_in_dim3A_957 = vector.broadcast %jit3A_955 : i32 to vector<16xi32>
      %select_n3A_958 = arith.select %lt3A_953, %broadcast_in_dim3A_956, %broadcast_in_dim3A_957 : vector<16xi1>, vector<16xi32>
      %mul3A_959 = arith.constant 3 : i32
      %mul3A_960 = vector.broadcast %mul3A_959 : i32 to vector<16xi32>
      %mul3A_961 = arith.muli %mul3A_960, %select_n3A_950 : vector<16xi32>
      %mul3A_962 = arith.muli %mul3A_961, %select_n3A_958 : vector<16xi32>
      %add3A_963 = arith.addi %add3A_943, %mul3A_962 : vector<16xi32>
      %ge3A_964 = vector.broadcast %reduce_sum3A_333 : i32 to vector<16xi32>
      %ge3A_965 = arith.cmpi sge, %mul3A_881, %ge3A_964 : vector<16xi32>
      %jit3A_966 = arith.constant 1 : i32
      %jit3A_967 = arith.constant 0 : i32
      %broadcast_in_dim3A_968 = vector.broadcast %jit3A_966 : i32 to vector<16xi32>
      %broadcast_in_dim3A_969 = vector.broadcast %jit3A_967 : i32 to vector<16xi32>
      %select_n3A_970 = arith.select %ge3A_965, %broadcast_in_dim3A_968, %broadcast_in_dim3A_969 : vector<16xi1>, vector<16xi32>
      %add3A_971 = arith.addi %reduce_sum3A_333, %reduce_sum3A_413 : i32
      %lt3A_972 = vector.broadcast %add3A_971 : i32 to vector<16xi32>
      %lt3A_973 = arith.cmpi slt, %mul3A_881, %lt3A_972 : vector<16xi32>
      %jit3A_974 = arith.constant 1 : i32
      %jit3A_975 = arith.constant 0 : i32
      %broadcast_in_dim3A_976 = vector.broadcast %jit3A_974 : i32 to vector<16xi32>
      %broadcast_in_dim3A_977 = vector.broadcast %jit3A_975 : i32 to vector<16xi32>
      %select_n3A_978 = arith.select %lt3A_973, %broadcast_in_dim3A_976, %broadcast_in_dim3A_977 : vector<16xi1>, vector<16xi32>
      %mul3A_979 = arith.constant 4 : i32
      %mul3A_980 = vector.broadcast %mul3A_979 : i32 to vector<16xi32>
      %mul3A_981 = arith.muli %mul3A_980, %select_n3A_970 : vector<16xi32>
      %mul3A_982 = arith.muli %mul3A_981, %select_n3A_978 : vector<16xi32>
      %add3A_983 = arith.addi %add3A_963, %mul3A_982 : vector<16xi32>
      %ge3A_984 = vector.broadcast %reduce_sum3A_343 : i32 to vector<16xi32>
      %ge3A_985 = arith.cmpi sge, %mul3A_881, %ge3A_984 : vector<16xi32>
      %jit3A_986 = arith.constant 1 : i32
      %jit3A_987 = arith.constant 0 : i32
      %broadcast_in_dim3A_988 = vector.broadcast %jit3A_986 : i32 to vector<16xi32>
      %broadcast_in_dim3A_989 = vector.broadcast %jit3A_987 : i32 to vector<16xi32>
      %select_n3A_990 = arith.select %ge3A_985, %broadcast_in_dim3A_988, %broadcast_in_dim3A_989 : vector<16xi1>, vector<16xi32>
      %add3A_991 = arith.addi %reduce_sum3A_343, %reduce_sum3A_423 : i32
      %lt3A_992 = vector.broadcast %add3A_991 : i32 to vector<16xi32>
      %lt3A_993 = arith.cmpi slt, %mul3A_881, %lt3A_992 : vector<16xi32>
      %jit3A_994 = arith.constant 1 : i32
      %jit3A_995 = arith.constant 0 : i32
      %broadcast_in_dim3A_996 = vector.broadcast %jit3A_994 : i32 to vector<16xi32>
      %broadcast_in_dim3A_997 = vector.broadcast %jit3A_995 : i32 to vector<16xi32>
      %select_n3A_998 = arith.select %lt3A_993, %broadcast_in_dim3A_996, %broadcast_in_dim3A_997 : vector<16xi1>, vector<16xi32>
      %mul3A_999 = arith.constant 5 : i32
      %mul3A_1000 = vector.broadcast %mul3A_999 : i32 to vector<16xi32>
      %mul3A_1001 = arith.muli %mul3A_1000, %select_n3A_990 : vector<16xi32>
      %mul3A_1002 = arith.muli %mul3A_1001, %select_n3A_998 : vector<16xi32>
      %add3A_1003 = arith.addi %add3A_983, %mul3A_1002 : vector<16xi32>
      %ge3A_1004 = vector.broadcast %reduce_sum3A_353 : i32 to vector<16xi32>
      %ge3A_1005 = arith.cmpi sge, %mul3A_881, %ge3A_1004 : vector<16xi32>
      %jit3A_1006 = arith.constant 1 : i32
      %jit3A_1007 = arith.constant 0 : i32
      %broadcast_in_dim3A_1008 = vector.broadcast %jit3A_1006 : i32 to vector<16xi32>
      %broadcast_in_dim3A_1009 = vector.broadcast %jit3A_1007 : i32 to vector<16xi32>
      %select_n3A_1010 = arith.select %ge3A_1005, %broadcast_in_dim3A_1008, %broadcast_in_dim3A_1009 : vector<16xi1>, vector<16xi32>
      %add3A_1011 = arith.addi %reduce_sum3A_353, %reduce_sum3A_433 : i32
      %lt3A_1012 = vector.broadcast %add3A_1011 : i32 to vector<16xi32>
      %lt3A_1013 = arith.cmpi slt, %mul3A_881, %lt3A_1012 : vector<16xi32>
      %jit3A_1014 = arith.constant 1 : i32
      %jit3A_1015 = arith.constant 0 : i32
      %broadcast_in_dim3A_1016 = vector.broadcast %jit3A_1014 : i32 to vector<16xi32>
      %broadcast_in_dim3A_1017 = vector.broadcast %jit3A_1015 : i32 to vector<16xi32>
      %select_n3A_1018 = arith.select %lt3A_1013, %broadcast_in_dim3A_1016, %broadcast_in_dim3A_1017 : vector<16xi1>, vector<16xi32>
      %mul3A_1019 = arith.constant 6 : i32
      %mul3A_1020 = vector.broadcast %mul3A_1019 : i32 to vector<16xi32>
      %mul3A_1021 = arith.muli %mul3A_1020, %select_n3A_1010 : vector<16xi32>
      %mul3A_1022 = arith.muli %mul3A_1021, %select_n3A_1018 : vector<16xi32>
      %add3A_1023 = arith.addi %add3A_1003, %mul3A_1022 : vector<16xi32>
      %ge3A_1024 = vector.broadcast %reduce_sum3A_363 : i32 to vector<16xi32>
      %ge3A_1025 = arith.cmpi sge, %mul3A_881, %ge3A_1024 : vector<16xi32>
      %jit3A_1026 = arith.constant 1 : i32
      %jit3A_1027 = arith.constant 0 : i32
      %broadcast_in_dim3A_1028 = vector.broadcast %jit3A_1026 : i32 to vector<16xi32>
      %broadcast_in_dim3A_1029 = vector.broadcast %jit3A_1027 : i32 to vector<16xi32>
      %select_n3A_1030 = arith.select %ge3A_1025, %broadcast_in_dim3A_1028, %broadcast_in_dim3A_1029 : vector<16xi1>, vector<16xi32>
      %add3A_1031 = arith.addi %reduce_sum3A_363, %reduce_sum3A_443 : i32
      %lt3A_1032 = vector.broadcast %add3A_1031 : i32 to vector<16xi32>
      %lt3A_1033 = arith.cmpi slt, %mul3A_881, %lt3A_1032 : vector<16xi32>
      %jit3A_1034 = arith.constant 1 : i32
      %jit3A_1035 = arith.constant 0 : i32
      %broadcast_in_dim3A_1036 = vector.broadcast %jit3A_1034 : i32 to vector<16xi32>
      %broadcast_in_dim3A_1037 = vector.broadcast %jit3A_1035 : i32 to vector<16xi32>
      %select_n3A_1038 = arith.select %lt3A_1033, %broadcast_in_dim3A_1036, %broadcast_in_dim3A_1037 : vector<16xi1>, vector<16xi32>
      %mul3A_1039 = arith.constant 7 : i32
      %mul3A_1040 = vector.broadcast %mul3A_1039 : i32 to vector<16xi32>
      %mul3A_1041 = arith.muli %mul3A_1040, %select_n3A_1030 : vector<16xi32>
      %mul3A_1042 = arith.muli %mul3A_1041, %select_n3A_1038 : vector<16xi32>
      %add3A_1043 = arith.addi %add3A_1023, %mul3A_1042 : vector<16xi32>
      %swap3A_1044 = arith.constant 32 : index
      %swap3A_1045 = tpu.vector_load %arg21[%swap3A_1044] {strides = array<i32>} : memref<56xi32, #tpu.memory_space<vmem>>, vector<16xi32>,
      tpu.vector_store %arg21[%swap3A_1044], %add3A_1043 {strides = array<i32>} : memref<56xi32, #tpu.memory_space<vmem>>, vector<16xi32>,
      %lt3A_1046 = vector.broadcast %reduce_sum3A_518 : i32 to vector<16xi32>
      %lt3A_1047 = arith.cmpi slt, %mul3A_881, %lt3A_1046 : vector<16xi32>
      %jit3A_1048 = arith.constant 1 : i32
      %jit3A_1049 = arith.constant 0 : i32
      %broadcast_in_dim3A_1050 = vector.broadcast %jit3A_1048 : i32 to vector<16xi32>
      %broadcast_in_dim3A_1051 = vector.broadcast %jit3A_1049 : i32 to vector<16xi32>
      %select_n3A_1052 = arith.select %lt3A_1047, %broadcast_in_dim3A_1050, %broadcast_in_dim3A_1051 : vector<16xi1>, vector<16xi32>
      %swap3A_1053 = arith.constant 32 : index
      %swap3A_1054 = tpu.vector_load %arg22[%swap3A_1053] {strides = array<i32>} : memref<56xi32, #tpu.memory_space<vmem>>, vector<16xi32>,
      tpu.vector_store %arg22[%swap3A_1053], %select_n3A_1052 {strides = array<i32>} : memref<56xi32, #tpu.memory_space<vmem>>, vector<16xi32>,
      "tpu.region"() ({
        %run_scoped3A_1055 = tpu.sem_alloc : memref<!tpu.dma_semaphore, #tpu.memory_space<semaphore_mem>>
        tpu.enqueue_dma source(%arg21 : memref<56xi32, #tpu.memory_space<vmem>>) target(%arg8 : memref<56xi32, #tpu.memory_space<hbm>>) target_semaphore(%run_scoped3A_1055 : memref<!tpu.dma_semaphore, #tpu.memory_space<semaphore_mem>>)
        tpu.wait_dma2 semaphore(%run_scoped3A_1055 : memref<!tpu.dma_semaphore, #tpu.memory_space<semaphore_mem>>) src(%arg21 : memref<56xi32, #tpu.memory_space<vmem>>) dst(%arg8 : memref<56xi32, #tpu.memory_space<hbm>>)
        tpu.yield
      }) : () -> ()
      "tpu.region"() ({
        %run_scoped3A_1055 = tpu.sem_alloc : memref<!tpu.dma_semaphore, #tpu.memory_space<semaphore_mem>>
        tpu.enqueue_dma source(%arg22 : memref<56xi32, #tpu.memory_space<vmem>>) target(%arg9 : memref<56xi32, #tpu.memory_space<hbm>>) target_semaphore(%run_scoped3A_1055 : memref<!tpu.dma_semaphore, #tpu.memory_space<semaphore_mem>>)
        tpu.wait_dma2 semaphore(%run_scoped3A_1055 : memref<!tpu.dma_semaphore, #tpu.memory_space<semaphore_mem>>) src(%arg22 : memref<56xi32, #tpu.memory_space<vmem>>) dst(%arg9 : memref<56xi32, #tpu.memory_space<hbm>>)
        tpu.yield
      }) : () -> ()
    } else {
    }
    %barrier3A_483 = arith.constant 0 : index
    tpu.barrier barrier_id(%barrier3A_483)
    %mul3A_484 = arith.constant 16 : i32
    %mul3A_485 = arith.muli %arg0, %mul3A_484 : i32
    %add3A_486 = arith.addi %mul3A_485, %arg1 : i32
    %mul3A_487 = arith.constant 320 : i32
    %mul3A_488 = arith.muli %add3A_486, %mul3A_487 : i32
    "tpu.region"() ({
      %run_scoped3A_509 = tpu.sem_alloc : memref<!tpu.dma_semaphore, #tpu.memory_space<semaphore_mem>>
      %dma_start3A = arith.constant 0 : i32
      %dma_start3A_510 = tpu.memref_slice %arg11[%dma_start3A] : memref<512xf32, #tpu.memory_space<vmem>> -> memref<320xf32, #tpu.memory_space<vmem>>
      %dma_start3A_511 = tpu.memref_slice %arg25[%mul3A_488] : memref<10240xf32, #tpu.memory_space<vmem_shared>> -> memref<320xf32, #tpu.memory_space<vmem_shared>>
      %dma_start3A_512 = arith.constant 0 : i32
      %dma_start3A_513 = tpu.memref_slice %arg11[%dma_start3A_512] : memref<512xf32, #tpu.memory_space<vmem>> -> memref<320xf32, #tpu.memory_space<vmem>>
      %dma_start3A_514 = tpu.memref_slice %arg25[%mul3A_488] : memref<10240xf32, #tpu.memory_space<vmem_shared>> -> memref<320xf32, #tpu.memory_space<vmem_shared>>
      tpu.enqueue_dma source(%dma_start3A_514 : memref<320xf32, #tpu.memory_space<vmem_shared>>) target(%dma_start3A_513 : memref<320xf32, #tpu.memory_space<vmem>>) target_semaphore(%run_scoped3A_509 : memref<!tpu.dma_semaphore, #tpu.memory_space<semaphore_mem>>)
      %dma_wait3A = arith.constant 0 : i32
      %dma_wait3A_515 = tpu.memref_slice %arg11[%dma_wait3A] : memref<512xf32, #tpu.memory_space<vmem>> -> memref<320xf32, #tpu.memory_space<vmem>>
      %dma_wait3A_516 = tpu.memref_slice %arg25[%mul3A_488] : memref<10240xf32, #tpu.memory_space<vmem_shared>> -> memref<320xf32, #tpu.memory_space<vmem_shared>>
      %dma_wait3A_517 = arith.constant 0 : i32
      %dma_wait3A_518 = tpu.memref_slice %arg11[%dma_wait3A_517] : memref<512xf32, #tpu.memory_space<vmem>> -> memref<320xf32, #tpu.memory_space<vmem>>
      %dma_wait3A_519 = tpu.memref_slice %arg25[%mul3A_488] : memref<10240xf32, #tpu.memory_space<vmem_shared>> -> memref<320xf32, #tpu.memory_space<vmem_shared>>
      tpu.wait_dma2 semaphore(%run_scoped3A_509 : memref<!tpu.dma_semaphore, #tpu.memory_space<semaphore_mem>>) src(%dma_wait3A_519 : memref<320xf32, #tpu.memory_space<vmem_shared>>) dst(%dma_wait3A_518 : memref<320xf32, #tpu.memory_space<vmem>>)
      tpu.yield
    }) : () -> ()
    "tpu.region"() ({
      %run_scoped3A_509 = tpu.sem_alloc : memref<!tpu.dma_semaphore, #tpu.memory_space<semaphore_mem>>
      %dma_start3A = arith.constant 0 : i32
      %dma_start3A_510 = tpu.memref_slice %arg11[%dma_start3A] : memref<512xf32, #tpu.memory_space<vmem>> -> memref<320xf32, #tpu.memory_space<vmem>>
      %dma_start3A_511 = tpu.memref_slice %arg6[%mul3A_488] : memref<10240xf32, #tpu.memory_space<hbm>> -> memref<320xf32, #tpu.memory_space<hbm>>
      %dma_start3A_512 = tpu.memref_slice %arg6[%mul3A_488] : memref<10240xf32, #tpu.memory_space<hbm>> -> memref<320xf32, #tpu.memory_space<hbm>>
      %dma_start3A_513 = arith.constant 0 : i32
      %dma_start3A_514 = tpu.memref_slice %arg11[%dma_start3A_513] : memref<512xf32, #tpu.memory_space<vmem>> -> memref<320xf32, #tpu.memory_space<vmem>>
      tpu.enqueue_dma source(%dma_start3A_514 : memref<320xf32, #tpu.memory_space<vmem>>) target(%dma_start3A_512 : memref<320xf32, #tpu.memory_space<hbm>>) target_semaphore(%run_scoped3A_509 : memref<!tpu.dma_semaphore, #tpu.memory_space<semaphore_mem>>)
      %dma_wait3A = arith.constant 0 : i32
      %dma_wait3A_515 = tpu.memref_slice %arg11[%dma_wait3A] : memref<512xf32, #tpu.memory_space<vmem>> -> memref<320xf32, #tpu.memory_space<vmem>>
      %dma_wait3A_516 = tpu.memref_slice %arg6[%mul3A_488] : memref<10240xf32, #tpu.memory_space<hbm>> -> memref<320xf32, #tpu.memory_space<hbm>>
      %dma_wait3A_517 = tpu.memref_slice %arg6[%mul3A_488] : memref<10240xf32, #tpu.memory_space<hbm>> -> memref<320xf32, #tpu.memory_space<hbm>>
      %dma_wait3A_518 = arith.constant 0 : i32
      %dma_wait3A_519 = tpu.memref_slice %arg11[%dma_wait3A_518] : memref<512xf32, #tpu.memory_space<vmem>> -> memref<320xf32, #tpu.memory_space<vmem>>
      tpu.wait_dma2 semaphore(%run_scoped3A_509 : memref<!tpu.dma_semaphore, #tpu.memory_space<semaphore_mem>>) src(%dma_wait3A_519 : memref<320xf32, #tpu.memory_space<vmem>>) dst(%dma_wait3A_517 : memref<320xf32, #tpu.memory_space<hbm>>)
      tpu.yield
    }) : () -> ()
    %eq3A_489 = arith.constant 7 : i32
    %eq3A_490 = vector.broadcast %eq3A_489 : i32 to vector<16xi32>
    %eq3A_491 = arith.cmpi eq, %iota3A, %eq3A_490 : vector<16xi32>
    %jit3A_492 = arith.constant 0 : i32
    %broadcast_in_dim3A_493 = vector.broadcast %jit3A_492 : i32 to vector<16xi32>
    %select_n3A_494 = arith.select %eq3A_491, %masked_cumsum3A, %broadcast_in_dim3A_493 : vector<16xi1>, vector<16xi32>
    %reduce_sum3A_495 = arith.constant true
    %reduce_sum3A_496 = vector.broadcast %reduce_sum3A_495 : i1 to vector<16xi1>
    %reduce_sum3A_497 = tpu.scan <sum>, %select_n3A_494 masked %reduce_sum3A_496 : vector<16xi32>, vector<16xi1> -> vector<16xi32>
    %reduce_sum3A_498 = vector.extract %reduce_sum3A_497[15] : i32 from vector<16xi32>
    %mul3A_499 = arith.constant 16 : i32
    %mul3A_500 = arith.muli %arg0, %mul3A_499 : i32
    %add3A_501 = arith.addi %mul3A_500, %arg1 : i32
    %scan3A_502 = arith.constant 0 : i32
    %scan3A_503 = arith.constant 0 : i32
    %scan3A_504 = arith.constant 8 : i32
    %scan3A_505 = arith.addi %scan3A_503, %scan3A_504 : i32
    %scan3A_506 = arith.constant 1 : i32
    %scan3A_507 = scf.for %scan3A_509 = %scan3A_503 to %scan3A_505 step %scan3A_506 iter_args(%scan3A_510 = %scan3A_502) -> (i32)  : i32 {
      %mul3A_511 = arith.constant 32 : i32
      %mul3A_512 = arith.muli %mul3A_511, %scan3A_509 : i32
      %add3A_513 = arith.addi %add3A_501, %mul3A_512 : i32
      %mul3A_514 = arith.constant 40 : i32
      %mul3A_515 = arith.muli %add3A_513, %mul3A_514 : i32
      %lt3A_516 = arith.cmpi slt, %mul3A_515, %reduce_sum3A_498 : i32
      %convert_element_type3A_517 = arith.extui %lt3A_516 : i1 to i32
      %cond3A_518 = arith.constant 0 : i32
      %cond3A_519 = arith.cmpi ne, %convert_element_type3A_517, %cond3A_518 : i32
      scf.if %cond3A_519 {
        "tpu.region"() ({
          %run_scoped3A_525 = tpu.sem_alloc : memref<!tpu.dma_semaphore, #tpu.memory_space<semaphore_mem>>
          %dma_start3A_526 = tpu.memref_slice %arg24[%mul3A_515] : memref<10240xi32, #tpu.memory_space<vmem_shared>> -> memref<40xi32, #tpu.memory_space<vmem_shared>>
          %dma_start3A_527 = tpu.memref_slice %arg24[%mul3A_515] : memref<10240xi32, #tpu.memory_space<vmem_shared>> -> memref<40xi32, #tpu.memory_space<vmem_shared>>
          tpu.enqueue_dma source(%dma_start3A_527 : memref<40xi32, #tpu.memory_space<vmem_shared>>) target(%arg18 : memref<40xi32, #tpu.memory_space<vmem>>) target_semaphore(%run_scoped3A_525 : memref<!tpu.dma_semaphore, #tpu.memory_space<semaphore_mem>>)
          %dma_wait3A_528 = tpu.memref_slice %arg24[%mul3A_515] : memref<10240xi32, #tpu.memory_space<vmem_shared>> -> memref<40xi32, #tpu.memory_space<vmem_shared>>
          %dma_wait3A_529 = tpu.memref_slice %arg24[%mul3A_515] : memref<10240xi32, #tpu.memory_space<vmem_shared>> -> memref<40xi32, #tpu.memory_space<vmem_shared>>
          tpu.wait_dma2 semaphore(%run_scoped3A_525 : memref<!tpu.dma_semaphore, #tpu.memory_space<semaphore_mem>>) src(%dma_wait3A_529 : memref<40xi32, #tpu.memory_space<vmem_shared>>) dst(%arg18 : memref<40xi32, #tpu.memory_space<vmem>>)
          tpu.yield
        }) : () -> ()
        %dma_start3A = arith.constant 0 : i32
        %dma_start3A_521 = arith.constant 0 : i32
        %dma_start3A_522 = tpu.memref_slice %arg4[%dma_start3A, %dma_start3A_521] : memref<4096x1024xf32, #tpu.memory_space<hbm>> -> memref<4096x1024xf32, #tpu.memory_space<hbm>>
        tpu.enqueue_indirect_dma source(%dma_start3A_522 : memref<4096x1024xf32, #tpu.memory_space<hbm>>) target(%arg19 : memref<40x1024xf32, #tpu.memory_space<vmem>>) offsets(%arg18 : memref<40xi32, #tpu.memory_space<vmem>>) semaphore(%arg26 : memref<!tpu.dma_semaphore, #tpu.memory_space<semaphore_mem>>)
        %dma_wait3A = arith.constant 0 : i32
        %dma_wait3A_523 = arith.constant 0 : i32
        %dma_wait3A_524 = tpu.memref_slice %arg4[%dma_wait3A, %dma_wait3A_523] : memref<4096x1024xf32, #tpu.memory_space<hbm>> -> memref<4096x1024xf32, #tpu.memory_space<hbm>>
        tpu.wait_indirect_dma semaphore(%arg26 : memref<!tpu.dma_semaphore, #tpu.memory_space<semaphore_mem>>) src(%dma_wait3A_524 : memref<4096x1024xf32, #tpu.memory_space<hbm>>) dst(%arg19 : memref<40x1024xf32, #tpu.memory_space<vmem>>)
        "tpu.region"() ({
          %run_scoped3A_525 = tpu.sem_alloc : memref<!tpu.dma_semaphore, #tpu.memory_space<semaphore_mem>>
          %dma_start3A_526 = arith.constant 0 : i32
          %dma_start3A_527 = tpu.memref_slice %arg5[%mul3A_515, %dma_start3A_526] : memref<10240x1024xf32, #tpu.memory_space<hbm>> -> memref<40x1024xf32, #tpu.memory_space<hbm>>
          %dma_start3A_528 = arith.constant 0 : i32
          %dma_start3A_529 = tpu.memref_slice %arg5[%mul3A_515, %dma_start3A_528] : memref<10240x1024xf32, #tpu.memory_space<hbm>> -> memref<40x1024xf32, #tpu.memory_space<hbm>>
          tpu.enqueue_dma source(%arg19 : memref<40x1024xf32, #tpu.memory_space<vmem>>) target(%dma_start3A_529 : memref<40x1024xf32, #tpu.memory_space<hbm>>) target_semaphore(%run_scoped3A_525 : memref<!tpu.dma_semaphore, #tpu.memory_space<semaphore_mem>>)
          %dma_wait3A_530 = arith.constant 0 : i32
          %dma_wait3A_531 = tpu.memref_slice %arg5[%mul3A_515, %dma_wait3A_530] : memref<10240x1024xf32, #tpu.memory_space<hbm>> -> memref<40x1024xf32, #tpu.memory_space<hbm>>
          %dma_wait3A_532 = arith.constant 0 : i32
          %dma_wait3A_533 = tpu.memref_slice %arg5[%mul3A_515, %dma_wait3A_532] : memref<10240x1024xf32, #tpu.memory_space<hbm>> -> memref<40x1024xf32, #tpu.memory_space<hbm>>
          tpu.wait_dma2 semaphore(%run_scoped3A_525 : memref<!tpu.dma_semaphore, #tpu.memory_space<semaphore_mem>>) src(%arg19 : memref<40x1024xf32, #tpu.memory_space<vmem>>) dst(%dma_wait3A_533 : memref<40x1024xf32, #tpu.memory_space<hbm>>)
          tpu.yield
        }) : () -> ()
      } else {
      }
      %scan3A_520 = arith.constant 0 : i32
      scf.yield %scan3A_520 : i32
    }
    %scan3A_508 = arith.constant 8 : i32
    return
  }
}

#map = affine_map<(d0, d1) -> (0, 0)>
#map1 = affine_map<(d0, d1) -> (0)>
module attributes {stable_mosaic.version = 14 : i64} {
  func.func @_combine_body(%arg0: i32, %arg1: i32, %arg2: memref<10240x1024xf32, #tpu.memory_space<hbm>>, %arg3: memref<8192xi32, #tpu.memory_space<hbm>>, %arg4: memref<4096x1024xf32, #tpu.memory_space<hbm>>, %arg5: memref<16xi32, #tpu.memory_space<vmem>>, %arg6: memref<16xi32, #tpu.memory_space<vmem>>, %arg7: memref<16x1024xf32, #tpu.memory_space<vmem>>, %arg8: memref<16x1024xf32, #tpu.memory_space<vmem>>, %arg9: memref<16x1024xf32, #tpu.memory_space<vmem>>, %arg10: memref<!tpu.dma_semaphore, #tpu.memory_space<semaphore_mem>>, %arg11: memref<!tpu.dma_semaphore, #tpu.memory_space<semaphore_mem>>) attributes {dimension_semantics = [#tpu.dimension_semantics<core_parallel>, #tpu.dimension_semantics<subcore_parallel>], iteration_bounds = array<i64: 2, 16>, scalar_prefetch = 0 : i64, scratch_operands = 7 : i64, tpu.core_type = #tpu.core_type<sc_vector_subcore>, window_params = [{transform_indices = #map}, {transform_indices = #map1}, {transform_indices = #map}]} {
    %mul3A = arith.constant 16 : i32
    %mul3A_0 = arith.muli %arg0, %mul3A : i32
    %add3A = arith.addi %mul3A_0, %arg1 : i32
    %mul3A_1 = arith.constant 128 : i32
    %mul3A_2 = arith.muli %add3A, %mul3A_1 : i32
    %scan3A = arith.constant 0 : i32
    %scan3A_3 = arith.constant 0 : i32
    %scan3A_4 = arith.constant 8 : i32
    %scan3A_5 = arith.addi %scan3A_3, %scan3A_4 : i32
    %scan3A_6 = arith.constant 1 : i32
    %scan3A_7 = scf.for %scan3A_9 = %scan3A_3 to %scan3A_5 step %scan3A_6 iter_args(%scan3A_10 = %scan3A) -> (i32)  : i32 {
      %mul3A_11 = arith.constant 16 : i32
      %mul3A_12 = arith.muli %scan3A_9, %mul3A_11 : i32
      %add3A_13 = arith.addi %mul3A_2, %mul3A_12 : i32
      "tpu.region"() ({
        %run_scoped3A = tpu.sem_alloc : memref<!tpu.dma_semaphore, #tpu.memory_space<semaphore_mem>>
        %dma_start3A_34 = tpu.memref_slice %arg3[%add3A_13] : memref<8192xi32, #tpu.memory_space<hbm>> -> memref<16xi32, #tpu.memory_space<hbm>>
        %dma_start3A_35 = tpu.memref_slice %arg3[%add3A_13] : memref<8192xi32, #tpu.memory_space<hbm>> -> memref<16xi32, #tpu.memory_space<hbm>>
        tpu.enqueue_dma source(%dma_start3A_35 : memref<16xi32, #tpu.memory_space<hbm>>) target(%arg5 : memref<16xi32, #tpu.memory_space<vmem>>) target_semaphore(%run_scoped3A : memref<!tpu.dma_semaphore, #tpu.memory_space<semaphore_mem>>)
        %dma_wait3A_36 = tpu.memref_slice %arg3[%add3A_13] : memref<8192xi32, #tpu.memory_space<hbm>> -> memref<16xi32, #tpu.memory_space<hbm>>
        %dma_wait3A_37 = tpu.memref_slice %arg3[%add3A_13] : memref<8192xi32, #tpu.memory_space<hbm>> -> memref<16xi32, #tpu.memory_space<hbm>>
        tpu.wait_dma2 semaphore(%run_scoped3A : memref<!tpu.dma_semaphore, #tpu.memory_space<semaphore_mem>>) src(%dma_wait3A_37 : memref<16xi32, #tpu.memory_space<hbm>>) dst(%arg5 : memref<16xi32, #tpu.memory_space<vmem>>)
        tpu.yield
      }) : () -> ()
      %add3A_14 = arith.constant 4096 : i32
      %add3A_15 = arith.addi %add3A_14, %add3A_13 : i32
      "tpu.region"() ({
        %run_scoped3A = tpu.sem_alloc : memref<!tpu.dma_semaphore, #tpu.memory_space<semaphore_mem>>
        %dma_start3A_34 = tpu.memref_slice %arg3[%add3A_15] : memref<8192xi32, #tpu.memory_space<hbm>> -> memref<16xi32, #tpu.memory_space<hbm>>
        %dma_start3A_35 = tpu.memref_slice %arg3[%add3A_15] : memref<8192xi32, #tpu.memory_space<hbm>> -> memref<16xi32, #tpu.memory_space<hbm>>
        tpu.enqueue_dma source(%dma_start3A_35 : memref<16xi32, #tpu.memory_space<hbm>>) target(%arg6 : memref<16xi32, #tpu.memory_space<vmem>>) target_semaphore(%run_scoped3A : memref<!tpu.dma_semaphore, #tpu.memory_space<semaphore_mem>>)
        %dma_wait3A_36 = tpu.memref_slice %arg3[%add3A_15] : memref<8192xi32, #tpu.memory_space<hbm>> -> memref<16xi32, #tpu.memory_space<hbm>>
        %dma_wait3A_37 = tpu.memref_slice %arg3[%add3A_15] : memref<8192xi32, #tpu.memory_space<hbm>> -> memref<16xi32, #tpu.memory_space<hbm>>
        tpu.wait_dma2 semaphore(%run_scoped3A : memref<!tpu.dma_semaphore, #tpu.memory_space<semaphore_mem>>) src(%dma_wait3A_37 : memref<16xi32, #tpu.memory_space<hbm>>) dst(%arg6 : memref<16xi32, #tpu.memory_space<vmem>>)
        tpu.yield
      }) : () -> ()
      %dma_start3A = arith.constant 0 : i32
      %dma_start3A_16 = arith.constant 0 : i32
      %dma_start3A_17 = tpu.memref_slice %arg2[%dma_start3A, %dma_start3A_16] : memref<10240x1024xf32, #tpu.memory_space<hbm>> -> memref<10240x1024xf32, #tpu.memory_space<hbm>>
      tpu.enqueue_indirect_dma source(%dma_start3A_17 : memref<10240x1024xf32, #tpu.memory_space<hbm>>) target(%arg7 : memref<16x1024xf32, #tpu.memory_space<vmem>>) offsets(%arg5 : memref<16xi32, #tpu.memory_space<vmem>>) semaphore(%arg10 : memref<!tpu.dma_semaphore, #tpu.memory_space<semaphore_mem>>)
      %dma_start3A_18 = arith.constant 0 : i32
      %dma_start3A_19 = arith.constant 0 : i32
      %dma_start3A_20 = tpu.memref_slice %arg2[%dma_start3A_18, %dma_start3A_19] : memref<10240x1024xf32, #tpu.memory_space<hbm>> -> memref<10240x1024xf32, #tpu.memory_space<hbm>>
      tpu.enqueue_indirect_dma source(%dma_start3A_20 : memref<10240x1024xf32, #tpu.memory_space<hbm>>) target(%arg8 : memref<16x1024xf32, #tpu.memory_space<vmem>>) offsets(%arg6 : memref<16xi32, #tpu.memory_space<vmem>>) semaphore(%arg11 : memref<!tpu.dma_semaphore, #tpu.memory_space<semaphore_mem>>)
      %dma_wait3A = arith.constant 0 : i32
      %dma_wait3A_21 = arith.constant 0 : i32
      %dma_wait3A_22 = tpu.memref_slice %arg2[%dma_wait3A, %dma_wait3A_21] : memref<10240x1024xf32, #tpu.memory_space<hbm>> -> memref<10240x1024xf32, #tpu.memory_space<hbm>>
      tpu.wait_indirect_dma semaphore(%arg10 : memref<!tpu.dma_semaphore, #tpu.memory_space<semaphore_mem>>) src(%dma_wait3A_22 : memref<10240x1024xf32, #tpu.memory_space<hbm>>) dst(%arg7 : memref<16x1024xf32, #tpu.memory_space<vmem>>)
      %dma_wait3A_23 = arith.constant 0 : i32
      %dma_wait3A_24 = arith.constant 0 : i32
      %dma_wait3A_25 = tpu.memref_slice %arg2[%dma_wait3A_23, %dma_wait3A_24] : memref<10240x1024xf32, #tpu.memory_space<hbm>> -> memref<10240x1024xf32, #tpu.memory_space<hbm>>
      tpu.wait_indirect_dma semaphore(%arg11 : memref<!tpu.dma_semaphore, #tpu.memory_space<semaphore_mem>>) src(%dma_wait3A_25 : memref<10240x1024xf32, #tpu.memory_space<hbm>>) dst(%arg8 : memref<16x1024xf32, #tpu.memory_space<vmem>>)
      %scan3A_26 = arith.constant 0 : i32
      %scan3A_27 = arith.constant 0 : i32
      %scan3A_28 = arith.constant 64 : i32
      %scan3A_29 = arith.addi %scan3A_27, %scan3A_28 : i32
      %scan3A_30 = arith.constant 1 : i32
      %scan3A_31 = scf.for %scan3A_34 = %scan3A_27 to %scan3A_29 step %scan3A_30 iter_args(%scan3A_35 = %scan3A_26) -> (i32)  : i32 {
        %mul3A_36 = arith.constant 16 : i32
        %mul3A_37 = arith.muli %scan3A_34, %mul3A_36 : i32
        %get3A = arith.constant 0 : i32
        %get3A_38 = arith.index_cast %get3A : i32 to index
        %get3A_39 = arith.index_cast %mul3A_37 : i32 to index
        %get3A_40 = tpu.vector_load %arg7[%get3A_38, %get3A_39] {strides = array<i32>} : memref<16x1024xf32, #tpu.memory_space<vmem>>, vector<16xf32>,
        %mul3A_41 = arith.constant 16 : i32
        %mul3A_42 = arith.muli %scan3A_34, %mul3A_41 : i32
        %get3A_43 = arith.constant 0 : i32
        %get3A_44 = arith.index_cast %get3A_43 : i32 to index
        %get3A_45 = arith.index_cast %mul3A_42 : i32 to index
        %get3A_46 = tpu.vector_load %arg8[%get3A_44, %get3A_45] {strides = array<i32>} : memref<16x1024xf32, #tpu.memory_space<vmem>>, vector<16xf32>,
        %add3A_47 = arith.addf %get3A_40, %get3A_46 : vector<16xf32>
        %mul3A_48 = arith.constant 16 : i32
        %mul3A_49 = arith.muli %scan3A_34, %mul3A_48 : i32
        %swap3A = arith.constant 0 : i32
        %swap3A_50 = arith.index_cast %swap3A : i32 to index
        %swap3A_51 = arith.index_cast %mul3A_49 : i32 to index
        %swap3A_52 = tpu.vector_load %arg9[%swap3A_50, %swap3A_51] {strides = array<i32>} : memref<16x1024xf32, #tpu.memory_space<vmem>>, vector<16xf32>,
        tpu.vector_store %arg9[%swap3A_50, %swap3A_51], %add3A_47 {strides = array<i32>} : memref<16x1024xf32, #tpu.memory_space<vmem>>, vector<16xf32>,
        %mul3A_53 = arith.constant 16 : i32
        %mul3A_54 = arith.muli %scan3A_34, %mul3A_53 : i32
        %get3A_55 = arith.constant 1 : i32
        %get3A_56 = arith.index_cast %get3A_55 : i32 to index
        %get3A_57 = arith.index_cast %mul3A_54 : i32 to index
        %get3A_58 = tpu.vector_load %arg7[%get3A_56, %get3A_57] {strides = array<i32>} : memref<16x1024xf32, #tpu.memory_space<vmem>>, vector<16xf32>,
        %mul3A_59 = arith.constant 16 : i32
        %mul3A_60 = arith.muli %scan3A_34, %mul3A_59 : i32
        %get3A_61 = arith.constant 1 : i32
        %get3A_62 = arith.index_cast %get3A_61 : i32 to index
        %get3A_63 = arith.index_cast %mul3A_60 : i32 to index
        %get3A_64 = tpu.vector_load %arg8[%get3A_62, %get3A_63] {strides = array<i32>} : memref<16x1024xf32, #tpu.memory_space<vmem>>, vector<16xf32>,
        %add3A_65 = arith.addf %get3A_58, %get3A_64 : vector<16xf32>
        %mul3A_66 = arith.constant 16 : i32
        %mul3A_67 = arith.muli %scan3A_34, %mul3A_66 : i32
        %swap3A_68 = arith.constant 1 : i32
        %swap3A_69 = arith.index_cast %swap3A_68 : i32 to index
        %swap3A_70 = arith.index_cast %mul3A_67 : i32 to index
        %swap3A_71 = tpu.vector_load %arg9[%swap3A_69, %swap3A_70] {strides = array<i32>} : memref<16x1024xf32, #tpu.memory_space<vmem>>, vector<16xf32>,
        tpu.vector_store %arg9[%swap3A_69, %swap3A_70], %add3A_65 {strides = array<i32>} : memref<16x1024xf32, #tpu.memory_space<vmem>>, vector<16xf32>,
        %mul3A_72 = arith.constant 16 : i32
        %mul3A_73 = arith.muli %scan3A_34, %mul3A_72 : i32
        %get3A_74 = arith.constant 2 : i32
        %get3A_75 = arith.index_cast %get3A_74 : i32 to index
        %get3A_76 = arith.index_cast %mul3A_73 : i32 to index
        %get3A_77 = tpu.vector_load %arg7[%get3A_75, %get3A_76] {strides = array<i32>} : memref<16x1024xf32, #tpu.memory_space<vmem>>, vector<16xf32>,
        %mul3A_78 = arith.constant 16 : i32
        %mul3A_79 = arith.muli %scan3A_34, %mul3A_78 : i32
        %get3A_80 = arith.constant 2 : i32
        %get3A_81 = arith.index_cast %get3A_80 : i32 to index
        %get3A_82 = arith.index_cast %mul3A_79 : i32 to index
        %get3A_83 = tpu.vector_load %arg8[%get3A_81, %get3A_82] {strides = array<i32>} : memref<16x1024xf32, #tpu.memory_space<vmem>>, vector<16xf32>,
        %add3A_84 = arith.addf %get3A_77, %get3A_83 : vector<16xf32>
        %mul3A_85 = arith.constant 16 : i32
        %mul3A_86 = arith.muli %scan3A_34, %mul3A_85 : i32
        %swap3A_87 = arith.constant 2 : i32
        %swap3A_88 = arith.index_cast %swap3A_87 : i32 to index
        %swap3A_89 = arith.index_cast %mul3A_86 : i32 to index
        %swap3A_90 = tpu.vector_load %arg9[%swap3A_88, %swap3A_89] {strides = array<i32>} : memref<16x1024xf32, #tpu.memory_space<vmem>>, vector<16xf32>,
        tpu.vector_store %arg9[%swap3A_88, %swap3A_89], %add3A_84 {strides = array<i32>} : memref<16x1024xf32, #tpu.memory_space<vmem>>, vector<16xf32>,
        %mul3A_91 = arith.constant 16 : i32
        %mul3A_92 = arith.muli %scan3A_34, %mul3A_91 : i32
        %get3A_93 = arith.constant 3 : i32
        %get3A_94 = arith.index_cast %get3A_93 : i32 to index
        %get3A_95 = arith.index_cast %mul3A_92 : i32 to index
        %get3A_96 = tpu.vector_load %arg7[%get3A_94, %get3A_95] {strides = array<i32>} : memref<16x1024xf32, #tpu.memory_space<vmem>>, vector<16xf32>,
        %mul3A_97 = arith.constant 16 : i32
        %mul3A_98 = arith.muli %scan3A_34, %mul3A_97 : i32
        %get3A_99 = arith.constant 3 : i32
        %get3A_100 = arith.index_cast %get3A_99 : i32 to index
        %get3A_101 = arith.index_cast %mul3A_98 : i32 to index
        %get3A_102 = tpu.vector_load %arg8[%get3A_100, %get3A_101] {strides = array<i32>} : memref<16x1024xf32, #tpu.memory_space<vmem>>, vector<16xf32>,
        %add3A_103 = arith.addf %get3A_96, %get3A_102 : vector<16xf32>
        %mul3A_104 = arith.constant 16 : i32
        %mul3A_105 = arith.muli %scan3A_34, %mul3A_104 : i32
        %swap3A_106 = arith.constant 3 : i32
        %swap3A_107 = arith.index_cast %swap3A_106 : i32 to index
        %swap3A_108 = arith.index_cast %mul3A_105 : i32 to index
        %swap3A_109 = tpu.vector_load %arg9[%swap3A_107, %swap3A_108] {strides = array<i32>} : memref<16x1024xf32, #tpu.memory_space<vmem>>, vector<16xf32>,
        tpu.vector_store %arg9[%swap3A_107, %swap3A_108], %add3A_103 {strides = array<i32>} : memref<16x1024xf32, #tpu.memory_space<vmem>>, vector<16xf32>,
        %mul3A_110 = arith.constant 16 : i32
        %mul3A_111 = arith.muli %scan3A_34, %mul3A_110 : i32
        %get3A_112 = arith.constant 4 : i32
        %get3A_113 = arith.index_cast %get3A_112 : i32 to index
        %get3A_114 = arith.index_cast %mul3A_111 : i32 to index
        %get3A_115 = tpu.vector_load %arg7[%get3A_113, %get3A_114] {strides = array<i32>} : memref<16x1024xf32, #tpu.memory_space<vmem>>, vector<16xf32>,
        %mul3A_116 = arith.constant 16 : i32
        %mul3A_117 = arith.muli %scan3A_34, %mul3A_116 : i32
        %get3A_118 = arith.constant 4 : i32
        %get3A_119 = arith.index_cast %get3A_118 : i32 to index
        %get3A_120 = arith.index_cast %mul3A_117 : i32 to index
        %get3A_121 = tpu.vector_load %arg8[%get3A_119, %get3A_120] {strides = array<i32>} : memref<16x1024xf32, #tpu.memory_space<vmem>>, vector<16xf32>,
        %add3A_122 = arith.addf %get3A_115, %get3A_121 : vector<16xf32>
        %mul3A_123 = arith.constant 16 : i32
        %mul3A_124 = arith.muli %scan3A_34, %mul3A_123 : i32
        %swap3A_125 = arith.constant 4 : i32
        %swap3A_126 = arith.index_cast %swap3A_125 : i32 to index
        %swap3A_127 = arith.index_cast %mul3A_124 : i32 to index
        %swap3A_128 = tpu.vector_load %arg9[%swap3A_126, %swap3A_127] {strides = array<i32>} : memref<16x1024xf32, #tpu.memory_space<vmem>>, vector<16xf32>,
        tpu.vector_store %arg9[%swap3A_126, %swap3A_127], %add3A_122 {strides = array<i32>} : memref<16x1024xf32, #tpu.memory_space<vmem>>, vector<16xf32>,
        %mul3A_129 = arith.constant 16 : i32
        %mul3A_130 = arith.muli %scan3A_34, %mul3A_129 : i32
        %get3A_131 = arith.constant 5 : i32
        %get3A_132 = arith.index_cast %get3A_131 : i32 to index
        %get3A_133 = arith.index_cast %mul3A_130 : i32 to index
        %get3A_134 = tpu.vector_load %arg7[%get3A_132, %get3A_133] {strides = array<i32>} : memref<16x1024xf32, #tpu.memory_space<vmem>>, vector<16xf32>,
        %mul3A_135 = arith.constant 16 : i32
        %mul3A_136 = arith.muli %scan3A_34, %mul3A_135 : i32
        %get3A_137 = arith.constant 5 : i32
        %get3A_138 = arith.index_cast %get3A_137 : i32 to index
        %get3A_139 = arith.index_cast %mul3A_136 : i32 to index
        %get3A_140 = tpu.vector_load %arg8[%get3A_138, %get3A_139] {strides = array<i32>} : memref<16x1024xf32, #tpu.memory_space<vmem>>, vector<16xf32>,
        %add3A_141 = arith.addf %get3A_134, %get3A_140 : vector<16xf32>
        %mul3A_142 = arith.constant 16 : i32
        %mul3A_143 = arith.muli %scan3A_34, %mul3A_142 : i32
        %swap3A_144 = arith.constant 5 : i32
        %swap3A_145 = arith.index_cast %swap3A_144 : i32 to index
        %swap3A_146 = arith.index_cast %mul3A_143 : i32 to index
        %swap3A_147 = tpu.vector_load %arg9[%swap3A_145, %swap3A_146] {strides = array<i32>} : memref<16x1024xf32, #tpu.memory_space<vmem>>, vector<16xf32>,
        tpu.vector_store %arg9[%swap3A_145, %swap3A_146], %add3A_141 {strides = array<i32>} : memref<16x1024xf32, #tpu.memory_space<vmem>>, vector<16xf32>,
        %mul3A_148 = arith.constant 16 : i32
        %mul3A_149 = arith.muli %scan3A_34, %mul3A_148 : i32
        %get3A_150 = arith.constant 6 : i32
        %get3A_151 = arith.index_cast %get3A_150 : i32 to index
        %get3A_152 = arith.index_cast %mul3A_149 : i32 to index
        %get3A_153 = tpu.vector_load %arg7[%get3A_151, %get3A_152] {strides = array<i32>} : memref<16x1024xf32, #tpu.memory_space<vmem>>, vector<16xf32>,
        %mul3A_154 = arith.constant 16 : i32
        %mul3A_155 = arith.muli %scan3A_34, %mul3A_154 : i32
        %get3A_156 = arith.constant 6 : i32
        %get3A_157 = arith.index_cast %get3A_156 : i32 to index
        %get3A_158 = arith.index_cast %mul3A_155 : i32 to index
        %get3A_159 = tpu.vector_load %arg8[%get3A_157, %get3A_158] {strides = array<i32>} : memref<16x1024xf32, #tpu.memory_space<vmem>>, vector<16xf32>,
        %add3A_160 = arith.addf %get3A_153, %get3A_159 : vector<16xf32>
        %mul3A_161 = arith.constant 16 : i32
        %mul3A_162 = arith.muli %scan3A_34, %mul3A_161 : i32
        %swap3A_163 = arith.constant 6 : i32
        %swap3A_164 = arith.index_cast %swap3A_163 : i32 to index
        %swap3A_165 = arith.index_cast %mul3A_162 : i32 to index
        %swap3A_166 = tpu.vector_load %arg9[%swap3A_164, %swap3A_165] {strides = array<i32>} : memref<16x1024xf32, #tpu.memory_space<vmem>>, vector<16xf32>,
        tpu.vector_store %arg9[%swap3A_164, %swap3A_165], %add3A_160 {strides = array<i32>} : memref<16x1024xf32, #tpu.memory_space<vmem>>, vector<16xf32>,
        %mul3A_167 = arith.constant 16 : i32
        %mul3A_168 = arith.muli %scan3A_34, %mul3A_167 : i32
        %get3A_169 = arith.constant 7 : i32
        %get3A_170 = arith.index_cast %get3A_169 : i32 to index
        %get3A_171 = arith.index_cast %mul3A_168 : i32 to index
        %get3A_172 = tpu.vector_load %arg7[%get3A_170, %get3A_171] {strides = array<i32>} : memref<16x1024xf32, #tpu.memory_space<vmem>>, vector<16xf32>,
        %mul3A_173 = arith.constant 16 : i32
        %mul3A_174 = arith.muli %scan3A_34, %mul3A_173 : i32
        %get3A_175 = arith.constant 7 : i32
        %get3A_176 = arith.index_cast %get3A_175 : i32 to index
        %get3A_177 = arith.index_cast %mul3A_174 : i32 to index
        %get3A_178 = tpu.vector_load %arg8[%get3A_176, %get3A_177] {strides = array<i32>} : memref<16x1024xf32, #tpu.memory_space<vmem>>, vector<16xf32>,
        %add3A_179 = arith.addf %get3A_172, %get3A_178 : vector<16xf32>
        %mul3A_180 = arith.constant 16 : i32
        %mul3A_181 = arith.muli %scan3A_34, %mul3A_180 : i32
        %swap3A_182 = arith.constant 7 : i32
        %swap3A_183 = arith.index_cast %swap3A_182 : i32 to index
        %swap3A_184 = arith.index_cast %mul3A_181 : i32 to index
        %swap3A_185 = tpu.vector_load %arg9[%swap3A_183, %swap3A_184] {strides = array<i32>} : memref<16x1024xf32, #tpu.memory_space<vmem>>, vector<16xf32>,
        tpu.vector_store %arg9[%swap3A_183, %swap3A_184], %add3A_179 {strides = array<i32>} : memref<16x1024xf32, #tpu.memory_space<vmem>>, vector<16xf32>,
        %mul3A_186 = arith.constant 16 : i32
        %mul3A_187 = arith.muli %scan3A_34, %mul3A_186 : i32
        %get3A_188 = arith.constant 8 : i32
        %get3A_189 = arith.index_cast %get3A_188 : i32 to index
        %get3A_190 = arith.index_cast %mul3A_187 : i32 to index
        %get3A_191 = tpu.vector_load %arg7[%get3A_189, %get3A_190] {strides = array<i32>} : memref<16x1024xf32, #tpu.memory_space<vmem>>, vector<16xf32>,
        %mul3A_192 = arith.constant 16 : i32
        %mul3A_193 = arith.muli %scan3A_34, %mul3A_192 : i32
        %get3A_194 = arith.constant 8 : i32
        %get3A_195 = arith.index_cast %get3A_194 : i32 to index
        %get3A_196 = arith.index_cast %mul3A_193 : i32 to index
        %get3A_197 = tpu.vector_load %arg8[%get3A_195, %get3A_196] {strides = array<i32>} : memref<16x1024xf32, #tpu.memory_space<vmem>>, vector<16xf32>,
        %add3A_198 = arith.addf %get3A_191, %get3A_197 : vector<16xf32>
        %mul3A_199 = arith.constant 16 : i32
        %mul3A_200 = arith.muli %scan3A_34, %mul3A_199 : i32
        %swap3A_201 = arith.constant 8 : i32
        %swap3A_202 = arith.index_cast %swap3A_201 : i32 to index
        %swap3A_203 = arith.index_cast %mul3A_200 : i32 to index
        %swap3A_204 = tpu.vector_load %arg9[%swap3A_202, %swap3A_203] {strides = array<i32>} : memref<16x1024xf32, #tpu.memory_space<vmem>>, vector<16xf32>,
        tpu.vector_store %arg9[%swap3A_202, %swap3A_203], %add3A_198 {strides = array<i32>} : memref<16x1024xf32, #tpu.memory_space<vmem>>, vector<16xf32>,
        %mul3A_205 = arith.constant 16 : i32
        %mul3A_206 = arith.muli %scan3A_34, %mul3A_205 : i32
        %get3A_207 = arith.constant 9 : i32
        %get3A_208 = arith.index_cast %get3A_207 : i32 to index
        %get3A_209 = arith.index_cast %mul3A_206 : i32 to index
        %get3A_210 = tpu.vector_load %arg7[%get3A_208, %get3A_209] {strides = array<i32>} : memref<16x1024xf32, #tpu.memory_space<vmem>>, vector<16xf32>,
        %mul3A_211 = arith.constant 16 : i32
        %mul3A_212 = arith.muli %scan3A_34, %mul3A_211 : i32
        %get3A_213 = arith.constant 9 : i32
        %get3A_214 = arith.index_cast %get3A_213 : i32 to index
        %get3A_215 = arith.index_cast %mul3A_212 : i32 to index
        %get3A_216 = tpu.vector_load %arg8[%get3A_214, %get3A_215] {strides = array<i32>} : memref<16x1024xf32, #tpu.memory_space<vmem>>, vector<16xf32>,
        %add3A_217 = arith.addf %get3A_210, %get3A_216 : vector<16xf32>
        %mul3A_218 = arith.constant 16 : i32
        %mul3A_219 = arith.muli %scan3A_34, %mul3A_218 : i32
        %swap3A_220 = arith.constant 9 : i32
        %swap3A_221 = arith.index_cast %swap3A_220 : i32 to index
        %swap3A_222 = arith.index_cast %mul3A_219 : i32 to index
        %swap3A_223 = tpu.vector_load %arg9[%swap3A_221, %swap3A_222] {strides = array<i32>} : memref<16x1024xf32, #tpu.memory_space<vmem>>, vector<16xf32>,
        tpu.vector_store %arg9[%swap3A_221, %swap3A_222], %add3A_217 {strides = array<i32>} : memref<16x1024xf32, #tpu.memory_space<vmem>>, vector<16xf32>,
        %mul3A_224 = arith.constant 16 : i32
        %mul3A_225 = arith.muli %scan3A_34, %mul3A_224 : i32
        %get3A_226 = arith.constant 10 : i32
        %get3A_227 = arith.index_cast %get3A_226 : i32 to index
        %get3A_228 = arith.index_cast %mul3A_225 : i32 to index
        %get3A_229 = tpu.vector_load %arg7[%get3A_227, %get3A_228] {strides = array<i32>} : memref<16x1024xf32, #tpu.memory_space<vmem>>, vector<16xf32>,
        %mul3A_230 = arith.constant 16 : i32
        %mul3A_231 = arith.muli %scan3A_34, %mul3A_230 : i32
        %get3A_232 = arith.constant 10 : i32
        %get3A_233 = arith.index_cast %get3A_232 : i32 to index
        %get3A_234 = arith.index_cast %mul3A_231 : i32 to index
        %get3A_235 = tpu.vector_load %arg8[%get3A_233, %get3A_234] {strides = array<i32>} : memref<16x1024xf32, #tpu.memory_space<vmem>>, vector<16xf32>,
        %add3A_236 = arith.addf %get3A_229, %get3A_235 : vector<16xf32>
        %mul3A_237 = arith.constant 16 : i32
        %mul3A_238 = arith.muli %scan3A_34, %mul3A_237 : i32
        %swap3A_239 = arith.constant 10 : i32
        %swap3A_240 = arith.index_cast %swap3A_239 : i32 to index
        %swap3A_241 = arith.index_cast %mul3A_238 : i32 to index
        %swap3A_242 = tpu.vector_load %arg9[%swap3A_240, %swap3A_241] {strides = array<i32>} : memref<16x1024xf32, #tpu.memory_space<vmem>>, vector<16xf32>,
        tpu.vector_store %arg9[%swap3A_240, %swap3A_241], %add3A_236 {strides = array<i32>} : memref<16x1024xf32, #tpu.memory_space<vmem>>, vector<16xf32>,
        %mul3A_243 = arith.constant 16 : i32
        %mul3A_244 = arith.muli %scan3A_34, %mul3A_243 : i32
        %get3A_245 = arith.constant 11 : i32
        %get3A_246 = arith.index_cast %get3A_245 : i32 to index
        %get3A_247 = arith.index_cast %mul3A_244 : i32 to index
        %get3A_248 = tpu.vector_load %arg7[%get3A_246, %get3A_247] {strides = array<i32>} : memref<16x1024xf32, #tpu.memory_space<vmem>>, vector<16xf32>,
        %mul3A_249 = arith.constant 16 : i32
        %mul3A_250 = arith.muli %scan3A_34, %mul3A_249 : i32
        %get3A_251 = arith.constant 11 : i32
        %get3A_252 = arith.index_cast %get3A_251 : i32 to index
        %get3A_253 = arith.index_cast %mul3A_250 : i32 to index
        %get3A_254 = tpu.vector_load %arg8[%get3A_252, %get3A_253] {strides = array<i32>} : memref<16x1024xf32, #tpu.memory_space<vmem>>, vector<16xf32>,
        %add3A_255 = arith.addf %get3A_248, %get3A_254 : vector<16xf32>
        %mul3A_256 = arith.constant 16 : i32
        %mul3A_257 = arith.muli %scan3A_34, %mul3A_256 : i32
        %swap3A_258 = arith.constant 11 : i32
        %swap3A_259 = arith.index_cast %swap3A_258 : i32 to index
        %swap3A_260 = arith.index_cast %mul3A_257 : i32 to index
        %swap3A_261 = tpu.vector_load %arg9[%swap3A_259, %swap3A_260] {strides = array<i32>} : memref<16x1024xf32, #tpu.memory_space<vmem>>, vector<16xf32>,
        tpu.vector_store %arg9[%swap3A_259, %swap3A_260], %add3A_255 {strides = array<i32>} : memref<16x1024xf32, #tpu.memory_space<vmem>>, vector<16xf32>,
        %mul3A_262 = arith.constant 16 : i32
        %mul3A_263 = arith.muli %scan3A_34, %mul3A_262 : i32
        %get3A_264 = arith.constant 12 : i32
        %get3A_265 = arith.index_cast %get3A_264 : i32 to index
        %get3A_266 = arith.index_cast %mul3A_263 : i32 to index
        %get3A_267 = tpu.vector_load %arg7[%get3A_265, %get3A_266] {strides = array<i32>} : memref<16x1024xf32, #tpu.memory_space<vmem>>, vector<16xf32>,
        %mul3A_268 = arith.constant 16 : i32
        %mul3A_269 = arith.muli %scan3A_34, %mul3A_268 : i32
        %get3A_270 = arith.constant 12 : i32
        %get3A_271 = arith.index_cast %get3A_270 : i32 to index
        %get3A_272 = arith.index_cast %mul3A_269 : i32 to index
        %get3A_273 = tpu.vector_load %arg8[%get3A_271, %get3A_272] {strides = array<i32>} : memref<16x1024xf32, #tpu.memory_space<vmem>>, vector<16xf32>,
        %add3A_274 = arith.addf %get3A_267, %get3A_273 : vector<16xf32>
        %mul3A_275 = arith.constant 16 : i32
        %mul3A_276 = arith.muli %scan3A_34, %mul3A_275 : i32
        %swap3A_277 = arith.constant 12 : i32
        %swap3A_278 = arith.index_cast %swap3A_277 : i32 to index
        %swap3A_279 = arith.index_cast %mul3A_276 : i32 to index
        %swap3A_280 = tpu.vector_load %arg9[%swap3A_278, %swap3A_279] {strides = array<i32>} : memref<16x1024xf32, #tpu.memory_space<vmem>>, vector<16xf32>,
        tpu.vector_store %arg9[%swap3A_278, %swap3A_279], %add3A_274 {strides = array<i32>} : memref<16x1024xf32, #tpu.memory_space<vmem>>, vector<16xf32>,
        %mul3A_281 = arith.constant 16 : i32
        %mul3A_282 = arith.muli %scan3A_34, %mul3A_281 : i32
        %get3A_283 = arith.constant 13 : i32
        %get3A_284 = arith.index_cast %get3A_283 : i32 to index
        %get3A_285 = arith.index_cast %mul3A_282 : i32 to index
        %get3A_286 = tpu.vector_load %arg7[%get3A_284, %get3A_285] {strides = array<i32>} : memref<16x1024xf32, #tpu.memory_space<vmem>>, vector<16xf32>,
        %mul3A_287 = arith.constant 16 : i32
        %mul3A_288 = arith.muli %scan3A_34, %mul3A_287 : i32
        %get3A_289 = arith.constant 13 : i32
        %get3A_290 = arith.index_cast %get3A_289 : i32 to index
        %get3A_291 = arith.index_cast %mul3A_288 : i32 to index
        %get3A_292 = tpu.vector_load %arg8[%get3A_290, %get3A_291] {strides = array<i32>} : memref<16x1024xf32, #tpu.memory_space<vmem>>, vector<16xf32>,
        %add3A_293 = arith.addf %get3A_286, %get3A_292 : vector<16xf32>
        %mul3A_294 = arith.constant 16 : i32
        %mul3A_295 = arith.muli %scan3A_34, %mul3A_294 : i32
        %swap3A_296 = arith.constant 13 : i32
        %swap3A_297 = arith.index_cast %swap3A_296 : i32 to index
        %swap3A_298 = arith.index_cast %mul3A_295 : i32 to index
        %swap3A_299 = tpu.vector_load %arg9[%swap3A_297, %swap3A_298] {strides = array<i32>} : memref<16x1024xf32, #tpu.memory_space<vmem>>, vector<16xf32>,
        tpu.vector_store %arg9[%swap3A_297, %swap3A_298], %add3A_293 {strides = array<i32>} : memref<16x1024xf32, #tpu.memory_space<vmem>>, vector<16xf32>,
        %mul3A_300 = arith.constant 16 : i32
        %mul3A_301 = arith.muli %scan3A_34, %mul3A_300 : i32
        %get3A_302 = arith.constant 14 : i32
        %get3A_303 = arith.index_cast %get3A_302 : i32 to index
        %get3A_304 = arith.index_cast %mul3A_301 : i32 to index
        %get3A_305 = tpu.vector_load %arg7[%get3A_303, %get3A_304] {strides = array<i32>} : memref<16x1024xf32, #tpu.memory_space<vmem>>, vector<16xf32>,
        %mul3A_306 = arith.constant 16 : i32
        %mul3A_307 = arith.muli %scan3A_34, %mul3A_306 : i32
        %get3A_308 = arith.constant 14 : i32
        %get3A_309 = arith.index_cast %get3A_308 : i32 to index
        %get3A_310 = arith.index_cast %mul3A_307 : i32 to index
        %get3A_311 = tpu.vector_load %arg8[%get3A_309, %get3A_310] {strides = array<i32>} : memref<16x1024xf32, #tpu.memory_space<vmem>>, vector<16xf32>,
        %add3A_312 = arith.addf %get3A_305, %get3A_311 : vector<16xf32>
        %mul3A_313 = arith.constant 16 : i32
        %mul3A_314 = arith.muli %scan3A_34, %mul3A_313 : i32
        %swap3A_315 = arith.constant 14 : i32
        %swap3A_316 = arith.index_cast %swap3A_315 : i32 to index
        %swap3A_317 = arith.index_cast %mul3A_314 : i32 to index
        %swap3A_318 = tpu.vector_load %arg9[%swap3A_316, %swap3A_317] {strides = array<i32>} : memref<16x1024xf32, #tpu.memory_space<vmem>>, vector<16xf32>,
        tpu.vector_store %arg9[%swap3A_316, %swap3A_317], %add3A_312 {strides = array<i32>} : memref<16x1024xf32, #tpu.memory_space<vmem>>, vector<16xf32>,
        %mul3A_319 = arith.constant 16 : i32
        %mul3A_320 = arith.muli %scan3A_34, %mul3A_319 : i32
        %get3A_321 = arith.constant 15 : i32
        %get3A_322 = arith.index_cast %get3A_321 : i32 to index
        %get3A_323 = arith.index_cast %mul3A_320 : i32 to index
        %get3A_324 = tpu.vector_load %arg7[%get3A_322, %get3A_323] {strides = array<i32>} : memref<16x1024xf32, #tpu.memory_space<vmem>>, vector<16xf32>,
        %mul3A_325 = arith.constant 16 : i32
        %mul3A_326 = arith.muli %scan3A_34, %mul3A_325 : i32
        %get3A_327 = arith.constant 15 : i32
        %get3A_328 = arith.index_cast %get3A_327 : i32 to index
        %get3A_329 = arith.index_cast %mul3A_326 : i32 to index
        %get3A_330 = tpu.vector_load %arg8[%get3A_328, %get3A_329] {strides = array<i32>} : memref<16x1024xf32, #tpu.memory_space<vmem>>, vector<16xf32>,
        %add3A_331 = arith.addf %get3A_324, %get3A_330 : vector<16xf32>
        %mul3A_332 = arith.constant 16 : i32
        %mul3A_333 = arith.muli %scan3A_34, %mul3A_332 : i32
        %swap3A_334 = arith.constant 15 : i32
        %swap3A_335 = arith.index_cast %swap3A_334 : i32 to index
        %swap3A_336 = arith.index_cast %mul3A_333 : i32 to index
        %swap3A_337 = tpu.vector_load %arg9[%swap3A_335, %swap3A_336] {strides = array<i32>} : memref<16x1024xf32, #tpu.memory_space<vmem>>, vector<16xf32>,
        tpu.vector_store %arg9[%swap3A_335, %swap3A_336], %add3A_331 {strides = array<i32>} : memref<16x1024xf32, #tpu.memory_space<vmem>>, vector<16xf32>,
        %scan3A_338 = arith.constant 0 : i32
        scf.yield %scan3A_338 : i32
      }
      %scan3A_32 = arith.constant 64 : i32
      "tpu.region"() ({
        %run_scoped3A = tpu.sem_alloc : memref<!tpu.dma_semaphore, #tpu.memory_space<semaphore_mem>>
        %dma_start3A_34 = arith.constant 0 : i32
        %dma_start3A_35 = tpu.memref_slice %arg4[%add3A_13, %dma_start3A_34] : memref<4096x1024xf32, #tpu.memory_space<hbm>> -> memref<16x1024xf32, #tpu.memory_space<hbm>>
        %dma_start3A_36 = arith.constant 0 : i32
        %dma_start3A_37 = tpu.memref_slice %arg4[%add3A_13, %dma_start3A_36] : memref<4096x1024xf32, #tpu.memory_space<hbm>> -> memref<16x1024xf32, #tpu.memory_space<hbm>>
        tpu.enqueue_dma source(%arg9 : memref<16x1024xf32, #tpu.memory_space<vmem>>) target(%dma_start3A_37 : memref<16x1024xf32, #tpu.memory_space<hbm>>) target_semaphore(%run_scoped3A : memref<!tpu.dma_semaphore, #tpu.memory_space<semaphore_mem>>)
        %dma_wait3A_38 = arith.constant 0 : i32
        %dma_wait3A_39 = tpu.memref_slice %arg4[%add3A_13, %dma_wait3A_38] : memref<4096x1024xf32, #tpu.memory_space<hbm>> -> memref<16x1024xf32, #tpu.memory_space<hbm>>
        %dma_wait3A_40 = arith.constant 0 : i32
        %dma_wait3A_41 = tpu.memref_slice %arg4[%add3A_13, %dma_wait3A_40] : memref<4096x1024xf32, #tpu.memory_space<hbm>> -> memref<16x1024xf32, #tpu.memory_space<hbm>>
        tpu.wait_dma2 semaphore(%run_scoped3A : memref<!tpu.dma_semaphore, #tpu.memory_space<semaphore_mem>>) src(%arg9 : memref<16x1024xf32, #tpu.memory_space<vmem>>) dst(%dma_wait3A_41 : memref<16x1024xf32, #tpu.memory_space<hbm>>)
        tpu.yield
      }) : () -> ()
      %scan3A_33 = arith.constant 0 : i32
      scf.yield %scan3A_33 : i32
    }
    %scan3A_8 = arith.constant 8 : i32
    return
  }
}

module attributes {stable_mosaic.version = 14 : i64} {
  func.func @_gating_body(%arg0: i32, %arg1: memref<512x1024xf32, #tpu.memory_space<vmem>>, %arg2: memref<8x1024xf32, #tpu.memory_space<vmem>>, %arg3: memref<1x8xf32, #tpu.memory_space<vmem>>, %arg4: memref<2x512xf32, #tpu.memory_space<vmem>>, %arg5: memref<2x512xi32, #tpu.memory_space<vmem>>) attributes {dimension_semantics = [#tpu.dimension_semantics<arbitrary>], iteration_bounds = array<i64: 8>, scalar_prefetch = 0 : i64, scratch_operands = 0 : i64, tpu.core_type = #tpu.core_type<tc>, window_params = [{transform_indices = @transform_0, window_bounds = array<i64: 512, 1024>}, {pipeline_mode = #tpu.pipeline_mode<synchronous>, transform_indices = @transform_1, window_bounds = array<i64: 8, 1024>}, {pipeline_mode = #tpu.pipeline_mode<synchronous>, transform_indices = @transform_2, window_bounds = array<i64: 1, 8>}, {transform_indices = @transform_3, window_bounds = array<i64: 2, 512>}, {transform_indices = @transform_4, window_bounds = array<i64: 2, 512>}]} {
    %get3A = arith.constant 0 : index
    %get3A_0 = arith.constant 0 : index
    %get3A_1 = vector.load %arg1[%get3A, %get3A_0] : memref<512x1024xf32, #tpu.memory_space<vmem>>, vector<512x1024xf32>
    %get3A_2 = arith.constant 0 : index
    %get3A_3 = arith.constant 0 : index
    %get3A_4 = vector.load %arg2[%get3A_2, %get3A_3] : memref<8x1024xf32, #tpu.memory_space<vmem>>, vector<8x1024xf32>
    %dot_general3A = arith.constant dense<0.000000e+00> : vector<512x8xf32>
    %dot_general3A_5 = tpu.matmul %get3A_1, %get3A_4, %dot_general3A {dimension_numbers = #tpu.dot_dimension_numbers<[1], [1], [0], [0], [0, 0, 1, 0], [], []>, transpose_lhs_hint = false} : vector<512x1024xf32>, vector<8x1024xf32>, vector<512x8xf32> -> vector<512x8xf32>
    %get3A_6 = arith.constant 0 : index
    %get3A_7 = arith.constant 0 : index
    %get3A_8 = vector.load %arg3[%get3A_6, %get3A_7] : memref<1x8xf32, #tpu.memory_space<vmem>>, vector<1x8xf32>
    %add3A = vector.broadcast %get3A_8 : vector<1x8xf32> to vector<512x8xf32>
    %add3A_9 = arith.addf %dot_general3A_5, %add3A : vector<512x8xf32>
    %reduce_max3A = arith.constant dense<0xFF800000> : vector<512xf32>
    %reduce_max3A_10 = vector.multi_reduction <maximumf>, %add3A_9, %reduce_max3A [1] : vector<512x8xf32> to vector<512xf32>
    %broadcast_in_dim3A = vector.shape_cast %reduce_max3A_10 : vector<512xf32> to vector<512x1xf32>
    %sub3A = vector.broadcast %broadcast_in_dim3A : vector<512x1xf32> to vector<512x8xf32>
    %sub3A_11 = arith.subf %add3A_9, %sub3A : vector<512x8xf32>
    %exp3A = math.exp %sub3A_11 : vector<512x8xf32>
    %reduce_sum3A = arith.constant dense<0.000000e+00> : vector<512xf32>
    %reduce_sum3A_12 = vector.multi_reduction <add>, %exp3A, %reduce_sum3A [1] : vector<512x8xf32> to vector<512xf32>
    %iota3A = tpu.iota {dimensions = array<i32: 1>} : vector<512x8xi32>
    %reduce_max3A_13 = arith.constant dense<0xFF800000> : vector<512xf32>
    %reduce_max3A_14 = vector.multi_reduction <maximumf>, %exp3A, %reduce_max3A_13 [1] : vector<512x8xf32> to vector<512xf32>
    %broadcast_in_dim3A_15 = vector.shape_cast %reduce_max3A_14 : vector<512xf32> to vector<512x1xf32>
    %eq3A = vector.broadcast %broadcast_in_dim3A_15 : vector<512x1xf32> to vector<512x8xf32>
    %eq3A_16 = arith.cmpf oeq, %exp3A, %eq3A : vector<512x8xf32>
    %jit3A = arith.constant 8 : i32
    %broadcast_in_dim3A_17 = vector.broadcast %jit3A : i32 to vector<512x8xi32>
    %select_n3A = arith.select %eq3A_16, %iota3A, %broadcast_in_dim3A_17 : vector<512x8xi1>, vector<512x8xi32>
    %reduce_min3A = arith.constant dense<2147483647> : vector<512xi32>
    %reduce_min3A_18 = vector.multi_reduction <minsi>, %select_n3A, %reduce_min3A [1] : vector<512x8xi32> to vector<512xi32>
    %broadcast_in_dim3A_19 = vector.shape_cast %reduce_min3A_18 : vector<512xi32> to vector<512x1xi32>
    %eq3A_20 = vector.broadcast %broadcast_in_dim3A_19 : vector<512x1xi32> to vector<512x8xi32>
    %eq3A_21 = arith.cmpi eq, %iota3A, %eq3A_20 : vector<512x8xi32>
    %jit3A_22 = arith.constant -1.000000e+00 : f32
    %broadcast_in_dim3A_23 = vector.broadcast %jit3A_22 : f32 to vector<512x8xf32>
    %select_n3A_24 = arith.select %eq3A_21, %broadcast_in_dim3A_23, %exp3A : vector<512x8xi1>, vector<512x8xf32>
    %reduce_max3A_25 = arith.constant dense<0xFF800000> : vector<512xf32>
    %reduce_max3A_26 = vector.multi_reduction <maximumf>, %select_n3A_24, %reduce_max3A_25 [1] : vector<512x8xf32> to vector<512xf32>
    %broadcast_in_dim3A_27 = vector.shape_cast %reduce_max3A_26 : vector<512xf32> to vector<512x1xf32>
    %eq3A_28 = vector.broadcast %broadcast_in_dim3A_27 : vector<512x1xf32> to vector<512x8xf32>
    %eq3A_29 = arith.cmpf oeq, %select_n3A_24, %eq3A_28 : vector<512x8xf32>
    %jit3A_30 = arith.constant 8 : i32
    %broadcast_in_dim3A_31 = vector.broadcast %jit3A_30 : i32 to vector<512x8xi32>
    %select_n3A_32 = arith.select %eq3A_29, %iota3A, %broadcast_in_dim3A_31 : vector<512x8xi1>, vector<512x8xi32>
    %reduce_min3A_33 = arith.constant dense<2147483647> : vector<512xi32>
    %reduce_min3A_34 = vector.multi_reduction <minsi>, %select_n3A_32, %reduce_min3A_33 [1] : vector<512x8xi32> to vector<512xi32>
    %div3A = arith.divf %reduce_max3A_14, %reduce_sum3A_12 : vector<512xf32>
    %swap3A = arith.constant 0 : index
    %swap3A_35 = arith.constant 0 : index
    %swap3A_36 = vector.load %arg4[%swap3A, %swap3A_35] : memref<2x512xf32, #tpu.memory_space<vmem>>, vector<1x512xf32>
    %swap3A_37 = vector.shape_cast %swap3A_36 : vector<1x512xf32> to vector<512xf32>
    %swap3A_38 = vector.shape_cast %div3A : vector<512xf32> to vector<1x512xf32>
    tpu.vector_store %arg4[%swap3A, %swap3A_35], %swap3A_38 {strides = array<i32>} : memref<2x512xf32, #tpu.memory_space<vmem>>, vector<1x512xf32>,
    %div3A_39 = arith.divf %reduce_max3A_26, %reduce_sum3A_12 : vector<512xf32>
    %swap3A_40 = arith.constant 1 : index
    %swap3A_41 = arith.constant 0 : index
    %swap3A_42 = vector.load %arg4[%swap3A_40, %swap3A_41] : memref<2x512xf32, #tpu.memory_space<vmem>>, vector<1x512xf32>
    %swap3A_43 = vector.shape_cast %swap3A_42 : vector<1x512xf32> to vector<512xf32>
    %swap3A_44 = vector.shape_cast %div3A_39 : vector<512xf32> to vector<1x512xf32>
    tpu.vector_store %arg4[%swap3A_40, %swap3A_41], %swap3A_44 {strides = array<i32>} : memref<2x512xf32, #tpu.memory_space<vmem>>, vector<1x512xf32>,
    %swap3A_45 = arith.constant 0 : index
    %swap3A_46 = arith.constant 0 : index
    %swap3A_47 = vector.load %arg5[%swap3A_45, %swap3A_46] : memref<2x512xi32, #tpu.memory_space<vmem>>, vector<1x512xi32>
    %swap3A_48 = vector.shape_cast %swap3A_47 : vector<1x512xi32> to vector<512xi32>
    %swap3A_49 = vector.shape_cast %reduce_min3A_18 : vector<512xi32> to vector<1x512xi32>
    tpu.vector_store %arg5[%swap3A_45, %swap3A_46], %swap3A_49 {strides = array<i32>} : memref<2x512xi32, #tpu.memory_space<vmem>>, vector<1x512xi32>,
    %swap3A_50 = arith.constant 1 : index
    %swap3A_51 = arith.constant 0 : index
    %swap3A_52 = vector.load %arg5[%swap3A_50, %swap3A_51] : memref<2x512xi32, #tpu.memory_space<vmem>>, vector<1x512xi32>
    %swap3A_53 = vector.shape_cast %swap3A_52 : vector<1x512xi32> to vector<512xi32>
    %swap3A_54 = vector.shape_cast %reduce_min3A_34 : vector<512xi32> to vector<1x512xi32>
    tpu.vector_store %arg5[%swap3A_50, %swap3A_51], %swap3A_54 {strides = array<i32>} : memref<2x512xi32, #tpu.memory_space<vmem>>, vector<1x512xi32>,
    return
  }
  func.func @transform_0(%arg0: i32) -> (i32, i32) {
    %c0_i32 = arith.constant 0 : i32
    %c0_i32_0 = arith.constant 0 : i32
    return %arg0, %c0_i32 : i32, i32
  }
  func.func @transform_1(%arg0: i32) -> (i32, i32) {
    %c0_i32 = arith.constant 0 : i32
    %c0_i32_0 = arith.constant 0 : i32
    %c0_i32_1 = arith.constant 0 : i32
    return %c0_i32, %c0_i32_0 : i32, i32
  }
  func.func @transform_2(%arg0: i32) -> (i32, i32) {
    %c0_i32 = arith.constant 0 : i32
    %c0_i32_0 = arith.constant 0 : i32
    %c0_i32_1 = arith.constant 0 : i32
    return %c0_i32, %c0_i32_0 : i32, i32
  }
  func.func @transform_3(%arg0: i32) -> (i32, i32) {
    %c0_i32 = arith.constant 0 : i32
    %c0_i32_0 = arith.constant 0 : i32
    return %c0_i32, %arg0 : i32, i32
  }
  func.func @transform_4(%arg0: i32) -> (i32, i32) {
    %c0_i32 = arith.constant 0 : i32
    %c0_i32_0 = arith.constant 0 : i32
    return %c0_i32, %arg0 : i32, i32
  }
}

module attributes {stable_mosaic.version = 14 : i64} {
  func.func @_gmm_body(%arg0: i32, %arg1: memref<40xi32, #tpu.memory_space<smem>>, %arg2: memref<40xi32, #tpu.memory_space<smem>>, %arg3: memref<256x1024xf32, #tpu.memory_space<vmem>>, %arg4: memref<1x1024x1024xf32, #tpu.memory_space<vmem>>, %arg5: memref<1x1x1024xf32, #tpu.memory_space<vmem>>, %arg6: memref<1x1x256xf32, #tpu.memory_space<vmem>>, %arg7: memref<256x1024xf32, #tpu.memory_space<vmem>>) attributes {dimension_semantics = [#tpu.dimension_semantics<arbitrary>], iteration_bounds = array<i64: 40>, scalar_prefetch = 2 : i64, scratch_operands = 0 : i64, tpu.core_type = #tpu.core_type<tc>, window_params = [{transform_indices = @transform_0, window_bounds = array<i64: 256, 1024>}, {transform_indices = @transform_1, window_bounds = array<i64: 1, 1024, 1024>}, {transform_indices = @transform_2, window_bounds = array<i64: 1, 1, 1024>}, {transform_indices = @transform_3, window_bounds = array<i64: 1, 1, 256>}, {transform_indices = @transform_4, window_bounds = array<i64: 256, 1024>}]} {
    %get3A = arith.index_cast %arg0 : i32 to index
    %get3A_0 = memref.load %arg2[%get3A] : memref<40xi32, #tpu.memory_space<smem>>
    %eq3A = arith.constant 1 : i32
    %eq3A_1 = arith.cmpi eq, %get3A_0, %eq3A : i32
    %convert_element_type3A = arith.extui %eq3A_1 : i1 to i32
    %cond3A = arith.constant 0 : i32
    %cond3A_2 = arith.cmpi ne, %convert_element_type3A, %cond3A : i32
    scf.if %cond3A_2 {
      %get3A_3 = arith.constant 0 : index
      %get3A_4 = arith.constant 0 : index
      %get3A_5 = vector.load %arg3[%get3A_3, %get3A_4] : memref<256x1024xf32, #tpu.memory_space<vmem>>, vector<256x1024xf32>
      %get3A_6 = arith.constant 0 : index
      %get3A_7 = arith.constant 0 : index
      %get3A_8 = arith.constant 0 : index
      %get3A_9 = vector.load %arg4[%get3A_6, %get3A_7, %get3A_8] : memref<1x1024x1024xf32, #tpu.memory_space<vmem>>, vector<1x1024x1024xf32>
      %squeeze3A = vector.shape_cast %get3A_9 : vector<1x1024x1024xf32> to vector<1024x1024xf32>
      %dot_general3A = arith.constant dense<0.000000e+00> : vector<256x1024xf32>
      %dot_general3A_10 = tpu.matmul %get3A_5, %squeeze3A, %dot_general3A {dimension_numbers = #tpu.dot_dimension_numbers<[1], [1], [0], [0], [0, 0, 1, 0], [], []>, transpose_lhs_hint = false} : vector<256x1024xf32>, vector<1024x1024xf32>, vector<256x1024xf32> -> vector<256x1024xf32>
      %get3A_11 = arith.constant 0 : index
      %get3A_12 = arith.constant 0 : index
      %get3A_13 = arith.constant 0 : index
      %get3A_14 = vector.load %arg5[%get3A_11, %get3A_12, %get3A_13] : memref<1x1x1024xf32, #tpu.memory_space<vmem>>, vector<1x1x1024xf32>
      %squeeze3A_15 = vector.shape_cast %get3A_14 : vector<1x1x1024xf32> to vector<1x1024xf32>
      %add3A = vector.broadcast %squeeze3A_15 : vector<1x1024xf32> to vector<256x1024xf32>
      %add3A_16 = arith.addf %dot_general3A_10, %add3A : vector<256x1024xf32>
      %get3A_17 = arith.constant 0 : index
      %get3A_18 = arith.constant 0 : index
      %get3A_19 = arith.constant 0 : index
      %get3A_20 = vector.load %arg6[%get3A_17, %get3A_18, %get3A_19] : memref<1x1x256xf32, #tpu.memory_space<vmem>>, vector<1x1x256xf32>
      %squeeze3A_21 = vector.shape_cast %get3A_20 : vector<1x1x256xf32> to vector<256xf32>
      %broadcast_in_dim3A = vector.shape_cast %squeeze3A_21 : vector<256xf32> to vector<256x1xf32>
      %mul3A = vector.broadcast %broadcast_in_dim3A : vector<256x1xf32> to vector<256x1024xf32>
      %mul3A_22 = arith.mulf %add3A_16, %mul3A : vector<256x1024xf32>
      %swap3A = arith.constant 0 : index
      %swap3A_23 = arith.constant 0 : index
      %swap3A_24 = vector.load %arg7[%swap3A, %swap3A_23] : memref<256x1024xf32, #tpu.memory_space<vmem>>, vector<256x1024xf32>
      tpu.vector_store %arg7[%swap3A, %swap3A_23], %mul3A_22 {strides = array<i32>} : memref<256x1024xf32, #tpu.memory_space<vmem>>, vector<256x1024xf32>,
    } else {
    }
    return
  }
  func.func @transform_0(%arg0: i32, %arg1: memref<40xi32, #tpu.memory_space<smem>>, %arg2: memref<40xi32, #tpu.memory_space<smem>>) -> (i32, i32) {
    %c0_i32 = arith.constant 0 : i32
    %c0_i32_0 = arith.constant 0 : i32
    return %arg0, %c0_i32 : i32, i32
  }
  func.func @transform_1(%arg0: i32, %arg1: memref<40xi32, #tpu.memory_space<smem>>, %arg2: memref<40xi32, #tpu.memory_space<smem>>) -> (i32, i32, i32) {
    %get3A = arith.index_cast %arg0 : i32 to index
    %get3A_0 = memref.load %arg1[%get3A] : memref<40xi32, #tpu.memory_space<smem>>
    %c0_i32 = arith.constant 0 : i32
    %c0_i32_1 = arith.constant 0 : i32
    %c0_i32_2 = arith.constant 0 : i32
    return %get3A_0, %c0_i32, %c0_i32_1 : i32, i32, i32
  }
  func.func @transform_2(%arg0: i32, %arg1: memref<40xi32, #tpu.memory_space<smem>>, %arg2: memref<40xi32, #tpu.memory_space<smem>>) -> (i32, i32, i32) {
    %get3A = arith.index_cast %arg0 : i32 to index
    %get3A_0 = memref.load %arg1[%get3A] : memref<40xi32, #tpu.memory_space<smem>>
    %c0_i32 = arith.constant 0 : i32
    %c0_i32_1 = arith.constant 0 : i32
    %c0_i32_2 = arith.constant 0 : i32
    return %get3A_0, %c0_i32, %c0_i32_1 : i32, i32, i32
  }
  func.func @transform_3(%arg0: i32, %arg1: memref<40xi32, #tpu.memory_space<smem>>, %arg2: memref<40xi32, #tpu.memory_space<smem>>) -> (i32, i32, i32) {
    %c0_i32 = arith.constant 0 : i32
    %c0_i32_0 = arith.constant 0 : i32
    %c0_i32_1 = arith.constant 0 : i32
    return %arg0, %c0_i32, %c0_i32_0 : i32, i32, i32
  }
  func.func @transform_4(%arg0: i32, %arg1: memref<40xi32, #tpu.memory_space<smem>>, %arg2: memref<40xi32, #tpu.memory_space<smem>>) -> (i32, i32) {
    %c0_i32 = arith.constant 0 : i32
    %c0_i32_0 = arith.constant 0 : i32
    return %arg0, %c0_i32 : i32, i32
  }
}

</mosaic_0001>

<sc_bundles>
// kernel: kernel.6.cloned.1.call-start
scs
__scs_entry_jumppad:
0x0: {  	(pc) =	sbr.rel $0x88, $3  }
0x1: {  	(tag) =	ssettag $0x0;
	lr =	simm.s32 $0x1  }
0x2: {  	[smem:$0x3F9C] =	sst lr;
	_ =	strace $0xD0000000  }
0x3: {  	_ = 	snop  }
0x4: {  	_ = 	snop  }
0x5: {  	_ = 	snop  }
0x6: {  	_ = 	snop  }
0x7: {  	_ = 	snop  }
__scs_overlays_trampoline_lowered:
0x8: {  	[smem:$0x3FAB] =	sst s0  }
0x9: {  	[smem:$0x3FAC] =	sst s1  }
0xa: {  	[smem:$0x3FAD] =	sst s2  }
0xb: {  	[smem:$0x3FAE] =	sst s3  }
0xc: {  	[smem:$0x3FAF] =	sst s4  }
0xd: {  	[smem:$0x3FB0] =	sst s5  }
0xe: {  	[smem:$0x3FB1] =	sst s6  }
0xf: {  	[smem:$0x3FB2] =	sst s7  }
0x10: {  	[smem:$0x3FB3] =	sst s8  }
0x11: {  	[smem:$0x3FB4] =	sst s9;
	s0 =	simm.s32 @!p0 $0x0  }
0x12: {  	s1 =	sld [smem:$0x3F9A];
	s0 =	simm.s32 @p0 $0x1  }
0x13: {  	[smem:$0x3FB5] =	sst s0;
	s0 =	simm.s32 @!p1 $0x0  }
0x14: {  	s2 =	sld [smem:$0x3F99];
	s0 =	simm.s32 @p1 $0x1  }
0x15: {  	[smem:$0x3FB6] =	sst s0;
	s0 =	simm.s32 @!p2 $0x0  }
0x16: {  	s3 =	sld [smem:$0x3FDB];
	s0 =	simm.s32 @p2 $0x1  }
0x17: {  	s4 =	simm.s32 $0x1BF5;
	[smem:$0x3FB8] =	sst s0  }
0x18: {  	s0 =	sld [smem:$0x3F9B];
	_ =	swait.ge [sflag:s4], $0x0  }
0x19: {  	s7 =	sld [smem:$0x3F9C]  }
0x1a: {  	s8 =	sadd.s32 $0xFFFFE003, lr  }
0x1b: {  	s9 =	sadd.s32 $0xFFFFFEF7, lr;
	s5 =	simm.s32 $0xFFFFFFFF;
	p2 =	slt.u32 s8, $0xFFFFF086  }
0x1c: {  	p1 =	slt.u32 s9, $0xF7A;
	s5 =	simm.s32 @!p2 $0x0  }
0x1d: {  	s5 =	simm.s32 @p1 $0x1;
	p0 =	seq.s32 s7, s2  }
0x1e: {  	s7 =	smul.u32 @!p0 $0xF7A, s2;
	p2 =	seq.s32 @!p0 s5, $0x0  }
0x1f: {  	s9 =	smul.u32 $0xF7A, s1;
	s8 =	simm.s32 @!p0 $0x1BF5;
	p2 =	por !p2, p0  }
0x20: {  	[sflag:s8] =	ssyncset.s32 @!p0 $0xFFFFF086;
	s6 =	sadd.s32 @!p0 s3, s7;
	s7 =	simm.s32 @!p0 $0x108  }
0x21: {  	s3 =	sadd.s32 s3, s9;
	s6 =	sadd.s32 @!p0 $0x88, s6;
	s7 =	simm.s32 @p2 $0x1082  }
0x22: {  	[simem:s7], [sflag:s8] =	dma.local @!p0 [hbm:s6], $0xF7A  }
0x23: {  	s9 =	sor.u32 $0xD0000000, s2;
	s6 =	simm.s32 $0x108;
	_ =	swait.ge @!p0 [sflag:s8], $0x0  }
0x24: {  	s3 =	sadd.s32 $0x88, s3;
	s6 =	simm.s32 @!p1 $0x1082;
	[sflag:s4] =	ssyncset.s32 $0xFFFFF086  }
0x25: {  	[simem:s6], [sflag:s4] =	dma.local [hbm:s3], $0xF7A  }
0x26: {  	[smem:$0x3F9C] =	sst s1;
	(tag) =	ssettag s2;
	_ =	strace s9  }
0x27: {  	s1 =	sld [smem:$0x3FAC]  }
0x28: {  	s2 =	sld [smem:$0x3FAD]  }
0x29: {  	s4 =	sld [smem:$0x3FAF]  }
0x2a: {  	p0 =	seq.s32 s5, $0x0;
	s5 =	sld [smem:$0x3FB0]  }
0x2b: {  	s6 =	sld [smem:$0x3FB1]  }
0x2c: {  	s7 =	sld [smem:$0x3FB2]  }
0x2d: {  	s3 =	simm.s32 $0x108;
	s8 =	sld [smem:$0x3FB3]  }
0x2e: {  	s3 =	simm.s32 @!p0 $0x1082;
	s9 =	sld [smem:$0x3FB4]  }
0x2f: {  	lr =	sadd.s32 s0, s3;
	s0 =	sld [smem:$0x3FAB]  }
0x30: {  	s3 =	sld [smem:$0x3FAE]  }
0x31: {  	[smem:$0x3FB7] =	sst s10  }
0x32: {  	s10 =	sld [smem:$0x3FB5];
	_ =	sdelay $0x3  }
0x33: {  	p0 =	seq.s32 s10, $0x1;
	s10 =	sld [smem:$0x3FB7];
	_ =	sdelay $0x3  }
0x34: {  	[smem:$0x3FB7] =	sst s10  }
0x35: {  	s10 =	sld [smem:$0x3FB6];
	_ =	sdelay $0x3  }
0x36: {  	p1 =	seq.s32 s10, $0x1;
	s10 =	sld [smem:$0x3FB7];
	_ =	sdelay $0x3  }
0x37: {  	[smem:$0x3FB7] =	sst s10  }
0x38: {  	s10 =	sld [smem:$0x3FB8]  }
0x39: {  	_ = 	snop;
	(pc) =	sbr.ind lr, $3  }
0x3a: {  	_ = 	snop  }
0x3b: {  	_ = 	snop  }
0x3c: {  	p2 =	seq.s32 s10, $0x1;
	s10 =	sld [smem:$0x3FB7]  }
0x3d: {  	_ =	shalt  }
0x3e: {  	_ =	shalt  }
0x3f: {  	_ =	shalt  }
0x40: {  	_ =	shalt  }
0x41: {  	_ =	shalt  }
0x42: {  	_ =	shalt  }
0x43: {  	_ =	shalt  }
0x44: {  	_ =	shalt  }
0x45: {  	_ =	shalt  }
0x46: {  	_ =	shalt  }
0x47: {  	_ =	shalt  }
0x48: {  	_ =	shalt  }
0x49: {  	_ =	shalt  }
0x4a: {  	_ =	shalt  }
0x4b: {  	_ =	shalt  }
0x4c: {  	_ =	shalt  }
0x4d: {  	_ =	shalt  }
0x4e: {  	_ =	shalt  }
0x4f: {  	_ =	shalt  }
0x50: {  	_ =	shalt  }
0x51: {  	_ =	shalt  }
0x52: {  	_ =	shalt  }
0x53: {  	_ =	shalt  }
0x54: {  	_ =	shalt  }
0x55: {  	_ =	shalt  }
0x56: {  	_ =	shalt  }
0x57: {  	_ =	shalt  }
0x58: {  	_ =	shalt  }
0x59: {  	_ =	shalt  }
0x5a: {  	_ =	shalt  }
0x5b: {  	_ =	shalt  }
0x5c: {  	_ =	shalt  }
0x5d: {  	_ =	shalt  }
0x5e: {  	_ =	shalt  }
0x5f: {  	_ =	shalt  }
0x60: {  	_ =	shalt  }
0x61: {  	_ =	shalt  }
0x62: {  	_ =	shalt  }
0x63: {  	_ =	shalt  }
0x64: {  	_ =	shalt  }
0x65: {  	_ =	shalt  }
0x66: {  	_ =	shalt  }
0x67: {  	_ =	shalt  }
0x68: {  	_ =	shalt  }
0x69: {  	_ =	shalt  }
0x6a: {  	_ =	shalt  }
0x6b: {  	_ =	shalt  }
0x6c: {  	_ =	shalt  }
0x6d: {  	_ =	shalt  }
0x6e: {  	_ =	shalt  }
0x6f: {  	_ =	shalt  }
0x70: {  	_ =	shalt  }
0x71: {  	_ =	shalt  }
0x72: {  	_ =	shalt  }
0x73: {  	_ =	shalt  }
0x74: {  	_ =	shalt  }
0x75: {  	_ =	shalt  }
0x76: {  	_ =	shalt  }
0x77: {  	_ =	shalt  }
0x78: {  	_ =	shalt  }
0x79: {  	_ =	shalt  }
0x7a: {  	_ =	shalt  }
0x7b: {  	_ =	shalt  }
0x7c: {  	_ =	shalt  }
0x7d: {  	_ =	shalt  }
0x7e: {  	_ =	shalt  }
0x7f: {  	_ =	shalt  }
0x80: {  	_ =	shalt  }
0x81: {  	_ =	shalt  }
0x82: {  	_ =	shalt  }
0x83: {  	_ =	shalt  }
0x84: {  	_ =	shalt  }
0x85: {  	_ =	shalt  }
0x86: {  	_ =	shalt  }
0x87: {  	_ =	shalt  }
.Lfunc_end0:
.L_simem_size_0:
called_computation_lowered:
.L_overlay_start_0:
0x88: {  	s2 =	sld [smem:$0x3FD9]  }
0x89: {  	s3 =	sld [smem:$0x3FFE];
	_ =	sdelay $0x1  }
0x8a: {  	s1 =	srdreg.scid  }
0x8b: {  	s0 =	sand.u32 $0x1, s1  }
0x8c: {  	s17 =	sshll.u32 s0, $0xA;
	s2 =	sadd.s32 s3, s2  }
0x8d: {  	s2 =	sadd.s32 s2, s17  }
0x8e: {  	[smem:$0x3FC3] =	sst s2  }
0x8f: {  	_ = 	snop  }
0x90: {  	s2 =	sld [smem:$0x3FC9]  }
0x91: {  	s18 =	sld [smem:$0x3FD0];
	(tm) =	ssettm $0x1  }
0x92: {  	s4 =	sld [smem:$0x3FFB];
	_ =	sdelay $0x3  }
0x93: {  	_ =	strace s4  }
0x94: {  	s4 =	sld [smem:$0x3FFC];
	_ =	sdelay $0x3  }
0x95: {  	_ =	strace s4  }
0x96: {  	s4 =	sld [smem:$0x3FFD];
	_ =	sdelay $0x3  }
0x97: {  	_ =	strace s4  }
0x98: {  	_ =	strace $0x8FFFFFFF  }
0x99: {  	s19 =	sld [smem:$0x3FDB];
	_ =	sdelay $0x1  }
0x9a: {  	s5 =	simm.s32 $_scs_section_size  }
0x9b: {  	s6 =	simm.s32 $_size__tile_overlayer_lowered;
	s7 =	simm.s32 $_tile_overlayer_lowered  }
0x9c: {  	s22 =	simm.s32 $0x1BFF;
	s21 =	sshll.u32 s7, $0x1;
	s4 =	sadd.s32 s5, s19  }
0x9d: {  	s8 =	simm.s32 $0x0;
	s20 =	sshll.u32 s6, $0x1;
	s6 =	sadd.s32 s21, s4  }
0x9e: {  	[timem:s8], [sflag:s22] =	dma.local [hbm:s6], s20  }
0x9f: {  	_ =	swait.ge [sflag:s22], s20  }
0xa0: {  	s5 =	ssub.s32 $0x0, s20;
	[sflag:s22] =	ssyncset.done $0x0  }
0xa1: {  	[sflag:s22] =	ssyncadd.s32 s5;
	_ =	sdelay $0x1  }
0xa2: {  	s23 =	simm.s32 $0x1B8B  }
0xa3: {  	_ =	swait.ge [sflag:s23], $0x1  }
0xa4: {  	[sflag:s23] =	ssyncset.done $0x0  }
0xa5: {  	s25 =	simm.s32 $0x1B8E;
	s24 =	sld [smem:$0x3FFE];
	[sflag:s23] =	ssyncadd.s32 $0xFFFFFFFF  }
0xa6: {  	s26 =	simm.s32 $execute0_lowered;
	[smem:$0x3FD2] =	sst s25  }
0xa7: {  	s6 =	sshll.u32 s26, $0x1;
	_ =	strace $0x80000046;
	[dreg:$0x1] =	wrdreg $0xFFFFFFFF  }
0xa8: {  	s28 =	simm.s32 $_size_execute0_lowered;
	s4 =	sadd.s32 s4, s6;
	[dreg:$0x0] =	wrdreg $0x0  }
0xa9: {  	s6 =	sshll.u32 s28, $0x1;
	[dreg:$0x2] =	wrdreg s4  }
0xaa: {  	[dreg:$0x3] =	wrdreg s6  }
0xab: {  	[dreg:$0x4] =	wrdreg $0xC0  }
0xac: {  	_ =	task [dreg:s8], $0x5FFFF  }
0xad: {  	[dreg:$0x1] =	wrdreg $0xFFFFFFFF  }
0xae: {  	[dreg:$0x0] =	wrdreg $0x60  }
0xaf: {  	[dreg:$0x2] =	wrdreg s24  }
0xb0: {  	[dreg:$0x3] =	wrdreg s2  }
0xb1: {  	[dreg:$0x4] =	wrdreg s18  }
0xb2: {  	[dreg:$0x5] =	wrdreg $0xAF800  }
0xb3: {  	[dreg:$0x6] =	wrdreg $0xAF900  }
0xb4: {  	[dreg:$0x7] =	wrdreg $0xB2100  }
0xb5: {  	[dreg:$0x8] =	wrdreg $0x9  }
0xb6: {  	_ =	task.clear_ibuf [dreg:s8], $0x9FFFF;
	_ =	strace $0x90000046  }
0xb7: {  	s29 =	simm.s32 $0x9;
	_ =	strace $0x80000048  }
0xb8: {  	_ =	swait.ge [sflag:s29], $0x1  }
0xb9: {  	[sflag:s29] =	ssyncadd.s32 $0xFFFFFFFF  }
0xba: {  	_ =	strace $0x90000048  }
0xbb: {  	_ =	sfence  }
0xbc: {  	s30 =	sld [smem:$0x0];
	_ =	sdelay $0x2  }
0xbd: {  	s31 =	sshll.u32 s1, $0xD;
	s1 =	sshrl.u32 s1, $0x2  }
0xbe: {  	s3 =	sand.u32 $0x4000, s31;
	s1 =	sadd.s32 s1, s30  }
0xbf: {  	s0 =	sor.u32 s3, s0;
	s1 =	sshll.u32 s1, $0x11  }
0xc0: {  	s0 =	sor.u32 s1, s0  }
0xc1: {  	s0 =	sadd.s32 $0x8F2B, s0  }
0xc2: {  	[sflag:s0] =	ssyncadd.remote.s32 $0x1  }
0xc3: {  	_ =	sfence.sel $0xFFFF  }
0xc4: {  	[dreg:$0x0] =	wrdreg $0xFFFFFFFF;
	(pc) =	sbr.abs _section_cstart, $3  }
0xc5: {  	[dreg:$0x1] =	wrdreg $0xFFFFFFFF  }
0xc6: {  	_ =	task.clear_ibuf [dreg:s8], $0x2FFFF;
	_ =	strace $0x9FFFFFFF  }
0xc7: {  	(tm) =	ssettm $0x7FFFFFFF  }
tec
execute0_lowered:
.L_overlay_start_1:
0x0: {  	(tag) =	ssettag $0x1  }
0x1: {  	s0 =	rddreg [dreg:$0x0]  }
0x2: {  	s1 =	rddreg [dreg:$0x1]  }
0x3: {  	s2 =	rddreg [dreg:$0x2]  }
0x4: {  	s17 =	rddreg [dreg:$0x3];
	s19 =	stileid.u32  }
0x5: {  	s18 =	rddreg [dreg:$0x4];
	v1 =	vmov s19  }
0x6: {  	s20 =	rddreg [dreg:$0x5];
	s6 =	simm.s32 $0x0;
	v2 =	vimm.s32 $0x0;
	vm1 =	veq.s32 v1, $0xF  }
0x7: {  	[smem:$0x7FF] =	sst s6;
	v2 =	vsel vm1, $0xFFFFFFFF, v2  }
0x8: {  	s3 =	srdreg.scid;
	s31 =	simm.s32 $0x2;
	_ =	strace $0x80000047;
	vm1 =	vgt.u32 v1, $0xD;
	[tilespmem:$0x1FF10] =	vst v2;
	v2 =	vimm.s32 $0x0  }
0x9: {  	s3 =	sand.u32 $0x1, s3;
	s4 =	sshll.u32 s19, $0x6;
	s13 =	smul.u32 $0x1400, s19;
	v2 =	vsel vm1, $0xFFFFFFFF, v2  }
0xa: {  	s9 =	sadd.s32 $0x2000, s0;
	s10 =	sadd.s32 $0x142800, s0;
	s25 =	smul.u32 $0xA0, s19;
	vm1 =	vgt.u32 v1, $0xC;
	[tilespmem:$0x1FF20] =	vst v2;
	v2 =	vimm.s32 $0x0  }
0xb: {  	s12 =	sadd.s32 $0x2400, s0;
	s21 =	smul.u32 $0x28, s19;
	s28 =	sadd.s32 $0x100, s1;
	v2 =	vsel vm1, $0xFFFFFFFF, v2  }
0xc: {  	s29 =	sadd.s32 $0x200, s1;
	s30 =	sadd.s32 $0x300, s1;
	s5 =	smul.u32 $0x14000, s3;
	vm1 =	vgt.u32 v1, $0xB;
	[tilespmem:$0x1FF30] =	vst v2;
	v2 =	vimm.s32 $0x0  }
0xd: {  	s7 =	sadd.s32 s4, s0;
	s8 =	sshll.u32 s3, $0x4;
	s11 =	ssub.s32 $0x2, s3;
	v2 =	vsel vm1, $0xFFFFFFFF, v2  }
0xe: {  	[dreg:$0xf] =	wrdreg s12;
	s23 =	smul.u32 $0xA00, s3;
	s24 =	sadd.s32 s9, s4;
	vm1 =	vgt.u32 v1, $0xA;
	[tilespmem:$0x1FF40] =	vst v2;
	v2 =	vimm.s32 $0x0  }
0xf: {  	s14 =	sor.u32 $0x10, s4;
	s16 =	smul.u32 $0x280, s3;
	p1 =	sne.s32 s3, $0x0;
	v2 =	vsel vm1, $0xFFFFFFFF, v2  }
0x10: {  	s8 =	sor.u32 s19, s8;
	s22 =	sshrl.u32 s11, $0x1;
	[dreg:$0x11] =	wrdreg s24;
	vm1 =	vgt.u32 v1, $0x9;
	[tilespmem:$0x1FF50] =	vst v2;
	v2 =	vimm.s32 $0x0  }
0x11: {  	s15 =	sadd.s32 s9, s14;
	s24 =	sor.u32 $0x30, s4;
	s14 =	sadd.s32 s10, s14;
	v2 =	vsel vm1, $0xFFFFFFFF, v2  }
0x12: {  	s5 =	sadd.s32 s5, s0;
	s8 =	smul.u32 $0x140, s8;
	[dreg:$0x12] =	wrdreg s15;
	vm1 =	vgt.u32 v1, $0x8;
	[tilespmem:$0x1FF60] =	vst v2;
	v2 =	vimm.s32 $0x0  }
0x13: {  	s0 =	sadd.s32 $0x2600, s0;
	s12 =	sadd.s32 s21, s16;
	[dreg:$0x16] =	wrdreg s14;
	v2 =	vsel vm1, $0xFFFFFFFF, v2  }
0x14: {  	s16 =	sadd.s32 s10, s4;
	s21 =	sadd.s32 $0x1C00, s7;
	[dreg:$0x10] =	wrdreg s0;
	vm1 =	vgt.u32 v1, $0x7;
	[tilespmem:$0x1FF70] =	vst v2;
	v2 =	vimm.s32 $0x0  }
0x15: {  	s0 =	ssub.s32 s11, s22;
	s22 =	sor.u32 $0x20, s4;
	s11 =	sadd.s32 s25, s23;
	v2 =	vsel vm1, $0xFFFFFFFF, v2  }
0x16: {  	s23 =	ssub.s32 $0x0, s19;
	[dreg:$0x19] =	wrdreg s16;
	s4 =	sshrl.u32 s4, $0x2;
	vm1 =	vgt.u32 v1, $0x6;
	[tilespmem:$0x1FF80] =	vst v2;
	v2 =	vimm.s32 $0x0  }
0x17: {  	[dreg:$0x1a] =	wrdreg s21;
	s16 =	simm.s32 $0x800;
	s25 =	sadd.s32 s9, s22;
	v2 =	vsel vm1, $0xFFFFFFFF, v2  }
0x18: {  	s26 =	sshrl.u32 s8, $0x3;
	s9 =	sadd.s32 s9, s24;
	[dreg:$0x14] =	wrdreg s25;
	vm1 =	vgt.u32 v1, $0x5;
	[tilespmem:$0x1FF90] =	vst v2;
	v2 =	vimm.s32 $0x0  }
0x19: {  	p0 =	sne.s32 s3, s23;
	s15 =	sadd.s32 s10, s22;
	[dreg:$0x15] =	wrdreg s9;
	v2 =	vsel vm1, $0xFFFFFFFF, v2  }
0x1a: {  	s4 =	sadd.s32 s4, s17;
	s22 =	sadd.s32 s8, s20;
	[dreg:$0x17] =	wrdreg s15;
	vm1 =	vgt.u32 v1, $0x4;
	[tilespmem:$0x1FFA0] =	vst v2;
	v2 =	vimm.s32 $0x0  }
0x1b: {  	s23 =	sshrl.u32 s11, $0x2;
	s0 =	smax.u32 s0, $0x1;
	[dreg:$0x1b] =	wrdreg s4;
	v2 =	vsel vm1, $0xFFFFFFFF, v2  }
0x1c: {  	s2 =	sadd.s32 s2, s26;
	s26 =	smul.u32 $0xA00, s19;
	[dreg:$0x1d] =	wrdreg s22;
	vm1 =	vgt.u32 v1, $0x3;
	[tilespmem:$0x1FFB0] =	vst v2;
	v2 =	vimm.s32 $0x0  }
0x1d: {  	v0 =	vimm.s32 $0x0;
	[dreg:$0x1e] =	wrdreg s0;
	s25 =	sadd.s32 s23, s18;
	s23 =	simm.s32 $0x880;
	v2 =	vsel vm1, $0xFFFFFFFF, v2  }
0x1e: {  	vm0 =	vmmov $0x1;
	s0 =	simm.s32 $0x3;
	[dreg:$0x13] =	wrdreg s2;
	s2 =	sadd.s32 s13, s5;
	vm1 =	vgt.u32 v1, $0x2;
	[tilespmem:$0x1FFC0] =	vst v2;
	v2 =	vimm.s32 $0x0  }
.Ltmp0:
0x1f: {  	vm12 =	vcmask $0x704;
	vm2 =	vcmask $0xB08;
	s5 =	sadd.s32 s10, s24;
	[smem:$0x7FC] =	sst s25;
	v2 =	vsel vm1, $0xFFFFFFFF, v2;
	(pc) =	sbr.rel .LBB2_1-.Ltmp0, $4  }
0x20: {  	vm3 =	vcmask $0xF0C;
	s25 =	simm.s32 $0x980;
	[dreg:$0x18] =	wrdreg s5;
	s24 =	sadd.s32 $0x2800, s2;
	vm1 =	vgt.u32 v1, $0x1;
	[tilespmem:$0x1FFD0] =	vst v2;
	v2 =	vimm.s32 $0x0  }
0x21: {  	s3 =	sshrl.u32 s26, $0x2;
	s26 =	sshll.u32 s19, $0x9;
	[dreg:$0x1f] =	wrdreg s24;
	v2 =	vsel vm1, $0xFFFFFFFF, v2;
	vm1 =	veq.s32 v1, $0x0;
	v1 =	vimm.s32 $0x0  }
0x22: {  	vm4 =	vcmask $0x1310;
	vm5 =	vcmask $0x1714;
	s3 =	sadd.s32 s3, s18;
	[smem:$0x7FD] =	sst s26;
	s24 =	simm.s32 $0x900;
	[tilespmem:$0x1FFE0] =	vst v2;
	v1 =	vsel vm1, $0xFFFFFFFF, v1  }
0x23: {  	vm6 =	vcmask $0x1B18;
	vm7 =	vcmask $0x1F1C;
	s26 =	simm.s32 $0x1;
	[dreg:$0x1c] =	wrdreg s3;
	s3 =	simm.s32 $0x0;
	[tilespmem:$0x1FFF0] =	vst v1;
	v1 =	vlaneseq.u32  }
.LBB2_11:
0x24: {  	s3 =	sld [smem:$0x7FB];
	_ =	sdelay $0x2  }
0x25: {  	s2 =	rddreg [dreg:$0x1e];
	s3 =	sadd.s32 $0x1, s3  }
0x26: {  	p2 =	sne.s32 s3, s2  }
.Ltmp1:
0x27: {  	_ = 	snop;
	(pc) =	sbr.rel @!p2 .LBB2_12-.Ltmp1, $1  }
0x28: {  	_ =	sdelay $0x3  }
.LBB2_1:
0x29: {  	[smem:$0x7FB] =	sst s3  }
0x2a: {  	s2 =	rddreg [dreg:$0x1a]  }
0x2b: {  	[tilespmem:s6], [sflag:$0x2] =	stream.linear.gather [hbm4b:s2+s6], $0x200, $0x38;
	[tilespmem:$0xB490] =	vst v63  }
0x2c: {  	_ =	swait.ge [sflag:s31], $0x200  }
0x2d: {  	[sflag:s31] =	ssyncset.done $0x0  }
0x2e: {  	s20 =	rddreg [dreg:$0x11];
	[sflag:s31] =	ssyncadd.s32 $0xFFFFFE00  }
0x2f: {  	[tilespmem:s16], [sflag:$0x2] =	stream.linear.gather [hbm4b:s20+s6], $0x80, $0x38;
	[tilespmem:$0xB490] =	vst v63  }
0x30: {  	_ =	swait.ge [sflag:s31], $0x80  }
0x31: {  	[sflag:s31] =	ssyncset.done $0x0  }
0x32: {  	s21 =	rddreg [dreg:$0x12];
	[sflag:s31] =	ssyncadd.s32 $0xFFFFFF80  }
0x33: {  	[tilespmem:s23], [sflag:$0x2] =	stream.linear.gather [hbm4b:s21+s6], $0x80, $0x38;
	[tilespmem:$0xB490] =	vst v63  }
0x34: {  	_ =	swait.ge [sflag:s31], $0x80  }
0x35: {  	[sflag:s31] =	ssyncset.done $0x0  }
0x36: {  	s22 =	rddreg [dreg:$0x14];
	[sflag:s31] =	ssyncadd.s32 $0xFFFFFF80  }
0x37: {  	[tilespmem:s24], [sflag:$0x2] =	stream.linear.gather [hbm4b:s22+s6], $0x80, $0x38;
	[tilespmem:$0xB490] =	vst v63  }
0x38: {  	_ =	swait.ge [sflag:s31], $0x80  }
0x39: {  	[sflag:s31] =	ssyncset.done $0x0  }
0x3a: {  	s23 =	rddreg [dreg:$0x15];
	[sflag:s31] =	ssyncadd.s32 $0xFFFFFF80  }
0x3b: {  	[tilespmem:s25], [sflag:$0x2] =	stream.linear.gather [hbm4b:s23+s6], $0x80, $0x38;
	[tilespmem:$0xB490] =	vst v63  }
0x3c: {  	_ =	swait.ge [sflag:s31], $0x80  }
0x3d: {  	[sflag:s31] =	ssyncset.done $0x0  }
0x3e: {  	s24 =	simm.s32 $0x0;
	[sflag:s31] =	ssyncadd.s32 $0xFFFFFF80  }
0x3f: {  	v3 =	vld [tilespmem:s24+$0x0];
	_ =	sdelay $0x4  }
0x40: {  	vm1 =	veq.s32 v3, $0x0  }
0x41: {  	vm8 =	veq.s32 v3, $0x1;
	v2 =	vsel vm1, $0x1, v0  }
0x42: {  	s25 =	simm.s32 $0x10;
	vm1 =	veq.s32 v3, $0x2;
	v4 =	vsel vm8, $0x1, v0;
	(xrf0) =	vadd.scan.msk.s32 $0xffff, v2  }
0x43: {  	vm8 =	veq.s32 v3, $0x3;
	v2 =	vld [tilespmem:s25+$0x0];
	v5 =	vsel vm1, $0x1, v0;
	(xrf0) =	vadd.scan.msk.s32 $0xffff, v4  }
0x44: {  	vm1 =	veq.s32 v3, $0x4;
	v4 =	vsel vm8, $0x1, v0;
	(xrf0) =	vadd.scan.msk.s32 $0xffff, v5  }
0x45: {  	v5 =	vsel vm1, $0x1, v0;
	vm1 =	veq.s32 v3, $0x5;
	(xrf0) =	vadd.scan.msk.s32 $0xffff, v4  }
0x46: {  	v4 =	vsel vm1, $0x1, v0;
	vm1 =	veq.s32 v3, $0x6;
	(xrf0) =	vadd.scan.msk.s32 $0xffff, v5  }
0x47: {  	v6 =	vsel vm1, $0x1, v0;
	vm1 =	veq.s32 v3, $0x7;
	v3 =	vimm.s32 $0x0;
	(xrf0) =	vadd.scan.msk.s32 $0xffff, v4  }
0x48: {  	s2 =	simm.s32 $0x80;
	vm9 =	veq.s32 v2, $0x3;
	vm8 =	veq.s32 v2, $0x4;
	v4 =	vsel vm1, $0x1, v0;
	v5, _, _ =	vpop (xrf0);
	(xrf0) =	vadd.scan.msk.s32 $0xffff, v6  }
.LBB2_2:
0x49: {  	p2 =	sne.s32 s2, $0x7C0;
	vm10 =	veq.s32 v2, $0x1;
	vm1 =	veq.s32 v2, $0x2;
	v5 =	vbroadcast v5, $0xF;
	v6, _, _ =	vpop (xrf0);
	(xrf0) =	vadd.scan.msk.s32 $0xffff, v4  }
0x4a: {  	vm11 =	veq.s32 v2, $0x0;
	v4 =	vsel vm10, $0x1, v0;
	v6 =	vbroadcast v6, $0xF;
	v7, _, _ =	vpop (xrf0)  }
0x4b: {  	v8 =	vsel vm11, $0x1, v0;
	v5 =	vnsel vm0, $0x0, v5;
	v7 =	vbroadcast v7, $0xF;
	v9, _, _ =	vpop (xrf0)  }
0x4c: {  	v3 =	vadd.s32 v3, v5;
	v5 =	vnsel vm12, $0x0, v6;
	v6 =	vbroadcast v9, $0xF;
	v9, _, _ =	vpop (xrf0)  }
0x4d: {  	v3 =	vadd.s32 v5, v3;
	v5 =	vnsel vm2, $0x0, v7;
	v7 =	vbroadcast v9, $0xF;
	v9, _, _ =	vpop (xrf0)  }
0x4e: {  	v3 =	vadd.s32 v5, v3;
	v5 =	vnsel vm3, $0x0, v6;
	v6 =	vbroadcast v9, $0xF;
	v9, _, _ =	vpop (xrf0)  }
0x4f: {  	v3 =	vadd.s32 v5, v3;
	v5 =	vnsel vm4, $0x0, v7;
	v7 =	vbroadcast v9, $0xF;
	v9, _, _ =	vpop (xrf0)  }
0x50: {  	s4 =	sshra.s32 s2, $0x2;
	(xrf0) =	vadd.scan.msk.s32 $0xffff, v8;
	v3 =	vadd.s32 v5, v3;
	v5 =	vnsel vm5, $0x0, v6;
	v6 =	vbroadcast v9, $0xF;
	v8 =	vmovc v2  }
0x51: {  	v9 =	vsel vm1, $0x1, v0;
	v2 =	vld [tilespmem:s4+$0x0];
	(xrf0) =	vadd.scan.msk.s32 $0xffff, v4;
	v3 =	vadd.s32 v5, v3;
	v4 =	vnsel vm6, $0x0, v7  }
.Ltmp2:
0x52: {  	v5 =	vsel vm9, $0x1, v0;
	(xrf0) =	vadd.scan.msk.s32 $0xffff, v9;
	v3 =	vadd.s32 v4, v3;
	v4 =	vnsel vm7, $0x0, v6;
	(pc) =	sbr.rel @p2 .LBB2_2-.Ltmp2, $4  }
0x53: {  	vm1 =	veq.s32 v8, $0x5;
	v6 =	vsel vm8, $0x1, v0;
	(xrf0) =	vadd.scan.msk.s32 $0xffff, v5;
	v3 =	vadd.s32 v4, v3  }
0x54: {  	v4 =	vsel vm1, $0x1, v0;
	vm1 =	veq.s32 v8, $0x6;
	(xrf0) =	vadd.scan.msk.s32 $0xffff, v6  }
0x55: {  	v6 =	vsel vm1, $0x1, v0;
	vm1 =	veq.s32 v8, $0x7;
	(xrf0) =	vadd.scan.msk.s32 $0xffff, v4  }
0x56: {  	s2 =	sadd.s32 $0x40, s2;
	v4 =	vsel vm1, $0x1, v0;
	vm9 =	veq.s32 v2, $0x3;
	vm8 =	veq.s32 v2, $0x4;
	v5, _, _ =	vpop (xrf0);
	(xrf0) =	vadd.scan.msk.s32 $0xffff, v6  }
0x57: {  	v5 =	vbroadcast v5, $0xF;
	v6, _, _ =	vpop (xrf0)  }
0x58: {  	vm1 =	veq.s32 v2, $0x1;
	vm10 =	veq.s32 v2, $0x2;
	v6 =	vbroadcast v6, $0xF;
	v8, _, _ =	vpop (xrf0)  }
0x59: {  	vm11 =	veq.s32 v2, $0x0;
	v5 =	vnsel vm0, $0x0, v5;
	v8 =	vbroadcast v8, $0xF;
	v10, _, _ =	vpop (xrf0)  }
0x5a: {  	(xrf0) =	vadd.scan.msk.s32 $0xffff, v4;
	v3 =	vadd.s32 v3, v5;
	v4 =	vnsel vm12, $0x0, v6;
	v5 =	vbroadcast v10, $0xF  }
0x5b: {  	v9 =	vsel vm11, $0x1, v0;
	v3 =	vadd.s32 v4, v3;
	v4 =	vnsel vm2, $0x0, v8  }
0x5c: {  	v6, _, _ =	vpop (xrf0);
	v3 =	vadd.s32 v4, v3;
	v4 =	vnsel vm3, $0x0, v5;
	v5 =	vsel vm10, $0x1, v0  }
0x5d: {  	v7 =	vsel vm1, $0x1, v0;
	(xrf0) =	vadd.scan.msk.s32 $0xffff, v9;
	v6 =	vbroadcast v6, $0xF  }
0x5e: {  	vm1 =	veq.s32 v2, $0x5;
	v8, _, _ =	vpop (xrf0);
	(xrf0) =	vadd.scan.msk.s32 $0xffff, v7;
	v3 =	vadd.s32 v4, v3;
	v4 =	vsel vm9, $0x1, v0  }
0x5f: {  	v7 =	vbroadcast v8, $0xF;
	(xrf0) =	vadd.scan.msk.s32 $0xffff, v5;
	v8 =	vsel vm8, $0x1, v0;
	v5, _, _ =	vpop (xrf0);
	v6 =	vnsel vm4, $0x0, v6  }
0x60: {  	(xrf0) =	vadd.scan.msk.s32 $0xffff, v4;
	v4 =	vbroadcast v5, $0xF;
	v5 =	vsel vm1, $0x1, v0;
	vm1 =	veq.s32 v2, $0x6  }
0x61: {  	(xrf0) =	vadd.scan.msk.s32 $0xffff, v8;
	v3 =	vadd.s32 v6, v3;
	v6 =	vsel vm1, $0x1, v0  }
0x62: {  	v8, _, _ =	vpop (xrf0);
	vm1 =	veq.s32 v2, $0x7;
	(xrf0) =	vadd.scan.msk.s32 $0xffff, v5  }
0x63: {  	v2 =	vnsel vm5, $0x0, v7;
	v5 =	vbroadcast v8, $0xF;
	v7 =	vsel vm1, $0x1, v0;
	v8, _, _ =	vpop (xrf0);
	(xrf0) =	vadd.scan.msk.s32 $0xffff, v6  }
0x64: {  	v2 =	vadd.s32 v2, v3;
	v3 =	vnsel vm6, $0x0, v4;
	v4 =	vbroadcast v8, $0xF;
	v6, _, _ =	vpop (xrf0);
	(xrf0) =	vadd.scan.msk.s32 $0xffff, v7  }
0x65: {  	v2 =	vadd.s32 v3, v2;
	v3 =	vnsel vm7, $0x0, v5;
	v5 =	vbroadcast v6, $0xF;
	v6, _, _ =	vpop (xrf0)  }
0x66: {  	v2 =	vadd.s32 v3, v2;
	v3 =	vnsel vm0, $0x0, v4;
	v4 =	vbroadcast v6, $0xF;
	v6, _, _ =	vpop (xrf0)  }
0x67: {  	v2 =	vadd.s32 v2, v3;
	v3 =	vnsel vm12, $0x0, v5;
	v5 =	vbroadcast v6, $0xF;
	v6, _, _ =	vpop (xrf0)  }
0x68: {  	v2 =	vadd.s32 v3, v2;
	v3 =	vnsel vm2, $0x0, v4;
	v4 =	vbroadcast v6, $0xF;
	v6, _, _ =	vpop (xrf0)  }
0x69: {  	v2 =	vadd.s32 v3, v2;
	v3 =	vnsel vm3, $0x0, v5;
	v5 =	vbroadcast v6, $0xF;
	v6, _, _ =	vpop (xrf0)  }
0x6a: {  	v2 =	vadd.s32 v3, v2;
	v3 =	vnsel vm4, $0x0, v4;
	v4 =	vbroadcast v6, $0xF;
	v6, _, _ =	vpop (xrf0)  }
0x6b: {  	v2 =	vadd.s32 v3, v2;
	v3 =	vnsel vm5, $0x0, v5;
	v5 =	vbroadcast v6, $0xF  }
0x6c: {  	v2 =	vadd.s32 v3, v2;
	v3 =	vnsel vm6, $0x0, v4  }
0x6d: {  	v2 =	vadd.s32 v3, v2;
	v3 =	vnsel vm7, $0x0, v5  }
0x6e: {  	v2 =	vadd.s32 v3, v2  }
0x6f: {  	s2 =	rddreg [dreg:$0x1b];
	s3 =	simm.s32 $0xA00;
	[tilespmem:$0xA00] =	vst v2  }
0x70: {  	[spmem:s2] =	stream.linear.scatter [tilespmem:s3], [sflag:$0x2], $0x10, $0x38;
	[tilespmem:$0xB490] =	vst v63  }
0x71: {  	_ =	swait.ge [sflag:s31], $0x10  }
0x72: {  	[sflag:s31] =	ssyncset.done $0x0  }
0x73: {  	[sflag:s31] =	ssyncadd.s32 $0xFFFFFFF0  }
0x74: {  	[tilespmem:$0xB80] =	vst v0  }
0x75: {  	[tilespmem:$0xB90] =	vst v0  }
0x76: {  	[tilespmem:$0xBA0] =	vst v0  }
0x77: {  	[tilespmem:$0xBB0] =	vst v0  }
0x78: {  	[tilespmem:$0xBC0] =	vst v0  }
0x79: {  	[tilespmem:$0xBD0] =	vst v0  }
0x7a: {  	[tilespmem:$0xBE0] =	vst v0  }
0x7b: {  	[tilespmem:$0xBF0] =	vst v0  }
0x7c: {  	[tilespmem:$0xC00] =	vst v0  }
0x7d: {  	[tilespmem:$0xC10] =	vst v0  }
0x7e: {  	[tilespmem:$0xC20] =	vst v0  }
0x7f: {  	[tilespmem:$0xC30] =	vst v0  }
0x80: {  	[tilespmem:$0xC40] =	vst v0  }
0x81: {  	[tilespmem:$0xC50] =	vst v0  }
0x82: {  	[tilespmem:$0xC60] =	vst v0  }
0x83: {  	[tilespmem:$0xC70] =	vst v0  }
0x84: {  	[tilespmem:$0xC80] =	vst v0  }
0x85: {  	[tilespmem:$0xC90] =	vst v0  }
0x86: {  	[tilespmem:$0xCA0] =	vst v0  }
0x87: {  	[tilespmem:$0xCB0] =	vst v0  }
0x88: {  	[tilespmem:$0xCC0] =	vst v0  }
0x89: {  	[tilespmem:$0xCD0] =	vst v0  }
0x8a: {  	[tilespmem:$0xCE0] =	vst v0  }
0x8b: {  	[tilespmem:$0xCF0] =	vst v0  }
0x8c: {  	[tilespmem:$0xD00] =	vst v0  }
0x8d: {  	[tilespmem:$0xD10] =	vst v0  }
0x8e: {  	[tilespmem:$0xD20] =	vst v0  }
0x8f: {  	[tilespmem:$0xD30] =	vst v0  }
0x90: {  	[tilespmem:$0xD40] =	vst v0  }
0x91: {  	[tilespmem:$0xD50] =	vst v0  }
0x92: {  	[tilespmem:$0xD60] =	vst v0  }
0x93: {  	[tilespmem:$0xD70] =	vst v0  }
0x94: {  	[tilespmem:$0xD80] =	vst v0  }
0x95: {  	[tilespmem:$0xD90] =	vst v0  }
0x96: {  	[tilespmem:$0xDA0] =	vst v0  }
0x97: {  	[tilespmem:$0xDB0] =	vst v0  }
0x98: {  	[tilespmem:$0xDC0] =	vst v0  }
0x99: {  	[tilespmem:$0xDD0] =	vst v0  }
0x9a: {  	[tilespmem:$0xDE0] =	vst v0  }
0x9b: {  	s8 =	simm.s32 $0xB80;
	s7 =	rddreg [dreg:$0x1c];
	[tilespmem:$0xDF0] =	vst v0  }
0x9c: {  	[spmem:s7] =	stream.linear.scatter [tilespmem:s8], [sflag:$0x2], $0x280, $0x38;
	[tilespmem:$0xB490] =	vst v63  }
0x9d: {  	_ =	swait.ge [sflag:s31], $0x280  }
0x9e: {  	[sflag:s31] =	ssyncset.done $0x0  }
0x9f: {  	[sflag:s31] =	ssyncadd.s32 $0xFFFFFD80  }
0xa0: {  	[bflag:$0x0] =	sbarrier.arrive $0xFFFF  }
0xa1: {  	s10 =	simm.s32 $0xA80;
	s9 =	rddreg [dreg:$0x3]  }
0xa2: {  	[tilespmem:s10], [sflag:$0x2] =	stream.linear.gather [spmem:s9], $0x100, $0x38;
	[tilespmem:$0xB490] =	vst v63  }
0xa3: {  	_ =	swait.ge [sflag:s31], $0x100  }
0xa4: {  	v19 =	vld [tilespmem:$0x1FFF0]  }
0xa5: {  	[sflag:s31] =	ssyncset.done $0x0  }
0xa6: {  	[sflag:s31] =	ssyncadd.s32 $0xFFFFFF00  }
0xa7: {  	v2 =	vld [tilespmem:$0xA80]  }
0xa8: {  	v3 =	vld [tilespmem:$0xA90]  }
0xa9: {  	vm1 =	vnez.u8 v19;
	v19 =	vld [tilespmem:$0x1FFE0];
	_ =	sdelay $0x4  }
0xaa: {  	v9 =	vadd.s32 v3, v2;
	v2 =	vsel vm1, $0x0, v2;
	vm1 =	vnez.u8 v19  }
0xab: {  	v3 =	vnsel vm1, $0x0, v3  }
0xac: {  	v2 =	vadd.s32 v2, v3;
	v3 =	vld [tilespmem:$0x1FFD0]  }
0xad: {  	v4 =	vld [tilespmem:$0xAA0];
	_ =	sdelay $0x3  }
0xae: {  	vm1 =	vnez.u8 v3  }
0xaf: {  	v3 =	vnsel vm1, $0x0, v4  }
0xb0: {  	v2 =	vadd.s32 v3, v2;
	v3 =	vld [tilespmem:$0x1FFC0]  }
0xb1: {  	v5 =	vld [tilespmem:$0xAB0];
	_ =	sdelay $0x3  }
0xb2: {  	vm1 =	vnez.u8 v3  }
0xb3: {  	v3 =	vnsel vm1, $0x0, v5  }
0xb4: {  	v2 =	vadd.s32 v3, v2;
	v3 =	vld [tilespmem:$0x1FFB0]  }
0xb5: {  	v6 =	vld [tilespmem:$0xAC0];
	_ =	sdelay $0x3  }
0xb6: {  	vm1 =	vnez.u8 v3  }
0xb7: {  	v3 =	vnsel vm1, $0x0, v6  }
0xb8: {  	v2 =	vadd.s32 v3, v2;
	v3 =	vld [tilespmem:$0x1FFA0]  }
0xb9: {  	v7 =	vld [tilespmem:$0xAD0]  }
0xba: {  	v8 =	vld [tilespmem:$0xAE0]  }
0xbb: {  	v10 =	vld [tilespmem:$0xAF0]  }
0xbc: {  	v11 =	vld [tilespmem:$0xB00];
	v9 =	vadd.s32 v4, v9  }
0xbd: {  	v12 =	vld [tilespmem:$0xB10];
	v9 =	vadd.s32 v5, v9;
	vm1 =	vnez.u8 v3  }
0xbe: {  	v13 =	vld [tilespmem:$0xB20];
	v9 =	vadd.s32 v6, v9;
	v3 =	vnsel vm1, $0x0, v7  }
0xbf: {  	v9 =	vadd.s32 v7, v9;
	v2 =	vadd.s32 v3, v2;
	v3 =	vld [tilespmem:$0x1FF90]  }
0xc0: {  	v14 =	vld [tilespmem:$0xB30];
	v9 =	vadd.s32 v8, v9  }
0xc1: {  	v15 =	vld [tilespmem:$0xB40];
	v9 =	vadd.s32 v10, v9  }
0xc2: {  	v16 =	vld [tilespmem:$0xB50];
	v9 =	vadd.s32 v11, v9  }
0xc3: {  	v17 =	vld [tilespmem:$0xB60];
	v9 =	vadd.s32 v12, v9  }
0xc4: {  	v18 =	vld [tilespmem:$0xB70];
	v9 =	vadd.s32 v13, v9;
	vm1 =	vnez.u8 v3  }
0xc5: {  	v9 =	vadd.s32 v14, v9;
	v3 =	vnsel vm1, $0x0, v8  }
0xc6: {  	v4 =	vadd.s32 v15, v9;
	v2 =	vadd.s32 v3, v2;
	v3 =	vld [tilespmem:$0x1FF80]  }
0xc7: {  	v4 =	vadd.s32 v16, v4  }
0xc8: {  	v4 =	vadd.s32 v17, v4  }
0xc9: {  	v4 =	vadd.s32 v18, v4  }
0xca: {  	v4 =	vadd.s32 $0xFF, v4  }
0xcb: {  	vm1 =	vnez.u8 v3;
	v3 =	vand.u32 $0xFFFFFF00, v4;
	v4 =	vld [tilespmem:$0x1FF70];
	_ =	sdelay $0x4  }
0xcc: {  	v5 =	vnsel vm1, $0x0, v10;
	vm1 =	vnez.u8 v4  }
0xcd: {  	v2 =	vadd.s32 v5, v2;
	v4 =	vnsel vm1, $0x0, v11  }
0xce: {  	v2 =	vadd.s32 v4, v2;
	v4 =	vld [tilespmem:$0x1FF60];
	_ =	sdelay $0x4  }
0xcf: {  	vm1 =	vnez.u8 v4  }
0xd0: {  	v4 =	vnsel vm1, $0x0, v12  }
0xd1: {  	v2 =	vadd.s32 v4, v2;
	v4 =	vld [tilespmem:$0x1FF50];
	_ =	sdelay $0x4  }
0xd2: {  	vm1 =	vnez.u8 v4  }
0xd3: {  	v4 =	vnsel vm1, $0x0, v13  }
0xd4: {  	v2 =	vadd.s32 v4, v2;
	v4 =	vld [tilespmem:$0x1FF40];
	_ =	sdelay $0x4  }
0xd5: {  	vm1 =	vnez.u8 v4  }
0xd6: {  	v4 =	vnsel vm1, $0x0, v14  }
0xd7: {  	v2 =	vadd.s32 v4, v2;
	v4 =	vld [tilespmem:$0x1FF30];
	_ =	sdelay $0x4  }
0xd8: {  	vm1 =	vnez.u8 v4  }
0xd9: {  	v4 =	vnsel vm1, $0x0, v15  }
0xda: {  	v2 =	vadd.s32 v4, v2;
	v4 =	vld [tilespmem:$0x1FF20];
	_ =	sdelay $0x4  }
0xdb: {  	vm1 =	vnez.u8 v4  }
0xdc: {  	v4 =	vnsel vm1, $0x0, v16  }
0xdd: {  	(xrf0) =	vadd.scan.msk.s32 $0xffff, v3;
	v4 =	vadd.s32 v4, v2;
	v2 =	vld [tilespmem:$0x1FF10];
	_ =	sdelay $0x4  }
0xde: {  	vm1 =	vnez.u8 v2  }
0xdf: {  	v2, _, _ =	vpop (xrf0);
	v5 =	vnsel vm1, $0x0, v17  }
0xe0: {  	v4 =	vadd.s32 v5, v4;
	v5 =	vsub.s32 v2, v3  }
0xe1: {  	v4 =	vadd.s32 v5, v4  }
0xe2: {  	vm1 =	vcmask $0x308;
	v6 =	vnsel vm0, $0x0, v4  }
0xe3: {  	(xrf0) =	vadd.scan.msk.s32 $0xffff, v6;
	v6 =	vsel vm1, $0x0, v4;
	vm1 =	vcmask $0x70C  }
0xe4: {  	(xrf0) =	vadd.scan.msk.s32 $0xffff, v6;
	v6 =	vsel vm1, $0x0, v4;
	vm1 =	vcmask $0xB10  }
0xe5: {  	(xrf0) =	vadd.scan.msk.s32 $0xffff, v6;
	v6 =	vsel vm1, $0x0, v4;
	vm1 =	vcmask $0xF14  }
0xe6: {  	(xrf0) =	vadd.scan.msk.s32 $0xffff, v6;
	v6 =	vsel vm1, $0x0, v4;
	vm1 =	vcmask $0x1318  }
0xe7: {  	(xrf0) =	vadd.scan.msk.s32 $0xffff, v6;
	v6 =	vsel vm1, $0x0, v4;
	_ =	sdelay $0x1  }
0xe8: {  	vm1 =	vcmask $0x171C;
	v7, _, _ =	vpop (xrf0)  }
0xe9: {  	(xrf0) =	vadd.scan.msk.s32 $0xffff, v6;
	(v2sf) =	vpush v7, $0xF;
	v6, _, _ =	vpop (xrf0);
	v7 =	vsel vm1, $0x0, v4;
	vm1 =	vcmask $0x1B20  }
0xea: {  	(v2sf) =	vpush v6, $0xF;
	v6, _, _ =	vpop (xrf0);
	(xrf0) =	vadd.scan.msk.s32 $0xffff, v7;
	v4 =	vsel vm1, $0x0, v4  }
0xeb: {  	(v2sf) =	vpush v6, $0xF;
	v6, _, _ =	vpop (xrf0);
	(xrf0) =	vadd.scan.msk.s32 $0xffff, v4;
	_ =	sdelay $0x2  }
0xec: {  	(v2sf) =	vpush v6, $0xF;
	v4, _, _ =	vpop (xrf0)  }
0xed: {  	(v2sf) =	vpush v4, $0xF;
	v4, _, _ =	vpop (xrf0)  }
0xee: {  	(v2sf) =	vpush v4, $0xF;
	v4, _, _ =	vpop (xrf0)  }
0xef: {  	s8 =	simm.s32 $0x0;
	(v2sf) =	vpush v4, $0xF;
	v4, _, _ =	vpop (xrf0)  }
0xf0: {  	(v2sf) =	vpush v4, $0xF;
	v4 =	vld [tilespmem:s8+$0x0];
	_ =	sdelay $0x4  }
0xf1: {  	vm15 =	veq.s32 v4, $0x7  }
0xf2: {  	vm9 =	veq.s32 v4, $0x0;
	v6 =	vsel vm15, $0x1, v0  }
0xf3: {  	vm8 =	veq.s32 v4, $0x1;
	v7 =	vsel vm9, $0x1, v0;
	(xrf0) =	vadd.scan.msk.s32 $0xffff, v6  }
0xf4: {  	s20 =	sld [smem:$0x7FD];
	s11 =	spop (v2sf);
	v6 =	vsel vm8, $0x1, v0;
	(xrf0) =	vadd.scan.msk.s32 $0xffff, v7  }
0xf5: {  	vm1 =	veq.s32 v4, $0x2;
	s4 =	spop (v2sf);
	[dreg:$0x7] =	wrdreg s11;
	(xrf0) =	vadd.scan.msk.s32 $0xffff, v6  }
0xf6: {  	[dreg:$0x8] =	wrdreg s4;
	v6 =	vsel vm1, $0x1, v0  }
0xf7: {  	s13 =	spop (v2sf);
	s16 =	rddreg [dreg:$0x7]  }
0xf8: {  	v9 =	vor.u32 s20, v1;
	[dreg:$0x9] =	wrdreg s13  }
0xf9: {  	vm11 =	veq.s32 v4, $0x3;
	v10 =	vsel vm8, $0xFFFFFFFF, v0;
	v7 =	vsel vm9, $0xFFFFFFFF, v0;
	s14 =	spop (v2sf);
	s7 =	rddreg [dreg:$0x8];
	s4 =	sadd.s32 $0x0, s16;
	(xrf0) =	vadd.scan.msk.s32 $0xffff, v6;
	v6, _, _ =	vpop (xrf0)  }
0xfa: {  	v11 =	vsel vm11, $0x1, v0;
	v14 =	vsel vm1, $0xFFFFFFFF, v0;
	[dreg:$0xa] =	wrdreg s14;
	v7 =	vadd.s32 s4, v7;
	s22 =	sadd.s32 $0x0, s7;
	v8, _, _ =	vpop (xrf0)  }
0xfb: {  	s21 =	rddreg [dreg:$0x9];
	v10 =	vadd.s32 s22, v10;
	(v2sf) =	vpush v6, $0xF;
	v7 =	vadd.s32 v8, v7;
	v12, _, _ =	vpop (xrf0)  }
0xfc: {  	s2 =	simm.s32 $0x0;
	s15 =	spop (v2sf);
	s25 =	rddreg [dreg:$0xa];
	v7 =	vnsel vm9, $0x0, v7;
	vm9 =	veq.s32 v4, $0x4;
	v10 =	vadd.s32 v12, v10  }
0xfd: {  	s4 =	sadd.s32 $0x0, s21;
	[dreg:$0xb] =	wrdreg s15;
	s17 =	spop (v2sf);
	(xrf0) =	vadd.scan.msk.s32 $0xffff, v11;
	v13 =	vsel vm9, $0x1, v0;
	v7 =	vsel vm8, v10, v7;
	vm8 =	veq.s32 v4, $0x5  }
0xfe: {  	s9 =	sadd.s32 $0x10, s20;
	[dreg:$0xc] =	wrdreg s17;
	s18 =	spop (v2sf);
	(v2sf) =	vpush v8, $0xF;
	v10 =	vadd.s32 s4, v14;
	v14 =	vsel vm8, $0x1, v0;
	(xrf0) =	vadd.scan.msk.s32 $0xffff, v13  }
0xff: {  	s20 =	simm.s32 $0x0;
	v9 =	vand.u32 $0xFFF, v9;
	vm10 =	veq.s32 v4, $0x6;
	s11 =	rddreg [dreg:$0xb];
	s19 =	spop (v2sf);
	v11, _, _ =	vpop (xrf0);
	(v2sf) =	vpush v12, $0xF;
	(xrf0) =	vadd.scan.msk.s32 $0xffff, v14  }
0x100: {  	v16 =	vsel vm15, $0xFFFFFFFF, v0;
	s21 =	simm.s32 $0x0;
	s15 =	simm.s32 $0x0;
	[dreg:$0xe] =	wrdreg s19;
	(v2sf) =	vpush v11, $0xF;
	v10 =	vadd.s32 v11, v10  }
0x101: {  	s13 =	sadd.s32 $0x0, s25;
	s17 =	simm.s32 $0x0;
	s23 =	rddreg [dreg:$0xe];
	v13 =	vor.u32 s9, v1;
	v8 =	vsel vm8, $0xFFFFFFFF, v0;
	v15 =	vsel vm1, v10, v7  }
0x102: {  	s10 =	rddreg [dreg:$0xc];
	s11 =	sadd.s32 $0x0, s11;
	s7 =	sadd.s32 $0x0, s23;
	v4 =	vand.u32 $0xFFF, v13;
	v10 =	vsel vm10, $0x1, v0;
	v13 =	vsel vm11, $0xFFFFFFFF, v0  }
0x103: {  	[dreg:$0xd] =	wrdreg s18;
	s22 =	sadd.s32 $0x0, s10;
	s10 =	simm.s32 $0x80;
	v14 =	vsel vm9, $0xFFFFFFFF, v0;
	v7 =	vsel vm10, $0xFFFFFFFF, v0;
	v12 =	vadd.s32 s7, v16;
	v11, _, _ =	vpop (xrf0)  }
0x104: {  	[tilespmem:s8+$0x600] =	vst v9;
	s18 =	simm.s32 $0x0;
	s24 =	rddreg [dreg:$0xd];
	s19 =	simm.s32 $0x0;
	v6 =	vadd.s32 v6, v12;
	v9 =	vadd.s32 s13, v13;
	(v2sf) =	vpush v11, $0xF;
	v18, _, _ =	vpop (xrf0)  }
0x105: {  	s4 =	simm.s32 $0x10;
	s23 =	sadd.s32 $0x0, s24;
	s7 =	simm.s32 $0x0;
	(xrf0) =	vadd.scan.msk.s32 $0xffff, v10;
	v22 =	vadd.s32 s11, v14;
	v21 =	vadd.s32 v11, v9;
	(v2sf) =	vpush v18, $0xF;
	v17, _, _ =	vpop (xrf0)  }
.LBB2_4:
0x106: {  	_ =	sdelay $0x2  }
0x107: {  	v9 =	vld [tilespmem:s4+$0x0]  }
0x108: {  	[tilespmem:s4+$0x600] =	vst v4;
	v4 =	vsel vm11, v21, v15;
	v10 =	vadd.s32 v18, v22  }
0x109: {  	(v2sf) =	vpush v17, $0xF;
	v8 =	vadd.s32 s22, v8;
	v7 =	vadd.s32 s23, v7;
	v11, _, _ =	vpop (xrf0)  }
0x10a: {  	s9 =	sadd.s32 $0x10, s9;
	v4 =	vsel vm9, v10, v4;
	v8 =	vadd.s32 v17, v8;
	(v2sf) =	vpush v11, $0xF  }
0x10b: {  	vm1 =	vmmov vm15;
	v10 =	vor.u32 s9, v1;
	v8 =	vsel vm8, v8, v4  }
0x10c: {  	v4 =	vand.u32 $0xFFF, v10;
	vm14 =	veq.s32 v9, $0x0;
	vm12 =	veq.s32 v9, $0x1  }
0x10d: {  	s14 =	rddreg [dreg:$0xe];
	vm15 =	veq.s32 v9, $0x7;
	vm13 =	veq.s32 v9, $0x2;
	vm11 =	veq.s32 v9, $0x3  }
0x10e: {  	s11 =	rddreg [dreg:$0xd];
	vm9 =	veq.s32 v9, $0x4;
	v7 =	vadd.s32 v11, v7;
	v11 =	vsel vm15, $0x1, v0  }
0x10f: {  	s22 =	rddreg [dreg:$0xc];
	vm8 =	veq.s32 v9, $0x5;
	v10 =	vsel vm10, v7, v8;
	v7 =	vsel vm14, $0x1, v0;
	(xrf0) =	vadd.scan.msk.s32 $0xffff, v11  }
0x110: {  	s13 =	rddreg [dreg:$0xb];
	v12 =	vsel vm11, $0x1, v0;
	v13 =	vsel vm9, $0x1, v0;
	v8 =	vsel vm12, $0x1, v0;
	(xrf0) =	vadd.scan.msk.s32 $0xffff, v7  }
0x111: {  	p2 =	sne.s32 s10, $0x7C0;
	s25 =	rddreg [dreg:$0x7];
	v14 =	vsel vm14, $0xFFFFFFFF, v0;
	v15 =	vsel vm8, $0x1, v0;
	v11 =	vsel vm13, $0x1, v0;
	(xrf0) =	vadd.scan.msk.s32 $0xffff, v8;
	s5 =	spop (v2sf)  }
0x112: {  	s3 =	rddreg [dreg:$0x8];
	v17 =	vsel vm11, $0xFFFFFFFF, v0;
	v19 =	vsel vm9, $0xFFFFFFFF, v0;
	vm10 =	veq.s32 v9, $0x6;
	(xrf0) =	vadd.scan.msk.s32 $0xffff, v11;
	s15 =	sadd.s32 s15, s5;
	s16 =	spop (v2sf)  }
0x113: {  	v20 =	vsel vm15, $0xFFFFFFFF, v0;
	v9 =	vsel vm12, $0xFFFFFFFF, v0;
	v16 =	vsel vm10, $0x1, v0;
	s14 =	sadd.s32 s14, s15;
	(xrf0) =	vadd.scan.msk.s32 $0xffff, v12;
	s21 =	sadd.s32 s21, s16;
	s16 =	spop (v2sf)  }
0x114: {  	v7 =	vsel vm10, $0xFFFFFFFF, v0;
	v10 =	vsel vm1, v6, v10;
	v8 =	vsel vm8, $0xFFFFFFFF, v0;
	s25 =	sadd.s32 s25, s21;
	(xrf0) =	vadd.scan.msk.s32 $0xffff, v13;
	s20 =	sadd.s32 s20, s16;
	s16 =	spop (v2sf)  }
0x115: {  	s24 =	rddreg [dreg:$0x9];
	v11 =	vsel vm13, $0xFFFFFFFF, v0;
	v18 =	vadd.s32 s14, v20;
	v13 =	vadd.s32 s25, v14;
	s3 =	sadd.s32 s3, s20;
	(xrf0) =	vadd.scan.msk.s32 $0xffff, v15;
	v14, _, _ =	vpop (xrf0);
	s19 =	sadd.s32 s19, s16  }
0x116: {  	s23 =	rddreg [dreg:$0xa];
	s25 =	spop (v2sf);
	v9 =	vadd.s32 s3, v9;
	s14 =	sadd.s32 s24, s19;
	v6 =	vadd.s32 v14, v18;
	v12, _, _ =	vpop (xrf0);
	(v2sf) =	vpush v14, $0xF  }
.Ltmp3:
0x117: {  	[tilespmem:s8+$0x400] =	vst v10;
	s8 =	smov.u32 s4;
	s16 =	spop (v2sf);
	v13 =	vadd.s32 v12, v13;
	v14 =	vadd.s32 s14, v11;
	(v2sf) =	vpush v12, $0xF;
	v12, _, _ =	vpop (xrf0);
	(pc) =	sbr.rel @p2 .LBB2_4-.Ltmp3, $4  }
0x118: {  	s4 =	sshra.s32 s10, $0x2;
	s7 =	sadd.s32 s7, s25;
	s24 =	spop (v2sf);
	v10 =	vnsel vm14, $0x0, v13;
	v9 =	vadd.s32 v12, v9;
	(v2sf) =	vpush v12, $0xF;
	v12, _, _ =	vpop (xrf0)  }
0x119: {  	s23 =	sadd.s32 s23, s7;
	s18 =	sadd.s32 s18, s16;
	v9 =	vsel vm12, v9, v10;
	v10 =	vadd.s32 v12, v14;
	v11, _, _ =	vpop (xrf0);
	s25 =	spop (v2sf);
	(v2sf) =	vpush v12, $0xF  }
0x11a: {  	s13 =	sadd.s32 s13, s18;
	s2 =	sadd.s32 s2, s24;
	v15 =	vsel vm13, v10, v9;
	v9 =	vadd.s32 s23, v17;
	v18, _, _ =	vpop (xrf0);
	s17 =	sadd.s32 s17, s25;
	(v2sf) =	vpush v11, $0xF  }
0x11b: {  	s10 =	sadd.s32 $0x40, s10;
	(xrf0) =	vadd.scan.msk.s32 $0xffff, v16;
	s22 =	sadd.s32 s22, s2;
	v22 =	vadd.s32 s13, v19;
	v21 =	vadd.s32 v11, v9;
	v17, _, _ =	vpop (xrf0);
	s23 =	sadd.s32 s11, s17;
	(v2sf) =	vpush v18, $0xF  }
0x11c: {  	v9 =	vld [tilespmem:s4+$0x0];
	_ =	sdelay $0x4  }
0x11d: {  	v10 =	vimm.s32 $0x0;
	vm1 =	veq.s32 v9, $0x7  }
0x11e: {  	v10 =	vsel vm1, $0xFFFFFFFF, v10  }
0x11f: {  	vm12 =	veq.s32 v9, $0x0;
	[tilespmem:$0x1FF00] =	vst v10;
	v10 =	vimm.s32 $0x0  }
0x120: {  	v10 =	vsel vm12, $0xFFFFFFFF, v10  }
0x121: {  	v11 =	vimm.s32 $0x0;
	[tilespmem:$0x1FE90] =	vst v10;
	v10 =	vsel vm1, $0x1, v0;
	vm1 =	veq.s32 v9, $0x1  }
0x122: {  	v12 =	vimm.s32 $0x0;
	v11 =	vsel vm1, $0xFFFFFFFF, v11  }
0x123: {  	(xrf0) =	vadd.scan.msk.s32 $0xffff, v10;
	v10 =	vsel vm1, $0x1, v0;
	[tilespmem:$0x1FEA0] =	vst v11;
	v11 =	vsel vm12, $0x1, v0  }
0x124: {  	vm1 =	veq.s32 v9, $0x2;
	vm12 =	veq.s32 v9, $0x3;
	(xrf0) =	vadd.scan.msk.s32 $0xffff, v11;
	v11 =	vimm.s32 $0x0  }
0x125: {  	v12 =	vsel vm1, $0xFFFFFFFF, v12;
	v11 =	vsel vm12, $0xFFFFFFFF, v11;
	(xrf0) =	vadd.scan.msk.s32 $0xffff, v10  }
0x126: {  	v10 =	vimm.s32 $0x0;
	[tilespmem:$0x1FEC0] =	vst v11;
	v11 =	vsel vm1, $0x1, v0;
	vm1 =	veq.s32 v9, $0x4  }
0x127: {  	v10 =	vsel vm1, $0xFFFFFFFF, v10;
	(xrf0) =	vadd.scan.msk.s32 $0xffff, v11;
	v11 =	vsel vm1, $0x1, v0;
	vm1 =	veq.s32 v9, $0x6  }
0x128: {  	[tilespmem:$0x1FED0] =	vst v10;
	v10 =	vsel vm12, $0x1, v0;
	vm12 =	veq.s32 v9, $0x5;
	v9 =	vimm.s32 $0x0  }
0x129: {  	(v2sf) =	vpush v17, $0xF;
	(xrf0) =	vadd.scan.msk.s32 $0xffff, v10;
	v9 =	vsel vm1, $0xFFFFFFFF, v9  }
0x12a: {  	vm14 =	vcmask $0x70C;
	v23, _, _ =	vpop (xrf0);
	[tilespmem:$0x1FEF0] =	vst v9;
	v9 =	vsel vm12, $0x1, v0;
	(xrf0) =	vadd.scan.msk.s32 $0xffff, v11  }
0x12b: {  	vm13 =	vcmask $0xB10;
	v16, _, _ =	vpop (xrf0);
	v10 =	vsel vm1, $0x1, v0;
	vm1 =	vcmask $0x308;
	(xrf0) =	vadd.scan.msk.s32 $0xffff, v9  }
0x12c: {  	[tilespmem:$0x1FEB0] =	vst v12;
	v12 =	vimm.s32 $0x0;
	v24, _, _ =	vpop (xrf0);
	v9 =	vsel vm1, $0x0, v5;
	(xrf0) =	vadd.scan.msk.s32 $0xffff, v10  }
0x12d: {  	(v2sf) =	vpush v23, $0xF;
	v12 =	vsel vm12, $0xFFFFFFFF, v12;
	v25, _, _ =	vpop (xrf0);
	(xrf0) =	vadd.scan.msk.s32 $0xffff, v9;
	v9 =	vsel vm14, $0x0, v5  }
0x12e: {  	(v2sf) =	vpush v16, $0xF;
	vm12 =	vcmask $0xF14;
	v26, _, _ =	vpop (xrf0);
	(xrf0) =	vadd.scan.msk.s32 $0xffff, v9;
	v9 =	vsel vm13, $0x0, v5  }
0x12f: {  	(v2sf) =	vpush v24, $0xF;
	v27, _, _ =	vpop (xrf0);
	(xrf0) =	vadd.scan.msk.s32 $0xffff, v9;
	v9 =	vsel vm12, $0x0, v5;
	vm12 =	vcmask $0x1318  }
0x130: {  	(v2sf) =	vpush v25, $0xF;
	v28, _, _ =	vpop (xrf0);
	(xrf0) =	vadd.scan.msk.s32 $0xffff, v9;
	v9 =	vsel vm12, $0x0, v5;
	vm12 =	vcmask $0x171C  }
0x131: {  	(v2sf) =	vpush v26, $0xF;
	v20, _, _ =	vpop (xrf0);
	(xrf0) =	vadd.scan.msk.s32 $0xffff, v9;
	v9 =	vsel vm12, $0x0, v5;
	vm12 =	vcmask $0x1B20  }
0x132: {  	(v2sf) =	vpush v27, $0xF;
	v19, _, _ =	vpop (xrf0);
	(xrf0) =	vadd.scan.msk.s32 $0xffff, v9;
	v5 =	vsel vm12, $0x0, v5  }
0x133: {  	(v2sf) =	vpush v28, $0xF;
	v14, _, _ =	vpop (xrf0);
	(xrf0) =	vadd.scan.msk.s32 $0xffff, v5;
	v5 =	vsel vm1, $0x0, v3  }
0x134: {  	[tilespmem:$0x1FEE0] =	vst v12;
	(v2sf) =	vpush v20, $0xF;
	v13, _, _ =	vpop (xrf0);
	(xrf0) =	vadd.scan.msk.s32 $0xffff, v5;
	v5 =	vsel vm14, $0x0, v3  }
0x135: {  	s11 =	spop (v2sf);
	(v2sf) =	vpush v19, $0xF;
	vm1 =	vcmask $0xF14;
	v12, _, _ =	vpop (xrf0);
	(xrf0) =	vadd.scan.msk.s32 $0xffff, v5;
	v5 =	vsel vm13, $0x0, v3  }
0x136: {  	s3 =	spop (v2sf);
	(v2sf) =	vpush v14, $0xF;
	v10, _, _ =	vpop (xrf0);
	(xrf0) =	vadd.scan.msk.s32 $0xffff, v5;
	v5 =	vsel vm1, $0x0, v3;
	vm1 =	vcmask $0x1318  }
0x137: {  	s14 =	spop (v2sf);
	(v2sf) =	vpush v13, $0xF;
	v11, _, _ =	vpop (xrf0);
	(xrf0) =	vadd.scan.msk.s32 $0xffff, v5;
	v9 =	vsel vm1, $0x0, v3;
	vm1 =	vcmask $0x171C  }
0x138: {  	s10 =	spop (v2sf);
	(v2sf) =	vpush v12, $0xF;
	(xrf0) =	vadd.scan.msk.s32 $0xffff, v9;
	v9 =	vsel vm1, $0x0, v3  }
0x139: {  	s9 =	spop (v2sf);
	(v2sf) =	vpush v10, $0xF;
	v3 =	vsel vm12, $0x0, v3  }
0x13a: {  	s25 =	spop (v2sf);
	(v2sf) =	vpush v11, $0xF;
	v5, _, _ =	vpop (xrf0)  }
0x13b: {  	s24 =	spop (v2sf);
	(xrf0) =	vadd.scan.msk.s32 $0xffff, v9;
	(v2sf) =	vpush v5, $0xF;
	v9, _, _ =	vpop (xrf0)  }
0x13c: {  	s13 =	spop (v2sf);
	(xrf0) =	vadd.scan.msk.s32 $0xffff, v3;
	(v2sf) =	vpush v9, $0xF;
	v3, _, _ =	vpop (xrf0)  }
0x13d: {  	s5 =	spop (v2sf);
	(v2sf) =	vpush v3, $0xF;
	v3, _, _ =	vpop (xrf0)  }
0x13e: {  	s5 =	spop (v2sf);
	(v2sf) =	vpush v3, $0xF;
	v3, _, _ =	vpop (xrf0)  }
0x13f: {  	(v2sf) =	vpush v3, $0xF;
	v3, _, _ =	vpop (xrf0)  }
0x140: {  	(v2sf) =	vpush v3, $0xF;
	v3, _, _ =	vpop (xrf0)  }
0x141: {  	(v2sf) =	vpush v3, $0xF;
	v3, _, _ =	vpop (xrf0)  }
0x142: {  	v15 =	vsel vm11, v21, v15;
	(v2sf) =	vpush v3, $0xF;
	v3, _, _ =	vpop (xrf0)  }
0x143: {  	v18 =	vadd.s32 v18, v22;
	(v2sf) =	vpush v3, $0xF;
	v3 =	vadd.s32 s22, v8  }
0x144: {  	v7 =	vadd.s32 s23, v7;
	v15 =	vsel vm9, v18, v15;
	v3 =	vadd.s32 v17, v3  }
0x145: {  	v7 =	vadd.s32 v23, v7;
	v8 =	vld [tilespmem:$0x1FE90];
	v3 =	vsel vm8, v3, v15  }
0x146: {  	s5 =	spop (v2sf);
	v3 =	vsel vm10, v7, v3;
	v7 =	vld [tilespmem:$0x1FEA0]  }
0x147: {  	s5 =	spop (v2sf)  }
0x148: {  	s16 =	spop (v2sf)  }
0x149: {  	s16 =	spop (v2sf)  }
0x14a: {  	s3 =	sadd.s32 s21, s3;
	s5 =	rddreg [dreg:$0x7];
	s16 =	spop (v2sf);
	vm13 =	vnez.u8 v8  }
0x14b: {  	s14 =	sadd.s32 s20, s14;
	s3 =	sadd.s32 s5, s3;
	s16 =	rddreg [dreg:$0x8];
	v8 =	vsel vm13, $0xFFFFFFFF, v0;
	vm8 =	vnez.u8 v7  }
0x14c: {  	vm1 =	vmmov vm15;
	s14 =	sadd.s32 s16, s14;
	v8 =	vadd.s32 s3, v8;
	v7 =	vsel vm8, $0xFFFFFFFF, v0  }
0x14d: {  	v3 =	vsel vm1, v6, v3;
	v6 =	vadd.s32 v24, v8;
	v7 =	vadd.s32 s14, v7  }
0x14e: {  	v8 =	vld [tilespmem:$0x1FEB0];
	v6 =	vnsel vm13, $0x0, v6;
	v7 =	vadd.s32 v25, v7  }
0x14f: {  	v6 =	vsel vm8, v7, v6;
	v7 =	vld [tilespmem:$0x1FEC0]  }
0x150: {  	v15 =	vld [tilespmem:$0x1FED0];
	_ =	sdelay $0x1  }
0x151: {  	s23 =	spop (v2sf)  }
0x152: {  	s10 =	sadd.s32 s19, s10;
	s23 =	rddreg [dreg:$0x9];
	vm14 =	vnez.u8 v8  }
0x153: {  	s7 =	sadd.s32 s7, s9;
	s22 =	rddreg [dreg:$0xa];
	s3 =	sadd.s32 s23, s10;
	v8 =	vsel vm14, $0xFFFFFFFF, v0;
	vm8 =	vnez.u8 v7  }
0x154: {  	s18 =	sadd.s32 s18, s25;
	s16 =	rddreg [dreg:$0xb];
	s5 =	sadd.s32 s22, s7;
	vm1 =	vnez.u8 v15;
	v8 =	vadd.s32 s3, v8;
	v7 =	vsel vm8, $0xFFFFFFFF, v0  }
0x155: {  	v15 =	vsel vm1, $0xFFFFFFFF, v0;
	s3 =	sadd.s32 s16, s18;
	v8 =	vadd.s32 v26, v8;
	v7 =	vadd.s32 s5, v7  }
0x156: {  	s20 =	spop (v2sf);
	v6 =	vsel vm14, v8, v6;
	v8 =	vadd.s32 s3, v15;
	v7 =	vadd.s32 v27, v7  }
0x157: {  	s19 =	spop (v2sf);
	v6 =	vsel vm8, v7, v6;
	v7 =	vadd.s32 v28, v8;
	v8 =	vld [tilespmem:$0x1FEE0]  }
0x158: {  	s21 =	spop (v2sf);
	v6 =	vsel vm1, v7, v6;
	v7 =	vld [tilespmem:$0x1FEF0]  }
0x159: {  	s9 =	spop (v2sf);
	v15 =	vld [tilespmem:$0x1FF00]  }
0x15a: {  	s10 =	spop (v2sf)  }
0x15b: {  	s11 =	sadd.s32 s15, s11;
	s24 =	sadd.s32 s2, s24;
	s7 =	spop (v2sf)  }
0x15c: {  	s13 =	sadd.s32 s17, s13;
	s22 =	rddreg [dreg:$0xc];
	s2 =	spop (v2sf);
	vm15 =	vnez.u8 v8  }
0x15d: {  	s23 =	rddreg [dreg:$0xd];
	s14 =	sadd.s32 s22, s24;
	s18 =	spop (v2sf);
	v8 =	vsel vm15, $0xFFFFFFFF, v0;
	vm8 =	vnez.u8 v7  }
0x15e: {  	s25 =	rddreg [dreg:$0xe];
	s22 =	spop (v2sf);
	s5 =	sadd.s32 s23, s13;
	vm1 =	vnez.u8 v15;
	v7 =	vsel vm8, $0xFFFFFFFF, v0;
	v8 =	vadd.s32 s14, v8  }
0x15f: {  	s16 =	sadd.s32 s25, s11;
	s17 =	spop (v2sf);
	v15 =	vsel vm1, $0xFFFFFFFF, v0;
	v8 =	vadd.s32 v20, v8;
	v7 =	vadd.s32 s5, v7  }
0x160: {  	s11 =	spop (v2sf);
	v15 =	vadd.s32 s16, v15;
	v6 =	vsel vm15, v8, v6;
	v7 =	vadd.s32 v19, v7  }
0x161: {  	[tilespmem:s4+$0x600] =	vst v4;
	s15 =	spop (v2sf);
	vm1 =	vmmov vm1;
	v4 =	vadd.s32 v16, v15;
	v6 =	vsel vm8, v7, v6  }
0x162: {  	[tilespmem:s8+$0x400] =	vst v3;
	s24 =	simm.s32 $0x600;
	s3 =	rddreg [dreg:$0x4];
	s8 =	spop (v2sf);
	v3 =	vsel vm1, v4, v6  }
0x163: {  	s13 =	simm.s32 $0x80;
	s23 =	simm.s32 $0x400;
	[tilespmem:s4+$0x400] =	vst v3;
	s4 =	spop (v2sf)  }
0x164: {  	[spmem:s3] =	stream.indirect.scatter [tilespmem:s24], [sflag:$0x2], $0x1, s23, s13, $0xb8;
	[tilespmem:$0xB490] =	vst v63  }
0x165: {  	_ =	swait.ge [sflag:s31], $0x80  }
0x166: {  	[sflag:s31] =	ssyncset.done $0x0  }
0x167: {  	[sflag:s31] =	ssyncadd.s32 $0xFFFFFF80  }
0x168: {  	s16 =	simm.s32 $0x800;
	s5 =	rddreg [dreg:$0x5]  }
0x169: {  	[spmem:s5] =	stream.indirect.scatter [tilespmem:s16], [sflag:$0x2], $0x1, s23, s13, $0xb8;
	[tilespmem:$0xB490] =	vst v63  }
0x16a: {  	_ =	swait.ge [sflag:s31], $0x80  }
0x16b: {  	[sflag:s31] =	ssyncset.done $0x0  }
0x16c: {  	s25 =	simm.s32 $0x480;
	s24 =	simm.s32 $0x680;
	[sflag:s31] =	ssyncadd.s32 $0xFFFFFF80  }
0x16d: {  	[spmem:s3] =	stream.indirect.scatter [tilespmem:s24], [sflag:$0x2], $0x1, s25, s13, $0xb8;
	[tilespmem:$0xB490] =	vst v63  }
0x16e: {  	_ =	swait.ge [sflag:s31], $0x80  }
0x16f: {  	[sflag:s31] =	ssyncset.done $0x0  }
0x170: {  	s23 =	simm.s32 $0x880;
	[sflag:s31] =	ssyncadd.s32 $0xFFFFFF80  }
0x171: {  	[spmem:s5] =	stream.indirect.scatter [tilespmem:s23], [sflag:$0x2], $0x1, s25, s13, $0xb8;
	[tilespmem:$0xB490] =	vst v63  }
0x172: {  	_ =	swait.ge [sflag:s31], $0x80  }
0x173: {  	[sflag:s31] =	ssyncset.done $0x0  }
0x174: {  	s14 =	simm.s32 $0x500;
	s25 =	simm.s32 $0x700;
	[sflag:s31] =	ssyncadd.s32 $0xFFFFFF80  }
0x175: {  	[spmem:s3] =	stream.indirect.scatter [tilespmem:s25], [sflag:$0x2], $0x1, s14, s13, $0xb8;
	[tilespmem:$0xB490] =	vst v63  }
0x176: {  	_ =	swait.ge [sflag:s31], $0x80  }
0x177: {  	[sflag:s31] =	ssyncset.done $0x0  }
0x178: {  	s24 =	simm.s32 $0x900;
	[sflag:s31] =	ssyncadd.s32 $0xFFFFFF80  }
0x179: {  	[spmem:s5] =	stream.indirect.scatter [tilespmem:s24], [sflag:$0x2], $0x1, s14, s13, $0xb8;
	[tilespmem:$0xB490] =	vst v63  }
0x17a: {  	_ =	swait.ge [sflag:s31], $0x80  }
0x17b: {  	[sflag:s31] =	ssyncset.done $0x0  }
0x17c: {  	s25 =	simm.s32 $0x780;
	s14 =	simm.s32 $0x580;
	[sflag:s31] =	ssyncadd.s32 $0xFFFFFF80  }
0x17d: {  	[spmem:s3] =	stream.indirect.scatter [tilespmem:s25], [sflag:$0x2], $0x1, s14, s13, $0xb8;
	[tilespmem:$0xB490] =	vst v63  }
0x17e: {  	_ =	swait.ge [sflag:s31], $0x80  }
0x17f: {  	[sflag:s31] =	ssyncset.done $0x0  }
0x180: {  	s25 =	simm.s32 $0x980;
	[sflag:s31] =	ssyncadd.s32 $0xFFFFFF80  }
0x181: {  	[spmem:s5] =	stream.indirect.scatter [tilespmem:s25], [sflag:$0x2], $0x1, s14, s13, $0xb8;
	[tilespmem:$0xB490] =	vst v63  }
0x182: {  	_ =	swait.ge [sflag:s31], $0x80  }
0x183: {  	s3 =	simm.s32 @!p1 $0x0;
	[sflag:s31] =	ssyncset.done $0x0  }
0x184: {  	s5 =	simm.s32 @!p1 $0x400;
	s13 =	rddreg [dreg:$0x19];
	[sflag:s31] =	ssyncadd.s32 $0xFFFFFF80  }
0x185: {  	[hbm4b:s13+s3] =	stream.linear.scatter @!p1 [tilespmem:s5], [sflag:$0x2], $0x80, $0x38;
	[tilespmem:$0xB490] =	vst v63  }
0x186: {  	s5 =	simm.s32 @!p1 $0x2  }
0x187: {  	_ =	swait.ge @!p1 [sflag:s5], $0x80  }
0x188: {  	[sflag:s5] =	ssyncset.done @!p1 $0x0  }
0x189: {  	s13 =	simm.s32 @!p1 $0x480;
	s14 =	rddreg [dreg:$0x16];
	[sflag:s5] =	ssyncadd.s32 @!p1 $0xFFFFFF80  }
0x18a: {  	[hbm4b:s14+s3] =	stream.linear.scatter @!p1 [tilespmem:s13], [sflag:$0x2], $0x80, $0x38;
	[tilespmem:$0xB490] =	vst v63  }
0x18b: {  	_ =	swait.ge @!p1 [sflag:s5], $0x80  }
0x18c: {  	[sflag:s5] =	ssyncset.done @!p1 $0x0  }
0x18d: {  	s13 =	simm.s32 @!p1 $0x500;
	s14 =	rddreg [dreg:$0x17];
	[sflag:s5] =	ssyncadd.s32 @!p1 $0xFFFFFF80  }
0x18e: {  	[hbm4b:s14+s3] =	stream.linear.scatter @!p1 [tilespmem:s13], [sflag:$0x2], $0x80, $0x38;
	[tilespmem:$0xB490] =	vst v63  }
0x18f: {  	_ =	swait.ge @!p1 [sflag:s5], $0x80  }
0x190: {  	[sflag:s5] =	ssyncset.done @!p1 $0x0  }
0x191: {  	s13 =	simm.s32 @!p1 $0x580;
	s14 =	rddreg [dreg:$0x18];
	[sflag:s5] =	ssyncadd.s32 @!p1 $0xFFFFFF80  }
0x192: {  	[hbm4b:s14+s3] =	stream.linear.scatter @!p1 [tilespmem:s13], [sflag:$0x2], $0x80, $0x38;
	[tilespmem:$0xB490] =	vst v63  }
0x193: {  	v2 =	vsel vm12, $0x0, v2;
	_ =	swait.ge @!p1 [sflag:s5], $0x80  }
0x194: {  	(xrf0) =	vadd.scan.msk.s32 $0xffff, v2;
	_ =	sdelay $0x1  }
.Ltmp4:
0x195: {  	_ = 	snop;
	(pc) =	sbr.rel @p0 .LBB2_7-.Ltmp4, $3  }
0x196: {  	_ =	sdelay $0x1  }
0x197: {  	[sflag:s5] =	ssyncset.done @!p1 $0x0  }
0x198: {  	[sflag:s5] =	ssyncadd.s32 @!p1 $0xFFFFFF80;
	v2, _, _ =	vpop (xrf0)  }
0x199: {  	v4 =	vbroadcast v14, $0xF;
	v8 =	vbroadcast v13, $0xF  }
0x19a: {  	v12 =	vbroadcast v12, $0xF;
	v10 =	vbroadcast v10, $0xF  }
0x19b: {  	v11 =	vbroadcast v11, $0xF;
	v5 =	vbroadcast v5, $0xF  }
0x19c: {  	v3 =	vmul.u32 $0x100, v1;
	s3 =	sadd.s32 s18, s20;
	s5 =	sadd.s32 s22, s19;
	s13 =	sadd.s32 s17, s21;
	v9 =	vbroadcast v9, $0xF;
	v23 =	vbroadcast v2, $0xF  }
0x19d: {  	s14 =	sadd.s32 s11, s9;
	s17 =	sadd.s32 s15, s10;
	s18 =	sadd.s32 s8, s7;
	v7 =	vmov s3;
	v40 =	vmov s5;
	v15 =	vmov s13  }
0x19e: {  	s2 =	sadd.s32 s4, s2;
	v17 =	vmov s14;
	v18 =	vmov s17;
	v21 =	vmov s18  }
0x19f: {  	v22 =	vmov s2;
	v6 =	vor.u32 $0x1, v3;
	vm8 =	vgt.s32 v7, v3  }
0x1a0: {  	vm9 =	vgt.s32 v40, v3;
	vm13 =	vgt.s32 v18, v3;
	vm14 =	vgt.s32 v22, v3  }
0x1a1: {  	v25 =	vor.u32 $0x1001, v3;
	v26 =	vor.u32 $0x1000, v3;
	vm1 =	vlt.s32 v4, v6  }
0x1a2: {  	v44 =	vor.u32 $0x2001, v3;
	vm1 =	vmand vm1, vm8;
	vm8 =	vlt.s32 v8, v6  }
0x1a3: {  	vm15 =	vgt.s32 v7, v26;
	v41 =	vsel vm1, $0x1, v0;
	vm1 =	vmand vm9, vm8  }
0x1a4: {  	vm8 =	vgt.s32 v15, v3;
	v16 =	vsel vm1, $0x2, v0;
	vm1 =	vlt.s32 v12, v6  }
0x1a5: {  	vm12 =	vlt.s32 v8, v25;
	vm10 =	vgt.s32 v40, v26;
	vm1 =	vmand vm8, vm1  }
0x1a6: {  	vm8 =	vgt.s32 v17, v3;
	v42 =	vsel vm1, $0x3, v0;
	vm1 =	vlt.s32 v10, v6  }
0x1a7: {  	vm11 =	vgt.s32 v21, v26;
	v14 =	vor.u32 v41, v16;
	vm1 =	vmand vm8, vm1  }
0x1a8: {  	vm8 =	vlt.s32 v11, v6;
	v14 =	vadd.s32 v42, v14;
	v19 =	vsel vm1, $0x4, v0  }
0x1a9: {  	vm1 =	vmand vm13, vm8;
	vm8 =	vgt.s32 v21, v3;
	vm13 =	vgt.s32 v17, v26  }
0x1aa: {  	v20 =	vsel vm1, $0x5, v0;
	vm1 =	vlt.s32 v5, v6;
	v49 =	vadd.s32 v19, v14  }
0x1ab: {  	vm1 =	vmand vm8, vm1;
	vm8 =	vlt.s32 v9, v6;
	v13 =	vadd.s32 v20, v49  }
0x1ac: {  	v43 =	vsel vm1, $0x6, v0;
	vm1 =	vmand vm14, vm8;
	vm8 =	vlt.s32 v4, v25  }
0x1ad: {  	vm14 =	vlt.s32 v11, v25;
	v24 =	vsel vm1, $0x7, v0;
	vm1 =	vgt.s32 v23, v3  }
0x1ae: {  	vm8 =	vmand vm8, vm15;
	vm15 =	vgt.s32 v18, v26;
	v3 =	vor.u32 $0x2000, v3  }
0x1af: {  	v6 =	vadd.s32 v43, v13;
	v27 =	vsel vm1, $0x1, v0;
	v28 =	vsel vm8, $0x1, v0  }
0x1b0: {  	vm1 =	vmand vm10, vm12;
	vm8 =	vgt.s32 v15, v26;
	vm9 =	vmand vm15, vm14  }
0x1b1: {  	vm12 =	vlt.s32 v5, v25;
	vm14 =	vgt.s32 v40, v3;
	vm15 =	vlt.s32 v12, v44  }
0x1b2: {  	v6 =	vadd.s32 v24, v6;
	v29 =	vsel vm1, $0x2, v0;
	vm1 =	vlt.s32 v12, v25  }
0x1b3: {  	vm10 =	vmand vm11, vm12;
	vm11 =	vlt.s32 v9, v25;
	vm12 =	vgt.s32 v22, v26  }
0x1b4: {  	v47 =	vsel vm9, $0x5, v0;
	vm1 =	vmand vm8, vm1;
	vm8 =	vlt.s32 v10, v25  }
0x1b5: {  	vm11 =	vmand vm12, vm11;
	v48 =	vsel vm10, $0x6, v0;
	v50 =	vor.u32 v28, v29  }
0x1b6: {  	vm8 =	vmand vm13, vm8;
	v45 =	vsel vm1, $0x3, v0;
	vm1 =	vlt.s32 v4, v44  }
0x1b7: {  	vm13 =	vlt.s32 v8, v44;
	v46 =	vsel vm8, $0x4, v0;
	vm8 =	vgt.s32 v7, v3  }
0x1b8: {  	v51 =	vsel vm11, $0x7, v0;
	v53 =	vadd.s32 v45, v50;
	vm1 =	vmand vm1, vm8  }
0x1b9: {  	vm8 =	vmand vm14, vm13;
	v52 =	vsel vm1, $0x1, v0;
	vm1 =	vgt.s32 v15, v3  }
0x1ba: {  	v4 =	vadd.s32 v46, v53;
	v54 =	vsel vm8, $0x2, v0;
	vm1 =	vmand vm1, vm15  }
0x1bb: {  	vm8 =	vlt.s32 v10, v44;
	v55 =	vsel vm1, $0x3, v0;
	vm1 =	vgt.s32 v17, v3  }
0x1bc: {  	v4 =	vadd.s32 v47, v4;
	v56 =	vor.u32 v52, v54;
	vm1 =	vmand vm1, vm8  }
0x1bd: {  	vm8 =	vgt.s32 v18, v3;
	v57 =	vsel vm1, $0x4, v0;
	vm1 =	vlt.s32 v11, v44  }
0x1be: {  	v4 =	vadd.s32 v48, v4;
	v7 =	vadd.s32 v55, v56;
	vm1 =	vmand vm8, vm1  }
0x1bf: {  	vm8 =	vgt.s32 v21, v3;
	v58 =	vsel vm1, $0x5, v0;
	vm1 =	vlt.s32 v5, v44  }
0x1c0: {  	v4 =	vadd.s32 v51, v4;
	v59 =	vadd.s32 v57, v7;
	vm1 =	vmand vm8, vm1  }
0x1c1: {  	[tilespmem:$0xAE80] =	vst v6;
	vm8 =	vgt.s32 v22, v3;
	v60 =	vsel vm1, $0x6, v0;
	vm1 =	vlt.s32 v9, v44  }
0x1c2: {  	[tilespmem:$0xAF00] =	vst v27;
	v5 =	vadd.s32 v58, v59;
	vm1 =	vmand vm8, vm1;
	vm8 =	vgt.s32 v23, v26  }
0x1c3: {  	[tilespmem:$0xAE90] =	vst v4;
	v5 =	vadd.s32 v60, v5;
	v61 =	vsel vm8, $0x1, v0;
	v62 =	vsel vm1, $0x7, v0  }
0x1c4: {  	vm1 =	vgt.s32 v23, v3;
	[tilespmem:$0xAF10] =	vst v61;
	v63 =	vadd.s32 v62, v5  }
0x1c5: {  	v3 =	vsel vm1, $0x1, v0;
	[tilespmem:$0xAEA0] =	vst v63  }
0x1c6: {  	s19 =	rddreg [dreg:$0xf];
	s20 =	simm.s32 $0xAE80;
	[tilespmem:$0xAF20] =	vst v3  }
0x1c7: {  	[hbm4b:s19+s6] =	stream.linear.scatter [tilespmem:s20], [sflag:$0x2], $0x80, $0x38;
	[tilespmem:$0xB490] =	vst v63  }
0x1c8: {  	_ =	swait.ge [sflag:s31], $0x80  }
0x1c9: {  	[sflag:s31] =	ssyncset.done $0x0  }
0x1ca: {  	s22 =	simm.s32 $0xAF00;
	s21 =	rddreg [dreg:$0x10];
	[sflag:s31] =	ssyncadd.s32 $0xFFFFFF80  }
0x1cb: {  	[hbm4b:s21+s6] =	stream.linear.scatter [tilespmem:s22], [sflag:$0x2], $0x80, $0x38;
	[tilespmem:$0xB490] =	vst v63  }
0x1cc: {  	_ =	swait.ge [sflag:s31], $0x80  }
0x1cd: {  	[sflag:s31] =	ssyncset.done $0x0  }
0x1ce: {  	[sflag:s31] =	ssyncadd.s32 $0xFFFFFF80  }
.LBB2_7:
0x1cf: {  	[bflag:$0x0] =	sbarrier.arrive $0xFFFF  }
0x1d0: {  	s4 =	simm.s32 $0x200;
	s2 =	rddreg [dreg:$0x1d]  }
0x1d1: {  	[tilespmem:s4], [sflag:$0x2] =	stream.linear.gather [spmem:s2], $0x140, $0x38;
	[tilespmem:$0xB490] =	vst v63  }
0x1d2: {  	_ =	swait.ge [sflag:s31], $0x140  }
0x1d3: {  	[sflag:s31] =	ssyncset.done $0x0  }
0x1d4: {  	s2 =	simm.s32 $0x0;
	s3 =	rddreg [dreg:$0x13];
	[sflag:s31] =	ssyncadd.s32 $0xFFFFFEC0  }
0x1d5: {  	[hbm4b:s3+s2] =	stream.linear.scatter [tilespmem:s4], [sflag:$0x2], $0x140, $0x38;
	[tilespmem:$0xB490] =	vst v63  }
0x1d6: {  	_ =	swait.ge [sflag:s31], $0x140  }
0x1d7: {  	(v2sf) =	vpush v2, $0xF;
	_ =	sdelay $0x8  }
0x1d8: {  	s5 =	simm.s32 $0xE00  }
0x1d9: {  	s9 =	simm.s32 $0xE80;
	s10 =	simm.s32 $0x1680;
	s11 =	simm.s32 $0x1E80  }
.Ltmp5:
0x1da: {  	s13 =	simm.s32 $0x2680;
	s14 =	simm.s32 $0x2E80;
	(pc) =	sbr.rel .LBB2_8-.Ltmp5, $4  }
0x1db: {  	s15 =	simm.s32 $0x3680;
	s17 =	simm.s32 $0x3E80;
	s18 =	simm.s32 $0x4680  }
0x1dc: {  	s19 =	simm.s32 $0x4E80;
	s20 =	simm.s32 $0x5680;
	s21 =	simm.s32 $0x5E80  }
0x1dd: {  	s22 =	simm.s32 $0x6680;
	[sflag:s31] =	ssyncset.done $0x0;
	s7 =	sld [smem:$0x7FC]  }
0x1de: {  	vm12 =	vcmask $0x704;
	s8 =	rddreg [dreg:$0x1f];
	[sflag:s31] =	ssyncadd.s32 $0xFFFFFEC0;
	s4 =	spop (v2sf)  }
.LBB2_10:
0x1df: {  	s2 =	sadd.s32 $0x500, s2  }
0x1e0: {  	p2 =	sne.s32 s2, $0x2800  }
.Ltmp6:
0x1e1: {  	_ = 	snop;
	(pc) =	sbr.rel @!p2 .LBB2_11-.Ltmp6, $2  }
0x1e2: {  	_ =	sdelay $0x2  }
0x1e3: {  	s8 =	sadd.s32 $0x28000, s8;
	s7 =	sadd.s32 $0x500, s7  }
.LBB2_8:
0x1e4: {  	s3 =	sadd.s32 s2, s12  }
0x1e5: {  	p2 =	sge.s32 s3, s4  }
.Ltmp7:
0x1e6: {  	_ = 	snop;
	(pc) =	sbr.rel @p2 .LBB2_10-.Ltmp7, $1  }
0x1e7: {  	_ =	sdelay $0x3  }
0x1e8: {  	[tilespmem:s5], [sflag:$0x3] =	stream.linear.gather [spmem:s7], $0x28, $0x38;
	[tilespmem:$0xB490] =	vst v63  }
0x1e9: {  	_ =	swait.ge [sflag:s0], $0x28  }
0x1ea: {  	[sflag:s0] =	ssyncset.done $0x0  }
0x1eb: {  	[sflag:s0] =	ssyncadd.s32 $0xFFFFFFD8  }
0x1ec: {  	v2 =	vld [tilespmem:$0xE00];
	_ =	sdelay $0x4  }
0x1ed: {  	v3 =	vshll.u32 v2, $0x3  }
0x1ee: {  	v2 =	vand.u32 $0x7, v2;
	v3 =	vand.u32 $0xFFFFFFC0, v3  }
0x1ef: {  	v4 =	vshrl.u32 v1, $0x3;
	v2 =	vor.u32 v2, v3;
	v3 =	vand.u32 $0x7, v1  }
0x1f0: {  	v4 =	vmul.u32 $0x8, v4;
	v5 =	vperm.xlane v2, v3;
	_ =	sdelay $0x1  }
0x1f1: {  	v5 =	vadd.s32 v4, v5;
	_ =	sdelay $0x3  }
0x1f2: {  	vm1 =	vmmov $0xffff  }
0x1f3: {  	v6 =	vor.u32 $0x8, v1;
	[tilespmem:s9], [sflag:$0x1] =	stream.indirect_vreg.gather [hbm4b:s1+s6], $0x80, v5, vm1, $0xb8;
	[tilespmem:$0xB490] =	vst v63  }
0x1f4: {  	v2 =	vperm.xlane v2, v6  }
0x1f5: {  	[tilespmem:s10], [sflag:$0x1] =	stream.indirect_vreg.gather [hbm4b:s28+s6], $0x80, v5, vm1, $0xb8;
	[tilespmem:$0xB490] =	vst v63  }
0x1f6: {  	v2 =	vadd.s32 v4, v2  }
0x1f7: {  	[tilespmem:s11], [sflag:$0x1] =	stream.indirect_vreg.gather [hbm4b:s29+s6], $0x80, v5, vm1, $0xb8;
	[tilespmem:$0xB490] =	vst v63  }
0x1f8: {  	_ = 	snop  }
0x1f9: {  	[tilespmem:s13], [sflag:$0x1] =	stream.indirect_vreg.gather [hbm4b:s30+s6], $0x80, v5, vm1, $0xb8;
	[tilespmem:$0xB490] =	vst v63  }
0x1fa: {  	_ = 	snop  }
0x1fb: {  	[tilespmem:s14], [sflag:$0x1] =	stream.indirect_vreg.gather [hbm4b:s1+s6], $0x80, v2, vm1, $0xb8;
	[tilespmem:$0xB490] =	vst v63  }
0x1fc: {  	_ = 	snop  }
0x1fd: {  	[tilespmem:s15], [sflag:$0x1] =	stream.indirect_vreg.gather [hbm4b:s28+s6], $0x80, v2, vm1, $0xb8;
	[tilespmem:$0xB490] =	vst v63  }
0x1fe: {  	_ = 	snop  }
0x1ff: {  	[tilespmem:s17], [sflag:$0x1] =	stream.indirect_vreg.gather [hbm4b:s29+s6], $0x80, v2, vm1, $0xb8;
	[tilespmem:$0xB490] =	vst v63  }
0x200: {  	_ = 	snop  }
0x201: {  	[tilespmem:s18], [sflag:$0x1] =	stream.indirect_vreg.gather [hbm4b:s30+s6], $0x80, v2, vm1, $0xb8;
	[tilespmem:$0xB490] =	vst v63  }
0x202: {  	v2 =	vld [tilespmem:$0xE10];
	_ =	sdelay $0x4  }
0x203: {  	v62 =	vshll.u32 v2, $0x3  }
0x204: {  	v2 =	vand.u32 $0x7, v2;
	v5 =	vand.u32 $0xFFFFFFC0, v62  }
0x205: {  	v2 =	vor.u32 v2, v5  }
0x206: {  	v5 =	vperm.xlane v2, v3;
	_ =	sdelay $0x1  }
0x207: {  	v5 =	vadd.s32 v4, v5;
	_ =	sdelay $0x4  }
0x208: {  	[tilespmem:s19], [sflag:$0x1] =	stream.indirect_vreg.gather [hbm4b:s1+s6], $0x80, v5, vm1, $0xb8;
	[tilespmem:$0xB490] =	vst v63  }
0x209: {  	v2 =	vperm.xlane v2, v6  }
0x20a: {  	[tilespmem:s20], [sflag:$0x1] =	stream.indirect_vreg.gather [hbm4b:s28+s6], $0x80, v5, vm1, $0xb8;
	[tilespmem:$0xB490] =	vst v63  }
0x20b: {  	v2 =	vadd.s32 v4, v2  }
0x20c: {  	[tilespmem:s21], [sflag:$0x1] =	stream.indirect_vreg.gather [hbm4b:s29+s6], $0x80, v5, vm1, $0xb8;
	[tilespmem:$0xB490] =	vst v63  }
0x20d: {  	_ = 	snop  }
0x20e: {  	[tilespmem:s22], [sflag:$0x1] =	stream.indirect_vreg.gather [hbm4b:s30+s6], $0x80, v5, vm1, $0xb8;
	[tilespmem:$0xB490] =	vst v63  }
0x20f: {  	s3 =	simm.s32 $0x6E80  }
0x210: {  	[tilespmem:s3], [sflag:$0x1] =	stream.indirect_vreg.gather [hbm4b:s1+s6], $0x80, v2, vm1, $0xb8;
	[tilespmem:$0xB490] =	vst v63  }
0x211: {  	s3 =	simm.s32 $0x7680  }
0x212: {  	[tilespmem:s3], [sflag:$0x1] =	stream.indirect_vreg.gather [hbm4b:s28+s6], $0x80, v2, vm1, $0xb8;
	[tilespmem:$0xB490] =	vst v63  }
0x213: {  	s3 =	simm.s32 $0x7E80  }
0x214: {  	[tilespmem:s3], [sflag:$0x1] =	stream.indirect_vreg.gather [hbm4b:s29+s6], $0x80, v2, vm1, $0xb8;
	[tilespmem:$0xB490] =	vst v63  }
0x215: {  	s3 =	simm.s32 $0x8680  }
0x216: {  	[tilespmem:s3], [sflag:$0x1] =	stream.indirect_vreg.gather [hbm4b:s30+s6], $0x80, v2, vm1, $0xb8;
	[tilespmem:$0xB490] =	vst v63  }
0x217: {  	v2 =	vld.msk [tilespmem:$0xE20], $0xff;
	_ =	sdelay $0x4  }
0x218: {  	v63 =	vshll.u32 v2, $0x3  }
0x219: {  	v2 =	vand.u32 $0x7, v2;
	v5 =	vand.u32 $0xFFFFFFC0, v63  }
0x21a: {  	v2 =	vor.u32 v2, v5  }
0x21b: {  	v2 =	vperm.xlane v2, v3;
	_ =	sdelay $0x1  }
0x21c: {  	v2 =	vadd.s32 v4, v2;
	_ =	sdelay $0x3  }
0x21d: {  	s3 =	simm.s32 $0x8E80  }
0x21e: {  	[tilespmem:s3], [sflag:$0x1] =	stream.indirect_vreg.gather [hbm4b:s1+s6], $0x80, v2, vm1, $0xb8;
	[tilespmem:$0xB490] =	vst v63  }
0x21f: {  	s3 =	simm.s32 $0x9680  }
0x220: {  	[tilespmem:s3], [sflag:$0x1] =	stream.indirect_vreg.gather [hbm4b:s28+s6], $0x80, v2, vm1, $0xb8;
	[tilespmem:$0xB490] =	vst v63  }
0x221: {  	s3 =	simm.s32 $0x9E80  }
0x222: {  	[tilespmem:s3], [sflag:$0x1] =	stream.indirect_vreg.gather [hbm4b:s29+s6], $0x80, v2, vm1, $0xb8;
	[tilespmem:$0xB490] =	vst v63  }
0x223: {  	s3 =	simm.s32 $0xA680  }
0x224: {  	[tilespmem:s3], [sflag:$0x1] =	stream.indirect_vreg.gather [hbm4b:s30+s6], $0x80, v2, vm1, $0xb8;
	[tilespmem:$0xB490] =	vst v63  }
0x225: {  	_ =	swait.ge [sflag:s26], $0xA000  }
0x226: {  	[sflag:s26] =	ssyncset.done $0x0  }
.Ltmp8:
0x227: {  	[sflag:s26] =	ssyncadd.s32 $0xFFFF6000;
	(pc) =	sbr.rel .LBB2_10-.Ltmp8, $4  }
0x228: {  	[hbm4b:s8+s6] =	stream.linear.scatter [tilespmem:s9], [sflag:$0x2], $0xA000, $0x38;
	[tilespmem:$0xB490] =	vst v63  }
0x229: {  	_ =	swait.ge [sflag:s31], $0xA000  }
0x22a: {  	[sflag:s31] =	ssyncset.done $0x0  }
0x22b: {  	[sflag:s31] =	ssyncadd.s32 $0xFFFF6000  }
.LBB2_12:
0x22c: {  	_ =	sfence.sel $0x180000  }
0x22d: {  	[bflag:$0x0] =	sbarrier.arrive $0xFFFF  }
0x22e: {  	_ =	strace $0x90000047  }
0x22f: {  	s0 =	stileid.u32;
	[bflag:$0x2] =	sbarrier.arrive $0xFFFF  }
0x230: {  	p0 =	sne.s32 s0, $0x0;
	s0 =	rddreg [dreg:$0x6]  }
0x231: {  	s0 =	sadd.s32 @!p0 $0x100000, s0  }
0x232: {  	[sflag:s0] =	ssyncadd.tile.s32 @!p0 $0x1;
	_ =	shalt  }
.Lfunc_end2:
_tile_overlayer_lowered:
.L_overlay_start_2:
0x233: {  	(tag) =	ssettag $0x2  }
0x234: {  	s0 =	rddreg [dreg:$0x0];
	s2 =	stileid.u32  }
0x235: {  	s1 =	rddreg [dreg:$0x1];
	p0 =	sne.s32 s2, $0x0  }
0x236: {  	s3 =	rddreg [dreg:$0x2];
	[bflag:$0x3] =	sbarrier.arrive $0xFFFF;
	s2 =	simm.s32 @!p0 $0x1C02  }
0x237: {  	[timem:s3], [sflag:s2] =	dma.local @!p0 [hbm:s0], s1  }
0x238: {  	s0 =	simm.s32 @!p0 $0x2  }
0x239: {  	_ =	swait.ge @!p0 [sflag:s0], s1  }
0x23a: {  	s1 =	ssub.s32 @!p0 $0x0, s1;
	[sflag:s0] =	ssyncset.done @!p0 $0x0  }
0x23b: {  	[sflag:s0] =	ssyncadd.s32 @!p0 s1  }
0x23c: {  	[bflag:$0x3] =	sbarrier.arrive $0xFFFF  }
0x23d: {  	_ =	shalt  }

// kernel: kernel.9.cloned.1.call-start
scs
__scs_entry_jumppad:
0x0: {  	(pc) =	sbr.rel $0x88, $3  }
0x1: {  	(tag) =	ssettag $0x0;
	lr =	simm.s32 $0x1  }
0x2: {  	[smem:$0x3F9C] =	sst lr;
	_ =	strace $0xD0000000  }
0x3: {  	_ = 	snop  }
0x4: {  	_ = 	snop  }
0x5: {  	_ = 	snop  }
0x6: {  	_ = 	snop  }
0x7: {  	_ = 	snop  }
__scs_overlays_trampoline_lowered:
0x8: {  	[smem:$0x3FAB] =	sst s0  }
0x9: {  	[smem:$0x3FAC] =	sst s1  }
0xa: {  	[smem:$0x3FAD] =	sst s2  }
0xb: {  	[smem:$0x3FAE] =	sst s3  }
0xc: {  	[smem:$0x3FAF] =	sst s4  }
0xd: {  	[smem:$0x3FB0] =	sst s5  }
0xe: {  	[smem:$0x3FB1] =	sst s6  }
0xf: {  	[smem:$0x3FB2] =	sst s7  }
0x10: {  	[smem:$0x3FB3] =	sst s8  }
0x11: {  	[smem:$0x3FB4] =	sst s9;
	s0 =	simm.s32 @!p0 $0x0  }
0x12: {  	s1 =	sld [smem:$0x3F9A];
	s0 =	simm.s32 @p0 $0x1  }
0x13: {  	[smem:$0x3FB5] =	sst s0;
	s0 =	simm.s32 @!p1 $0x0  }
0x14: {  	s2 =	sld [smem:$0x3F99];
	s0 =	simm.s32 @p1 $0x1  }
0x15: {  	[smem:$0x3FB6] =	sst s0;
	s0 =	simm.s32 @!p2 $0x0  }
0x16: {  	s3 =	sld [smem:$0x3FDB];
	s0 =	simm.s32 @p2 $0x1  }
0x17: {  	s4 =	simm.s32 $0x1BF5;
	[smem:$0x3FB8] =	sst s0  }
0x18: {  	s0 =	sld [smem:$0x3F9B];
	_ =	swait.ge [sflag:s4], $0x0  }
0x19: {  	s7 =	sld [smem:$0x3F9C]  }
0x1a: {  	s8 =	sadd.s32 $0xFFFFE003, lr  }
0x1b: {  	s9 =	sadd.s32 $0xFFFFFEF7, lr;
	s5 =	simm.s32 $0xFFFFFFFF;
	p2 =	slt.u32 s8, $0xFFFFF086  }
0x1c: {  	p1 =	slt.u32 s9, $0xF7A;
	s5 =	simm.s32 @!p2 $0x0  }
0x1d: {  	s5 =	simm.s32 @p1 $0x1;
	p0 =	seq.s32 s7, s2  }
0x1e: {  	s7 =	smul.u32 @!p0 $0xF7A, s2;
	p2 =	seq.s32 @!p0 s5, $0x0  }
0x1f: {  	s9 =	smul.u32 $0xF7A, s1;
	s8 =	simm.s32 @!p0 $0x1BF5;
	p2 =	por !p2, p0  }
0x20: {  	[sflag:s8] =	ssyncset.s32 @!p0 $0xFFFFF086;
	s6 =	sadd.s32 @!p0 s3, s7;
	s7 =	simm.s32 @!p0 $0x108  }
0x21: {  	s3 =	sadd.s32 s3, s9;
	s6 =	sadd.s32 @!p0 $0x88, s6;
	s7 =	simm.s32 @p2 $0x1082  }
0x22: {  	[simem:s7], [sflag:s8] =	dma.local @!p0 [hbm:s6], $0xF7A  }
0x23: {  	s9 =	sor.u32 $0xD0000000, s2;
	s6 =	simm.s32 $0x108;
	_ =	swait.ge @!p0 [sflag:s8], $0x0  }
0x24: {  	s3 =	sadd.s32 $0x88, s3;
	s6 =	simm.s32 @!p1 $0x1082;
	[sflag:s4] =	ssyncset.s32 $0xFFFFF086  }
0x25: {  	[simem:s6], [sflag:s4] =	dma.local [hbm:s3], $0xF7A  }
0x26: {  	[smem:$0x3F9C] =	sst s1;
	(tag) =	ssettag s2;
	_ =	strace s9  }
0x27: {  	s1 =	sld [smem:$0x3FAC]  }
0x28: {  	s2 =	sld [smem:$0x3FAD]  }
0x29: {  	s4 =	sld [smem:$0x3FAF]  }
0x2a: {  	p0 =	seq.s32 s5, $0x0;
	s5 =	sld [smem:$0x3FB0]  }
0x2b: {  	s6 =	sld [smem:$0x3FB1]  }
0x2c: {  	s7 =	sld [smem:$0x3FB2]  }
0x2d: {  	s3 =	simm.s32 $0x108;
	s8 =	sld [smem:$0x3FB3]  }
0x2e: {  	s3 =	simm.s32 @!p0 $0x1082;
	s9 =	sld [smem:$0x3FB4]  }
0x2f: {  	lr =	sadd.s32 s0, s3;
	s0 =	sld [smem:$0x3FAB]  }
0x30: {  	s3 =	sld [smem:$0x3FAE]  }
0x31: {  	[smem:$0x3FB7] =	sst s10  }
0x32: {  	s10 =	sld [smem:$0x3FB5];
	_ =	sdelay $0x3  }
0x33: {  	p0 =	seq.s32 s10, $0x1;
	s10 =	sld [smem:$0x3FB7];
	_ =	sdelay $0x3  }
0x34: {  	[smem:$0x3FB7] =	sst s10  }
0x35: {  	s10 =	sld [smem:$0x3FB6];
	_ =	sdelay $0x3  }
0x36: {  	p1 =	seq.s32 s10, $0x1;
	s10 =	sld [smem:$0x3FB7];
	_ =	sdelay $0x3  }
0x37: {  	[smem:$0x3FB7] =	sst s10  }
0x38: {  	s10 =	sld [smem:$0x3FB8]  }
0x39: {  	_ = 	snop;
	(pc) =	sbr.ind lr, $3  }
0x3a: {  	_ = 	snop  }
0x3b: {  	_ = 	snop  }
0x3c: {  	p2 =	seq.s32 s10, $0x1;
	s10 =	sld [smem:$0x3FB7]  }
0x3d: {  	_ =	shalt  }
0x3e: {  	_ =	shalt  }
0x3f: {  	_ =	shalt  }
0x40: {  	_ =	shalt  }
0x41: {  	_ =	shalt  }
0x42: {  	_ =	shalt  }
0x43: {  	_ =	shalt  }
0x44: {  	_ =	shalt  }
0x45: {  	_ =	shalt  }
0x46: {  	_ =	shalt  }
0x47: {  	_ =	shalt  }
0x48: {  	_ =	shalt  }
0x49: {  	_ =	shalt  }
0x4a: {  	_ =	shalt  }
0x4b: {  	_ =	shalt  }
0x4c: {  	_ =	shalt  }
0x4d: {  	_ =	shalt  }
0x4e: {  	_ =	shalt  }
0x4f: {  	_ =	shalt  }
0x50: {  	_ =	shalt  }
0x51: {  	_ =	shalt  }
0x52: {  	_ =	shalt  }
0x53: {  	_ =	shalt  }
0x54: {  	_ =	shalt  }
0x55: {  	_ =	shalt  }
0x56: {  	_ =	shalt  }
0x57: {  	_ =	shalt  }
0x58: {  	_ =	shalt  }
0x59: {  	_ =	shalt  }
0x5a: {  	_ =	shalt  }
0x5b: {  	_ =	shalt  }
0x5c: {  	_ =	shalt  }
0x5d: {  	_ =	shalt  }
0x5e: {  	_ =	shalt  }
0x5f: {  	_ =	shalt  }
0x60: {  	_ =	shalt  }
0x61: {  	_ =	shalt  }
0x62: {  	_ =	shalt  }
0x63: {  	_ =	shalt  }
0x64: {  	_ =	shalt  }
0x65: {  	_ =	shalt  }
0x66: {  	_ =	shalt  }
0x67: {  	_ =	shalt  }
0x68: {  	_ =	shalt  }
0x69: {  	_ =	shalt  }
0x6a: {  	_ =	shalt  }
0x6b: {  	_ =	shalt  }
0x6c: {  	_ =	shalt  }
0x6d: {  	_ =	shalt  }
0x6e: {  	_ =	shalt  }
0x6f: {  	_ =	shalt  }
0x70: {  	_ =	shalt  }
0x71: {  	_ =	shalt  }
0x72: {  	_ =	shalt  }
0x73: {  	_ =	shalt  }
0x74: {  	_ =	shalt  }
0x75: {  	_ =	shalt  }
0x76: {  	_ =	shalt  }
0x77: {  	_ =	shalt  }
0x78: {  	_ =	shalt  }
0x79: {  	_ =	shalt  }
0x7a: {  	_ =	shalt  }
0x7b: {  	_ =	shalt  }
0x7c: {  	_ =	shalt  }
0x7d: {  	_ =	shalt  }
0x7e: {  	_ =	shalt  }
0x7f: {  	_ =	shalt  }
0x80: {  	_ =	shalt  }
0x81: {  	_ =	shalt  }
0x82: {  	_ =	shalt  }
0x83: {  	_ =	shalt  }
0x84: {  	_ =	shalt  }
0x85: {  	_ =	shalt  }
0x86: {  	_ =	shalt  }
0x87: {  	_ =	shalt  }
.Lfunc_end0:
.L_simem_size_0:
called_computation.1_lowered:
.L_overlay_start_0:
0x88: {  	s2 =	sld [smem:$0x3FD9]  }
0x89: {  	s3 =	sld [smem:$0x3FFE];
	_ =	sdelay $0x1  }
0x8a: {  	s1 =	srdreg.scid  }
0x8b: {  	s0 =	sand.u32 $0x1, s1  }
0x8c: {  	s17 =	sshll.u32 s0, $0xA;
	s2 =	sadd.s32 s3, s2  }
0x8d: {  	s2 =	sadd.s32 s2, s17  }
0x8e: {  	[smem:$0x3FC3] =	sst s2  }
0x8f: {  	_ = 	snop  }
0x90: {  	s2 =	sld [smem:$0x3FD0];
	(tm) =	ssettm $0x1  }
0x91: {  	s18 =	sld [smem:$0x3FFB];
	_ =	sdelay $0x3  }
0x92: {  	_ =	strace s18  }
0x93: {  	s3 =	sld [smem:$0x3FFC];
	_ =	sdelay $0x3  }
0x94: {  	_ =	strace s3  }
0x95: {  	s3 =	sld [smem:$0x3FFD];
	_ =	sdelay $0x3  }
0x96: {  	_ =	strace s3  }
0x97: {  	_ =	strace $0x8FFFFFFF  }
0x98: {  	s19 =	sld [smem:$0x3FDB];
	_ =	sdelay $0x1  }
0x99: {  	s4 =	simm.s32 $_scs_section_size  }
0x9a: {  	s5 =	simm.s32 $_size__tile_overlayer_lowered;
	s6 =	simm.s32 $_tile_overlayer_lowered  }
0x9b: {  	s22 =	simm.s32 $0x1BFF;
	s21 =	sshll.u32 s6, $0x1;
	s3 =	sadd.s32 s4, s19  }
0x9c: {  	s7 =	simm.s32 $0x0;
	s20 =	sshll.u32 s5, $0x1;
	s5 =	sadd.s32 s21, s3  }
0x9d: {  	[timem:s7], [sflag:s22] =	dma.local [hbm:s5], s20  }
0x9e: {  	_ =	swait.ge [sflag:s22], s20  }
0x9f: {  	s4 =	ssub.s32 $0x0, s20;
	[sflag:s22] =	ssyncset.done $0x0  }
0xa0: {  	[sflag:s22] =	ssyncadd.s32 s4;
	_ =	sdelay $0x1  }
0xa1: {  	s23 =	simm.s32 $0x1B8B  }
0xa2: {  	_ =	swait.ge [sflag:s23], $0x1  }
0xa3: {  	[sflag:s23] =	ssyncset.done $0x0  }
0xa4: {  	s25 =	simm.s32 $0x1B8E;
	s24 =	sld [smem:$0x3FFE];
	[sflag:s23] =	ssyncadd.s32 $0xFFFFFFFF  }
0xa5: {  	s26 =	simm.s32 $execute0_lowered;
	[smem:$0x3FD2] =	sst s25  }
0xa6: {  	s5 =	sshll.u32 s26, $0x1;
	_ =	strace $0x80000049;
	[dreg:$0x1] =	wrdreg $0xFFFFFFFF  }
0xa7: {  	s28 =	simm.s32 $_size_execute0_lowered;
	s3 =	sadd.s32 s3, s5;
	[dreg:$0x0] =	wrdreg $0x0  }
0xa8: {  	s5 =	sshll.u32 s28, $0x1;
	[dreg:$0x2] =	wrdreg s3  }
0xa9: {  	[dreg:$0x3] =	wrdreg s5  }
0xaa: {  	[dreg:$0x4] =	wrdreg $0xC0  }
0xab: {  	_ =	task [dreg:s7], $0x5FFFF  }
0xac: {  	[dreg:$0x1] =	wrdreg $0xFFFFFFFF  }
0xad: {  	[dreg:$0x0] =	wrdreg $0x60  }
0xae: {  	[dreg:$0x2] =	wrdreg s24  }
0xaf: {  	[dreg:$0x3] =	wrdreg s2  }
0xb0: {  	[dreg:$0x4] =	wrdreg $0x9  }
0xb1: {  	_ =	task.clear_ibuf [dreg:s7], $0x5FFFF;
	_ =	strace $0x90000049  }
0xb2: {  	s29 =	simm.s32 $0x9;
	_ =	strace $0x8000004B  }
0xb3: {  	_ =	swait.ge [sflag:s29], $0x1  }
0xb4: {  	[sflag:s29] =	ssyncadd.s32 $0xFFFFFFFF  }
0xb5: {  	_ =	strace $0x9000004B  }
0xb6: {  	_ =	sfence  }
0xb7: {  	s30 =	sld [smem:$0x0];
	_ =	sdelay $0x2  }
0xb8: {  	s31 =	sshll.u32 s1, $0xD;
	s1 =	sshrl.u32 s1, $0x2  }
0xb9: {  	s3 =	sand.u32 $0x4000, s31;
	s1 =	sadd.s32 s1, s30  }
0xba: {  	s0 =	sor.u32 s3, s0;
	s1 =	sshll.u32 s1, $0x11  }
0xbb: {  	s0 =	sor.u32 s1, s0  }
0xbc: {  	s0 =	sadd.s32 $0x8F2B, s0  }
0xbd: {  	[sflag:s0] =	ssyncadd.remote.s32 $0x1  }
0xbe: {  	_ =	sfence.sel $0xFFFF  }
0xbf: {  	[dreg:$0x0] =	wrdreg $0xFFFFFFFF;
	(pc) =	sbr.abs _section_cstart, $3  }
0xc0: {  	[dreg:$0x1] =	wrdreg $0xFFFFFFFF  }
0xc1: {  	_ =	task.clear_ibuf [dreg:s7], $0x2FFFF;
	_ =	strace $0x9FFFFFFF  }
0xc2: {  	(tm) =	ssettm $0x7FFFFFFF  }
0xc3: {  	_ =	shalt  }
tec
execute0_lowered:
.L_overlay_start_1:
0x0: {  	(tag) =	ssettag $0x1  }
0x1: {  	s0 =	rddreg [dreg:$0x0];
	s1 =	srdreg.scid  }
0x2: {  	s2 =	simm.s32 $0x0;
	s6 =	stileid.u32;
	s12 =	simm.s32 $0x3  }
0x3: {  	s18 =	simm.s32 $0x2100;
	s19 =	simm.s32 $0x2900;
	s20 =	simm.s32 $0x3100  }
0x4: {  	s21 =	simm.s32 $0x3900;
	s22 =	simm.s32 $0x4100;
	s23 =	simm.s32 $0x4900  }
0x5: {  	s28 =	simm.s32 $0x6900;
	s29 =	simm.s32 $0x7100;
	s30 =	simm.s32 $0x7900  }
0x6: {  	s31 =	simm.s32 $0x1;
	[smem:$0x7FF] =	sst s2;
	s4 =	sadd.s32 $0x142C00, s0  }
0x7: {  	s5 =	sadd.s32 $0x142800, s0;
	s25 =	sshll.u32 s6, $0x7;
	s6 =	sadd.s32 $0x142A00, s0  }
0x8: {  	s1 =	sand.u32 $0x1, s1;
	s8 =	sadd.s32 $0x142D00, s0;
	s9 =	sadd.s32 $0x142E00, s0  }
0x9: {  	s10 =	sadd.s32 $0x142F00, s0;
	s0 =	simm.s32 $0x2;
	s24 =	ssub.s32 $0x2, s1  }
0xa: {  	_ =	strace $0x8000004A;
	s1 =	sshll.u32 s1, $0xB;
	s3 =	sshrl.u32 s24, $0x1  }
0xb: {  	v2 =	vlaneseq.u32;
	s7 =	sor.u32 s25, s1;
	s25 =	simm.s32 $0x5900;
	s2 =	ssub.s32 s24, s3  }
0xc: {  	vm0 =	vmmov $0xffff;
	v1 =	vshrl.u32 v2, $0x3;
	s24 =	simm.s32 $0x5100;
	s3 =	simm.s32 $0x8100;
	s26 =	smax.u32 s2, $0x1  }
0xd: {  	v0 =	vand.u32 $0x7, v2;
	v2 =	vor.u32 $0x8, v2;
	v1 =	vmul.u32 $0x8, v1;
	s2 =	simm.s32 $0x0;
	[dreg:$0x3] =	wrdreg s26;
	s26 =	simm.s32 $0x6100  }
.LBB2_1:
0xe: {  	[dreg:$0x4] =	wrdreg s2;
	s11 =	simm.s32 $0x0  }
.LBB2_2:
0xf: {  	s1 =	sshll.u32 s11, $0x4  }
0x10: {  	s1 =	sadd.s32 s7, s1  }
0x11: {  	s13 =	sshrl.u32 s1, $0x3  }
0x12: {  	s2 =	simm.s32 $0x0;
	s14 =	sadd.s32 s5, s13  }
0x13: {  	[tilespmem:s2], [sflag:$0x3] =	stream.linear.gather [hbm4b:s14+s2], $0x10, $0x38;
	[tilespmem:$0xC100] =	vst v63  }
0x14: {  	_ =	swait.ge [sflag:s12], $0x10  }
0x15: {  	[sflag:s12] =	ssyncset.done $0x0  }
0x16: {  	s17 =	simm.s32 $0x80;
	s13 =	sadd.s32 s13, s6;
	[sflag:s12] =	ssyncadd.s32 $0xFFFFFFF0  }
0x17: {  	[tilespmem:s17], [sflag:$0x3] =	stream.linear.gather [hbm4b:s13+s2], $0x10, $0x38;
	[tilespmem:$0xC100] =	vst v63  }
0x18: {  	_ =	swait.ge [sflag:s12], $0x10  }
0x19: {  	[sflag:s12] =	ssyncset.done $0x0  }
0x1a: {  	[sflag:s12] =	ssyncadd.s32 $0xFFFFFFF0  }
0x1b: {  	v3 =	vld [tilespmem:$0x0];
	_ =	sdelay $0x4  }
0x1c: {  	v4 =	vshll.u32 v3, $0x3  }
0x1d: {  	v3 =	vand.u32 $0x7, v3;
	v4 =	vand.u32 $0xFFFFFFC0, v4  }
0x1e: {  	v3 =	vor.u32 v3, v4  }
0x1f: {  	v4 =	vperm.xlane v3, v0;
	_ =	sdelay $0x1  }
0x20: {  	v4 =	vadd.s32 v1, v4;
	_ =	sdelay $0x3  }
0x21: {  	s15 =	simm.s32 $0x100  }
0x22: {  	[tilespmem:s15], [sflag:$0x1] =	stream.indirect_vreg.gather [hbm4b:s4+s2], $0x80, v4, vm0, $0xb8;
	[tilespmem:$0xC100] =	vst v63  }
0x23: {  	s16 =	simm.s32 $0x900;
	v3 =	vperm.xlane v3, v2  }
0x24: {  	[tilespmem:s16], [sflag:$0x1] =	stream.indirect_vreg.gather [hbm4b:s8+s2], $0x80, v4, vm0, $0xb8;
	[tilespmem:$0xC100] =	vst v63  }
0x25: {  	s17 =	simm.s32 $0x1100;
	v3 =	vadd.s32 v1, v3  }
0x26: {  	[tilespmem:s17], [sflag:$0x1] =	stream.indirect_vreg.gather [hbm4b:s9+s2], $0x80, v4, vm0, $0xb8;
	[tilespmem:$0xC100] =	vst v63  }
0x27: {  	s14 =	simm.s32 $0x1900  }
0x28: {  	[tilespmem:s14], [sflag:$0x1] =	stream.indirect_vreg.gather [hbm4b:s10+s2], $0x80, v4, vm0, $0xb8;
	[tilespmem:$0xC100] =	vst v63  }
0x29: {  	_ = 	snop  }
0x2a: {  	[tilespmem:s18], [sflag:$0x1] =	stream.indirect_vreg.gather [hbm4b:s4+s2], $0x80, v3, vm0, $0xb8;
	[tilespmem:$0xC100] =	vst v63  }
0x2b: {  	_ = 	snop  }
0x2c: {  	[tilespmem:s19], [sflag:$0x1] =	stream.indirect_vreg.gather [hbm4b:s8+s2], $0x80, v3, vm0, $0xb8;
	[tilespmem:$0xC100] =	vst v63  }
0x2d: {  	_ = 	snop  }
0x2e: {  	[tilespmem:s20], [sflag:$0x1] =	stream.indirect_vreg.gather [hbm4b:s9+s2], $0x80, v3, vm0, $0xb8;
	[tilespmem:$0xC100] =	vst v63  }
0x2f: {  	_ = 	snop  }
0x30: {  	[tilespmem:s21], [sflag:$0x1] =	stream.indirect_vreg.gather [hbm4b:s10+s2], $0x80, v3, vm0, $0xb8;
	[tilespmem:$0xC100] =	vst v63  }
0x31: {  	v3 =	vld [tilespmem:$0x80];
	_ =	sdelay $0x4  }
0x32: {  	v4 =	vshll.u32 v3, $0x3  }
0x33: {  	v3 =	vand.u32 $0x7, v3;
	v4 =	vand.u32 $0xFFFFFFC0, v4  }
0x34: {  	v3 =	vor.u32 v3, v4  }
0x35: {  	v4 =	vperm.xlane v3, v0;
	_ =	sdelay $0x1  }
0x36: {  	v4 =	vadd.s32 v1, v4;
	_ =	sdelay $0x4  }
0x37: {  	[tilespmem:s22], [sflag:$0x2] =	stream.indirect_vreg.gather [hbm4b:s4+s2], $0x80, v4, vm0, $0xb8;
	[tilespmem:$0xC100] =	vst v63  }
0x38: {  	v3 =	vperm.xlane v3, v2  }
0x39: {  	[tilespmem:s23], [sflag:$0x2] =	stream.indirect_vreg.gather [hbm4b:s8+s2], $0x80, v4, vm0, $0xb8;
	[tilespmem:$0xC100] =	vst v63  }
0x3a: {  	v3 =	vadd.s32 v1, v3  }
0x3b: {  	[tilespmem:s24], [sflag:$0x2] =	stream.indirect_vreg.gather [hbm4b:s9+s2], $0x80, v4, vm0, $0xb8;
	[tilespmem:$0xC100] =	vst v63  }
0x3c: {  	_ = 	snop  }
0x3d: {  	[tilespmem:s25], [sflag:$0x2] =	stream.indirect_vreg.gather [hbm4b:s10+s2], $0x80, v4, vm0, $0xb8;
	[tilespmem:$0xC100] =	vst v63  }
0x3e: {  	_ = 	snop  }
0x3f: {  	[tilespmem:s26], [sflag:$0x2] =	stream.indirect_vreg.gather [hbm4b:s4+s2], $0x80, v3, vm0, $0xb8;
	[tilespmem:$0xC100] =	vst v63  }
0x40: {  	_ = 	snop  }
0x41: {  	[tilespmem:s28], [sflag:$0x2] =	stream.indirect_vreg.gather [hbm4b:s8+s2], $0x80, v3, vm0, $0xb8;
	[tilespmem:$0xC100] =	vst v63  }
0x42: {  	_ = 	snop  }
0x43: {  	[tilespmem:s29], [sflag:$0x2] =	stream.indirect_vreg.gather [hbm4b:s9+s2], $0x80, v3, vm0, $0xb8;
	[tilespmem:$0xC100] =	vst v63  }
0x44: {  	_ = 	snop  }
0x45: {  	[tilespmem:s30], [sflag:$0x2] =	stream.indirect_vreg.gather [hbm4b:s10+s2], $0x80, v3, vm0, $0xb8;
	[tilespmem:$0xC100] =	vst v63  }
0x46: {  	_ =	swait.ge [sflag:s31], $0x4000  }
0x47: {  	[sflag:s31] =	ssyncset.done $0x0  }
0x48: {  	[sflag:s31] =	ssyncadd.s32 $0xFFFFC000  }
0x49: {  	_ =	swait.ge [sflag:s0], $0x4000  }
0x4a: {  	s15 =	sand.u32 $0x70, s2;
	s16 =	sand.u32 $0x1C00, s2;
	[sflag:s0] =	ssyncset.done $0x0  }
0x4b: {  	s13 =	sor.u32 s15, s16;
	[sflag:s0] =	ssyncadd.s32 $0xFFFFC000  }
0x4c: {  	v3 =	vld [tilespmem:s13+$0x4400]  }
0x4d: {  	v4 =	vld [tilespmem:s13+$0x4280]  }
0x4e: {  	v5 =	vld [tilespmem:s13+$0x4300]  }
0x4f: {  	v6 =	vld [tilespmem:s13+$0x400]  }
0x50: {  	v7 =	vld [tilespmem:s13+$0x4380]  }
0x51: {  	v8 =	vld [tilespmem:s13+$0x280]  }
0x52: {  	v9 =	vld [tilespmem:s13+$0x380]  }
0x53: {  	v10 =	vld [tilespmem:s13+$0x200]  }
0x54: {  	v11 =	vld [tilespmem:s13+$0x4200]  }
0x55: {  	v13 =	vld [tilespmem:s13+$0x4100]  }
0x56: {  	v62 =	vld [tilespmem:s13+$0x100]  }
0x57: {  	v12 =	vld [tilespmem:s13+$0x4180]  }
0x58: {  	v14 =	vld [tilespmem:s13+$0x180];
	v3 =	vadd.f32 v3, v6  }
0x59: {  	v63 =	vld [tilespmem:s13+$0x300];
	v4 =	vadd.f32 v4, v8  }
0x5a: {  	v7 =	vadd.f32 v7, v9;
	[tilespmem:s13+$0x8400] =	vst v3  }
0x5b: {  	v6 =	vadd.f32 v13, v62;
	[tilespmem:s13+$0x8280] =	vst v4  }
0x5c: {  	v3 =	vadd.f32 v11, v10;
	[tilespmem:s13+$0x8380] =	vst v7  }
0x5d: {  	v4 =	vadd.f32 v12, v14;
	[tilespmem:s13+$0x8100] =	vst v6  }
0x5e: {  	[tilespmem:s13+$0x8200] =	vst v3;
	v3 =	vadd.f32 v5, v63  }
0x5f: {  	s16 =	sor.u32 s2, s2;
	[tilespmem:s13+$0x8180] =	vst v4  }
0x60: {  	s17 =	sor.u32 $0x380, s16;
	[tilespmem:s13+$0x8300] =	vst v3  }
0x61: {  	v3 =	vld [tilespmem:s17+$0x100]  }
0x62: {  	v4 =	vld [tilespmem:s17+$0x4100];
	_ =	sdelay $0x4  }
0x63: {  	v3 =	vadd.f32 v4, v3;
	_ =	sdelay $0x1  }
0x64: {  	[tilespmem:s17+$0x8100] =	vst v3  }
0x65: {  	s14 =	simm.s32 $0x10;
	v3 =	vld [tilespmem:s13+$0x6400]  }
.LBB2_3:
0x66: {  	p0 =	sne.s32 s14, $0x3F0  }
0x67: {  	v4 =	vld [tilespmem:s13+$0x2400];
	s2 =	sadd.s32 $0x80, s2;
	s15 =	smov.u32 s14;
	s14 =	sadd.s32 $0x10, s14  }
0x68: {  	v5 =	vld [tilespmem:s13+$0x2380]  }
0x69: {  	v6 =	vld [tilespmem:s13+$0x6380]  }
0x6a: {  	v7 =	vld [tilespmem:s13+$0x2300]  }
0x6b: {  	v8 =	vld [tilespmem:s13+$0x2280]  }
0x6c: {  	v9 =	vld [tilespmem:s13+$0x6300];
	v3 =	vadd.f32 v3, v4  }
0x6d: {  	v4 =	vld [tilespmem:s13+$0x6200]  }
0x6e: {  	v10 =	vld [tilespmem:s13+$0x6280];
	[tilespmem:s13+$0xA400] =	vst v3  }
0x6f: {  	v3 =	vld [tilespmem:s13+$0x2180]  }
0x70: {  	v11 =	vld [tilespmem:s13+$0x6100]  }
0x71: {  	v12 =	vld [tilespmem:s13+$0x2200];
	v7 =	vadd.f32 v9, v7  }
0x72: {  	v9 =	vld [tilespmem:s13+$0x6180]  }
0x73: {  	v5 =	vadd.f32 v6, v5;
	v13 =	vld [tilespmem:s13+$0x2100];
	v8 =	vadd.f32 v10, v8;
	[tilespmem:s13+$0xA300] =	vst v7;
	_ =	sdelay $0x1  }
0x74: {  	[tilespmem:s13+$0xA380] =	vst v5  }
0x75: {  	v4 =	vadd.f32 v4, v12;
	[tilespmem:s13+$0xA280] =	vst v8  }
0x76: {  	v3 =	vadd.f32 v9, v3  }
0x77: {  	v5 =	vadd.f32 v11, v13;
	[tilespmem:s13+$0xA200] =	vst v4  }
0x78: {  	[tilespmem:s13+$0xA180] =	vst v3  }
0x79: {  	s16 =	sor.u32 $0x2380, s16;
	[tilespmem:s13+$0xA100] =	vst v5  }
0x7a: {  	v3 =	vld [tilespmem:s16+$0x100]  }
0x7b: {  	v4 =	vld [tilespmem:s16+$0x4100];
	_ =	sdelay $0x4  }
0x7c: {  	v3 =	vadd.f32 v4, v3  }
0x7d: {  	s17 =	sand.u32 $0x1C00, s2;
	s13 =	sand.u32 $0x70, s15  }
0x7e: {  	s13 =	sor.u32 s13, s17;
	[tilespmem:s16+$0x8100] =	vst v3  }
0x7f: {  	v3 =	vld [tilespmem:s13+$0x4400]  }
0x80: {  	v4 =	vld [tilespmem:s13+$0x4280]  }
0x81: {  	v5 =	vld [tilespmem:s13+$0x4300]  }
0x82: {  	v6 =	vld [tilespmem:s13+$0x400]  }
0x83: {  	v7 =	vld [tilespmem:s13+$0x4380]  }
0x84: {  	v8 =	vld [tilespmem:s13+$0x280]  }
0x85: {  	v9 =	vld [tilespmem:s13+$0x380]  }
0x86: {  	v10 =	vld [tilespmem:s13+$0x200]  }
0x87: {  	v11 =	vld [tilespmem:s13+$0x4200];
	v3 =	vadd.f32 v3, v6  }
0x88: {  	v6 =	vld [tilespmem:s13+$0x4180]  }
0x89: {  	v12 =	vld [tilespmem:s13+$0x4100];
	v4 =	vadd.f32 v4, v8  }
0x8a: {  	v8 =	vld [tilespmem:s13+$0x180];
	v7 =	vadd.f32 v7, v9  }
0x8b: {  	v9 =	vld [tilespmem:s13+$0x100]  }
0x8c: {  	v10 =	vadd.f32 v11, v10;
	v11 =	vld [tilespmem:s13+$0x300]  }
0x8d: {  	[tilespmem:s13+$0x8400] =	vst v3  }
0x8e: {  	[tilespmem:s13+$0x8280] =	vst v4  }
0x8f: {  	v3 =	vadd.f32 v6, v8;
	[tilespmem:s13+$0x8380] =	vst v7  }
0x90: {  	v4 =	vadd.f32 v12, v9;
	[tilespmem:s13+$0x8200] =	vst v10  }
0x91: {  	[tilespmem:s13+$0x8180] =	vst v3;
	v3 =	vadd.f32 v5, v11  }
0x92: {  	s16 =	sor.u32 s15, s2;
	[tilespmem:s13+$0x8100] =	vst v4  }
0x93: {  	s15 =	sor.u32 $0x380, s16;
	[tilespmem:s13+$0x8300] =	vst v3  }
0x94: {  	v3 =	vld [tilespmem:s15+$0x100]  }
0x95: {  	v4 =	vld [tilespmem:s15+$0x4100];
	_ =	sdelay $0x3  }
.Ltmp0:
0x96: {  	(pc) =	sbr.rel @p0 .LBB2_3-.Ltmp0, $3  }
0x97: {  	v3 =	vadd.f32 v4, v3;
	_ =	sdelay $0x1  }
0x98: {  	[tilespmem:s15+$0x8100] =	vst v3  }
0x99: {  	v3 =	vld [tilespmem:s13+$0x6400]  }
0x9a: {  	v4 =	vld [tilespmem:s13+$0x2400]  }
0x9b: {  	v5 =	vld [tilespmem:s13+$0x2380]  }
0x9c: {  	v6 =	vld [tilespmem:s13+$0x6380]  }
0x9d: {  	v7 =	vld [tilespmem:s13+$0x2300]  }
0x9e: {  	v8 =	vld [tilespmem:s13+$0x2280]  }
0x9f: {  	v9 =	vld [tilespmem:s13+$0x6300]  }
0xa0: {  	v60 =	vld [tilespmem:s13+$0x6200]  }
0xa1: {  	v10 =	vld [tilespmem:s13+$0x6280]  }
0xa2: {  	v11 =	vld [tilespmem:s13+$0x6100]  }
0xa3: {  	v12 =	vld [tilespmem:s13+$0x2200]  }
0xa4: {  	v13 =	vld [tilespmem:s13+$0x6180];
	v3 =	vadd.f32 v3, v4  }
0xa5: {  	v61 =	vld [tilespmem:s13+$0x2100]  }
0xa6: {  	v7 =	vadd.f32 v9, v7;
	[tilespmem:s13+$0xA400] =	vst v3;
	v3 =	vld [tilespmem:s13+$0x2180]  }
0xa7: {  	v5 =	vadd.f32 v6, v5  }
0xa8: {  	v62 =	vadd.f32 v10, v8;
	[tilespmem:s13+$0xA300] =	vst v7  }
0xa9: {  	v4 =	vadd.f32 v60, v12;
	[tilespmem:s13+$0xA380] =	vst v5  }
0xaa: {  	v63 =	vadd.f32 v11, v61;
	[tilespmem:s13+$0xA280] =	vst v62  }
0xab: {  	[tilespmem:s13+$0xA200] =	vst v4;
	v3 =	vadd.f32 v13, v3  }
0xac: {  	[tilespmem:s13+$0xA100] =	vst v63  }
0xad: {  	s2 =	sor.u32 $0x2380, s16;
	[tilespmem:s13+$0xA180] =	vst v3  }
0xae: {  	v3 =	vld [tilespmem:s2+$0x100]  }
0xaf: {  	v4 =	vld [tilespmem:s2+$0x4100];
	_ =	sdelay $0x4  }
0xb0: {  	s11 =	sadd.s32 $0x1, s11;
	v3 =	vadd.f32 v4, v3  }
0xb1: {  	s1 =	sshll.u32 s1, $0x7;
	s16 =	rddreg [dreg:$0x1];
	p0 =	sne.s32 s11, $0x8  }
.Ltmp1:
0xb2: {  	s17 =	simm.s32 $0x0;
	s1 =	sadd.s32 s16, s1;
	[tilespmem:s2+$0x8100] =	vst v3;
	(pc) =	sbr.rel @p0 .LBB2_2-.Ltmp1, $4  }
0xb3: {  	[hbm4b:s1+s17] =	stream.linear.scatter [tilespmem:s3], [sflag:$0x3], $0x4000, $0x38;
	[tilespmem:$0xC100] =	vst v63  }
0xb4: {  	_ =	swait.ge [sflag:s12], $0x4000  }
0xb5: {  	[sflag:s12] =	ssyncset.done $0x0  }
0xb6: {  	[sflag:s12] =	ssyncadd.s32 $0xFFFFC000  }
0xb7: {  	s2 =	rddreg [dreg:$0x4]  }
0xb8: {  	s1 =	rddreg [dreg:$0x3];
	s2 =	sadd.s32 $0x1, s2  }
0xb9: {  	p0 =	sne.s32 s2, s1  }
.Ltmp2:
0xba: {  	_ = 	snop;
	(pc) =	sbr.rel @p0 .LBB2_1-.Ltmp2, $1  }
0xbb: {  	_ =	sdelay $0x3  }
0xbc: {  	_ =	sfence.sel $0x180000  }
0xbd: {  	[bflag:$0x0] =	sbarrier.arrive $0xFFFF  }
0xbe: {  	_ =	strace $0x9000004A  }
0xbf: {  	s0 =	stileid.u32;
	[bflag:$0x2] =	sbarrier.arrive $0xFFFF  }
0xc0: {  	p0 =	sne.s32 s0, $0x0;
	s0 =	rddreg [dreg:$0x2]  }
0xc1: {  	s0 =	sadd.s32 @!p0 $0x100000, s0  }
0xc2: {  	[sflag:s0] =	ssyncadd.tile.s32 @!p0 $0x1;
	_ =	shalt  }
.Lfunc_end2:
_tile_overlayer_lowered:
.L_overlay_start_2:
0xc3: {  	(tag) =	ssettag $0x2  }
0xc4: {  	s0 =	rddreg [dreg:$0x0];
	s2 =	stileid.u32  }
0xc5: {  	s1 =	rddreg [dreg:$0x1];
	p0 =	sne.s32 s2, $0x0  }
0xc6: {  	s3 =	rddreg [dreg:$0x2];
	[bflag:$0x3] =	sbarrier.arrive $0xFFFF;
	s2 =	simm.s32 @!p0 $0x1C03  }
0xc7: {  	[timem:s3], [sflag:s2] =	dma.local @!p0 [hbm:s0], s1  }
0xc8: {  	s0 =	simm.s32 @!p0 $0x3  }
0xc9: {  	_ =	swait.ge @!p0 [sflag:s0], s1  }
0xca: {  	s1 =	ssub.s32 @!p0 $0x0, s1;
	[sflag:s0] =	ssyncset.done @!p0 $0x0  }
0xcb: {  	[sflag:s0] =	ssyncadd.s32 @!p0 s1  }
0xcc: {  	[bflag:$0x3] =	sbarrier.arrive $0xFFFF  }
0xcd: {  	_ =	shalt  }

</sc_bundles>
